<compile_context>
chip_gen: v7x
topology: tpu7x:2x2x1
jax: 0.10.2.dev20260603
libtpu: 0.0.44.dev20260713+nightly
codegen_flags: <defaults>
</compile_context>

<pallas_src>
import functools

import jax
import jax.numpy as jnp
from jax import lax
from jax.experimental import pallas as pl
from jax.experimental.pallas import tpu as pltpu
from jax.experimental.pallas import tpu_sc as plsc

_NW = 32
_L = 16


def _round_half_even(x):
    y = x + 0.5
    t = y.astype(jnp.int32)
    tf = t.astype(jnp.float32)
    r = jnp.where(tf > y, t - 1, t)
    rf = r.astype(jnp.float32)
    tie = rf == y
    odd = (r & 1) == 1
    return jnp.where(tie & odd, r - 1, r)


def _build_sc(P, HW, H, W, N_out, K):
    J = N_out // _NW
    G = J * K
    assert N_out % _NW == 0 and J % _L == 0 and G % _L == 0

    mesh = plsc.VectorSubcoreMesh(core_axis_name="c", subcore_axis_name="s")

    @functools.partial(
        pl.kernel,
        mesh=mesh,
        out_type=jax.ShapeDtypeStruct((P * N_out,), jnp.float32),
        scratch_types=[
            pltpu.VMEM((G,), jnp.int32),
            pltpu.VMEM((G,), jnp.float32),
            pltpu.VMEM((G,), jnp.float32),
            pltpu.VMEM((G,), jnp.int32),
            pltpu.VMEM((G,), jnp.float32),
            pltpu.VMEM((G,), jnp.float32),
            pltpu.VMEM((G,), jnp.float32),
            pltpu.VMEM((J,), jnp.float32),
            pltpu.VMEM((3, _L), jnp.float32),
            pltpu.SemaphoreType.DMA,
            pltpu.SemaphoreType.DMA,
        ],
    )
    def sc_kernel(imgf, gridx, gridy, params, knnt, outf,
                  knn_v, gx_v, gy_v, fa_v, w_v, val_a, val_b, out_v, par_v,
                  sem0, sem1):
        cid = lax.axis_index("c")
        sid = lax.axis_index("s")
        wid = sid * 2 + cid

        pltpu.sync_copy(params, par_v)
        pltpu.sync_copy(knnt.at[wid], knn_v)
        pltpu.async_copy(gridx.at[knn_v], gx_v, sem0).wait()
        pltpu.async_copy(gridy.at[knn_v], gy_v, sem0).wait()

        fxv = par_v[0, :]
        fyv = par_v[1, :]
        sv = par_v[2, :]

        def addr_body(c, carry):
            sl16 = pl.ds(c * _L, _L)
            gx = gx_v[sl16]
            gy = gy_v[sl16]
            px = fxv + gx * sv
            py = fyv - gy * sv
            ix = _round_half_even(px)
            iy = _round_half_even(py)
            valid = (ix >= 0) & (ix <= W - 1) & (iy >= 0) & (iy <= H - 1)
            w16 = jnp.where(valid, jnp.float32(1.0 / K), jnp.float32(0.0))
            ixc = jnp.clip(ix, 0, W - 1)
            iyc = jnp.clip(iy, 0, H - 1)
            fa_v[sl16] = iyc * W + ixc
            w_v[sl16] = w16
            return carry

        lax.fori_loop(0, G // _L, addr_body, 0)

        bufs = (val_a, val_b)
        sems = (sem0, sem1)

        def issue(p, buf):
            return pltpu.async_copy(
                imgf.at[pl.ds(p * HW, HW)].at[fa_v], bufs[buf], sems[buf])

        cps = [issue(0, 0), None]
        for p in range(P):
            buf = p % 2
            if p + 1 < P:
                cps[1 - buf] = issue(p + 1, 1 - buf)
            cps[buf].wait()

            def acc_body(cc, carry, buf=buf):
                j0 = cc * _L
                a = bufs[buf][pl.ds(j0, _L)] * w_v[pl.ds(j0, _L)]
                for kk in range(1, K):
                    o = kk * J + j0
                    a = a + bufs[buf][pl.ds(o, _L)] * w_v[pl.ds(o, _L)]
                out_v[pl.ds(j0, _L)] = a
                return carry

            lax.fori_loop(0, J // _L, acc_body, 0)
            pltpu.sync_copy(out_v, outf.at[pl.ds(p * N_out + wid * J, J)])

    return sc_kernel


def kernel(img, fix_loc, fixation_size, sampling_grid, knn_idx):
    B, C, H, W = img.shape
    N_out, K = knn_idx.shape
    P = B * C
    J = N_out // _NW

    imgf = img.reshape(P * H * W)
    gridx = sampling_grid[:, 0]
    gridy = sampling_grid[:, 1]
    knnt = knn_idx.reshape(_NW, J, K).transpose(0, 2, 1).reshape(_NW, J * K)
    scale = jnp.float32(fixation_size) / jnp.float32(2.0)
    params = jnp.stack([
        jnp.broadcast_to(fix_loc[0].astype(jnp.float32), (_L,)),
        jnp.broadcast_to(fix_loc[1].astype(jnp.float32), (_L,)),
        jnp.broadcast_to(scale, (_L,)),
    ])

    outf = _build_sc(P, H * W, H, W, N_out, K)(imgf, gridx, gridy, params, knnt)
    return outf.reshape(B, C, N_out)

# --- scband reference (transcript-rebuilt; emitter-appended) ---
"""Pipeline reference for scband-knngrid-sampler-90649579749848 (READ-ONLY COPY).

The authoritative reference and input builder live on the scoring server;
editing this copy changes nothing except your own understanding.
"""

import jax, jax.numpy as jnp
import numpy as np

FOV = 20.0
CMF_A = 0.5
RES = 96
RES_MULT = 3
CMF_A_MULT = 1


def _sampling_coords(fov, cmf_a, resolution):
    # isotropic log-polar foveated sampling: uniform cortical spacing u = log(r + a)
    R = fov / 2.0
    n_rings = resolution
    n_theta = resolution
    u = np.linspace(np.log(cmf_a), np.log(R + cmf_a), n_rings)
    r = np.exp(u) - cmf_a
    r = np.maximum(r, 1e-4)
    theta = np.linspace(0.0, 2.0 * np.pi, n_theta, endpoint=False)
    rr, tt = np.meshgrid(r, theta, indexing='ij')
    x = (rr / R) * np.cos(tt)
    y = (rr / R) * np.sin(tt)
    return np.stack([x.ravel(), y.ravel()], axis=-1).astype(np.float32)  # normalized [-1,1]


def _knn_indices(queries, refs, k):
    # brute-force chunked KNN (numpy only)
    out = np.empty((queries.shape[0], k), dtype=np.int32)
    chunk = 512
    for s in range(0, queries.shape[0], chunk):
        q = queries[s:s + chunk]
        d = ((q[:, None, :] - refs[None, :, :]) ** 2).sum(-1)
        out[s:s + chunk] = np.argpartition(d, k, axis=1)[:, :k].astype(np.int32)
    return out


def setup_inputs(seed: int = 0) -> dict:
    key = jax.random.key(seed)
    hr = _sampling_coords(FOV, CMF_A_MULT * CMF_A, RES_MULT * RES)  # photoreceptors: (82944, 2)
    lo = _sampling_coords(FOV, CMF_A, RES)                          # RGCs: (9216, 2)
    k = int(np.round(hr.shape[0] / lo.shape[0]))                    # auto-set k = 9
    knn_idx = _knn_indices(lo, hr, k)
    k1, _ = jax.random.split(key)
    img = jax.random.normal(k1, (8, 3, 512, 512), dtype=jnp.float32)
    fix_loc = jnp.array([256.0, 256.0], dtype=jnp.float32)
    return {
        'img': img,
        'fix_loc': fix_loc,
        'fixation_size': 512,
        'sampling_grid': jnp.asarray(hr),
        'knn_idx': jnp.asarray(knn_idx),
    }


def reference(img, fix_loc, fixation_size, sampling_grid, knn_idx):
    B, C, H, W = img.shape
    # xy (math) -> col,row for image sampling: gx = x, gy = -y (row grows downward)
    gx = sampling_grid[:, 0]
    gy = -sampling_grid[:, 1]
    # transform fixation grid to pixel coordinates
    px = fix_loc[0] + gx * (fixation_size / 2.0)
    py = fix_loc[1] + gy * (fixation_size / 2.0)
    # grid_sample(mode='nearest', padding_mode='zeros')
    ix = jnp.round(px).astype(jnp.int32)
    iy = jnp.round(py).astype(jnp.int32)
    valid = ((ix >= 0) & (ix <= W - 1) & (iy >= 0) & (iy <= H - 1)).astype(img.dtype)
    ixc = jnp.clip(ix, 0, W - 1)
    iyc = jnp.clip(iy, 0, H - 1)
    flat = img.reshape(B, C, H * W)
    ret_samples = jnp.take(flat, iyc * W + ixc, axis=2) * valid[None, None, :]  # (B, C, N_hr)
    # KNN average pooling: photoreceptors -> RGCs
    n_out, k = knn_idx.shape
    gathered = jnp.take(ret_samples, knn_idx.reshape(-1), axis=2).reshape(B, C, n_out, k)
    pooled = gathered.mean(axis=-1)  # (B, C, N_out)
    return pooled

if __name__ == "__main__":
    import jax
    _d = setup_inputs()
    print(jax.jit(kernel)(*tuple(_d.values())))

</pallas_src>

<mosaic_0001>
#map = affine_map<(d0, d1) -> (0)>
#map1 = affine_map<(d0, d1) -> (0, 0)>
module attributes {stable_mosaic.version = 14 : i64} {
  func.func @sc_kernel(%arg0: i32, %arg1: i32, %arg2: memref<6291456xf32, #tpu.memory_space<hbm>>, %arg3: memref<82944xf32, #tpu.memory_space<hbm>>, %arg4: memref<82944xf32, #tpu.memory_space<hbm>>, %arg5: memref<3x16xf32, #tpu.memory_space<hbm>>, %arg6: memref<32x2592xi32, #tpu.memory_space<hbm>>, %arg7: memref<221184xf32, #tpu.memory_space<hbm>>, %arg8: memref<2592xi32, #tpu.memory_space<vmem>>, %arg9: memref<2592xf32, #tpu.memory_space<vmem>>, %arg10: memref<2592xf32, #tpu.memory_space<vmem>>, %arg11: memref<2592xi32, #tpu.memory_space<vmem>>, %arg12: memref<2592xf32, #tpu.memory_space<vmem>>, %arg13: memref<2592xf32, #tpu.memory_space<vmem>>, %arg14: memref<2592xf32, #tpu.memory_space<vmem>>, %arg15: memref<288xf32, #tpu.memory_space<vmem>>, %arg16: memref<3x16xf32, #tpu.memory_space<vmem>>, %arg17: memref<!tpu.dma_semaphore, #tpu.memory_space<semaphore_mem>>, %arg18: memref<!tpu.dma_semaphore, #tpu.memory_space<semaphore_mem>>) attributes {dimension_semantics = [#tpu.dimension_semantics<core_parallel>, #tpu.dimension_semantics<subcore_parallel>], iteration_bounds = array<i64: 2, 16>, scalar_prefetch = 0 : i64, scratch_operands = 11 : i64, tpu.core_type = #tpu.core_type<sc_vector_subcore>, window_params = [{transform_indices = #map}, {transform_indices = #map}, {transform_indices = #map}, {transform_indices = #map1}, {transform_indices = #map1}, {transform_indices = #map}]} {
    %mul3A = arith.constant 2 : i32
    %mul3A_0 = arith.muli %arg1, %mul3A : i32
    %add3A = arith.addi %mul3A_0, %arg0 : i32
    "tpu.region"() ({
      %run_scoped3A = tpu.sem_alloc : memref<!tpu.dma_semaphore, #tpu.memory_space<semaphore_mem>>
      tpu.enqueue_dma source(%arg5 : memref<3x16xf32, #tpu.memory_space<hbm>>) target(%arg16 : memref<3x16xf32, #tpu.memory_space<vmem>>) target_semaphore(%run_scoped3A : memref<!tpu.dma_semaphore, #tpu.memory_space<semaphore_mem>>)
      tpu.wait_dma2 semaphore(%run_scoped3A : memref<!tpu.dma_semaphore, #tpu.memory_space<semaphore_mem>>) src(%arg5 : memref<3x16xf32, #tpu.memory_space<hbm>>) dst(%arg16 : memref<3x16xf32, #tpu.memory_space<vmem>>)
      tpu.yield
    }) : () -> ()
    "tpu.region"() ({
      %run_scoped3A = tpu.sem_alloc : memref<!tpu.dma_semaphore, #tpu.memory_space<semaphore_mem>>
      %dma_start3A_458 = arith.constant 0 : i32
      %dma_start3A_459 = tpu.memref_slice %arg6[%add3A, %dma_start3A_458] : memref<32x2592xi32, #tpu.memory_space<hbm>> -> memref<1x2592xi32, #tpu.memory_space<hbm>>
      %dma_start3A_460 = tpu.memref_squeeze %dma_start3A_459 : memref<1x2592xi32, #tpu.memory_space<hbm>> -> memref<2592xi32, #tpu.memory_space<hbm>>
      %dma_start3A_461 = arith.constant 0 : i32
      %dma_start3A_462 = tpu.memref_slice %arg6[%add3A, %dma_start3A_461] : memref<32x2592xi32, #tpu.memory_space<hbm>> -> memref<1x2592xi32, #tpu.memory_space<hbm>>
      %dma_start3A_463 = tpu.memref_squeeze %dma_start3A_462 : memref<1x2592xi32, #tpu.memory_space<hbm>> -> memref<2592xi32, #tpu.memory_space<hbm>>
      tpu.enqueue_dma source(%dma_start3A_463 : memref<2592xi32, #tpu.memory_space<hbm>>) target(%arg8 : memref<2592xi32, #tpu.memory_space<vmem>>) target_semaphore(%run_scoped3A : memref<!tpu.dma_semaphore, #tpu.memory_space<semaphore_mem>>)
      %dma_wait3A_464 = arith.constant 0 : i32
      %dma_wait3A_465 = tpu.memref_slice %arg6[%add3A, %dma_wait3A_464] : memref<32x2592xi32, #tpu.memory_space<hbm>> -> memref<1x2592xi32, #tpu.memory_space<hbm>>
      %dma_wait3A_466 = tpu.memref_squeeze %dma_wait3A_465 : memref<1x2592xi32, #tpu.memory_space<hbm>> -> memref<2592xi32, #tpu.memory_space<hbm>>
      %dma_wait3A_467 = arith.constant 0 : i32
      %dma_wait3A_468 = tpu.memref_slice %arg6[%add3A, %dma_wait3A_467] : memref<32x2592xi32, #tpu.memory_space<hbm>> -> memref<1x2592xi32, #tpu.memory_space<hbm>>
      %dma_wait3A_469 = tpu.memref_squeeze %dma_wait3A_468 : memref<1x2592xi32, #tpu.memory_space<hbm>> -> memref<2592xi32, #tpu.memory_space<hbm>>
      tpu.wait_dma2 semaphore(%run_scoped3A : memref<!tpu.dma_semaphore, #tpu.memory_space<semaphore_mem>>) src(%dma_wait3A_469 : memref<2592xi32, #tpu.memory_space<hbm>>) dst(%arg8 : memref<2592xi32, #tpu.memory_space<vmem>>)
      tpu.yield
    }) : () -> ()
    %dma_start3A = arith.constant 0 : i32
    %dma_start3A_1 = tpu.memref_slice %arg3[%dma_start3A] : memref<82944xf32, #tpu.memory_space<hbm>> -> memref<82944xf32, #tpu.memory_space<hbm>>
    tpu.enqueue_indirect_dma source(%dma_start3A_1 : memref<82944xf32, #tpu.memory_space<hbm>>) target(%arg9 : memref<2592xf32, #tpu.memory_space<vmem>>) offsets(%arg8 : memref<2592xi32, #tpu.memory_space<vmem>>) semaphore(%arg17 : memref<!tpu.dma_semaphore, #tpu.memory_space<semaphore_mem>>)
    %dma_wait3A = arith.constant 0 : i32
    %dma_wait3A_2 = tpu.memref_slice %arg3[%dma_wait3A] : memref<82944xf32, #tpu.memory_space<hbm>> -> memref<82944xf32, #tpu.memory_space<hbm>>
    tpu.wait_indirect_dma semaphore(%arg17 : memref<!tpu.dma_semaphore, #tpu.memory_space<semaphore_mem>>) src(%dma_wait3A_2 : memref<82944xf32, #tpu.memory_space<hbm>>) dst(%arg9 : memref<2592xf32, #tpu.memory_space<vmem>>)
    %dma_start3A_3 = arith.constant 0 : i32
    %dma_start3A_4 = tpu.memref_slice %arg4[%dma_start3A_3] : memref<82944xf32, #tpu.memory_space<hbm>> -> memref<82944xf32, #tpu.memory_space<hbm>>
    tpu.enqueue_indirect_dma source(%dma_start3A_4 : memref<82944xf32, #tpu.memory_space<hbm>>) target(%arg10 : memref<2592xf32, #tpu.memory_space<vmem>>) offsets(%arg8 : memref<2592xi32, #tpu.memory_space<vmem>>) semaphore(%arg17 : memref<!tpu.dma_semaphore, #tpu.memory_space<semaphore_mem>>)
    %dma_wait3A_5 = arith.constant 0 : i32
    %dma_wait3A_6 = tpu.memref_slice %arg4[%dma_wait3A_5] : memref<82944xf32, #tpu.memory_space<hbm>> -> memref<82944xf32, #tpu.memory_space<hbm>>
    tpu.wait_indirect_dma semaphore(%arg17 : memref<!tpu.dma_semaphore, #tpu.memory_space<semaphore_mem>>) src(%dma_wait3A_6 : memref<82944xf32, #tpu.memory_space<hbm>>) dst(%arg10 : memref<2592xf32, #tpu.memory_space<vmem>>)
    %get3A = arith.constant 0 : i32
    %get3A_7 = arith.index_cast %get3A : i32 to index
    %get3A_8 = arith.constant 0 : index
    %get3A_9 = tpu.vector_load %arg16[%get3A_7, %get3A_8] {strides = array<i32>} : memref<3x16xf32, #tpu.memory_space<vmem>>, vector<1x16xf32>,
    %get3A_10 = vector.shape_cast %get3A_9 : vector<1x16xf32> to vector<16xf32>
    %get3A_11 = arith.constant 1 : i32
    %get3A_12 = arith.index_cast %get3A_11 : i32 to index
    %get3A_13 = arith.constant 0 : index
    %get3A_14 = tpu.vector_load %arg16[%get3A_12, %get3A_13] {strides = array<i32>} : memref<3x16xf32, #tpu.memory_space<vmem>>, vector<1x16xf32>,
    %get3A_15 = vector.shape_cast %get3A_14 : vector<1x16xf32> to vector<16xf32>
    %get3A_16 = arith.constant 2 : i32
    %get3A_17 = arith.index_cast %get3A_16 : i32 to index
    %get3A_18 = arith.constant 0 : index
    %get3A_19 = tpu.vector_load %arg16[%get3A_17, %get3A_18] {strides = array<i32>} : memref<3x16xf32, #tpu.memory_space<vmem>>, vector<1x16xf32>,
    %get3A_20 = vector.shape_cast %get3A_19 : vector<1x16xf32> to vector<16xf32>
    %scan3A = arith.constant 0 : i32
    %scan3A_21 = arith.constant 0 : i32
    %scan3A_22 = arith.constant 162 : i32
    %scan3A_23 = arith.addi %scan3A_21, %scan3A_22 : i32
    %scan3A_24 = arith.constant 1 : i32
    scf.for %scan3A_458 = %scan3A_21 to %scan3A_23 step %scan3A_24  : i32 {
      %mul3A_459 = arith.constant 16 : i32
      %mul3A_460 = arith.muli %scan3A_458, %mul3A_459 : i32
      %get3A_461 = arith.index_cast %mul3A_460 : i32 to index
      %get3A_462 = tpu.vector_load %arg9[%get3A_461] {strides = array<i32>} : memref<2592xf32, #tpu.memory_space<vmem>>, vector<16xf32>,
      %get3A_463 = vector.shape_cast %get3A_462 : vector<16xf32> to vector<16xf32>
      %get3A_464 = arith.index_cast %mul3A_460 : i32 to index
      %get3A_465 = tpu.vector_load %arg10[%get3A_464] {strides = array<i32>} : memref<2592xf32, #tpu.memory_space<vmem>>, vector<16xf32>,
      %get3A_466 = vector.shape_cast %get3A_465 : vector<16xf32> to vector<16xf32>
      %mul3A_467 = arith.mulf %get3A_463, %get3A_20 : vector<16xf32>
      %add3A_468 = arith.addf %get3A_10, %mul3A_467 : vector<16xf32>
      %mul3A_469 = arith.mulf %get3A_466, %get3A_20 : vector<16xf32>
      %sub3A = arith.subf %get3A_15, %mul3A_469 : vector<16xf32>
      %add3A_470 = arith.constant 5.000000e-01 : f32
      %add3A_471 = vector.broadcast %add3A_470 : f32 to vector<16xf32>
      %add3A_472 = arith.addf %add3A_468, %add3A_471 : vector<16xf32>
      %convert_element_type3A = arith.fptosi %add3A_472 : vector<16xf32> to vector<16xi32>
      %convert_element_type3A_473 = arith.sitofp %convert_element_type3A : vector<16xi32> to vector<16xf32>
      %gt3A = arith.cmpf ogt, %convert_element_type3A_473, %add3A_472 : vector<16xf32>
      %sub3A_474 = arith.constant 1 : i32
      %sub3A_475 = vector.broadcast %sub3A_474 : i32 to vector<16xi32>
      %sub3A_476 = arith.subi %convert_element_type3A, %sub3A_475 : vector<16xi32>
      %select_n3A = arith.select %gt3A, %sub3A_476, %convert_element_type3A : vector<16xi1>, vector<16xi32>
      %convert_element_type3A_477 = arith.sitofp %select_n3A : vector<16xi32> to vector<16xf32>
      %eq3A = arith.cmpf oeq, %convert_element_type3A_477, %add3A_472 : vector<16xf32>
      %and3A = arith.constant 1 : i32
      %and3A_478 = vector.broadcast %and3A : i32 to vector<16xi32>
      %and3A_479 = arith.andi %select_n3A, %and3A_478 : vector<16xi32>
      %eq3A_480 = arith.constant 1 : i32
      %eq3A_481 = vector.broadcast %eq3A_480 : i32 to vector<16xi32>
      %eq3A_482 = arith.cmpi eq, %and3A_479, %eq3A_481 : vector<16xi32>
      %and3A_483 = arith.andi %eq3A, %eq3A_482 : vector<16xi1>
      %sub3A_484 = arith.constant 1 : i32
      %sub3A_485 = vector.broadcast %sub3A_484 : i32 to vector<16xi32>
      %sub3A_486 = arith.subi %select_n3A, %sub3A_485 : vector<16xi32>
      %select_n3A_487 = arith.select %and3A_483, %sub3A_486, %select_n3A : vector<16xi1>, vector<16xi32>
      %add3A_488 = arith.constant 5.000000e-01 : f32
      %add3A_489 = vector.broadcast %add3A_488 : f32 to vector<16xf32>
      %add3A_490 = arith.addf %sub3A, %add3A_489 : vector<16xf32>
      %convert_element_type3A_491 = arith.fptosi %add3A_490 : vector<16xf32> to vector<16xi32>
      %convert_element_type3A_492 = arith.sitofp %convert_element_type3A_491 : vector<16xi32> to vector<16xf32>
      %gt3A_493 = arith.cmpf ogt, %convert_element_type3A_492, %add3A_490 : vector<16xf32>
      %sub3A_494 = arith.constant 1 : i32
      %sub3A_495 = vector.broadcast %sub3A_494 : i32 to vector<16xi32>
      %sub3A_496 = arith.subi %convert_element_type3A_491, %sub3A_495 : vector<16xi32>
      %select_n3A_497 = arith.select %gt3A_493, %sub3A_496, %convert_element_type3A_491 : vector<16xi1>, vector<16xi32>
      %convert_element_type3A_498 = arith.sitofp %select_n3A_497 : vector<16xi32> to vector<16xf32>
      %eq3A_499 = arith.cmpf oeq, %convert_element_type3A_498, %add3A_490 : vector<16xf32>
      %and3A_500 = arith.constant 1 : i32
      %and3A_501 = vector.broadcast %and3A_500 : i32 to vector<16xi32>
      %and3A_502 = arith.andi %select_n3A_497, %and3A_501 : vector<16xi32>
      %eq3A_503 = arith.constant 1 : i32
      %eq3A_504 = vector.broadcast %eq3A_503 : i32 to vector<16xi32>
      %eq3A_505 = arith.cmpi eq, %and3A_502, %eq3A_504 : vector<16xi32>
      %and3A_506 = arith.andi %eq3A_499, %eq3A_505 : vector<16xi1>
      %sub3A_507 = arith.constant 1 : i32
      %sub3A_508 = vector.broadcast %sub3A_507 : i32 to vector<16xi32>
      %sub3A_509 = arith.subi %select_n3A_497, %sub3A_508 : vector<16xi32>
      %select_n3A_510 = arith.select %and3A_506, %sub3A_509, %select_n3A_497 : vector<16xi1>, vector<16xi32>
      %ge3A = arith.constant 0 : i32
      %ge3A_511 = vector.broadcast %ge3A : i32 to vector<16xi32>
      %ge3A_512 = arith.cmpi sge, %select_n3A_487, %ge3A_511 : vector<16xi32>
      %le3A = arith.constant 511 : i32
      %le3A_513 = vector.broadcast %le3A : i32 to vector<16xi32>
      %le3A_514 = arith.cmpi sle, %select_n3A_487, %le3A_513 : vector<16xi32>
      %and3A_515 = arith.andi %ge3A_512, %le3A_514 : vector<16xi1>
      %ge3A_516 = arith.constant 0 : i32
      %ge3A_517 = vector.broadcast %ge3A_516 : i32 to vector<16xi32>
      %ge3A_518 = arith.cmpi sge, %select_n3A_510, %ge3A_517 : vector<16xi32>
      %and3A_519 = arith.andi %and3A_515, %ge3A_518 : vector<16xi1>
      %le3A_520 = arith.constant 511 : i32
      %le3A_521 = vector.broadcast %le3A_520 : i32 to vector<16xi32>
      %le3A_522 = arith.cmpi sle, %select_n3A_510, %le3A_521 : vector<16xi32>
      %and3A_523 = arith.andi %and3A_519, %le3A_522 : vector<16xi1>
      %jit3A = arith.constant 0.111111112 : f32
      %jit3A_524 = arith.constant 0.000000e+00 : f32
      %broadcast_in_dim3A = vector.broadcast %jit3A : f32 to vector<16xf32>
      %broadcast_in_dim3A_525 = vector.broadcast %jit3A_524 : f32 to vector<16xf32>
      %select_n3A_526 = arith.select %and3A_523, %broadcast_in_dim3A, %broadcast_in_dim3A_525 : vector<16xi1>, vector<16xf32>
      %jit3A_527 = arith.constant 0 : i32
      %jit3A_528 = arith.constant 511 : i32
      %max3A = vector.broadcast %jit3A_527 : i32 to vector<16xi32>
      %max3A_529 = arith.maxsi %max3A, %select_n3A_487 : vector<16xi32>
      %min3A = vector.broadcast %jit3A_528 : i32 to vector<16xi32>
      %min3A_530 = arith.minsi %min3A, %max3A_529 : vector<16xi32>
      %jit3A_531 = arith.constant 0 : i32
      %jit3A_532 = arith.constant 511 : i32
      %max3A_533 = vector.broadcast %jit3A_531 : i32 to vector<16xi32>
      %max3A_534 = arith.maxsi %max3A_533, %select_n3A_510 : vector<16xi32>
      %min3A_535 = vector.broadcast %jit3A_532 : i32 to vector<16xi32>
      %min3A_536 = arith.minsi %min3A_535, %max3A_534 : vector<16xi32>
      %mul3A_537 = arith.constant 512 : i32
      %mul3A_538 = vector.broadcast %mul3A_537 : i32 to vector<16xi32>
      %mul3A_539 = arith.muli %min3A_536, %mul3A_538 : vector<16xi32>
      %add3A_540 = arith.addi %mul3A_539, %min3A_530 : vector<16xi32>
      %swap3A = arith.index_cast %mul3A_460 : i32 to index
      %swap3A_541 = tpu.vector_load %arg11[%swap3A] {strides = array<i32>} : memref<2592xi32, #tpu.memory_space<vmem>>, vector<16xi32>,
      %swap3A_542 = vector.shape_cast %swap3A_541 : vector<16xi32> to vector<16xi32>
      %swap3A_543 = vector.shape_cast %add3A_540 : vector<16xi32> to vector<16xi32>
      tpu.vector_store %arg11[%swap3A], %swap3A_543 {strides = array<i32>} : memref<2592xi32, #tpu.memory_space<vmem>>, vector<16xi32>,
      %swap3A_544 = arith.index_cast %mul3A_460 : i32 to index
      %swap3A_545 = tpu.vector_load %arg12[%swap3A_544] {strides = array<i32>} : memref<2592xf32, #tpu.memory_space<vmem>>, vector<16xf32>,
      %swap3A_546 = vector.shape_cast %swap3A_545 : vector<16xf32> to vector<16xf32>
      %swap3A_547 = vector.shape_cast %select_n3A_526 : vector<16xf32> to vector<16xf32>
      tpu.vector_store %arg12[%swap3A_544], %swap3A_547 {strides = array<i32>} : memref<2592xf32, #tpu.memory_space<vmem>>, vector<16xf32>,
    }
    %scan3A_25 = arith.constant 162 : i32
    %dma_start3A_26 = arith.constant 0 : i32
    %dma_start3A_27 = tpu.memref_slice %arg2[%dma_start3A_26] : memref<6291456xf32, #tpu.memory_space<hbm>> -> memref<262144xf32, #tpu.memory_space<hbm>>
    %dma_start3A_28 = arith.constant 0 : i32
    %dma_start3A_29 = tpu.memref_slice %dma_start3A_27[%dma_start3A_28] : memref<262144xf32, #tpu.memory_space<hbm>> -> memref<262144xf32, #tpu.memory_space<hbm>>
    tpu.enqueue_indirect_dma source(%dma_start3A_29 : memref<262144xf32, #tpu.memory_space<hbm>>) target(%arg13 : memref<2592xf32, #tpu.memory_space<vmem>>) offsets(%arg11 : memref<2592xi32, #tpu.memory_space<vmem>>) semaphore(%arg17 : memref<!tpu.dma_semaphore, #tpu.memory_space<semaphore_mem>>)
    %dma_start3A_30 = arith.constant 262144 : i32
    %dma_start3A_31 = tpu.memref_slice %arg2[%dma_start3A_30] : memref<6291456xf32, #tpu.memory_space<hbm>> -> memref<262144xf32, #tpu.memory_space<hbm>>
    %dma_start3A_32 = arith.constant 0 : i32
    %dma_start3A_33 = tpu.memref_slice %dma_start3A_31[%dma_start3A_32] : memref<262144xf32, #tpu.memory_space<hbm>> -> memref<262144xf32, #tpu.memory_space<hbm>>
    tpu.enqueue_indirect_dma source(%dma_start3A_33 : memref<262144xf32, #tpu.memory_space<hbm>>) target(%arg14 : memref<2592xf32, #tpu.memory_space<vmem>>) offsets(%arg11 : memref<2592xi32, #tpu.memory_space<vmem>>) semaphore(%arg18 : memref<!tpu.dma_semaphore, #tpu.memory_space<semaphore_mem>>)
    %dma_wait3A_34 = arith.constant 0 : i32
    %dma_wait3A_35 = tpu.memref_slice %arg2[%dma_wait3A_34] : memref<6291456xf32, #tpu.memory_space<hbm>> -> memref<262144xf32, #tpu.memory_space<hbm>>
    %dma_wait3A_36 = arith.constant 0 : i32
    %dma_wait3A_37 = tpu.memref_slice %dma_wait3A_35[%dma_wait3A_36] : memref<262144xf32, #tpu.memory_space<hbm>> -> memref<262144xf32, #tpu.memory_space<hbm>>
    tpu.wait_indirect_dma semaphore(%arg17 : memref<!tpu.dma_semaphore, #tpu.memory_space<semaphore_mem>>) src(%dma_wait3A_37 : memref<262144xf32, #tpu.memory_space<hbm>>) dst(%arg13 : memref<2592xf32, #tpu.memory_space<vmem>>)
    %scan3A_38 = arith.constant 0 : i32
    %scan3A_39 = arith.constant 0 : i32
    %scan3A_40 = arith.constant 18 : i32
    %scan3A_41 = arith.addi %scan3A_39, %scan3A_40 : i32
    %scan3A_42 = arith.constant 1 : i32
    scf.for %scan3A_458 = %scan3A_39 to %scan3A_41 step %scan3A_42  : i32 {
      %mul3A_459 = arith.constant 16 : i32
      %mul3A_460 = arith.muli %scan3A_458, %mul3A_459 : i32
      %get3A_461 = arith.index_cast %mul3A_460 : i32 to index
      %get3A_462 = tpu.vector_load %arg13[%get3A_461] {strides = array<i32>} : memref<2592xf32, #tpu.memory_space<vmem>>, vector<16xf32>,
      %get3A_463 = vector.shape_cast %get3A_462 : vector<16xf32> to vector<16xf32>
      %get3A_464 = arith.index_cast %mul3A_460 : i32 to index
      %get3A_465 = tpu.vector_load %arg12[%get3A_464] {strides = array<i32>} : memref<2592xf32, #tpu.memory_space<vmem>>, vector<16xf32>,
      %get3A_466 = vector.shape_cast %get3A_465 : vector<16xf32> to vector<16xf32>
      %mul3A_467 = arith.mulf %get3A_463, %get3A_466 : vector<16xf32>
      %add3A_468 = arith.constant 288 : i32
      %add3A_469 = arith.addi %add3A_468, %mul3A_460 : i32
      %get3A_470 = arith.index_cast %add3A_469 : i32 to index
      %get3A_471 = tpu.vector_load %arg13[%get3A_470] {strides = array<i32>} : memref<2592xf32, #tpu.memory_space<vmem>>, vector<16xf32>,
      %get3A_472 = vector.shape_cast %get3A_471 : vector<16xf32> to vector<16xf32>
      %get3A_473 = arith.index_cast %add3A_469 : i32 to index
      %get3A_474 = tpu.vector_load %arg12[%get3A_473] {strides = array<i32>} : memref<2592xf32, #tpu.memory_space<vmem>>, vector<16xf32>,
      %get3A_475 = vector.shape_cast %get3A_474 : vector<16xf32> to vector<16xf32>
      %mul3A_476 = arith.mulf %get3A_472, %get3A_475 : vector<16xf32>
      %add3A_477 = arith.addf %mul3A_467, %mul3A_476 : vector<16xf32>
      %add3A_478 = arith.constant 576 : i32
      %add3A_479 = arith.addi %add3A_478, %mul3A_460 : i32
      %get3A_480 = arith.index_cast %add3A_479 : i32 to index
      %get3A_481 = tpu.vector_load %arg13[%get3A_480] {strides = array<i32>} : memref<2592xf32, #tpu.memory_space<vmem>>, vector<16xf32>,
      %get3A_482 = vector.shape_cast %get3A_481 : vector<16xf32> to vector<16xf32>
      %get3A_483 = arith.index_cast %add3A_479 : i32 to index
      %get3A_484 = tpu.vector_load %arg12[%get3A_483] {strides = array<i32>} : memref<2592xf32, #tpu.memory_space<vmem>>, vector<16xf32>,
      %get3A_485 = vector.shape_cast %get3A_484 : vector<16xf32> to vector<16xf32>
      %mul3A_486 = arith.mulf %get3A_482, %get3A_485 : vector<16xf32>
      %add3A_487 = arith.addf %add3A_477, %mul3A_486 : vector<16xf32>
      %add3A_488 = arith.constant 864 : i32
      %add3A_489 = arith.addi %add3A_488, %mul3A_460 : i32
      %get3A_490 = arith.index_cast %add3A_489 : i32 to index
      %get3A_491 = tpu.vector_load %arg13[%get3A_490] {strides = array<i32>} : memref<2592xf32, #tpu.memory_space<vmem>>, vector<16xf32>,
      %get3A_492 = vector.shape_cast %get3A_491 : vector<16xf32> to vector<16xf32>
      %get3A_493 = arith.index_cast %add3A_489 : i32 to index
      %get3A_494 = tpu.vector_load %arg12[%get3A_493] {strides = array<i32>} : memref<2592xf32, #tpu.memory_space<vmem>>, vector<16xf32>,
      %get3A_495 = vector.shape_cast %get3A_494 : vector<16xf32> to vector<16xf32>
      %mul3A_496 = arith.mulf %get3A_492, %get3A_495 : vector<16xf32>
      %add3A_497 = arith.addf %add3A_487, %mul3A_496 : vector<16xf32>
      %add3A_498 = arith.constant 1152 : i32
      %add3A_499 = arith.addi %add3A_498, %mul3A_460 : i32
      %get3A_500 = arith.index_cast %add3A_499 : i32 to index
      %get3A_501 = tpu.vector_load %arg13[%get3A_500] {strides = array<i32>} : memref<2592xf32, #tpu.memory_space<vmem>>, vector<16xf32>,
      %get3A_502 = vector.shape_cast %get3A_501 : vector<16xf32> to vector<16xf32>
      %get3A_503 = arith.index_cast %add3A_499 : i32 to index
      %get3A_504 = tpu.vector_load %arg12[%get3A_503] {strides = array<i32>} : memref<2592xf32, #tpu.memory_space<vmem>>, vector<16xf32>,
      %get3A_505 = vector.shape_cast %get3A_504 : vector<16xf32> to vector<16xf32>
      %mul3A_506 = arith.mulf %get3A_502, %get3A_505 : vector<16xf32>
      %add3A_507 = arith.addf %add3A_497, %mul3A_506 : vector<16xf32>
      %add3A_508 = arith.constant 1440 : i32
      %add3A_509 = arith.addi %add3A_508, %mul3A_460 : i32
      %get3A_510 = arith.index_cast %add3A_509 : i32 to index
      %get3A_511 = tpu.vector_load %arg13[%get3A_510] {strides = array<i32>} : memref<2592xf32, #tpu.memory_space<vmem>>, vector<16xf32>,
      %get3A_512 = vector.shape_cast %get3A_511 : vector<16xf32> to vector<16xf32>
      %get3A_513 = arith.index_cast %add3A_509 : i32 to index
      %get3A_514 = tpu.vector_load %arg12[%get3A_513] {strides = array<i32>} : memref<2592xf32, #tpu.memory_space<vmem>>, vector<16xf32>,
      %get3A_515 = vector.shape_cast %get3A_514 : vector<16xf32> to vector<16xf32>
      %mul3A_516 = arith.mulf %get3A_512, %get3A_515 : vector<16xf32>
      %add3A_517 = arith.addf %add3A_507, %mul3A_516 : vector<16xf32>
      %add3A_518 = arith.constant 1728 : i32
      %add3A_519 = arith.addi %add3A_518, %mul3A_460 : i32
      %get3A_520 = arith.index_cast %add3A_519 : i32 to index
      %get3A_521 = tpu.vector_load %arg13[%get3A_520] {strides = array<i32>} : memref<2592xf32, #tpu.memory_space<vmem>>, vector<16xf32>,
      %get3A_522 = vector.shape_cast %get3A_521 : vector<16xf32> to vector<16xf32>
      %get3A_523 = arith.index_cast %add3A_519 : i32 to index
      %get3A_524 = tpu.vector_load %arg12[%get3A_523] {strides = array<i32>} : memref<2592xf32, #tpu.memory_space<vmem>>, vector<16xf32>,
      %get3A_525 = vector.shape_cast %get3A_524 : vector<16xf32> to vector<16xf32>
      %mul3A_526 = arith.mulf %get3A_522, %get3A_525 : vector<16xf32>
      %add3A_527 = arith.addf %add3A_517, %mul3A_526 : vector<16xf32>
      %add3A_528 = arith.constant 2016 : i32
      %add3A_529 = arith.addi %add3A_528, %mul3A_460 : i32
      %get3A_530 = arith.index_cast %add3A_529 : i32 to index
      %get3A_531 = tpu.vector_load %arg13[%get3A_530] {strides = array<i32>} : memref<2592xf32, #tpu.memory_space<vmem>>, vector<16xf32>,
      %get3A_532 = vector.shape_cast %get3A_531 : vector<16xf32> to vector<16xf32>
      %get3A_533 = arith.index_cast %add3A_529 : i32 to index
      %get3A_534 = tpu.vector_load %arg12[%get3A_533] {strides = array<i32>} : memref<2592xf32, #tpu.memory_space<vmem>>, vector<16xf32>,
      %get3A_535 = vector.shape_cast %get3A_534 : vector<16xf32> to vector<16xf32>
      %mul3A_536 = arith.mulf %get3A_532, %get3A_535 : vector<16xf32>
      %add3A_537 = arith.addf %add3A_527, %mul3A_536 : vector<16xf32>
      %add3A_538 = arith.constant 2304 : i32
      %add3A_539 = arith.addi %add3A_538, %mul3A_460 : i32
      %get3A_540 = arith.index_cast %add3A_539 : i32 to index
      %get3A_541 = tpu.vector_load %arg13[%get3A_540] {strides = array<i32>} : memref<2592xf32, #tpu.memory_space<vmem>>, vector<16xf32>,
      %get3A_542 = vector.shape_cast %get3A_541 : vector<16xf32> to vector<16xf32>
      %get3A_543 = arith.index_cast %add3A_539 : i32 to index
      %get3A_544 = tpu.vector_load %arg12[%get3A_543] {strides = array<i32>} : memref<2592xf32, #tpu.memory_space<vmem>>, vector<16xf32>,
      %get3A_545 = vector.shape_cast %get3A_544 : vector<16xf32> to vector<16xf32>
      %mul3A_546 = arith.mulf %get3A_542, %get3A_545 : vector<16xf32>
      %add3A_547 = arith.addf %add3A_537, %mul3A_546 : vector<16xf32>
      %swap3A = arith.index_cast %mul3A_460 : i32 to index
      %swap3A_548 = tpu.vector_load %arg15[%swap3A] {strides = array<i32>} : memref<288xf32, #tpu.memory_space<vmem>>, vector<16xf32>,
      %swap3A_549 = vector.shape_cast %swap3A_548 : vector<16xf32> to vector<16xf32>
      %swap3A_550 = vector.shape_cast %add3A_547 : vector<16xf32> to vector<16xf32>
      tpu.vector_store %arg15[%swap3A], %swap3A_550 {strides = array<i32>} : memref<288xf32, #tpu.memory_space<vmem>>, vector<16xf32>,
    }
    %scan3A_43 = arith.constant 18 : i32
    %mul3A_44 = arith.constant 288 : i32
    %mul3A_45 = arith.muli %add3A, %mul3A_44 : i32
    %add3A_46 = arith.constant 0 : i32
    %add3A_47 = arith.addi %add3A_46, %mul3A_45 : i32
    "tpu.region"() ({
      %run_scoped3A = tpu.sem_alloc : memref<!tpu.dma_semaphore, #tpu.memory_space<semaphore_mem>>
      %dma_start3A_458 = tpu.memref_slice %arg7[%add3A_47] : memref<221184xf32, #tpu.memory_space<hbm>> -> memref<288xf32, #tpu.memory_space<hbm>>
      %dma_start3A_459 = tpu.memref_slice %arg7[%add3A_47] : memref<221184xf32, #tpu.memory_space<hbm>> -> memref<288xf32, #tpu.memory_space<hbm>>
      tpu.enqueue_dma source(%arg15 : memref<288xf32, #tpu.memory_space<vmem>>) target(%dma_start3A_459 : memref<288xf32, #tpu.memory_space<hbm>>) target_semaphore(%run_scoped3A : memref<!tpu.dma_semaphore, #tpu.memory_space<semaphore_mem>>)
      %dma_wait3A_460 = tpu.memref_slice %arg7[%add3A_47] : memref<221184xf32, #tpu.memory_space<hbm>> -> memref<288xf32, #tpu.memory_space<hbm>>
      %dma_wait3A_461 = tpu.memref_slice %arg7[%add3A_47] : memref<221184xf32, #tpu.memory_space<hbm>> -> memref<288xf32, #tpu.memory_space<hbm>>
      tpu.wait_dma2 semaphore(%run_scoped3A : memref<!tpu.dma_semaphore, #tpu.memory_space<semaphore_mem>>) src(%arg15 : memref<288xf32, #tpu.memory_space<vmem>>) dst(%dma_wait3A_461 : memref<288xf32, #tpu.memory_space<hbm>>)
      tpu.yield
    }) : () -> ()
    %dma_start3A_48 = arith.constant 524288 : i32
    %dma_start3A_49 = tpu.memref_slice %arg2[%dma_start3A_48] : memref<6291456xf32, #tpu.memory_space<hbm>> -> memref<262144xf32, #tpu.memory_space<hbm>>
    %dma_start3A_50 = arith.constant 0 : i32
    %dma_start3A_51 = tpu.memref_slice %dma_start3A_49[%dma_start3A_50] : memref<262144xf32, #tpu.memory_space<hbm>> -> memref<262144xf32, #tpu.memory_space<hbm>>
    tpu.enqueue_indirect_dma source(%dma_start3A_51 : memref<262144xf32, #tpu.memory_space<hbm>>) target(%arg13 : memref<2592xf32, #tpu.memory_space<vmem>>) offsets(%arg11 : memref<2592xi32, #tpu.memory_space<vmem>>) semaphore(%arg17 : memref<!tpu.dma_semaphore, #tpu.memory_space<semaphore_mem>>)
    %dma_wait3A_52 = arith.constant 262144 : i32
    %dma_wait3A_53 = tpu.memref_slice %arg2[%dma_wait3A_52] : memref<6291456xf32, #tpu.memory_space<hbm>> -> memref<262144xf32, #tpu.memory_space<hbm>>
    %dma_wait3A_54 = arith.constant 0 : i32
    %dma_wait3A_55 = tpu.memref_slice %dma_wait3A_53[%dma_wait3A_54] : memref<262144xf32, #tpu.memory_space<hbm>> -> memref<262144xf32, #tpu.memory_space<hbm>>
    tpu.wait_indirect_dma semaphore(%arg18 : memref<!tpu.dma_semaphore, #tpu.memory_space<semaphore_mem>>) src(%dma_wait3A_55 : memref<262144xf32, #tpu.memory_space<hbm>>) dst(%arg14 : memref<2592xf32, #tpu.memory_space<vmem>>)
    %scan3A_56 = arith.constant 0 : i32
    %scan3A_57 = arith.constant 0 : i32
    %scan3A_58 = arith.constant 18 : i32
    %scan3A_59 = arith.addi %scan3A_57, %scan3A_58 : i32
    %scan3A_60 = arith.constant 1 : i32
    scf.for %scan3A_458 = %scan3A_57 to %scan3A_59 step %scan3A_60  : i32 {
      %mul3A_459 = arith.constant 16 : i32
      %mul3A_460 = arith.muli %scan3A_458, %mul3A_459 : i32
      %get3A_461 = arith.index_cast %mul3A_460 : i32 to index
      %get3A_462 = tpu.vector_load %arg14[%get3A_461] {strides = array<i32>} : memref<2592xf32, #tpu.memory_space<vmem>>, vector<16xf32>,
      %get3A_463 = vector.shape_cast %get3A_462 : vector<16xf32> to vector<16xf32>
      %get3A_464 = arith.index_cast %mul3A_460 : i32 to index
      %get3A_465 = tpu.vector_load %arg12[%get3A_464] {strides = array<i32>} : memref<2592xf32, #tpu.memory_space<vmem>>, vector<16xf32>,
      %get3A_466 = vector.shape_cast %get3A_465 : vector<16xf32> to vector<16xf32>
      %mul3A_467 = arith.mulf %get3A_463, %get3A_466 : vector<16xf32>
      %add3A_468 = arith.constant 288 : i32
      %add3A_469 = arith.addi %add3A_468, %mul3A_460 : i32
      %get3A_470 = arith.index_cast %add3A_469 : i32 to index
      %get3A_471 = tpu.vector_load %arg14[%get3A_470] {strides = array<i32>} : memref<2592xf32, #tpu.memory_space<vmem>>, vector<16xf32>,
      %get3A_472 = vector.shape_cast %get3A_471 : vector<16xf32> to vector<16xf32>
      %get3A_473 = arith.index_cast %add3A_469 : i32 to index
      %get3A_474 = tpu.vector_load %arg12[%get3A_473] {strides = array<i32>} : memref<2592xf32, #tpu.memory_space<vmem>>, vector<16xf32>,
      %get3A_475 = vector.shape_cast %get3A_474 : vector<16xf32> to vector<16xf32>
      %mul3A_476 = arith.mulf %get3A_472, %get3A_475 : vector<16xf32>
      %add3A_477 = arith.addf %mul3A_467, %mul3A_476 : vector<16xf32>
      %add3A_478 = arith.constant 576 : i32
      %add3A_479 = arith.addi %add3A_478, %mul3A_460 : i32
      %get3A_480 = arith.index_cast %add3A_479 : i32 to index
      %get3A_481 = tpu.vector_load %arg14[%get3A_480] {strides = array<i32>} : memref<2592xf32, #tpu.memory_space<vmem>>, vector<16xf32>,
      %get3A_482 = vector.shape_cast %get3A_481 : vector<16xf32> to vector<16xf32>
      %get3A_483 = arith.index_cast %add3A_479 : i32 to index
      %get3A_484 = tpu.vector_load %arg12[%get3A_483] {strides = array<i32>} : memref<2592xf32, #tpu.memory_space<vmem>>, vector<16xf32>,
      %get3A_485 = vector.shape_cast %get3A_484 : vector<16xf32> to vector<16xf32>
      %mul3A_486 = arith.mulf %get3A_482, %get3A_485 : vector<16xf32>
      %add3A_487 = arith.addf %add3A_477, %mul3A_486 : vector<16xf32>
      %add3A_488 = arith.constant 864 : i32
      %add3A_489 = arith.addi %add3A_488, %mul3A_460 : i32
      %get3A_490 = arith.index_cast %add3A_489 : i32 to index
      %get3A_491 = tpu.vector_load %arg14[%get3A_490] {strides = array<i32>} : memref<2592xf32, #tpu.memory_space<vmem>>, vector<16xf32>,
      %get3A_492 = vector.shape_cast %get3A_491 : vector<16xf32> to vector<16xf32>
      %get3A_493 = arith.index_cast %add3A_489 : i32 to index
      %get3A_494 = tpu.vector_load %arg12[%get3A_493] {strides = array<i32>} : memref<2592xf32, #tpu.memory_space<vmem>>, vector<16xf32>,
      %get3A_495 = vector.shape_cast %get3A_494 : vector<16xf32> to vector<16xf32>
      %mul3A_496 = arith.mulf %get3A_492, %get3A_495 : vector<16xf32>
      %add3A_497 = arith.addf %add3A_487, %mul3A_496 : vector<16xf32>
      %add3A_498 = arith.constant 1152 : i32
      %add3A_499 = arith.addi %add3A_498, %mul3A_460 : i32
      %get3A_500 = arith.index_cast %add3A_499 : i32 to index
      %get3A_501 = tpu.vector_load %arg14[%get3A_500] {strides = array<i32>} : memref<2592xf32, #tpu.memory_space<vmem>>, vector<16xf32>,
      %get3A_502 = vector.shape_cast %get3A_501 : vector<16xf32> to vector<16xf32>
      %get3A_503 = arith.index_cast %add3A_499 : i32 to index
      %get3A_504 = tpu.vector_load %arg12[%get3A_503] {strides = array<i32>} : memref<2592xf32, #tpu.memory_space<vmem>>, vector<16xf32>,
      %get3A_505 = vector.shape_cast %get3A_504 : vector<16xf32> to vector<16xf32>
      %mul3A_506 = arith.mulf %get3A_502, %get3A_505 : vector<16xf32>
      %add3A_507 = arith.addf %add3A_497, %mul3A_506 : vector<16xf32>
      %add3A_508 = arith.constant 1440 : i32
      %add3A_509 = arith.addi %add3A_508, %mul3A_460 : i32
      %get3A_510 = arith.index_cast %add3A_509 : i32 to index
      %get3A_511 = tpu.vector_load %arg14[%get3A_510] {strides = array<i32>} : memref<2592xf32, #tpu.memory_space<vmem>>, vector<16xf32>,
      %get3A_512 = vector.shape_cast %get3A_511 : vector<16xf32> to vector<16xf32>
      %get3A_513 = arith.index_cast %add3A_509 : i32 to index
      %get3A_514 = tpu.vector_load %arg12[%get3A_513] {strides = array<i32>} : memref<2592xf32, #tpu.memory_space<vmem>>, vector<16xf32>,
      %get3A_515 = vector.shape_cast %get3A_514 : vector<16xf32> to vector<16xf32>
      %mul3A_516 = arith.mulf %get3A_512, %get3A_515 : vector<16xf32>
      %add3A_517 = arith.addf %add3A_507, %mul3A_516 : vector<16xf32>
      %add3A_518 = arith.constant 1728 : i32
      %add3A_519 = arith.addi %add3A_518, %mul3A_460 : i32
      %get3A_520 = arith.index_cast %add3A_519 : i32 to index
      %get3A_521 = tpu.vector_load %arg14[%get3A_520] {strides = array<i32>} : memref<2592xf32, #tpu.memory_space<vmem>>, vector<16xf32>,
      %get3A_522 = vector.shape_cast %get3A_521 : vector<16xf32> to vector<16xf32>
      %get3A_523 = arith.index_cast %add3A_519 : i32 to index
      %get3A_524 = tpu.vector_load %arg12[%get3A_523] {strides = array<i32>} : memref<2592xf32, #tpu.memory_space<vmem>>, vector<16xf32>,
      %get3A_525 = vector.shape_cast %get3A_524 : vector<16xf32> to vector<16xf32>
      %mul3A_526 = arith.mulf %get3A_522, %get3A_525 : vector<16xf32>
      %add3A_527 = arith.addf %add3A_517, %mul3A_526 : vector<16xf32>
      %add3A_528 = arith.constant 2016 : i32
      %add3A_529 = arith.addi %add3A_528, %mul3A_460 : i32
      %get3A_530 = arith.index_cast %add3A_529 : i32 to index
      %get3A_531 = tpu.vector_load %arg14[%get3A_530] {strides = array<i32>} : memref<2592xf32, #tpu.memory_space<vmem>>, vector<16xf32>,
      %get3A_532 = vector.shape_cast %get3A_531 : vector<16xf32> to vector<16xf32>
      %get3A_533 = arith.index_cast %add3A_529 : i32 to index
      %get3A_534 = tpu.vector_load %arg12[%get3A_533] {strides = array<i32>} : memref<2592xf32, #tpu.memory_space<vmem>>, vector<16xf32>,
      %get3A_535 = vector.shape_cast %get3A_534 : vector<16xf32> to vector<16xf32>
      %mul3A_536 = arith.mulf %get3A_532, %get3A_535 : vector<16xf32>
      %add3A_537 = arith.addf %add3A_527, %mul3A_536 : vector<16xf32>
      %add3A_538 = arith.constant 2304 : i32
      %add3A_539 = arith.addi %add3A_538, %mul3A_460 : i32
      %get3A_540 = arith.index_cast %add3A_539 : i32 to index
      %get3A_541 = tpu.vector_load %arg14[%get3A_540] {strides = array<i32>} : memref<2592xf32, #tpu.memory_space<vmem>>, vector<16xf32>,
      %get3A_542 = vector.shape_cast %get3A_541 : vector<16xf32> to vector<16xf32>
      %get3A_543 = arith.index_cast %add3A_539 : i32 to index
      %get3A_544 = tpu.vector_load %arg12[%get3A_543] {strides = array<i32>} : memref<2592xf32, #tpu.memory_space<vmem>>, vector<16xf32>,
      %get3A_545 = vector.shape_cast %get3A_544 : vector<16xf32> to vector<16xf32>
      %mul3A_546 = arith.mulf %get3A_542, %get3A_545 : vector<16xf32>
      %add3A_547 = arith.addf %add3A_537, %mul3A_546 : vector<16xf32>
      %swap3A = arith.index_cast %mul3A_460 : i32 to index
      %swap3A_548 = tpu.vector_load %arg15[%swap3A] {strides = array<i32>} : memref<288xf32, #tpu.memory_space<vmem>>, vector<16xf32>,
      %swap3A_549 = vector.shape_cast %swap3A_548 : vector<16xf32> to vector<16xf32>
      %swap3A_550 = vector.shape_cast %add3A_547 : vector<16xf32> to vector<16xf32>
      tpu.vector_store %arg15[%swap3A], %swap3A_550 {strides = array<i32>} : memref<288xf32, #tpu.memory_space<vmem>>, vector<16xf32>,
    }
    %scan3A_61 = arith.constant 18 : i32
    %mul3A_62 = arith.constant 288 : i32
    %mul3A_63 = arith.muli %add3A, %mul3A_62 : i32
    %add3A_64 = arith.constant 9216 : i32
    %add3A_65 = arith.addi %add3A_64, %mul3A_63 : i32
    "tpu.region"() ({
      %run_scoped3A = tpu.sem_alloc : memref<!tpu.dma_semaphore, #tpu.memory_space<semaphore_mem>>
      %dma_start3A_458 = tpu.memref_slice %arg7[%add3A_65] : memref<221184xf32, #tpu.memory_space<hbm>> -> memref<288xf32, #tpu.memory_space<hbm>>
      %dma_start3A_459 = tpu.memref_slice %arg7[%add3A_65] : memref<221184xf32, #tpu.memory_space<hbm>> -> memref<288xf32, #tpu.memory_space<hbm>>
      tpu.enqueue_dma source(%arg15 : memref<288xf32, #tpu.memory_space<vmem>>) target(%dma_start3A_459 : memref<288xf32, #tpu.memory_space<hbm>>) target_semaphore(%run_scoped3A : memref<!tpu.dma_semaphore, #tpu.memory_space<semaphore_mem>>)
      %dma_wait3A_460 = tpu.memref_slice %arg7[%add3A_65] : memref<221184xf32, #tpu.memory_space<hbm>> -> memref<288xf32, #tpu.memory_space<hbm>>
      %dma_wait3A_461 = tpu.memref_slice %arg7[%add3A_65] : memref<221184xf32, #tpu.memory_space<hbm>> -> memref<288xf32, #tpu.memory_space<hbm>>
      tpu.wait_dma2 semaphore(%run_scoped3A : memref<!tpu.dma_semaphore, #tpu.memory_space<semaphore_mem>>) src(%arg15 : memref<288xf32, #tpu.memory_space<vmem>>) dst(%dma_wait3A_461 : memref<288xf32, #tpu.memory_space<hbm>>)
      tpu.yield
    }) : () -> ()
    %dma_start3A_66 = arith.constant 786432 : i32
    %dma_start3A_67 = tpu.memref_slice %arg2[%dma_start3A_66] : memref<6291456xf32, #tpu.memory_space<hbm>> -> memref<262144xf32, #tpu.memory_space<hbm>>
    %dma_start3A_68 = arith.constant 0 : i32
    %dma_start3A_69 = tpu.memref_slice %dma_start3A_67[%dma_start3A_68] : memref<262144xf32, #tpu.memory_space<hbm>> -> memref<262144xf32, #tpu.memory_space<hbm>>
    tpu.enqueue_indirect_dma source(%dma_start3A_69 : memref<262144xf32, #tpu.memory_space<hbm>>) target(%arg14 : memref<2592xf32, #tpu.memory_space<vmem>>) offsets(%arg11 : memref<2592xi32, #tpu.memory_space<vmem>>) semaphore(%arg18 : memref<!tpu.dma_semaphore, #tpu.memory_space<semaphore_mem>>)
    %dma_wait3A_70 = arith.constant 524288 : i32
    %dma_wait3A_71 = tpu.memref_slice %arg2[%dma_wait3A_70] : memref<6291456xf32, #tpu.memory_space<hbm>> -> memref<262144xf32, #tpu.memory_space<hbm>>
    %dma_wait3A_72 = arith.constant 0 : i32
    %dma_wait3A_73 = tpu.memref_slice %dma_wait3A_71[%dma_wait3A_72] : memref<262144xf32, #tpu.memory_space<hbm>> -> memref<262144xf32, #tpu.memory_space<hbm>>
    tpu.wait_indirect_dma semaphore(%arg17 : memref<!tpu.dma_semaphore, #tpu.memory_space<semaphore_mem>>) src(%dma_wait3A_73 : memref<262144xf32, #tpu.memory_space<hbm>>) dst(%arg13 : memref<2592xf32, #tpu.memory_space<vmem>>)
    %scan3A_74 = arith.constant 0 : i32
    %scan3A_75 = arith.constant 0 : i32
    %scan3A_76 = arith.constant 18 : i32
    %scan3A_77 = arith.addi %scan3A_75, %scan3A_76 : i32
    %scan3A_78 = arith.constant 1 : i32
    scf.for %scan3A_458 = %scan3A_75 to %scan3A_77 step %scan3A_78  : i32 {
      %mul3A_459 = arith.constant 16 : i32
      %mul3A_460 = arith.muli %scan3A_458, %mul3A_459 : i32
      %get3A_461 = arith.index_cast %mul3A_460 : i32 to index
      %get3A_462 = tpu.vector_load %arg13[%get3A_461] {strides = array<i32>} : memref<2592xf32, #tpu.memory_space<vmem>>, vector<16xf32>,
      %get3A_463 = vector.shape_cast %get3A_462 : vector<16xf32> to vector<16xf32>
      %get3A_464 = arith.index_cast %mul3A_460 : i32 to index
      %get3A_465 = tpu.vector_load %arg12[%get3A_464] {strides = array<i32>} : memref<2592xf32, #tpu.memory_space<vmem>>, vector<16xf32>,
      %get3A_466 = vector.shape_cast %get3A_465 : vector<16xf32> to vector<16xf32>
      %mul3A_467 = arith.mulf %get3A_463, %get3A_466 : vector<16xf32>
      %add3A_468 = arith.constant 288 : i32
      %add3A_469 = arith.addi %add3A_468, %mul3A_460 : i32
      %get3A_470 = arith.index_cast %add3A_469 : i32 to index
      %get3A_471 = tpu.vector_load %arg13[%get3A_470] {strides = array<i32>} : memref<2592xf32, #tpu.memory_space<vmem>>, vector<16xf32>,
      %get3A_472 = vector.shape_cast %get3A_471 : vector<16xf32> to vector<16xf32>
      %get3A_473 = arith.index_cast %add3A_469 : i32 to index
      %get3A_474 = tpu.vector_load %arg12[%get3A_473] {strides = array<i32>} : memref<2592xf32, #tpu.memory_space<vmem>>, vector<16xf32>,
      %get3A_475 = vector.shape_cast %get3A_474 : vector<16xf32> to vector<16xf32>
      %mul3A_476 = arith.mulf %get3A_472, %get3A_475 : vector<16xf32>
      %add3A_477 = arith.addf %mul3A_467, %mul3A_476 : vector<16xf32>
      %add3A_478 = arith.constant 576 : i32
      %add3A_479 = arith.addi %add3A_478, %mul3A_460 : i32
      %get3A_480 = arith.index_cast %add3A_479 : i32 to index
      %get3A_481 = tpu.vector_load %arg13[%get3A_480] {strides = array<i32>} : memref<2592xf32, #tpu.memory_space<vmem>>, vector<16xf32>,
      %get3A_482 = vector.shape_cast %get3A_481 : vector<16xf32> to vector<16xf32>
      %get3A_483 = arith.index_cast %add3A_479 : i32 to index
      %get3A_484 = tpu.vector_load %arg12[%get3A_483] {strides = array<i32>} : memref<2592xf32, #tpu.memory_space<vmem>>, vector<16xf32>,
      %get3A_485 = vector.shape_cast %get3A_484 : vector<16xf32> to vector<16xf32>
      %mul3A_486 = arith.mulf %get3A_482, %get3A_485 : vector<16xf32>
      %add3A_487 = arith.addf %add3A_477, %mul3A_486 : vector<16xf32>
      %add3A_488 = arith.constant 864 : i32
      %add3A_489 = arith.addi %add3A_488, %mul3A_460 : i32
      %get3A_490 = arith.index_cast %add3A_489 : i32 to index
      %get3A_491 = tpu.vector_load %arg13[%get3A_490] {strides = array<i32>} : memref<2592xf32, #tpu.memory_space<vmem>>, vector<16xf32>,
      %get3A_492 = vector.shape_cast %get3A_491 : vector<16xf32> to vector<16xf32>
      %get3A_493 = arith.index_cast %add3A_489 : i32 to index
      %get3A_494 = tpu.vector_load %arg12[%get3A_493] {strides = array<i32>} : memref<2592xf32, #tpu.memory_space<vmem>>, vector<16xf32>,
      %get3A_495 = vector.shape_cast %get3A_494 : vector<16xf32> to vector<16xf32>
      %mul3A_496 = arith.mulf %get3A_492, %get3A_495 : vector<16xf32>
      %add3A_497 = arith.addf %add3A_487, %mul3A_496 : vector<16xf32>
      %add3A_498 = arith.constant 1152 : i32
      %add3A_499 = arith.addi %add3A_498, %mul3A_460 : i32
      %get3A_500 = arith.index_cast %add3A_499 : i32 to index
      %get3A_501 = tpu.vector_load %arg13[%get3A_500] {strides = array<i32>} : memref<2592xf32, #tpu.memory_space<vmem>>, vector<16xf32>,
      %get3A_502 = vector.shape_cast %get3A_501 : vector<16xf32> to vector<16xf32>
      %get3A_503 = arith.index_cast %add3A_499 : i32 to index
      %get3A_504 = tpu.vector_load %arg12[%get3A_503] {strides = array<i32>} : memref<2592xf32, #tpu.memory_space<vmem>>, vector<16xf32>,
      %get3A_505 = vector.shape_cast %get3A_504 : vector<16xf32> to vector<16xf32>
      %mul3A_506 = arith.mulf %get3A_502, %get3A_505 : vector<16xf32>
      %add3A_507 = arith.addf %add3A_497, %mul3A_506 : vector<16xf32>
      %add3A_508 = arith.constant 1440 : i32
      %add3A_509 = arith.addi %add3A_508, %mul3A_460 : i32
      %get3A_510 = arith.index_cast %add3A_509 : i32 to index
      %get3A_511 = tpu.vector_load %arg13[%get3A_510] {strides = array<i32>} : memref<2592xf32, #tpu.memory_space<vmem>>, vector<16xf32>,
      %get3A_512 = vector.shape_cast %get3A_511 : vector<16xf32> to vector<16xf32>
      %get3A_513 = arith.index_cast %add3A_509 : i32 to index
      %get3A_514 = tpu.vector_load %arg12[%get3A_513] {strides = array<i32>} : memref<2592xf32, #tpu.memory_space<vmem>>, vector<16xf32>,
      %get3A_515 = vector.shape_cast %get3A_514 : vector<16xf32> to vector<16xf32>
      %mul3A_516 = arith.mulf %get3A_512, %get3A_515 : vector<16xf32>
      %add3A_517 = arith.addf %add3A_507, %mul3A_516 : vector<16xf32>
      %add3A_518 = arith.constant 1728 : i32
      %add3A_519 = arith.addi %add3A_518, %mul3A_460 : i32
      %get3A_520 = arith.index_cast %add3A_519 : i32 to index
      %get3A_521 = tpu.vector_load %arg13[%get3A_520] {strides = array<i32>} : memref<2592xf32, #tpu.memory_space<vmem>>, vector<16xf32>,
      %get3A_522 = vector.shape_cast %get3A_521 : vector<16xf32> to vector<16xf32>
      %get3A_523 = arith.index_cast %add3A_519 : i32 to index
      %get3A_524 = tpu.vector_load %arg12[%get3A_523] {strides = array<i32>} : memref<2592xf32, #tpu.memory_space<vmem>>, vector<16xf32>,
      %get3A_525 = vector.shape_cast %get3A_524 : vector<16xf32> to vector<16xf32>
      %mul3A_526 = arith.mulf %get3A_522, %get3A_525 : vector<16xf32>
      %add3A_527 = arith.addf %add3A_517, %mul3A_526 : vector<16xf32>
      %add3A_528 = arith.constant 2016 : i32
      %add3A_529 = arith.addi %add3A_528, %mul3A_460 : i32
      %get3A_530 = arith.index_cast %add3A_529 : i32 to index
      %get3A_531 = tpu.vector_load %arg13[%get3A_530] {strides = array<i32>} : memref<2592xf32, #tpu.memory_space<vmem>>, vector<16xf32>,
      %get3A_532 = vector.shape_cast %get3A_531 : vector<16xf32> to vector<16xf32>
      %get3A_533 = arith.index_cast %add3A_529 : i32 to index
      %get3A_534 = tpu.vector_load %arg12[%get3A_533] {strides = array<i32>} : memref<2592xf32, #tpu.memory_space<vmem>>, vector<16xf32>,
      %get3A_535 = vector.shape_cast %get3A_534 : vector<16xf32> to vector<16xf32>
      %mul3A_536 = arith.mulf %get3A_532, %get3A_535 : vector<16xf32>
      %add3A_537 = arith.addf %add3A_527, %mul3A_536 : vector<16xf32>
      %add3A_538 = arith.constant 2304 : i32
      %add3A_539 = arith.addi %add3A_538, %mul3A_460 : i32
      %get3A_540 = arith.index_cast %add3A_539 : i32 to index
      %get3A_541 = tpu.vector_load %arg13[%get3A_540] {strides = array<i32>} : memref<2592xf32, #tpu.memory_space<vmem>>, vector<16xf32>,
      %get3A_542 = vector.shape_cast %get3A_541 : vector<16xf32> to vector<16xf32>
      %get3A_543 = arith.index_cast %add3A_539 : i32 to index
      %get3A_544 = tpu.vector_load %arg12[%get3A_543] {strides = array<i32>} : memref<2592xf32, #tpu.memory_space<vmem>>, vector<16xf32>,
      %get3A_545 = vector.shape_cast %get3A_544 : vector<16xf32> to vector<16xf32>
      %mul3A_546 = arith.mulf %get3A_542, %get3A_545 : vector<16xf32>
      %add3A_547 = arith.addf %add3A_537, %mul3A_546 : vector<16xf32>
      %swap3A = arith.index_cast %mul3A_460 : i32 to index
      %swap3A_548 = tpu.vector_load %arg15[%swap3A] {strides = array<i32>} : memref<288xf32, #tpu.memory_space<vmem>>, vector<16xf32>,
      %swap3A_549 = vector.shape_cast %swap3A_548 : vector<16xf32> to vector<16xf32>
      %swap3A_550 = vector.shape_cast %add3A_547 : vector<16xf32> to vector<16xf32>
      tpu.vector_store %arg15[%swap3A], %swap3A_550 {strides = array<i32>} : memref<288xf32, #tpu.memory_space<vmem>>, vector<16xf32>,
    }
    %scan3A_79 = arith.constant 18 : i32
    %mul3A_80 = arith.constant 288 : i32
    %mul3A_81 = arith.muli %add3A, %mul3A_80 : i32
    %add3A_82 = arith.constant 18432 : i32
    %add3A_83 = arith.addi %add3A_82, %mul3A_81 : i32
    "tpu.region"() ({
      %run_scoped3A = tpu.sem_alloc : memref<!tpu.dma_semaphore, #tpu.memory_space<semaphore_mem>>
      %dma_start3A_458 = tpu.memref_slice %arg7[%add3A_83] : memref<221184xf32, #tpu.memory_space<hbm>> -> memref<288xf32, #tpu.memory_space<hbm>>
      %dma_start3A_459 = tpu.memref_slice %arg7[%add3A_83] : memref<221184xf32, #tpu.memory_space<hbm>> -> memref<288xf32, #tpu.memory_space<hbm>>
      tpu.enqueue_dma source(%arg15 : memref<288xf32, #tpu.memory_space<vmem>>) target(%dma_start3A_459 : memref<288xf32, #tpu.memory_space<hbm>>) target_semaphore(%run_scoped3A : memref<!tpu.dma_semaphore, #tpu.memory_space<semaphore_mem>>)
      %dma_wait3A_460 = tpu.memref_slice %arg7[%add3A_83] : memref<221184xf32, #tpu.memory_space<hbm>> -> memref<288xf32, #tpu.memory_space<hbm>>
      %dma_wait3A_461 = tpu.memref_slice %arg7[%add3A_83] : memref<221184xf32, #tpu.memory_space<hbm>> -> memref<288xf32, #tpu.memory_space<hbm>>
      tpu.wait_dma2 semaphore(%run_scoped3A : memref<!tpu.dma_semaphore, #tpu.memory_space<semaphore_mem>>) src(%arg15 : memref<288xf32, #tpu.memory_space<vmem>>) dst(%dma_wait3A_461 : memref<288xf32, #tpu.memory_space<hbm>>)
      tpu.yield
    }) : () -> ()
    %dma_start3A_84 = arith.constant 1048576 : i32
    %dma_start3A_85 = tpu.memref_slice %arg2[%dma_start3A_84] : memref<6291456xf32, #tpu.memory_space<hbm>> -> memref<262144xf32, #tpu.memory_space<hbm>>
    %dma_start3A_86 = arith.constant 0 : i32
    %dma_start3A_87 = tpu.memref_slice %dma_start3A_85[%dma_start3A_86] : memref<262144xf32, #tpu.memory_space<hbm>> -> memref<262144xf32, #tpu.memory_space<hbm>>
    tpu.enqueue_indirect_dma source(%dma_start3A_87 : memref<262144xf32, #tpu.memory_space<hbm>>) target(%arg13 : memref<2592xf32, #tpu.memory_space<vmem>>) offsets(%arg11 : memref<2592xi32, #tpu.memory_space<vmem>>) semaphore(%arg17 : memref<!tpu.dma_semaphore, #tpu.memory_space<semaphore_mem>>)
    %dma_wait3A_88 = arith.constant 786432 : i32
    %dma_wait3A_89 = tpu.memref_slice %arg2[%dma_wait3A_88] : memref<6291456xf32, #tpu.memory_space<hbm>> -> memref<262144xf32, #tpu.memory_space<hbm>>
    %dma_wait3A_90 = arith.constant 0 : i32
    %dma_wait3A_91 = tpu.memref_slice %dma_wait3A_89[%dma_wait3A_90] : memref<262144xf32, #tpu.memory_space<hbm>> -> memref<262144xf32, #tpu.memory_space<hbm>>
    tpu.wait_indirect_dma semaphore(%arg18 : memref<!tpu.dma_semaphore, #tpu.memory_space<semaphore_mem>>) src(%dma_wait3A_91 : memref<262144xf32, #tpu.memory_space<hbm>>) dst(%arg14 : memref<2592xf32, #tpu.memory_space<vmem>>)
    %scan3A_92 = arith.constant 0 : i32
    %scan3A_93 = arith.constant 0 : i32
    %scan3A_94 = arith.constant 18 : i32
    %scan3A_95 = arith.addi %scan3A_93, %scan3A_94 : i32
    %scan3A_96 = arith.constant 1 : i32
    scf.for %scan3A_458 = %scan3A_93 to %scan3A_95 step %scan3A_96  : i32 {
      %mul3A_459 = arith.constant 16 : i32
      %mul3A_460 = arith.muli %scan3A_458, %mul3A_459 : i32
      %get3A_461 = arith.index_cast %mul3A_460 : i32 to index
      %get3A_462 = tpu.vector_load %arg14[%get3A_461] {strides = array<i32>} : memref<2592xf32, #tpu.memory_space<vmem>>, vector<16xf32>,
      %get3A_463 = vector.shape_cast %get3A_462 : vector<16xf32> to vector<16xf32>
      %get3A_464 = arith.index_cast %mul3A_460 : i32 to index
      %get3A_465 = tpu.vector_load %arg12[%get3A_464] {strides = array<i32>} : memref<2592xf32, #tpu.memory_space<vmem>>, vector<16xf32>,
      %get3A_466 = vector.shape_cast %get3A_465 : vector<16xf32> to vector<16xf32>
      %mul3A_467 = arith.mulf %get3A_463, %get3A_466 : vector<16xf32>
      %add3A_468 = arith.constant 288 : i32
      %add3A_469 = arith.addi %add3A_468, %mul3A_460 : i32
      %get3A_470 = arith.index_cast %add3A_469 : i32 to index
      %get3A_471 = tpu.vector_load %arg14[%get3A_470] {strides = array<i32>} : memref<2592xf32, #tpu.memory_space<vmem>>, vector<16xf32>,
      %get3A_472 = vector.shape_cast %get3A_471 : vector<16xf32> to vector<16xf32>
      %get3A_473 = arith.index_cast %add3A_469 : i32 to index
      %get3A_474 = tpu.vector_load %arg12[%get3A_473] {strides = array<i32>} : memref<2592xf32, #tpu.memory_space<vmem>>, vector<16xf32>,
      %get3A_475 = vector.shape_cast %get3A_474 : vector<16xf32> to vector<16xf32>
      %mul3A_476 = arith.mulf %get3A_472, %get3A_475 : vector<16xf32>
      %add3A_477 = arith.addf %mul3A_467, %mul3A_476 : vector<16xf32>
      %add3A_478 = arith.constant 576 : i32
      %add3A_479 = arith.addi %add3A_478, %mul3A_460 : i32
      %get3A_480 = arith.index_cast %add3A_479 : i32 to index
      %get3A_481 = tpu.vector_load %arg14[%get3A_480] {strides = array<i32>} : memref<2592xf32, #tpu.memory_space<vmem>>, vector<16xf32>,
      %get3A_482 = vector.shape_cast %get3A_481 : vector<16xf32> to vector<16xf32>
      %get3A_483 = arith.index_cast %add3A_479 : i32 to index
      %get3A_484 = tpu.vector_load %arg12[%get3A_483] {strides = array<i32>} : memref<2592xf32, #tpu.memory_space<vmem>>, vector<16xf32>,
      %get3A_485 = vector.shape_cast %get3A_484 : vector<16xf32> to vector<16xf32>
      %mul3A_486 = arith.mulf %get3A_482, %get3A_485 : vector<16xf32>
      %add3A_487 = arith.addf %add3A_477, %mul3A_486 : vector<16xf32>
      %add3A_488 = arith.constant 864 : i32
      %add3A_489 = arith.addi %add3A_488, %mul3A_460 : i32
      %get3A_490 = arith.index_cast %add3A_489 : i32 to index
      %get3A_491 = tpu.vector_load %arg14[%get3A_490] {strides = array<i32>} : memref<2592xf32, #tpu.memory_space<vmem>>, vector<16xf32>,
      %get3A_492 = vector.shape_cast %get3A_491 : vector<16xf32> to vector<16xf32>
      %get3A_493 = arith.index_cast %add3A_489 : i32 to index
      %get3A_494 = tpu.vector_load %arg12[%get3A_493] {strides = array<i32>} : memref<2592xf32, #tpu.memory_space<vmem>>, vector<16xf32>,
      %get3A_495 = vector.shape_cast %get3A_494 : vector<16xf32> to vector<16xf32>
      %mul3A_496 = arith.mulf %get3A_492, %get3A_495 : vector<16xf32>
      %add3A_497 = arith.addf %add3A_487, %mul3A_496 : vector<16xf32>
      %add3A_498 = arith.constant 1152 : i32
      %add3A_499 = arith.addi %add3A_498, %mul3A_460 : i32
      %get3A_500 = arith.index_cast %add3A_499 : i32 to index
      %get3A_501 = tpu.vector_load %arg14[%get3A_500] {strides = array<i32>} : memref<2592xf32, #tpu.memory_space<vmem>>, vector<16xf32>,
      %get3A_502 = vector.shape_cast %get3A_501 : vector<16xf32> to vector<16xf32>
      %get3A_503 = arith.index_cast %add3A_499 : i32 to index
      %get3A_504 = tpu.vector_load %arg12[%get3A_503] {strides = array<i32>} : memref<2592xf32, #tpu.memory_space<vmem>>, vector<16xf32>,
      %get3A_505 = vector.shape_cast %get3A_504 : vector<16xf32> to vector<16xf32>
      %mul3A_506 = arith.mulf %get3A_502, %get3A_505 : vector<16xf32>
      %add3A_507 = arith.addf %add3A_497, %mul3A_506 : vector<16xf32>
      %add3A_508 = arith.constant 1440 : i32
      %add3A_509 = arith.addi %add3A_508, %mul3A_460 : i32
      %get3A_510 = arith.index_cast %add3A_509 : i32 to index
      %get3A_511 = tpu.vector_load %arg14[%get3A_510] {strides = array<i32>} : memref<2592xf32, #tpu.memory_space<vmem>>, vector<16xf32>,
      %get3A_512 = vector.shape_cast %get3A_511 : vector<16xf32> to vector<16xf32>
      %get3A_513 = arith.index_cast %add3A_509 : i32 to index
      %get3A_514 = tpu.vector_load %arg12[%get3A_513] {strides = array<i32>} : memref<2592xf32, #tpu.memory_space<vmem>>, vector<16xf32>,
      %get3A_515 = vector.shape_cast %get3A_514 : vector<16xf32> to vector<16xf32>
      %mul3A_516 = arith.mulf %get3A_512, %get3A_515 : vector<16xf32>
      %add3A_517 = arith.addf %add3A_507, %mul3A_516 : vector<16xf32>
      %add3A_518 = arith.constant 1728 : i32
      %add3A_519 = arith.addi %add3A_518, %mul3A_460 : i32
      %get3A_520 = arith.index_cast %add3A_519 : i32 to index
      %get3A_521 = tpu.vector_load %arg14[%get3A_520] {strides = array<i32>} : memref<2592xf32, #tpu.memory_space<vmem>>, vector<16xf32>,
      %get3A_522 = vector.shape_cast %get3A_521 : vector<16xf32> to vector<16xf32>
      %get3A_523 = arith.index_cast %add3A_519 : i32 to index
      %get3A_524 = tpu.vector_load %arg12[%get3A_523] {strides = array<i32>} : memref<2592xf32, #tpu.memory_space<vmem>>, vector<16xf32>,
      %get3A_525 = vector.shape_cast %get3A_524 : vector<16xf32> to vector<16xf32>
      %mul3A_526 = arith.mulf %get3A_522, %get3A_525 : vector<16xf32>
      %add3A_527 = arith.addf %add3A_517, %mul3A_526 : vector<16xf32>
      %add3A_528 = arith.constant 2016 : i32
      %add3A_529 = arith.addi %add3A_528, %mul3A_460 : i32
      %get3A_530 = arith.index_cast %add3A_529 : i32 to index
      %get3A_531 = tpu.vector_load %arg14[%get3A_530] {strides = array<i32>} : memref<2592xf32, #tpu.memory_space<vmem>>, vector<16xf32>,
      %get3A_532 = vector.shape_cast %get3A_531 : vector<16xf32> to vector<16xf32>
      %get3A_533 = arith.index_cast %add3A_529 : i32 to index
      %get3A_534 = tpu.vector_load %arg12[%get3A_533] {strides = array<i32>} : memref<2592xf32, #tpu.memory_space<vmem>>, vector<16xf32>,
      %get3A_535 = vector.shape_cast %get3A_534 : vector<16xf32> to vector<16xf32>
      %mul3A_536 = arith.mulf %get3A_532, %get3A_535 : vector<16xf32>
      %add3A_537 = arith.addf %add3A_527, %mul3A_536 : vector<16xf32>
      %add3A_538 = arith.constant 2304 : i32
      %add3A_539 = arith.addi %add3A_538, %mul3A_460 : i32
      %get3A_540 = arith.index_cast %add3A_539 : i32 to index
      %get3A_541 = tpu.vector_load %arg14[%get3A_540] {strides = array<i32>} : memref<2592xf32, #tpu.memory_space<vmem>>, vector<16xf32>,
      %get3A_542 = vector.shape_cast %get3A_541 : vector<16xf32> to vector<16xf32>
      %get3A_543 = arith.index_cast %add3A_539 : i32 to index
      %get3A_544 = tpu.vector_load %arg12[%get3A_543] {strides = array<i32>} : memref<2592xf32, #tpu.memory_space<vmem>>, vector<16xf32>,
      %get3A_545 = vector.shape_cast %get3A_544 : vector<16xf32> to vector<16xf32>
      %mul3A_546 = arith.mulf %get3A_542, %get3A_545 : vector<16xf32>
      %add3A_547 = arith.addf %add3A_537, %mul3A_546 : vector<16xf32>
      %swap3A = arith.index_cast %mul3A_460 : i32 to index
      %swap3A_548 = tpu.vector_load %arg15[%swap3A] {strides = array<i32>} : memref<288xf32, #tpu.memory_space<vmem>>, vector<16xf32>,
      %swap3A_549 = vector.shape_cast %swap3A_548 : vector<16xf32> to vector<16xf32>
      %swap3A_550 = vector.shape_cast %add3A_547 : vector<16xf32> to vector<16xf32>
      tpu.vector_store %arg15[%swap3A], %swap3A_550 {strides = array<i32>} : memref<288xf32, #tpu.memory_space<vmem>>, vector<16xf32>,
    }
    %scan3A_97 = arith.constant 18 : i32
    %mul3A_98 = arith.constant 288 : i32
    %mul3A_99 = arith.muli %add3A, %mul3A_98 : i32
    %add3A_100 = arith.constant 27648 : i32
    %add3A_101 = arith.addi %add3A_100, %mul3A_99 : i32
    "tpu.region"() ({
      %run_scoped3A = tpu.sem_alloc : memref<!tpu.dma_semaphore, #tpu.memory_space<semaphore_mem>>
      %dma_start3A_458 = tpu.memref_slice %arg7[%add3A_101] : memref<221184xf32, #tpu.memory_space<hbm>> -> memref<288xf32, #tpu.memory_space<hbm>>
      %dma_start3A_459 = tpu.memref_slice %arg7[%add3A_101] : memref<221184xf32, #tpu.memory_space<hbm>> -> memref<288xf32, #tpu.memory_space<hbm>>
      tpu.enqueue_dma source(%arg15 : memref<288xf32, #tpu.memory_space<vmem>>) target(%dma_start3A_459 : memref<288xf32, #tpu.memory_space<hbm>>) target_semaphore(%run_scoped3A : memref<!tpu.dma_semaphore, #tpu.memory_space<semaphore_mem>>)
      %dma_wait3A_460 = tpu.memref_slice %arg7[%add3A_101] : memref<221184xf32, #tpu.memory_space<hbm>> -> memref<288xf32, #tpu.memory_space<hbm>>
      %dma_wait3A_461 = tpu.memref_slice %arg7[%add3A_101] : memref<221184xf32, #tpu.memory_space<hbm>> -> memref<288xf32, #tpu.memory_space<hbm>>
      tpu.wait_dma2 semaphore(%run_scoped3A : memref<!tpu.dma_semaphore, #tpu.memory_space<semaphore_mem>>) src(%arg15 : memref<288xf32, #tpu.memory_space<vmem>>) dst(%dma_wait3A_461 : memref<288xf32, #tpu.memory_space<hbm>>)
      tpu.yield
    }) : () -> ()
    %dma_start3A_102 = arith.constant 1310720 : i32
    %dma_start3A_103 = tpu.memref_slice %arg2[%dma_start3A_102] : memref<6291456xf32, #tpu.memory_space<hbm>> -> memref<262144xf32, #tpu.memory_space<hbm>>
    %dma_start3A_104 = arith.constant 0 : i32
    %dma_start3A_105 = tpu.memref_slice %dma_start3A_103[%dma_start3A_104] : memref<262144xf32, #tpu.memory_space<hbm>> -> memref<262144xf32, #tpu.memory_space<hbm>>
    tpu.enqueue_indirect_dma source(%dma_start3A_105 : memref<262144xf32, #tpu.memory_space<hbm>>) target(%arg14 : memref<2592xf32, #tpu.memory_space<vmem>>) offsets(%arg11 : memref<2592xi32, #tpu.memory_space<vmem>>) semaphore(%arg18 : memref<!tpu.dma_semaphore, #tpu.memory_space<semaphore_mem>>)
    %dma_wait3A_106 = arith.constant 1048576 : i32
    %dma_wait3A_107 = tpu.memref_slice %arg2[%dma_wait3A_106] : memref<6291456xf32, #tpu.memory_space<hbm>> -> memref<262144xf32, #tpu.memory_space<hbm>>
    %dma_wait3A_108 = arith.constant 0 : i32
    %dma_wait3A_109 = tpu.memref_slice %dma_wait3A_107[%dma_wait3A_108] : memref<262144xf32, #tpu.memory_space<hbm>> -> memref<262144xf32, #tpu.memory_space<hbm>>
    tpu.wait_indirect_dma semaphore(%arg17 : memref<!tpu.dma_semaphore, #tpu.memory_space<semaphore_mem>>) src(%dma_wait3A_109 : memref<262144xf32, #tpu.memory_space<hbm>>) dst(%arg13 : memref<2592xf32, #tpu.memory_space<vmem>>)
    %scan3A_110 = arith.constant 0 : i32
    %scan3A_111 = arith.constant 0 : i32
    %scan3A_112 = arith.constant 18 : i32
    %scan3A_113 = arith.addi %scan3A_111, %scan3A_112 : i32
    %scan3A_114 = arith.constant 1 : i32
    scf.for %scan3A_458 = %scan3A_111 to %scan3A_113 step %scan3A_114  : i32 {
      %mul3A_459 = arith.constant 16 : i32
      %mul3A_460 = arith.muli %scan3A_458, %mul3A_459 : i32
      %get3A_461 = arith.index_cast %mul3A_460 : i32 to index
      %get3A_462 = tpu.vector_load %arg13[%get3A_461] {strides = array<i32>} : memref<2592xf32, #tpu.memory_space<vmem>>, vector<16xf32>,
      %get3A_463 = vector.shape_cast %get3A_462 : vector<16xf32> to vector<16xf32>
      %get3A_464 = arith.index_cast %mul3A_460 : i32 to index
      %get3A_465 = tpu.vector_load %arg12[%get3A_464] {strides = array<i32>} : memref<2592xf32, #tpu.memory_space<vmem>>, vector<16xf32>,
      %get3A_466 = vector.shape_cast %get3A_465 : vector<16xf32> to vector<16xf32>
      %mul3A_467 = arith.mulf %get3A_463, %get3A_466 : vector<16xf32>
      %add3A_468 = arith.constant 288 : i32
      %add3A_469 = arith.addi %add3A_468, %mul3A_460 : i32
      %get3A_470 = arith.index_cast %add3A_469 : i32 to index
      %get3A_471 = tpu.vector_load %arg13[%get3A_470] {strides = array<i32>} : memref<2592xf32, #tpu.memory_space<vmem>>, vector<16xf32>,
      %get3A_472 = vector.shape_cast %get3A_471 : vector<16xf32> to vector<16xf32>
      %get3A_473 = arith.index_cast %add3A_469 : i32 to index
      %get3A_474 = tpu.vector_load %arg12[%get3A_473] {strides = array<i32>} : memref<2592xf32, #tpu.memory_space<vmem>>, vector<16xf32>,
      %get3A_475 = vector.shape_cast %get3A_474 : vector<16xf32> to vector<16xf32>
      %mul3A_476 = arith.mulf %get3A_472, %get3A_475 : vector<16xf32>
      %add3A_477 = arith.addf %mul3A_467, %mul3A_476 : vector<16xf32>
      %add3A_478 = arith.constant 576 : i32
      %add3A_479 = arith.addi %add3A_478, %mul3A_460 : i32
      %get3A_480 = arith.index_cast %add3A_479 : i32 to index
      %get3A_481 = tpu.vector_load %arg13[%get3A_480] {strides = array<i32>} : memref<2592xf32, #tpu.memory_space<vmem>>, vector<16xf32>,
      %get3A_482 = vector.shape_cast %get3A_481 : vector<16xf32> to vector<16xf32>
      %get3A_483 = arith.index_cast %add3A_479 : i32 to index
      %get3A_484 = tpu.vector_load %arg12[%get3A_483] {strides = array<i32>} : memref<2592xf32, #tpu.memory_space<vmem>>, vector<16xf32>,
      %get3A_485 = vector.shape_cast %get3A_484 : vector<16xf32> to vector<16xf32>
      %mul3A_486 = arith.mulf %get3A_482, %get3A_485 : vector<16xf32>
      %add3A_487 = arith.addf %add3A_477, %mul3A_486 : vector<16xf32>
      %add3A_488 = arith.constant 864 : i32
      %add3A_489 = arith.addi %add3A_488, %mul3A_460 : i32
      %get3A_490 = arith.index_cast %add3A_489 : i32 to index
      %get3A_491 = tpu.vector_load %arg13[%get3A_490] {strides = array<i32>} : memref<2592xf32, #tpu.memory_space<vmem>>, vector<16xf32>,
      %get3A_492 = vector.shape_cast %get3A_491 : vector<16xf32> to vector<16xf32>
      %get3A_493 = arith.index_cast %add3A_489 : i32 to index
      %get3A_494 = tpu.vector_load %arg12[%get3A_493] {strides = array<i32>} : memref<2592xf32, #tpu.memory_space<vmem>>, vector<16xf32>,
      %get3A_495 = vector.shape_cast %get3A_494 : vector<16xf32> to vector<16xf32>
      %mul3A_496 = arith.mulf %get3A_492, %get3A_495 : vector<16xf32>
      %add3A_497 = arith.addf %add3A_487, %mul3A_496 : vector<16xf32>
      %add3A_498 = arith.constant 1152 : i32
      %add3A_499 = arith.addi %add3A_498, %mul3A_460 : i32
      %get3A_500 = arith.index_cast %add3A_499 : i32 to index
      %get3A_501 = tpu.vector_load %arg13[%get3A_500] {strides = array<i32>} : memref<2592xf32, #tpu.memory_space<vmem>>, vector<16xf32>,
      %get3A_502 = vector.shape_cast %get3A_501 : vector<16xf32> to vector<16xf32>
      %get3A_503 = arith.index_cast %add3A_499 : i32 to index
      %get3A_504 = tpu.vector_load %arg12[%get3A_503] {strides = array<i32>} : memref<2592xf32, #tpu.memory_space<vmem>>, vector<16xf32>,
      %get3A_505 = vector.shape_cast %get3A_504 : vector<16xf32> to vector<16xf32>
      %mul3A_506 = arith.mulf %get3A_502, %get3A_505 : vector<16xf32>
      %add3A_507 = arith.addf %add3A_497, %mul3A_506 : vector<16xf32>
      %add3A_508 = arith.constant 1440 : i32
      %add3A_509 = arith.addi %add3A_508, %mul3A_460 : i32
      %get3A_510 = arith.index_cast %add3A_509 : i32 to index
      %get3A_511 = tpu.vector_load %arg13[%get3A_510] {strides = array<i32>} : memref<2592xf32, #tpu.memory_space<vmem>>, vector<16xf32>,
      %get3A_512 = vector.shape_cast %get3A_511 : vector<16xf32> to vector<16xf32>
      %get3A_513 = arith.index_cast %add3A_509 : i32 to index
      %get3A_514 = tpu.vector_load %arg12[%get3A_513] {strides = array<i32>} : memref<2592xf32, #tpu.memory_space<vmem>>, vector<16xf32>,
      %get3A_515 = vector.shape_cast %get3A_514 : vector<16xf32> to vector<16xf32>
      %mul3A_516 = arith.mulf %get3A_512, %get3A_515 : vector<16xf32>
      %add3A_517 = arith.addf %add3A_507, %mul3A_516 : vector<16xf32>
      %add3A_518 = arith.constant 1728 : i32
      %add3A_519 = arith.addi %add3A_518, %mul3A_460 : i32
      %get3A_520 = arith.index_cast %add3A_519 : i32 to index
      %get3A_521 = tpu.vector_load %arg13[%get3A_520] {strides = array<i32>} : memref<2592xf32, #tpu.memory_space<vmem>>, vector<16xf32>,
      %get3A_522 = vector.shape_cast %get3A_521 : vector<16xf32> to vector<16xf32>
      %get3A_523 = arith.index_cast %add3A_519 : i32 to index
      %get3A_524 = tpu.vector_load %arg12[%get3A_523] {strides = array<i32>} : memref<2592xf32, #tpu.memory_space<vmem>>, vector<16xf32>,
      %get3A_525 = vector.shape_cast %get3A_524 : vector<16xf32> to vector<16xf32>
      %mul3A_526 = arith.mulf %get3A_522, %get3A_525 : vector<16xf32>
      %add3A_527 = arith.addf %add3A_517, %mul3A_526 : vector<16xf32>
      %add3A_528 = arith.constant 2016 : i32
      %add3A_529 = arith.addi %add3A_528, %mul3A_460 : i32
      %get3A_530 = arith.index_cast %add3A_529 : i32 to index
      %get3A_531 = tpu.vector_load %arg13[%get3A_530] {strides = array<i32>} : memref<2592xf32, #tpu.memory_space<vmem>>, vector<16xf32>,
      %get3A_532 = vector.shape_cast %get3A_531 : vector<16xf32> to vector<16xf32>
      %get3A_533 = arith.index_cast %add3A_529 : i32 to index
      %get3A_534 = tpu.vector_load %arg12[%get3A_533] {strides = array<i32>} : memref<2592xf32, #tpu.memory_space<vmem>>, vector<16xf32>,
      %get3A_535 = vector.shape_cast %get3A_534 : vector<16xf32> to vector<16xf32>
      %mul3A_536 = arith.mulf %get3A_532, %get3A_535 : vector<16xf32>
      %add3A_537 = arith.addf %add3A_527, %mul3A_536 : vector<16xf32>
      %add3A_538 = arith.constant 2304 : i32
      %add3A_539 = arith.addi %add3A_538, %mul3A_460 : i32
      %get3A_540 = arith.index_cast %add3A_539 : i32 to index
      %get3A_541 = tpu.vector_load %arg13[%get3A_540] {strides = array<i32>} : memref<2592xf32, #tpu.memory_space<vmem>>, vector<16xf32>,
      %get3A_542 = vector.shape_cast %get3A_541 : vector<16xf32> to vector<16xf32>
      %get3A_543 = arith.index_cast %add3A_539 : i32 to index
      %get3A_544 = tpu.vector_load %arg12[%get3A_543] {strides = array<i32>} : memref<2592xf32, #tpu.memory_space<vmem>>, vector<16xf32>,
      %get3A_545 = vector.shape_cast %get3A_544 : vector<16xf32> to vector<16xf32>
      %mul3A_546 = arith.mulf %get3A_542, %get3A_545 : vector<16xf32>
      %add3A_547 = arith.addf %add3A_537, %mul3A_546 : vector<16xf32>
      %swap3A = arith.index_cast %mul3A_460 : i32 to index
      %swap3A_548 = tpu.vector_load %arg15[%swap3A] {strides = array<i32>} : memref<288xf32, #tpu.memory_space<vmem>>, vector<16xf32>,
      %swap3A_549 = vector.shape_cast %swap3A_548 : vector<16xf32> to vector<16xf32>
      %swap3A_550 = vector.shape_cast %add3A_547 : vector<16xf32> to vector<16xf32>
      tpu.vector_store %arg15[%swap3A], %swap3A_550 {strides = array<i32>} : memref<288xf32, #tpu.memory_space<vmem>>, vector<16xf32>,
    }
    %scan3A_115 = arith.constant 18 : i32
    %mul3A_116 = arith.constant 288 : i32
    %mul3A_117 = arith.muli %add3A, %mul3A_116 : i32
    %add3A_118 = arith.constant 36864 : i32
    %add3A_119 = arith.addi %add3A_118, %mul3A_117 : i32
    "tpu.region"() ({
      %run_scoped3A = tpu.sem_alloc : memref<!tpu.dma_semaphore, #tpu.memory_space<semaphore_mem>>
      %dma_start3A_458 = tpu.memref_slice %arg7[%add3A_119] : memref<221184xf32, #tpu.memory_space<hbm>> -> memref<288xf32, #tpu.memory_space<hbm>>
      %dma_start3A_459 = tpu.memref_slice %arg7[%add3A_119] : memref<221184xf32, #tpu.memory_space<hbm>> -> memref<288xf32, #tpu.memory_space<hbm>>
      tpu.enqueue_dma source(%arg15 : memref<288xf32, #tpu.memory_space<vmem>>) target(%dma_start3A_459 : memref<288xf32, #tpu.memory_space<hbm>>) target_semaphore(%run_scoped3A : memref<!tpu.dma_semaphore, #tpu.memory_space<semaphore_mem>>)
      %dma_wait3A_460 = tpu.memref_slice %arg7[%add3A_119] : memref<221184xf32, #tpu.memory_space<hbm>> -> memref<288xf32, #tpu.memory_space<hbm>>
      %dma_wait3A_461 = tpu.memref_slice %arg7[%add3A_119] : memref<221184xf32, #tpu.memory_space<hbm>> -> memref<288xf32, #tpu.memory_space<hbm>>
      tpu.wait_dma2 semaphore(%run_scoped3A : memref<!tpu.dma_semaphore, #tpu.memory_space<semaphore_mem>>) src(%arg15 : memref<288xf32, #tpu.memory_space<vmem>>) dst(%dma_wait3A_461 : memref<288xf32, #tpu.memory_space<hbm>>)
      tpu.yield
    }) : () -> ()
    %dma_start3A_120 = arith.constant 1572864 : i32
    %dma_start3A_121 = tpu.memref_slice %arg2[%dma_start3A_120] : memref<6291456xf32, #tpu.memory_space<hbm>> -> memref<262144xf32, #tpu.memory_space<hbm>>
    %dma_start3A_122 = arith.constant 0 : i32
    %dma_start3A_123 = tpu.memref_slice %dma_start3A_121[%dma_start3A_122] : memref<262144xf32, #tpu.memory_space<hbm>> -> memref<262144xf32, #tpu.memory_space<hbm>>
    tpu.enqueue_indirect_dma source(%dma_start3A_123 : memref<262144xf32, #tpu.memory_space<hbm>>) target(%arg13 : memref<2592xf32, #tpu.memory_space<vmem>>) offsets(%arg11 : memref<2592xi32, #tpu.memory_space<vmem>>) semaphore(%arg17 : memref<!tpu.dma_semaphore, #tpu.memory_space<semaphore_mem>>)
    %dma_wait3A_124 = arith.constant 1310720 : i32
    %dma_wait3A_125 = tpu.memref_slice %arg2[%dma_wait3A_124] : memref<6291456xf32, #tpu.memory_space<hbm>> -> memref<262144xf32, #tpu.memory_space<hbm>>
    %dma_wait3A_126 = arith.constant 0 : i32
    %dma_wait3A_127 = tpu.memref_slice %dma_wait3A_125[%dma_wait3A_126] : memref<262144xf32, #tpu.memory_space<hbm>> -> memref<262144xf32, #tpu.memory_space<hbm>>
    tpu.wait_indirect_dma semaphore(%arg18 : memref<!tpu.dma_semaphore, #tpu.memory_space<semaphore_mem>>) src(%dma_wait3A_127 : memref<262144xf32, #tpu.memory_space<hbm>>) dst(%arg14 : memref<2592xf32, #tpu.memory_space<vmem>>)
    %scan3A_128 = arith.constant 0 : i32
    %scan3A_129 = arith.constant 0 : i32
    %scan3A_130 = arith.constant 18 : i32
    %scan3A_131 = arith.addi %scan3A_129, %scan3A_130 : i32
    %scan3A_132 = arith.constant 1 : i32
    scf.for %scan3A_458 = %scan3A_129 to %scan3A_131 step %scan3A_132  : i32 {
      %mul3A_459 = arith.constant 16 : i32
      %mul3A_460 = arith.muli %scan3A_458, %mul3A_459 : i32
      %get3A_461 = arith.index_cast %mul3A_460 : i32 to index
      %get3A_462 = tpu.vector_load %arg14[%get3A_461] {strides = array<i32>} : memref<2592xf32, #tpu.memory_space<vmem>>, vector<16xf32>,
      %get3A_463 = vector.shape_cast %get3A_462 : vector<16xf32> to vector<16xf32>
      %get3A_464 = arith.index_cast %mul3A_460 : i32 to index
      %get3A_465 = tpu.vector_load %arg12[%get3A_464] {strides = array<i32>} : memref<2592xf32, #tpu.memory_space<vmem>>, vector<16xf32>,
      %get3A_466 = vector.shape_cast %get3A_465 : vector<16xf32> to vector<16xf32>
      %mul3A_467 = arith.mulf %get3A_463, %get3A_466 : vector<16xf32>
      %add3A_468 = arith.constant 288 : i32
      %add3A_469 = arith.addi %add3A_468, %mul3A_460 : i32
      %get3A_470 = arith.index_cast %add3A_469 : i32 to index
      %get3A_471 = tpu.vector_load %arg14[%get3A_470] {strides = array<i32>} : memref<2592xf32, #tpu.memory_space<vmem>>, vector<16xf32>,
      %get3A_472 = vector.shape_cast %get3A_471 : vector<16xf32> to vector<16xf32>
      %get3A_473 = arith.index_cast %add3A_469 : i32 to index
      %get3A_474 = tpu.vector_load %arg12[%get3A_473] {strides = array<i32>} : memref<2592xf32, #tpu.memory_space<vmem>>, vector<16xf32>,
      %get3A_475 = vector.shape_cast %get3A_474 : vector<16xf32> to vector<16xf32>
      %mul3A_476 = arith.mulf %get3A_472, %get3A_475 : vector<16xf32>
      %add3A_477 = arith.addf %mul3A_467, %mul3A_476 : vector<16xf32>
      %add3A_478 = arith.constant 576 : i32
      %add3A_479 = arith.addi %add3A_478, %mul3A_460 : i32
      %get3A_480 = arith.index_cast %add3A_479 : i32 to index
      %get3A_481 = tpu.vector_load %arg14[%get3A_480] {strides = array<i32>} : memref<2592xf32, #tpu.memory_space<vmem>>, vector<16xf32>,
      %get3A_482 = vector.shape_cast %get3A_481 : vector<16xf32> to vector<16xf32>
      %get3A_483 = arith.index_cast %add3A_479 : i32 to index
      %get3A_484 = tpu.vector_load %arg12[%get3A_483] {strides = array<i32>} : memref<2592xf32, #tpu.memory_space<vmem>>, vector<16xf32>,
      %get3A_485 = vector.shape_cast %get3A_484 : vector<16xf32> to vector<16xf32>
      %mul3A_486 = arith.mulf %get3A_482, %get3A_485 : vector<16xf32>
      %add3A_487 = arith.addf %add3A_477, %mul3A_486 : vector<16xf32>
      %add3A_488 = arith.constant 864 : i32
      %add3A_489 = arith.addi %add3A_488, %mul3A_460 : i32
      %get3A_490 = arith.index_cast %add3A_489 : i32 to index
      %get3A_491 = tpu.vector_load %arg14[%get3A_490] {strides = array<i32>} : memref<2592xf32, #tpu.memory_space<vmem>>, vector<16xf32>,
      %get3A_492 = vector.shape_cast %get3A_491 : vector<16xf32> to vector<16xf32>
      %get3A_493 = arith.index_cast %add3A_489 : i32 to index
      %get3A_494 = tpu.vector_load %arg12[%get3A_493] {strides = array<i32>} : memref<2592xf32, #tpu.memory_space<vmem>>, vector<16xf32>,
      %get3A_495 = vector.shape_cast %get3A_494 : vector<16xf32> to vector<16xf32>
      %mul3A_496 = arith.mulf %get3A_492, %get3A_495 : vector<16xf32>
      %add3A_497 = arith.addf %add3A_487, %mul3A_496 : vector<16xf32>
      %add3A_498 = arith.constant 1152 : i32
      %add3A_499 = arith.addi %add3A_498, %mul3A_460 : i32
      %get3A_500 = arith.index_cast %add3A_499 : i32 to index
      %get3A_501 = tpu.vector_load %arg14[%get3A_500] {strides = array<i32>} : memref<2592xf32, #tpu.memory_space<vmem>>, vector<16xf32>,
      %get3A_502 = vector.shape_cast %get3A_501 : vector<16xf32> to vector<16xf32>
      %get3A_503 = arith.index_cast %add3A_499 : i32 to index
      %get3A_504 = tpu.vector_load %arg12[%get3A_503] {strides = array<i32>} : memref<2592xf32, #tpu.memory_space<vmem>>, vector<16xf32>,
      %get3A_505 = vector.shape_cast %get3A_504 : vector<16xf32> to vector<16xf32>
      %mul3A_506 = arith.mulf %get3A_502, %get3A_505 : vector<16xf32>
      %add3A_507 = arith.addf %add3A_497, %mul3A_506 : vector<16xf32>
      %add3A_508 = arith.constant 1440 : i32
      %add3A_509 = arith.addi %add3A_508, %mul3A_460 : i32
      %get3A_510 = arith.index_cast %add3A_509 : i32 to index
      %get3A_511 = tpu.vector_load %arg14[%get3A_510] {strides = array<i32>} : memref<2592xf32, #tpu.memory_space<vmem>>, vector<16xf32>,
      %get3A_512 = vector.shape_cast %get3A_511 : vector<16xf32> to vector<16xf32>
      %get3A_513 = arith.index_cast %add3A_509 : i32 to index
      %get3A_514 = tpu.vector_load %arg12[%get3A_513] {strides = array<i32>} : memref<2592xf32, #tpu.memory_space<vmem>>, vector<16xf32>,
      %get3A_515 = vector.shape_cast %get3A_514 : vector<16xf32> to vector<16xf32>
      %mul3A_516 = arith.mulf %get3A_512, %get3A_515 : vector<16xf32>
      %add3A_517 = arith.addf %add3A_507, %mul3A_516 : vector<16xf32>
      %add3A_518 = arith.constant 1728 : i32
      %add3A_519 = arith.addi %add3A_518, %mul3A_460 : i32
      %get3A_520 = arith.index_cast %add3A_519 : i32 to index
      %get3A_521 = tpu.vector_load %arg14[%get3A_520] {strides = array<i32>} : memref<2592xf32, #tpu.memory_space<vmem>>, vector<16xf32>,
      %get3A_522 = vector.shape_cast %get3A_521 : vector<16xf32> to vector<16xf32>
      %get3A_523 = arith.index_cast %add3A_519 : i32 to index
      %get3A_524 = tpu.vector_load %arg12[%get3A_523] {strides = array<i32>} : memref<2592xf32, #tpu.memory_space<vmem>>, vector<16xf32>,
      %get3A_525 = vector.shape_cast %get3A_524 : vector<16xf32> to vector<16xf32>
      %mul3A_526 = arith.mulf %get3A_522, %get3A_525 : vector<16xf32>
      %add3A_527 = arith.addf %add3A_517, %mul3A_526 : vector<16xf32>
      %add3A_528 = arith.constant 2016 : i32
      %add3A_529 = arith.addi %add3A_528, %mul3A_460 : i32
      %get3A_530 = arith.index_cast %add3A_529 : i32 to index
      %get3A_531 = tpu.vector_load %arg14[%get3A_530] {strides = array<i32>} : memref<2592xf32, #tpu.memory_space<vmem>>, vector<16xf32>,
      %get3A_532 = vector.shape_cast %get3A_531 : vector<16xf32> to vector<16xf32>
      %get3A_533 = arith.index_cast %add3A_529 : i32 to index
      %get3A_534 = tpu.vector_load %arg12[%get3A_533] {strides = array<i32>} : memref<2592xf32, #tpu.memory_space<vmem>>, vector<16xf32>,
      %get3A_535 = vector.shape_cast %get3A_534 : vector<16xf32> to vector<16xf32>
      %mul3A_536 = arith.mulf %get3A_532, %get3A_535 : vector<16xf32>
      %add3A_537 = arith.addf %add3A_527, %mul3A_536 : vector<16xf32>
      %add3A_538 = arith.constant 2304 : i32
      %add3A_539 = arith.addi %add3A_538, %mul3A_460 : i32
      %get3A_540 = arith.index_cast %add3A_539 : i32 to index
      %get3A_541 = tpu.vector_load %arg14[%get3A_540] {strides = array<i32>} : memref<2592xf32, #tpu.memory_space<vmem>>, vector<16xf32>,
      %get3A_542 = vector.shape_cast %get3A_541 : vector<16xf32> to vector<16xf32>
      %get3A_543 = arith.index_cast %add3A_539 : i32 to index
      %get3A_544 = tpu.vector_load %arg12[%get3A_543] {strides = array<i32>} : memref<2592xf32, #tpu.memory_space<vmem>>, vector<16xf32>,
      %get3A_545 = vector.shape_cast %get3A_544 : vector<16xf32> to vector<16xf32>
      %mul3A_546 = arith.mulf %get3A_542, %get3A_545 : vector<16xf32>
      %add3A_547 = arith.addf %add3A_537, %mul3A_546 : vector<16xf32>
      %swap3A = arith.index_cast %mul3A_460 : i32 to index
      %swap3A_548 = tpu.vector_load %arg15[%swap3A] {strides = array<i32>} : memref<288xf32, #tpu.memory_space<vmem>>, vector<16xf32>,
      %swap3A_549 = vector.shape_cast %swap3A_548 : vector<16xf32> to vector<16xf32>
      %swap3A_550 = vector.shape_cast %add3A_547 : vector<16xf32> to vector<16xf32>
      tpu.vector_store %arg15[%swap3A], %swap3A_550 {strides = array<i32>} : memref<288xf32, #tpu.memory_space<vmem>>, vector<16xf32>,
    }
    %scan3A_133 = arith.constant 18 : i32
    %mul3A_134 = arith.constant 288 : i32
    %mul3A_135 = arith.muli %add3A, %mul3A_134 : i32
    %add3A_136 = arith.constant 46080 : i32
    %add3A_137 = arith.addi %add3A_136, %mul3A_135 : i32
    "tpu.region"() ({
      %run_scoped3A = tpu.sem_alloc : memref<!tpu.dma_semaphore, #tpu.memory_space<semaphore_mem>>
      %dma_start3A_458 = tpu.memref_slice %arg7[%add3A_137] : memref<221184xf32, #tpu.memory_space<hbm>> -> memref<288xf32, #tpu.memory_space<hbm>>
      %dma_start3A_459 = tpu.memref_slice %arg7[%add3A_137] : memref<221184xf32, #tpu.memory_space<hbm>> -> memref<288xf32, #tpu.memory_space<hbm>>
      tpu.enqueue_dma source(%arg15 : memref<288xf32, #tpu.memory_space<vmem>>) target(%dma_start3A_459 : memref<288xf32, #tpu.memory_space<hbm>>) target_semaphore(%run_scoped3A : memref<!tpu.dma_semaphore, #tpu.memory_space<semaphore_mem>>)
      %dma_wait3A_460 = tpu.memref_slice %arg7[%add3A_137] : memref<221184xf32, #tpu.memory_space<hbm>> -> memref<288xf32, #tpu.memory_space<hbm>>
      %dma_wait3A_461 = tpu.memref_slice %arg7[%add3A_137] : memref<221184xf32, #tpu.memory_space<hbm>> -> memref<288xf32, #tpu.memory_space<hbm>>
      tpu.wait_dma2 semaphore(%run_scoped3A : memref<!tpu.dma_semaphore, #tpu.memory_space<semaphore_mem>>) src(%arg15 : memref<288xf32, #tpu.memory_space<vmem>>) dst(%dma_wait3A_461 : memref<288xf32, #tpu.memory_space<hbm>>)
      tpu.yield
    }) : () -> ()
    %dma_start3A_138 = arith.constant 1835008 : i32
    %dma_start3A_139 = tpu.memref_slice %arg2[%dma_start3A_138] : memref<6291456xf32, #tpu.memory_space<hbm>> -> memref<262144xf32, #tpu.memory_space<hbm>>
    %dma_start3A_140 = arith.constant 0 : i32
    %dma_start3A_141 = tpu.memref_slice %dma_start3A_139[%dma_start3A_140] : memref<262144xf32, #tpu.memory_space<hbm>> -> memref<262144xf32, #tpu.memory_space<hbm>>
    tpu.enqueue_indirect_dma source(%dma_start3A_141 : memref<262144xf32, #tpu.memory_space<hbm>>) target(%arg14 : memref<2592xf32, #tpu.memory_space<vmem>>) offsets(%arg11 : memref<2592xi32, #tpu.memory_space<vmem>>) semaphore(%arg18 : memref<!tpu.dma_semaphore, #tpu.memory_space<semaphore_mem>>)
    %dma_wait3A_142 = arith.constant 1572864 : i32
    %dma_wait3A_143 = tpu.memref_slice %arg2[%dma_wait3A_142] : memref<6291456xf32, #tpu.memory_space<hbm>> -> memref<262144xf32, #tpu.memory_space<hbm>>
    %dma_wait3A_144 = arith.constant 0 : i32
    %dma_wait3A_145 = tpu.memref_slice %dma_wait3A_143[%dma_wait3A_144] : memref<262144xf32, #tpu.memory_space<hbm>> -> memref<262144xf32, #tpu.memory_space<hbm>>
    tpu.wait_indirect_dma semaphore(%arg17 : memref<!tpu.dma_semaphore, #tpu.memory_space<semaphore_mem>>) src(%dma_wait3A_145 : memref<262144xf32, #tpu.memory_space<hbm>>) dst(%arg13 : memref<2592xf32, #tpu.memory_space<vmem>>)
    %scan3A_146 = arith.constant 0 : i32
    %scan3A_147 = arith.constant 0 : i32
    %scan3A_148 = arith.constant 18 : i32
    %scan3A_149 = arith.addi %scan3A_147, %scan3A_148 : i32
    %scan3A_150 = arith.constant 1 : i32
    scf.for %scan3A_458 = %scan3A_147 to %scan3A_149 step %scan3A_150  : i32 {
      %mul3A_459 = arith.constant 16 : i32
      %mul3A_460 = arith.muli %scan3A_458, %mul3A_459 : i32
      %get3A_461 = arith.index_cast %mul3A_460 : i32 to index
      %get3A_462 = tpu.vector_load %arg13[%get3A_461] {strides = array<i32>} : memref<2592xf32, #tpu.memory_space<vmem>>, vector<16xf32>,
      %get3A_463 = vector.shape_cast %get3A_462 : vector<16xf32> to vector<16xf32>
      %get3A_464 = arith.index_cast %mul3A_460 : i32 to index
      %get3A_465 = tpu.vector_load %arg12[%get3A_464] {strides = array<i32>} : memref<2592xf32, #tpu.memory_space<vmem>>, vector<16xf32>,
      %get3A_466 = vector.shape_cast %get3A_465 : vector<16xf32> to vector<16xf32>
      %mul3A_467 = arith.mulf %get3A_463, %get3A_466 : vector<16xf32>
      %add3A_468 = arith.constant 288 : i32
      %add3A_469 = arith.addi %add3A_468, %mul3A_460 : i32
      %get3A_470 = arith.index_cast %add3A_469 : i32 to index
      %get3A_471 = tpu.vector_load %arg13[%get3A_470] {strides = array<i32>} : memref<2592xf32, #tpu.memory_space<vmem>>, vector<16xf32>,
      %get3A_472 = vector.shape_cast %get3A_471 : vector<16xf32> to vector<16xf32>
      %get3A_473 = arith.index_cast %add3A_469 : i32 to index
      %get3A_474 = tpu.vector_load %arg12[%get3A_473] {strides = array<i32>} : memref<2592xf32, #tpu.memory_space<vmem>>, vector<16xf32>,
      %get3A_475 = vector.shape_cast %get3A_474 : vector<16xf32> to vector<16xf32>
      %mul3A_476 = arith.mulf %get3A_472, %get3A_475 : vector<16xf32>
      %add3A_477 = arith.addf %mul3A_467, %mul3A_476 : vector<16xf32>
      %add3A_478 = arith.constant 576 : i32
      %add3A_479 = arith.addi %add3A_478, %mul3A_460 : i32
      %get3A_480 = arith.index_cast %add3A_479 : i32 to index
      %get3A_481 = tpu.vector_load %arg13[%get3A_480] {strides = array<i32>} : memref<2592xf32, #tpu.memory_space<vmem>>, vector<16xf32>,
      %get3A_482 = vector.shape_cast %get3A_481 : vector<16xf32> to vector<16xf32>
      %get3A_483 = arith.index_cast %add3A_479 : i32 to index
      %get3A_484 = tpu.vector_load %arg12[%get3A_483] {strides = array<i32>} : memref<2592xf32, #tpu.memory_space<vmem>>, vector<16xf32>,
      %get3A_485 = vector.shape_cast %get3A_484 : vector<16xf32> to vector<16xf32>
      %mul3A_486 = arith.mulf %get3A_482, %get3A_485 : vector<16xf32>
      %add3A_487 = arith.addf %add3A_477, %mul3A_486 : vector<16xf32>
      %add3A_488 = arith.constant 864 : i32
      %add3A_489 = arith.addi %add3A_488, %mul3A_460 : i32
      %get3A_490 = arith.index_cast %add3A_489 : i32 to index
      %get3A_491 = tpu.vector_load %arg13[%get3A_490] {strides = array<i32>} : memref<2592xf32, #tpu.memory_space<vmem>>, vector<16xf32>,
      %get3A_492 = vector.shape_cast %get3A_491 : vector<16xf32> to vector<16xf32>
      %get3A_493 = arith.index_cast %add3A_489 : i32 to index
      %get3A_494 = tpu.vector_load %arg12[%get3A_493] {strides = array<i32>} : memref<2592xf32, #tpu.memory_space<vmem>>, vector<16xf32>,
      %get3A_495 = vector.shape_cast %get3A_494 : vector<16xf32> to vector<16xf32>
      %mul3A_496 = arith.mulf %get3A_492, %get3A_495 : vector<16xf32>
      %add3A_497 = arith.addf %add3A_487, %mul3A_496 : vector<16xf32>
      %add3A_498 = arith.constant 1152 : i32
      %add3A_499 = arith.addi %add3A_498, %mul3A_460 : i32
      %get3A_500 = arith.index_cast %add3A_499 : i32 to index
      %get3A_501 = tpu.vector_load %arg13[%get3A_500] {strides = array<i32>} : memref<2592xf32, #tpu.memory_space<vmem>>, vector<16xf32>,
      %get3A_502 = vector.shape_cast %get3A_501 : vector<16xf32> to vector<16xf32>
      %get3A_503 = arith.index_cast %add3A_499 : i32 to index
      %get3A_504 = tpu.vector_load %arg12[%get3A_503] {strides = array<i32>} : memref<2592xf32, #tpu.memory_space<vmem>>, vector<16xf32>,
      %get3A_505 = vector.shape_cast %get3A_504 : vector<16xf32> to vector<16xf32>
      %mul3A_506 = arith.mulf %get3A_502, %get3A_505 : vector<16xf32>
      %add3A_507 = arith.addf %add3A_497, %mul3A_506 : vector<16xf32>
      %add3A_508 = arith.constant 1440 : i32
      %add3A_509 = arith.addi %add3A_508, %mul3A_460 : i32
      %get3A_510 = arith.index_cast %add3A_509 : i32 to index
      %get3A_511 = tpu.vector_load %arg13[%get3A_510] {strides = array<i32>} : memref<2592xf32, #tpu.memory_space<vmem>>, vector<16xf32>,
      %get3A_512 = vector.shape_cast %get3A_511 : vector<16xf32> to vector<16xf32>
      %get3A_513 = arith.index_cast %add3A_509 : i32 to index
      %get3A_514 = tpu.vector_load %arg12[%get3A_513] {strides = array<i32>} : memref<2592xf32, #tpu.memory_space<vmem>>, vector<16xf32>,
      %get3A_515 = vector.shape_cast %get3A_514 : vector<16xf32> to vector<16xf32>
      %mul3A_516 = arith.mulf %get3A_512, %get3A_515 : vector<16xf32>
      %add3A_517 = arith.addf %add3A_507, %mul3A_516 : vector<16xf32>
      %add3A_518 = arith.constant 1728 : i32
      %add3A_519 = arith.addi %add3A_518, %mul3A_460 : i32
      %get3A_520 = arith.index_cast %add3A_519 : i32 to index
      %get3A_521 = tpu.vector_load %arg13[%get3A_520] {strides = array<i32>} : memref<2592xf32, #tpu.memory_space<vmem>>, vector<16xf32>,
      %get3A_522 = vector.shape_cast %get3A_521 : vector<16xf32> to vector<16xf32>
      %get3A_523 = arith.index_cast %add3A_519 : i32 to index
      %get3A_524 = tpu.vector_load %arg12[%get3A_523] {strides = array<i32>} : memref<2592xf32, #tpu.memory_space<vmem>>, vector<16xf32>,
      %get3A_525 = vector.shape_cast %get3A_524 : vector<16xf32> to vector<16xf32>
      %mul3A_526 = arith.mulf %get3A_522, %get3A_525 : vector<16xf32>
      %add3A_527 = arith.addf %add3A_517, %mul3A_526 : vector<16xf32>
      %add3A_528 = arith.constant 2016 : i32
      %add3A_529 = arith.addi %add3A_528, %mul3A_460 : i32
      %get3A_530 = arith.index_cast %add3A_529 : i32 to index
      %get3A_531 = tpu.vector_load %arg13[%get3A_530] {strides = array<i32>} : memref<2592xf32, #tpu.memory_space<vmem>>, vector<16xf32>,
      %get3A_532 = vector.shape_cast %get3A_531 : vector<16xf32> to vector<16xf32>
      %get3A_533 = arith.index_cast %add3A_529 : i32 to index
      %get3A_534 = tpu.vector_load %arg12[%get3A_533] {strides = array<i32>} : memref<2592xf32, #tpu.memory_space<vmem>>, vector<16xf32>,
      %get3A_535 = vector.shape_cast %get3A_534 : vector<16xf32> to vector<16xf32>
      %mul3A_536 = arith.mulf %get3A_532, %get3A_535 : vector<16xf32>
      %add3A_537 = arith.addf %add3A_527, %mul3A_536 : vector<16xf32>
      %add3A_538 = arith.constant 2304 : i32
      %add3A_539 = arith.addi %add3A_538, %mul3A_460 : i32
      %get3A_540 = arith.index_cast %add3A_539 : i32 to index
      %get3A_541 = tpu.vector_load %arg13[%get3A_540] {strides = array<i32>} : memref<2592xf32, #tpu.memory_space<vmem>>, vector<16xf32>,
      %get3A_542 = vector.shape_cast %get3A_541 : vector<16xf32> to vector<16xf32>
      %get3A_543 = arith.index_cast %add3A_539 : i32 to index
      %get3A_544 = tpu.vector_load %arg12[%get3A_543] {strides = array<i32>} : memref<2592xf32, #tpu.memory_space<vmem>>, vector<16xf32>,
      %get3A_545 = vector.shape_cast %get3A_544 : vector<16xf32> to vector<16xf32>
      %mul3A_546 = arith.mulf %get3A_542, %get3A_545 : vector<16xf32>
      %add3A_547 = arith.addf %add3A_537, %mul3A_546 : vector<16xf32>
      %swap3A = arith.index_cast %mul3A_460 : i32 to index
      %swap3A_548 = tpu.vector_load %arg15[%swap3A] {strides = array<i32>} : memref<288xf32, #tpu.memory_space<vmem>>, vector<16xf32>,
      %swap3A_549 = vector.shape_cast %swap3A_548 : vector<16xf32> to vector<16xf32>
      %swap3A_550 = vector.shape_cast %add3A_547 : vector<16xf32> to vector<16xf32>
      tpu.vector_store %arg15[%swap3A], %swap3A_550 {strides = array<i32>} : memref<288xf32, #tpu.memory_space<vmem>>, vector<16xf32>,
    }
    %scan3A_151 = arith.constant 18 : i32
    %mul3A_152 = arith.constant 288 : i32
    %mul3A_153 = arith.muli %add3A, %mul3A_152 : i32
    %add3A_154 = arith.constant 55296 : i32
    %add3A_155 = arith.addi %add3A_154, %mul3A_153 : i32
    "tpu.region"() ({
      %run_scoped3A = tpu.sem_alloc : memref<!tpu.dma_semaphore, #tpu.memory_space<semaphore_mem>>
      %dma_start3A_458 = tpu.memref_slice %arg7[%add3A_155] : memref<221184xf32, #tpu.memory_space<hbm>> -> memref<288xf32, #tpu.memory_space<hbm>>
      %dma_start3A_459 = tpu.memref_slice %arg7[%add3A_155] : memref<221184xf32, #tpu.memory_space<hbm>> -> memref<288xf32, #tpu.memory_space<hbm>>
      tpu.enqueue_dma source(%arg15 : memref<288xf32, #tpu.memory_space<vmem>>) target(%dma_start3A_459 : memref<288xf32, #tpu.memory_space<hbm>>) target_semaphore(%run_scoped3A : memref<!tpu.dma_semaphore, #tpu.memory_space<semaphore_mem>>)
      %dma_wait3A_460 = tpu.memref_slice %arg7[%add3A_155] : memref<221184xf32, #tpu.memory_space<hbm>> -> memref<288xf32, #tpu.memory_space<hbm>>
      %dma_wait3A_461 = tpu.memref_slice %arg7[%add3A_155] : memref<221184xf32, #tpu.memory_space<hbm>> -> memref<288xf32, #tpu.memory_space<hbm>>
      tpu.wait_dma2 semaphore(%run_scoped3A : memref<!tpu.dma_semaphore, #tpu.memory_space<semaphore_mem>>) src(%arg15 : memref<288xf32, #tpu.memory_space<vmem>>) dst(%dma_wait3A_461 : memref<288xf32, #tpu.memory_space<hbm>>)
      tpu.yield
    }) : () -> ()
    %dma_start3A_156 = arith.constant 2097152 : i32
    %dma_start3A_157 = tpu.memref_slice %arg2[%dma_start3A_156] : memref<6291456xf32, #tpu.memory_space<hbm>> -> memref<262144xf32, #tpu.memory_space<hbm>>
    %dma_start3A_158 = arith.constant 0 : i32
    %dma_start3A_159 = tpu.memref_slice %dma_start3A_157[%dma_start3A_158] : memref<262144xf32, #tpu.memory_space<hbm>> -> memref<262144xf32, #tpu.memory_space<hbm>>
    tpu.enqueue_indirect_dma source(%dma_start3A_159 : memref<262144xf32, #tpu.memory_space<hbm>>) target(%arg13 : memref<2592xf32, #tpu.memory_space<vmem>>) offsets(%arg11 : memref<2592xi32, #tpu.memory_space<vmem>>) semaphore(%arg17 : memref<!tpu.dma_semaphore, #tpu.memory_space<semaphore_mem>>)
    %dma_wait3A_160 = arith.constant 1835008 : i32
    %dma_wait3A_161 = tpu.memref_slice %arg2[%dma_wait3A_160] : memref<6291456xf32, #tpu.memory_space<hbm>> -> memref<262144xf32, #tpu.memory_space<hbm>>
    %dma_wait3A_162 = arith.constant 0 : i32
    %dma_wait3A_163 = tpu.memref_slice %dma_wait3A_161[%dma_wait3A_162] : memref<262144xf32, #tpu.memory_space<hbm>> -> memref<262144xf32, #tpu.memory_space<hbm>>
    tpu.wait_indirect_dma semaphore(%arg18 : memref<!tpu.dma_semaphore, #tpu.memory_space<semaphore_mem>>) src(%dma_wait3A_163 : memref<262144xf32, #tpu.memory_space<hbm>>) dst(%arg14 : memref<2592xf32, #tpu.memory_space<vmem>>)
    %scan3A_164 = arith.constant 0 : i32
    %scan3A_165 = arith.constant 0 : i32
    %scan3A_166 = arith.constant 18 : i32
    %scan3A_167 = arith.addi %scan3A_165, %scan3A_166 : i32
    %scan3A_168 = arith.constant 1 : i32
    scf.for %scan3A_458 = %scan3A_165 to %scan3A_167 step %scan3A_168  : i32 {
      %mul3A_459 = arith.constant 16 : i32
      %mul3A_460 = arith.muli %scan3A_458, %mul3A_459 : i32
      %get3A_461 = arith.index_cast %mul3A_460 : i32 to index
      %get3A_462 = tpu.vector_load %arg14[%get3A_461] {strides = array<i32>} : memref<2592xf32, #tpu.memory_space<vmem>>, vector<16xf32>,
      %get3A_463 = vector.shape_cast %get3A_462 : vector<16xf32> to vector<16xf32>
      %get3A_464 = arith.index_cast %mul3A_460 : i32 to index
      %get3A_465 = tpu.vector_load %arg12[%get3A_464] {strides = array<i32>} : memref<2592xf32, #tpu.memory_space<vmem>>, vector<16xf32>,
      %get3A_466 = vector.shape_cast %get3A_465 : vector<16xf32> to vector<16xf32>
      %mul3A_467 = arith.mulf %get3A_463, %get3A_466 : vector<16xf32>
      %add3A_468 = arith.constant 288 : i32
      %add3A_469 = arith.addi %add3A_468, %mul3A_460 : i32
      %get3A_470 = arith.index_cast %add3A_469 : i32 to index
      %get3A_471 = tpu.vector_load %arg14[%get3A_470] {strides = array<i32>} : memref<2592xf32, #tpu.memory_space<vmem>>, vector<16xf32>,
      %get3A_472 = vector.shape_cast %get3A_471 : vector<16xf32> to vector<16xf32>
      %get3A_473 = arith.index_cast %add3A_469 : i32 to index
      %get3A_474 = tpu.vector_load %arg12[%get3A_473] {strides = array<i32>} : memref<2592xf32, #tpu.memory_space<vmem>>, vector<16xf32>,
      %get3A_475 = vector.shape_cast %get3A_474 : vector<16xf32> to vector<16xf32>
      %mul3A_476 = arith.mulf %get3A_472, %get3A_475 : vector<16xf32>
      %add3A_477 = arith.addf %mul3A_467, %mul3A_476 : vector<16xf32>
      %add3A_478 = arith.constant 576 : i32
      %add3A_479 = arith.addi %add3A_478, %mul3A_460 : i32
      %get3A_480 = arith.index_cast %add3A_479 : i32 to index
      %get3A_481 = tpu.vector_load %arg14[%get3A_480] {strides = array<i32>} : memref<2592xf32, #tpu.memory_space<vmem>>, vector<16xf32>,
      %get3A_482 = vector.shape_cast %get3A_481 : vector<16xf32> to vector<16xf32>
      %get3A_483 = arith.index_cast %add3A_479 : i32 to index
      %get3A_484 = tpu.vector_load %arg12[%get3A_483] {strides = array<i32>} : memref<2592xf32, #tpu.memory_space<vmem>>, vector<16xf32>,
      %get3A_485 = vector.shape_cast %get3A_484 : vector<16xf32> to vector<16xf32>
      %mul3A_486 = arith.mulf %get3A_482, %get3A_485 : vector<16xf32>
      %add3A_487 = arith.addf %add3A_477, %mul3A_486 : vector<16xf32>
      %add3A_488 = arith.constant 864 : i32
      %add3A_489 = arith.addi %add3A_488, %mul3A_460 : i32
      %get3A_490 = arith.index_cast %add3A_489 : i32 to index
      %get3A_491 = tpu.vector_load %arg14[%get3A_490] {strides = array<i32>} : memref<2592xf32, #tpu.memory_space<vmem>>, vector<16xf32>,
      %get3A_492 = vector.shape_cast %get3A_491 : vector<16xf32> to vector<16xf32>
      %get3A_493 = arith.index_cast %add3A_489 : i32 to index
      %get3A_494 = tpu.vector_load %arg12[%get3A_493] {strides = array<i32>} : memref<2592xf32, #tpu.memory_space<vmem>>, vector<16xf32>,
      %get3A_495 = vector.shape_cast %get3A_494 : vector<16xf32> to vector<16xf32>
      %mul3A_496 = arith.mulf %get3A_492, %get3A_495 : vector<16xf32>
      %add3A_497 = arith.addf %add3A_487, %mul3A_496 : vector<16xf32>
      %add3A_498 = arith.constant 1152 : i32
      %add3A_499 = arith.addi %add3A_498, %mul3A_460 : i32
      %get3A_500 = arith.index_cast %add3A_499 : i32 to index
      %get3A_501 = tpu.vector_load %arg14[%get3A_500] {strides = array<i32>} : memref<2592xf32, #tpu.memory_space<vmem>>, vector<16xf32>,
      %get3A_502 = vector.shape_cast %get3A_501 : vector<16xf32> to vector<16xf32>
      %get3A_503 = arith.index_cast %add3A_499 : i32 to index
      %get3A_504 = tpu.vector_load %arg12[%get3A_503] {strides = array<i32>} : memref<2592xf32, #tpu.memory_space<vmem>>, vector<16xf32>,
      %get3A_505 = vector.shape_cast %get3A_504 : vector<16xf32> to vector<16xf32>
      %mul3A_506 = arith.mulf %get3A_502, %get3A_505 : vector<16xf32>
      %add3A_507 = arith.addf %add3A_497, %mul3A_506 : vector<16xf32>
      %add3A_508 = arith.constant 1440 : i32
      %add3A_509 = arith.addi %add3A_508, %mul3A_460 : i32
      %get3A_510 = arith.index_cast %add3A_509 : i32 to index
      %get3A_511 = tpu.vector_load %arg14[%get3A_510] {strides = array<i32>} : memref<2592xf32, #tpu.memory_space<vmem>>, vector<16xf32>,
      %get3A_512 = vector.shape_cast %get3A_511 : vector<16xf32> to vector<16xf32>
      %get3A_513 = arith.index_cast %add3A_509 : i32 to index
      %get3A_514 = tpu.vector_load %arg12[%get3A_513] {strides = array<i32>} : memref<2592xf32, #tpu.memory_space<vmem>>, vector<16xf32>,
      %get3A_515 = vector.shape_cast %get3A_514 : vector<16xf32> to vector<16xf32>
      %mul3A_516 = arith.mulf %get3A_512, %get3A_515 : vector<16xf32>
      %add3A_517 = arith.addf %add3A_507, %mul3A_516 : vector<16xf32>
      %add3A_518 = arith.constant 1728 : i32
      %add3A_519 = arith.addi %add3A_518, %mul3A_460 : i32
      %get3A_520 = arith.index_cast %add3A_519 : i32 to index
      %get3A_521 = tpu.vector_load %arg14[%get3A_520] {strides = array<i32>} : memref<2592xf32, #tpu.memory_space<vmem>>, vector<16xf32>,
      %get3A_522 = vector.shape_cast %get3A_521 : vector<16xf32> to vector<16xf32>
      %get3A_523 = arith.index_cast %add3A_519 : i32 to index
      %get3A_524 = tpu.vector_load %arg12[%get3A_523] {strides = array<i32>} : memref<2592xf32, #tpu.memory_space<vmem>>, vector<16xf32>,
      %get3A_525 = vector.shape_cast %get3A_524 : vector<16xf32> to vector<16xf32>
      %mul3A_526 = arith.mulf %get3A_522, %get3A_525 : vector<16xf32>
      %add3A_527 = arith.addf %add3A_517, %mul3A_526 : vector<16xf32>
      %add3A_528 = arith.constant 2016 : i32
      %add3A_529 = arith.addi %add3A_528, %mul3A_460 : i32
      %get3A_530 = arith.index_cast %add3A_529 : i32 to index
      %get3A_531 = tpu.vector_load %arg14[%get3A_530] {strides = array<i32>} : memref<2592xf32, #tpu.memory_space<vmem>>, vector<16xf32>,
      %get3A_532 = vector.shape_cast %get3A_531 : vector<16xf32> to vector<16xf32>
      %get3A_533 = arith.index_cast %add3A_529 : i32 to index
      %get3A_534 = tpu.vector_load %arg12[%get3A_533] {strides = array<i32>} : memref<2592xf32, #tpu.memory_space<vmem>>, vector<16xf32>,
      %get3A_535 = vector.shape_cast %get3A_534 : vector<16xf32> to vector<16xf32>
      %mul3A_536 = arith.mulf %get3A_532, %get3A_535 : vector<16xf32>
      %add3A_537 = arith.addf %add3A_527, %mul3A_536 : vector<16xf32>
      %add3A_538 = arith.constant 2304 : i32
      %add3A_539 = arith.addi %add3A_538, %mul3A_460 : i32
      %get3A_540 = arith.index_cast %add3A_539 : i32 to index
      %get3A_541 = tpu.vector_load %arg14[%get3A_540] {strides = array<i32>} : memref<2592xf32, #tpu.memory_space<vmem>>, vector<16xf32>,
      %get3A_542 = vector.shape_cast %get3A_541 : vector<16xf32> to vector<16xf32>
      %get3A_543 = arith.index_cast %add3A_539 : i32 to index
      %get3A_544 = tpu.vector_load %arg12[%get3A_543] {strides = array<i32>} : memref<2592xf32, #tpu.memory_space<vmem>>, vector<16xf32>,
      %get3A_545 = vector.shape_cast %get3A_544 : vector<16xf32> to vector<16xf32>
      %mul3A_546 = arith.mulf %get3A_542, %get3A_545 : vector<16xf32>
      %add3A_547 = arith.addf %add3A_537, %mul3A_546 : vector<16xf32>
      %swap3A = arith.index_cast %mul3A_460 : i32 to index
      %swap3A_548 = tpu.vector_load %arg15[%swap3A] {strides = array<i32>} : memref<288xf32, #tpu.memory_space<vmem>>, vector<16xf32>,
      %swap3A_549 = vector.shape_cast %swap3A_548 : vector<16xf32> to vector<16xf32>
      %swap3A_550 = vector.shape_cast %add3A_547 : vector<16xf32> to vector<16xf32>
      tpu.vector_store %arg15[%swap3A], %swap3A_550 {strides = array<i32>} : memref<288xf32, #tpu.memory_space<vmem>>, vector<16xf32>,
    }
    %scan3A_169 = arith.constant 18 : i32
    %mul3A_170 = arith.constant 288 : i32
    %mul3A_171 = arith.muli %add3A, %mul3A_170 : i32
    %add3A_172 = arith.constant 64512 : i32
    %add3A_173 = arith.addi %add3A_172, %mul3A_171 : i32
    "tpu.region"() ({
      %run_scoped3A = tpu.sem_alloc : memref<!tpu.dma_semaphore, #tpu.memory_space<semaphore_mem>>
      %dma_start3A_458 = tpu.memref_slice %arg7[%add3A_173] : memref<221184xf32, #tpu.memory_space<hbm>> -> memref<288xf32, #tpu.memory_space<hbm>>
      %dma_start3A_459 = tpu.memref_slice %arg7[%add3A_173] : memref<221184xf32, #tpu.memory_space<hbm>> -> memref<288xf32, #tpu.memory_space<hbm>>
      tpu.enqueue_dma source(%arg15 : memref<288xf32, #tpu.memory_space<vmem>>) target(%dma_start3A_459 : memref<288xf32, #tpu.memory_space<hbm>>) target_semaphore(%run_scoped3A : memref<!tpu.dma_semaphore, #tpu.memory_space<semaphore_mem>>)
      %dma_wait3A_460 = tpu.memref_slice %arg7[%add3A_173] : memref<221184xf32, #tpu.memory_space<hbm>> -> memref<288xf32, #tpu.memory_space<hbm>>
      %dma_wait3A_461 = tpu.memref_slice %arg7[%add3A_173] : memref<221184xf32, #tpu.memory_space<hbm>> -> memref<288xf32, #tpu.memory_space<hbm>>
      tpu.wait_dma2 semaphore(%run_scoped3A : memref<!tpu.dma_semaphore, #tpu.memory_space<semaphore_mem>>) src(%arg15 : memref<288xf32, #tpu.memory_space<vmem>>) dst(%dma_wait3A_461 : memref<288xf32, #tpu.memory_space<hbm>>)
      tpu.yield
    }) : () -> ()
    %dma_start3A_174 = arith.constant 2359296 : i32
    %dma_start3A_175 = tpu.memref_slice %arg2[%dma_start3A_174] : memref<6291456xf32, #tpu.memory_space<hbm>> -> memref<262144xf32, #tpu.memory_space<hbm>>
    %dma_start3A_176 = arith.constant 0 : i32
    %dma_start3A_177 = tpu.memref_slice %dma_start3A_175[%dma_start3A_176] : memref<262144xf32, #tpu.memory_space<hbm>> -> memref<262144xf32, #tpu.memory_space<hbm>>
    tpu.enqueue_indirect_dma source(%dma_start3A_177 : memref<262144xf32, #tpu.memory_space<hbm>>) target(%arg14 : memref<2592xf32, #tpu.memory_space<vmem>>) offsets(%arg11 : memref<2592xi32, #tpu.memory_space<vmem>>) semaphore(%arg18 : memref<!tpu.dma_semaphore, #tpu.memory_space<semaphore_mem>>)
    %dma_wait3A_178 = arith.constant 2097152 : i32
    %dma_wait3A_179 = tpu.memref_slice %arg2[%dma_wait3A_178] : memref<6291456xf32, #tpu.memory_space<hbm>> -> memref<262144xf32, #tpu.memory_space<hbm>>
    %dma_wait3A_180 = arith.constant 0 : i32
    %dma_wait3A_181 = tpu.memref_slice %dma_wait3A_179[%dma_wait3A_180] : memref<262144xf32, #tpu.memory_space<hbm>> -> memref<262144xf32, #tpu.memory_space<hbm>>
    tpu.wait_indirect_dma semaphore(%arg17 : memref<!tpu.dma_semaphore, #tpu.memory_space<semaphore_mem>>) src(%dma_wait3A_181 : memref<262144xf32, #tpu.memory_space<hbm>>) dst(%arg13 : memref<2592xf32, #tpu.memory_space<vmem>>)
    %scan3A_182 = arith.constant 0 : i32
    %scan3A_183 = arith.constant 0 : i32
    %scan3A_184 = arith.constant 18 : i32
    %scan3A_185 = arith.addi %scan3A_183, %scan3A_184 : i32
    %scan3A_186 = arith.constant 1 : i32
    scf.for %scan3A_458 = %scan3A_183 to %scan3A_185 step %scan3A_186  : i32 {
      %mul3A_459 = arith.constant 16 : i32
      %mul3A_460 = arith.muli %scan3A_458, %mul3A_459 : i32
      %get3A_461 = arith.index_cast %mul3A_460 : i32 to index
      %get3A_462 = tpu.vector_load %arg13[%get3A_461] {strides = array<i32>} : memref<2592xf32, #tpu.memory_space<vmem>>, vector<16xf32>,
      %get3A_463 = vector.shape_cast %get3A_462 : vector<16xf32> to vector<16xf32>
      %get3A_464 = arith.index_cast %mul3A_460 : i32 to index
      %get3A_465 = tpu.vector_load %arg12[%get3A_464] {strides = array<i32>} : memref<2592xf32, #tpu.memory_space<vmem>>, vector<16xf32>,
      %get3A_466 = vector.shape_cast %get3A_465 : vector<16xf32> to vector<16xf32>
      %mul3A_467 = arith.mulf %get3A_463, %get3A_466 : vector<16xf32>
      %add3A_468 = arith.constant 288 : i32
      %add3A_469 = arith.addi %add3A_468, %mul3A_460 : i32
      %get3A_470 = arith.index_cast %add3A_469 : i32 to index
      %get3A_471 = tpu.vector_load %arg13[%get3A_470] {strides = array<i32>} : memref<2592xf32, #tpu.memory_space<vmem>>, vector<16xf32>,
      %get3A_472 = vector.shape_cast %get3A_471 : vector<16xf32> to vector<16xf32>
      %get3A_473 = arith.index_cast %add3A_469 : i32 to index
      %get3A_474 = tpu.vector_load %arg12[%get3A_473] {strides = array<i32>} : memref<2592xf32, #tpu.memory_space<vmem>>, vector<16xf32>,
      %get3A_475 = vector.shape_cast %get3A_474 : vector<16xf32> to vector<16xf32>
      %mul3A_476 = arith.mulf %get3A_472, %get3A_475 : vector<16xf32>
      %add3A_477 = arith.addf %mul3A_467, %mul3A_476 : vector<16xf32>
      %add3A_478 = arith.constant 576 : i32
      %add3A_479 = arith.addi %add3A_478, %mul3A_460 : i32
      %get3A_480 = arith.index_cast %add3A_479 : i32 to index
      %get3A_481 = tpu.vector_load %arg13[%get3A_480] {strides = array<i32>} : memref<2592xf32, #tpu.memory_space<vmem>>, vector<16xf32>,
      %get3A_482 = vector.shape_cast %get3A_481 : vector<16xf32> to vector<16xf32>
      %get3A_483 = arith.index_cast %add3A_479 : i32 to index
      %get3A_484 = tpu.vector_load %arg12[%get3A_483] {strides = array<i32>} : memref<2592xf32, #tpu.memory_space<vmem>>, vector<16xf32>,
      %get3A_485 = vector.shape_cast %get3A_484 : vector<16xf32> to vector<16xf32>
      %mul3A_486 = arith.mulf %get3A_482, %get3A_485 : vector<16xf32>
      %add3A_487 = arith.addf %add3A_477, %mul3A_486 : vector<16xf32>
      %add3A_488 = arith.constant 864 : i32
      %add3A_489 = arith.addi %add3A_488, %mul3A_460 : i32
      %get3A_490 = arith.index_cast %add3A_489 : i32 to index
      %get3A_491 = tpu.vector_load %arg13[%get3A_490] {strides = array<i32>} : memref<2592xf32, #tpu.memory_space<vmem>>, vector<16xf32>,
      %get3A_492 = vector.shape_cast %get3A_491 : vector<16xf32> to vector<16xf32>
      %get3A_493 = arith.index_cast %add3A_489 : i32 to index
      %get3A_494 = tpu.vector_load %arg12[%get3A_493] {strides = array<i32>} : memref<2592xf32, #tpu.memory_space<vmem>>, vector<16xf32>,
      %get3A_495 = vector.shape_cast %get3A_494 : vector<16xf32> to vector<16xf32>
      %mul3A_496 = arith.mulf %get3A_492, %get3A_495 : vector<16xf32>
      %add3A_497 = arith.addf %add3A_487, %mul3A_496 : vector<16xf32>
      %add3A_498 = arith.constant 1152 : i32
      %add3A_499 = arith.addi %add3A_498, %mul3A_460 : i32
      %get3A_500 = arith.index_cast %add3A_499 : i32 to index
      %get3A_501 = tpu.vector_load %arg13[%get3A_500] {strides = array<i32>} : memref<2592xf32, #tpu.memory_space<vmem>>, vector<16xf32>,
      %get3A_502 = vector.shape_cast %get3A_501 : vector<16xf32> to vector<16xf32>
      %get3A_503 = arith.index_cast %add3A_499 : i32 to index
      %get3A_504 = tpu.vector_load %arg12[%get3A_503] {strides = array<i32>} : memref<2592xf32, #tpu.memory_space<vmem>>, vector<16xf32>,
      %get3A_505 = vector.shape_cast %get3A_504 : vector<16xf32> to vector<16xf32>
      %mul3A_506 = arith.mulf %get3A_502, %get3A_505 : vector<16xf32>
      %add3A_507 = arith.addf %add3A_497, %mul3A_506 : vector<16xf32>
      %add3A_508 = arith.constant 1440 : i32
      %add3A_509 = arith.addi %add3A_508, %mul3A_460 : i32
      %get3A_510 = arith.index_cast %add3A_509 : i32 to index
      %get3A_511 = tpu.vector_load %arg13[%get3A_510] {strides = array<i32>} : memref<2592xf32, #tpu.memory_space<vmem>>, vector<16xf32>,
      %get3A_512 = vector.shape_cast %get3A_511 : vector<16xf32> to vector<16xf32>
      %get3A_513 = arith.index_cast %add3A_509 : i32 to index
      %get3A_514 = tpu.vector_load %arg12[%get3A_513] {strides = array<i32>} : memref<2592xf32, #tpu.memory_space<vmem>>, vector<16xf32>,
      %get3A_515 = vector.shape_cast %get3A_514 : vector<16xf32> to vector<16xf32>
      %mul3A_516 = arith.mulf %get3A_512, %get3A_515 : vector<16xf32>
      %add3A_517 = arith.addf %add3A_507, %mul3A_516 : vector<16xf32>
      %add3A_518 = arith.constant 1728 : i32
      %add3A_519 = arith.addi %add3A_518, %mul3A_460 : i32
      %get3A_520 = arith.index_cast %add3A_519 : i32 to index
      %get3A_521 = tpu.vector_load %arg13[%get3A_520] {strides = array<i32>} : memref<2592xf32, #tpu.memory_space<vmem>>, vector<16xf32>,
      %get3A_522 = vector.shape_cast %get3A_521 : vector<16xf32> to vector<16xf32>
      %get3A_523 = arith.index_cast %add3A_519 : i32 to index
      %get3A_524 = tpu.vector_load %arg12[%get3A_523] {strides = array<i32>} : memref<2592xf32, #tpu.memory_space<vmem>>, vector<16xf32>,
      %get3A_525 = vector.shape_cast %get3A_524 : vector<16xf32> to vector<16xf32>
      %mul3A_526 = arith.mulf %get3A_522, %get3A_525 : vector<16xf32>
      %add3A_527 = arith.addf %add3A_517, %mul3A_526 : vector<16xf32>
      %add3A_528 = arith.constant 2016 : i32
      %add3A_529 = arith.addi %add3A_528, %mul3A_460 : i32
      %get3A_530 = arith.index_cast %add3A_529 : i32 to index
      %get3A_531 = tpu.vector_load %arg13[%get3A_530] {strides = array<i32>} : memref<2592xf32, #tpu.memory_space<vmem>>, vector<16xf32>,
      %get3A_532 = vector.shape_cast %get3A_531 : vector<16xf32> to vector<16xf32>
      %get3A_533 = arith.index_cast %add3A_529 : i32 to index
      %get3A_534 = tpu.vector_load %arg12[%get3A_533] {strides = array<i32>} : memref<2592xf32, #tpu.memory_space<vmem>>, vector<16xf32>,
      %get3A_535 = vector.shape_cast %get3A_534 : vector<16xf32> to vector<16xf32>
      %mul3A_536 = arith.mulf %get3A_532, %get3A_535 : vector<16xf32>
      %add3A_537 = arith.addf %add3A_527, %mul3A_536 : vector<16xf32>
      %add3A_538 = arith.constant 2304 : i32
      %add3A_539 = arith.addi %add3A_538, %mul3A_460 : i32
      %get3A_540 = arith.index_cast %add3A_539 : i32 to index
      %get3A_541 = tpu.vector_load %arg13[%get3A_540] {strides = array<i32>} : memref<2592xf32, #tpu.memory_space<vmem>>, vector<16xf32>,
      %get3A_542 = vector.shape_cast %get3A_541 : vector<16xf32> to vector<16xf32>
      %get3A_543 = arith.index_cast %add3A_539 : i32 to index
      %get3A_544 = tpu.vector_load %arg12[%get3A_543] {strides = array<i32>} : memref<2592xf32, #tpu.memory_space<vmem>>, vector<16xf32>,
      %get3A_545 = vector.shape_cast %get3A_544 : vector<16xf32> to vector<16xf32>
      %mul3A_546 = arith.mulf %get3A_542, %get3A_545 : vector<16xf32>
      %add3A_547 = arith.addf %add3A_537, %mul3A_546 : vector<16xf32>
      %swap3A = arith.index_cast %mul3A_460 : i32 to index
      %swap3A_548 = tpu.vector_load %arg15[%swap3A] {strides = array<i32>} : memref<288xf32, #tpu.memory_space<vmem>>, vector<16xf32>,
      %swap3A_549 = vector.shape_cast %swap3A_548 : vector<16xf32> to vector<16xf32>
      %swap3A_550 = vector.shape_cast %add3A_547 : vector<16xf32> to vector<16xf32>
      tpu.vector_store %arg15[%swap3A], %swap3A_550 {strides = array<i32>} : memref<288xf32, #tpu.memory_space<vmem>>, vector<16xf32>,
    }
    %scan3A_187 = arith.constant 18 : i32
    %mul3A_188 = arith.constant 288 : i32
    %mul3A_189 = arith.muli %add3A, %mul3A_188 : i32
    %add3A_190 = arith.constant 73728 : i32
    %add3A_191 = arith.addi %add3A_190, %mul3A_189 : i32
    "tpu.region"() ({
      %run_scoped3A = tpu.sem_alloc : memref<!tpu.dma_semaphore, #tpu.memory_space<semaphore_mem>>
      %dma_start3A_458 = tpu.memref_slice %arg7[%add3A_191] : memref<221184xf32, #tpu.memory_space<hbm>> -> memref<288xf32, #tpu.memory_space<hbm>>
      %dma_start3A_459 = tpu.memref_slice %arg7[%add3A_191] : memref<221184xf32, #tpu.memory_space<hbm>> -> memref<288xf32, #tpu.memory_space<hbm>>
      tpu.enqueue_dma source(%arg15 : memref<288xf32, #tpu.memory_space<vmem>>) target(%dma_start3A_459 : memref<288xf32, #tpu.memory_space<hbm>>) target_semaphore(%run_scoped3A : memref<!tpu.dma_semaphore, #tpu.memory_space<semaphore_mem>>)
      %dma_wait3A_460 = tpu.memref_slice %arg7[%add3A_191] : memref<221184xf32, #tpu.memory_space<hbm>> -> memref<288xf32, #tpu.memory_space<hbm>>
      %dma_wait3A_461 = tpu.memref_slice %arg7[%add3A_191] : memref<221184xf32, #tpu.memory_space<hbm>> -> memref<288xf32, #tpu.memory_space<hbm>>
      tpu.wait_dma2 semaphore(%run_scoped3A : memref<!tpu.dma_semaphore, #tpu.memory_space<semaphore_mem>>) src(%arg15 : memref<288xf32, #tpu.memory_space<vmem>>) dst(%dma_wait3A_461 : memref<288xf32, #tpu.memory_space<hbm>>)
      tpu.yield
    }) : () -> ()
    %dma_start3A_192 = arith.constant 2621440 : i32
    %dma_start3A_193 = tpu.memref_slice %arg2[%dma_start3A_192] : memref<6291456xf32, #tpu.memory_space<hbm>> -> memref<262144xf32, #tpu.memory_space<hbm>>
    %dma_start3A_194 = arith.constant 0 : i32
    %dma_start3A_195 = tpu.memref_slice %dma_start3A_193[%dma_start3A_194] : memref<262144xf32, #tpu.memory_space<hbm>> -> memref<262144xf32, #tpu.memory_space<hbm>>
    tpu.enqueue_indirect_dma source(%dma_start3A_195 : memref<262144xf32, #tpu.memory_space<hbm>>) target(%arg13 : memref<2592xf32, #tpu.memory_space<vmem>>) offsets(%arg11 : memref<2592xi32, #tpu.memory_space<vmem>>) semaphore(%arg17 : memref<!tpu.dma_semaphore, #tpu.memory_space<semaphore_mem>>)
    %dma_wait3A_196 = arith.constant 2359296 : i32
    %dma_wait3A_197 = tpu.memref_slice %arg2[%dma_wait3A_196] : memref<6291456xf32, #tpu.memory_space<hbm>> -> memref<262144xf32, #tpu.memory_space<hbm>>
    %dma_wait3A_198 = arith.constant 0 : i32
    %dma_wait3A_199 = tpu.memref_slice %dma_wait3A_197[%dma_wait3A_198] : memref<262144xf32, #tpu.memory_space<hbm>> -> memref<262144xf32, #tpu.memory_space<hbm>>
    tpu.wait_indirect_dma semaphore(%arg18 : memref<!tpu.dma_semaphore, #tpu.memory_space<semaphore_mem>>) src(%dma_wait3A_199 : memref<262144xf32, #tpu.memory_space<hbm>>) dst(%arg14 : memref<2592xf32, #tpu.memory_space<vmem>>)
    %scan3A_200 = arith.constant 0 : i32
    %scan3A_201 = arith.constant 0 : i32
    %scan3A_202 = arith.constant 18 : i32
    %scan3A_203 = arith.addi %scan3A_201, %scan3A_202 : i32
    %scan3A_204 = arith.constant 1 : i32
    scf.for %scan3A_458 = %scan3A_201 to %scan3A_203 step %scan3A_204  : i32 {
      %mul3A_459 = arith.constant 16 : i32
      %mul3A_460 = arith.muli %scan3A_458, %mul3A_459 : i32
      %get3A_461 = arith.index_cast %mul3A_460 : i32 to index
      %get3A_462 = tpu.vector_load %arg14[%get3A_461] {strides = array<i32>} : memref<2592xf32, #tpu.memory_space<vmem>>, vector<16xf32>,
      %get3A_463 = vector.shape_cast %get3A_462 : vector<16xf32> to vector<16xf32>
      %get3A_464 = arith.index_cast %mul3A_460 : i32 to index
      %get3A_465 = tpu.vector_load %arg12[%get3A_464] {strides = array<i32>} : memref<2592xf32, #tpu.memory_space<vmem>>, vector<16xf32>,
      %get3A_466 = vector.shape_cast %get3A_465 : vector<16xf32> to vector<16xf32>
      %mul3A_467 = arith.mulf %get3A_463, %get3A_466 : vector<16xf32>
      %add3A_468 = arith.constant 288 : i32
      %add3A_469 = arith.addi %add3A_468, %mul3A_460 : i32
      %get3A_470 = arith.index_cast %add3A_469 : i32 to index
      %get3A_471 = tpu.vector_load %arg14[%get3A_470] {strides = array<i32>} : memref<2592xf32, #tpu.memory_space<vmem>>, vector<16xf32>,
      %get3A_472 = vector.shape_cast %get3A_471 : vector<16xf32> to vector<16xf32>
      %get3A_473 = arith.index_cast %add3A_469 : i32 to index
      %get3A_474 = tpu.vector_load %arg12[%get3A_473] {strides = array<i32>} : memref<2592xf32, #tpu.memory_space<vmem>>, vector<16xf32>,
      %get3A_475 = vector.shape_cast %get3A_474 : vector<16xf32> to vector<16xf32>
      %mul3A_476 = arith.mulf %get3A_472, %get3A_475 : vector<16xf32>
      %add3A_477 = arith.addf %mul3A_467, %mul3A_476 : vector<16xf32>
      %add3A_478 = arith.constant 576 : i32
      %add3A_479 = arith.addi %add3A_478, %mul3A_460 : i32
      %get3A_480 = arith.index_cast %add3A_479 : i32 to index
      %get3A_481 = tpu.vector_load %arg14[%get3A_480] {strides = array<i32>} : memref<2592xf32, #tpu.memory_space<vmem>>, vector<16xf32>,
      %get3A_482 = vector.shape_cast %get3A_481 : vector<16xf32> to vector<16xf32>
      %get3A_483 = arith.index_cast %add3A_479 : i32 to index
      %get3A_484 = tpu.vector_load %arg12[%get3A_483] {strides = array<i32>} : memref<2592xf32, #tpu.memory_space<vmem>>, vector<16xf32>,
      %get3A_485 = vector.shape_cast %get3A_484 : vector<16xf32> to vector<16xf32>
      %mul3A_486 = arith.mulf %get3A_482, %get3A_485 : vector<16xf32>
      %add3A_487 = arith.addf %add3A_477, %mul3A_486 : vector<16xf32>
      %add3A_488 = arith.constant 864 : i32
      %add3A_489 = arith.addi %add3A_488, %mul3A_460 : i32
      %get3A_490 = arith.index_cast %add3A_489 : i32 to index
      %get3A_491 = tpu.vector_load %arg14[%get3A_490] {strides = array<i32>} : memref<2592xf32, #tpu.memory_space<vmem>>, vector<16xf32>,
      %get3A_492 = vector.shape_cast %get3A_491 : vector<16xf32> to vector<16xf32>
      %get3A_493 = arith.index_cast %add3A_489 : i32 to index
      %get3A_494 = tpu.vector_load %arg12[%get3A_493] {strides = array<i32>} : memref<2592xf32, #tpu.memory_space<vmem>>, vector<16xf32>,
      %get3A_495 = vector.shape_cast %get3A_494 : vector<16xf32> to vector<16xf32>
      %mul3A_496 = arith.mulf %get3A_492, %get3A_495 : vector<16xf32>
      %add3A_497 = arith.addf %add3A_487, %mul3A_496 : vector<16xf32>
      %add3A_498 = arith.constant 1152 : i32
      %add3A_499 = arith.addi %add3A_498, %mul3A_460 : i32
      %get3A_500 = arith.index_cast %add3A_499 : i32 to index
      %get3A_501 = tpu.vector_load %arg14[%get3A_500] {strides = array<i32>} : memref<2592xf32, #tpu.memory_space<vmem>>, vector<16xf32>,
      %get3A_502 = vector.shape_cast %get3A_501 : vector<16xf32> to vector<16xf32>
      %get3A_503 = arith.index_cast %add3A_499 : i32 to index
      %get3A_504 = tpu.vector_load %arg12[%get3A_503] {strides = array<i32>} : memref<2592xf32, #tpu.memory_space<vmem>>, vector<16xf32>,
      %get3A_505 = vector.shape_cast %get3A_504 : vector<16xf32> to vector<16xf32>
      %mul3A_506 = arith.mulf %get3A_502, %get3A_505 : vector<16xf32>
      %add3A_507 = arith.addf %add3A_497, %mul3A_506 : vector<16xf32>
      %add3A_508 = arith.constant 1440 : i32
      %add3A_509 = arith.addi %add3A_508, %mul3A_460 : i32
      %get3A_510 = arith.index_cast %add3A_509 : i32 to index
      %get3A_511 = tpu.vector_load %arg14[%get3A_510] {strides = array<i32>} : memref<2592xf32, #tpu.memory_space<vmem>>, vector<16xf32>,
      %get3A_512 = vector.shape_cast %get3A_511 : vector<16xf32> to vector<16xf32>
      %get3A_513 = arith.index_cast %add3A_509 : i32 to index
      %get3A_514 = tpu.vector_load %arg12[%get3A_513] {strides = array<i32>} : memref<2592xf32, #tpu.memory_space<vmem>>, vector<16xf32>,
      %get3A_515 = vector.shape_cast %get3A_514 : vector<16xf32> to vector<16xf32>
      %mul3A_516 = arith.mulf %get3A_512, %get3A_515 : vector<16xf32>
      %add3A_517 = arith.addf %add3A_507, %mul3A_516 : vector<16xf32>
      %add3A_518 = arith.constant 1728 : i32
      %add3A_519 = arith.addi %add3A_518, %mul3A_460 : i32
      %get3A_520 = arith.index_cast %add3A_519 : i32 to index
      %get3A_521 = tpu.vector_load %arg14[%get3A_520] {strides = array<i32>} : memref<2592xf32, #tpu.memory_space<vmem>>, vector<16xf32>,
      %get3A_522 = vector.shape_cast %get3A_521 : vector<16xf32> to vector<16xf32>
      %get3A_523 = arith.index_cast %add3A_519 : i32 to index
      %get3A_524 = tpu.vector_load %arg12[%get3A_523] {strides = array<i32>} : memref<2592xf32, #tpu.memory_space<vmem>>, vector<16xf32>,
      %get3A_525 = vector.shape_cast %get3A_524 : vector<16xf32> to vector<16xf32>
      %mul3A_526 = arith.mulf %get3A_522, %get3A_525 : vector<16xf32>
      %add3A_527 = arith.addf %add3A_517, %mul3A_526 : vector<16xf32>
      %add3A_528 = arith.constant 2016 : i32
      %add3A_529 = arith.addi %add3A_528, %mul3A_460 : i32
      %get3A_530 = arith.index_cast %add3A_529 : i32 to index
      %get3A_531 = tpu.vector_load %arg14[%get3A_530] {strides = array<i32>} : memref<2592xf32, #tpu.memory_space<vmem>>, vector<16xf32>,
      %get3A_532 = vector.shape_cast %get3A_531 : vector<16xf32> to vector<16xf32>
      %get3A_533 = arith.index_cast %add3A_529 : i32 to index
      %get3A_534 = tpu.vector_load %arg12[%get3A_533] {strides = array<i32>} : memref<2592xf32, #tpu.memory_space<vmem>>, vector<16xf32>,
      %get3A_535 = vector.shape_cast %get3A_534 : vector<16xf32> to vector<16xf32>
      %mul3A_536 = arith.mulf %get3A_532, %get3A_535 : vector<16xf32>
      %add3A_537 = arith.addf %add3A_527, %mul3A_536 : vector<16xf32>
      %add3A_538 = arith.constant 2304 : i32
      %add3A_539 = arith.addi %add3A_538, %mul3A_460 : i32
      %get3A_540 = arith.index_cast %add3A_539 : i32 to index
      %get3A_541 = tpu.vector_load %arg14[%get3A_540] {strides = array<i32>} : memref<2592xf32, #tpu.memory_space<vmem>>, vector<16xf32>,
      %get3A_542 = vector.shape_cast %get3A_541 : vector<16xf32> to vector<16xf32>
      %get3A_543 = arith.index_cast %add3A_539 : i32 to index
      %get3A_544 = tpu.vector_load %arg12[%get3A_543] {strides = array<i32>} : memref<2592xf32, #tpu.memory_space<vmem>>, vector<16xf32>,
      %get3A_545 = vector.shape_cast %get3A_544 : vector<16xf32> to vector<16xf32>
      %mul3A_546 = arith.mulf %get3A_542, %get3A_545 : vector<16xf32>
      %add3A_547 = arith.addf %add3A_537, %mul3A_546 : vector<16xf32>
      %swap3A = arith.index_cast %mul3A_460 : i32 to index
      %swap3A_548 = tpu.vector_load %arg15[%swap3A] {strides = array<i32>} : memref<288xf32, #tpu.memory_space<vmem>>, vector<16xf32>,
      %swap3A_549 = vector.shape_cast %swap3A_548 : vector<16xf32> to vector<16xf32>
      %swap3A_550 = vector.shape_cast %add3A_547 : vector<16xf32> to vector<16xf32>
      tpu.vector_store %arg15[%swap3A], %swap3A_550 {strides = array<i32>} : memref<288xf32, #tpu.memory_space<vmem>>, vector<16xf32>,
    }
    %scan3A_205 = arith.constant 18 : i32
    %mul3A_206 = arith.constant 288 : i32
    %mul3A_207 = arith.muli %add3A, %mul3A_206 : i32
    %add3A_208 = arith.constant 82944 : i32
    %add3A_209 = arith.addi %add3A_208, %mul3A_207 : i32
    "tpu.region"() ({
      %run_scoped3A = tpu.sem_alloc : memref<!tpu.dma_semaphore, #tpu.memory_space<semaphore_mem>>
      %dma_start3A_458 = tpu.memref_slice %arg7[%add3A_209] : memref<221184xf32, #tpu.memory_space<hbm>> -> memref<288xf32, #tpu.memory_space<hbm>>
      %dma_start3A_459 = tpu.memref_slice %arg7[%add3A_209] : memref<221184xf32, #tpu.memory_space<hbm>> -> memref<288xf32, #tpu.memory_space<hbm>>
      tpu.enqueue_dma source(%arg15 : memref<288xf32, #tpu.memory_space<vmem>>) target(%dma_start3A_459 : memref<288xf32, #tpu.memory_space<hbm>>) target_semaphore(%run_scoped3A : memref<!tpu.dma_semaphore, #tpu.memory_space<semaphore_mem>>)
      %dma_wait3A_460 = tpu.memref_slice %arg7[%add3A_209] : memref<221184xf32, #tpu.memory_space<hbm>> -> memref<288xf32, #tpu.memory_space<hbm>>
      %dma_wait3A_461 = tpu.memref_slice %arg7[%add3A_209] : memref<221184xf32, #tpu.memory_space<hbm>> -> memref<288xf32, #tpu.memory_space<hbm>>
      tpu.wait_dma2 semaphore(%run_scoped3A : memref<!tpu.dma_semaphore, #tpu.memory_space<semaphore_mem>>) src(%arg15 : memref<288xf32, #tpu.memory_space<vmem>>) dst(%dma_wait3A_461 : memref<288xf32, #tpu.memory_space<hbm>>)
      tpu.yield
    }) : () -> ()
    %dma_start3A_210 = arith.constant 2883584 : i32
    %dma_start3A_211 = tpu.memref_slice %arg2[%dma_start3A_210] : memref<6291456xf32, #tpu.memory_space<hbm>> -> memref<262144xf32, #tpu.memory_space<hbm>>
    %dma_start3A_212 = arith.constant 0 : i32
    %dma_start3A_213 = tpu.memref_slice %dma_start3A_211[%dma_start3A_212] : memref<262144xf32, #tpu.memory_space<hbm>> -> memref<262144xf32, #tpu.memory_space<hbm>>
    tpu.enqueue_indirect_dma source(%dma_start3A_213 : memref<262144xf32, #tpu.memory_space<hbm>>) target(%arg14 : memref<2592xf32, #tpu.memory_space<vmem>>) offsets(%arg11 : memref<2592xi32, #tpu.memory_space<vmem>>) semaphore(%arg18 : memref<!tpu.dma_semaphore, #tpu.memory_space<semaphore_mem>>)
    %dma_wait3A_214 = arith.constant 2621440 : i32
    %dma_wait3A_215 = tpu.memref_slice %arg2[%dma_wait3A_214] : memref<6291456xf32, #tpu.memory_space<hbm>> -> memref<262144xf32, #tpu.memory_space<hbm>>
    %dma_wait3A_216 = arith.constant 0 : i32
    %dma_wait3A_217 = tpu.memref_slice %dma_wait3A_215[%dma_wait3A_216] : memref<262144xf32, #tpu.memory_space<hbm>> -> memref<262144xf32, #tpu.memory_space<hbm>>
    tpu.wait_indirect_dma semaphore(%arg17 : memref<!tpu.dma_semaphore, #tpu.memory_space<semaphore_mem>>) src(%dma_wait3A_217 : memref<262144xf32, #tpu.memory_space<hbm>>) dst(%arg13 : memref<2592xf32, #tpu.memory_space<vmem>>)
    %scan3A_218 = arith.constant 0 : i32
    %scan3A_219 = arith.constant 0 : i32
    %scan3A_220 = arith.constant 18 : i32
    %scan3A_221 = arith.addi %scan3A_219, %scan3A_220 : i32
    %scan3A_222 = arith.constant 1 : i32
    scf.for %scan3A_458 = %scan3A_219 to %scan3A_221 step %scan3A_222  : i32 {
      %mul3A_459 = arith.constant 16 : i32
      %mul3A_460 = arith.muli %scan3A_458, %mul3A_459 : i32
      %get3A_461 = arith.index_cast %mul3A_460 : i32 to index
      %get3A_462 = tpu.vector_load %arg13[%get3A_461] {strides = array<i32>} : memref<2592xf32, #tpu.memory_space<vmem>>, vector<16xf32>,
      %get3A_463 = vector.shape_cast %get3A_462 : vector<16xf32> to vector<16xf32>
      %get3A_464 = arith.index_cast %mul3A_460 : i32 to index
      %get3A_465 = tpu.vector_load %arg12[%get3A_464] {strides = array<i32>} : memref<2592xf32, #tpu.memory_space<vmem>>, vector<16xf32>,
      %get3A_466 = vector.shape_cast %get3A_465 : vector<16xf32> to vector<16xf32>
      %mul3A_467 = arith.mulf %get3A_463, %get3A_466 : vector<16xf32>
      %add3A_468 = arith.constant 288 : i32
      %add3A_469 = arith.addi %add3A_468, %mul3A_460 : i32
      %get3A_470 = arith.index_cast %add3A_469 : i32 to index
      %get3A_471 = tpu.vector_load %arg13[%get3A_470] {strides = array<i32>} : memref<2592xf32, #tpu.memory_space<vmem>>, vector<16xf32>,
      %get3A_472 = vector.shape_cast %get3A_471 : vector<16xf32> to vector<16xf32>
      %get3A_473 = arith.index_cast %add3A_469 : i32 to index
      %get3A_474 = tpu.vector_load %arg12[%get3A_473] {strides = array<i32>} : memref<2592xf32, #tpu.memory_space<vmem>>, vector<16xf32>,
      %get3A_475 = vector.shape_cast %get3A_474 : vector<16xf32> to vector<16xf32>
      %mul3A_476 = arith.mulf %get3A_472, %get3A_475 : vector<16xf32>
      %add3A_477 = arith.addf %mul3A_467, %mul3A_476 : vector<16xf32>
      %add3A_478 = arith.constant 576 : i32
      %add3A_479 = arith.addi %add3A_478, %mul3A_460 : i32
      %get3A_480 = arith.index_cast %add3A_479 : i32 to index
      %get3A_481 = tpu.vector_load %arg13[%get3A_480] {strides = array<i32>} : memref<2592xf32, #tpu.memory_space<vmem>>, vector<16xf32>,
      %get3A_482 = vector.shape_cast %get3A_481 : vector<16xf32> to vector<16xf32>
      %get3A_483 = arith.index_cast %add3A_479 : i32 to index
      %get3A_484 = tpu.vector_load %arg12[%get3A_483] {strides = array<i32>} : memref<2592xf32, #tpu.memory_space<vmem>>, vector<16xf32>,
      %get3A_485 = vector.shape_cast %get3A_484 : vector<16xf32> to vector<16xf32>
      %mul3A_486 = arith.mulf %get3A_482, %get3A_485 : vector<16xf32>
      %add3A_487 = arith.addf %add3A_477, %mul3A_486 : vector<16xf32>
      %add3A_488 = arith.constant 864 : i32
      %add3A_489 = arith.addi %add3A_488, %mul3A_460 : i32
      %get3A_490 = arith.index_cast %add3A_489 : i32 to index
      %get3A_491 = tpu.vector_load %arg13[%get3A_490] {strides = array<i32>} : memref<2592xf32, #tpu.memory_space<vmem>>, vector<16xf32>,
      %get3A_492 = vector.shape_cast %get3A_491 : vector<16xf32> to vector<16xf32>
      %get3A_493 = arith.index_cast %add3A_489 : i32 to index
      %get3A_494 = tpu.vector_load %arg12[%get3A_493] {strides = array<i32>} : memref<2592xf32, #tpu.memory_space<vmem>>, vector<16xf32>,
      %get3A_495 = vector.shape_cast %get3A_494 : vector<16xf32> to vector<16xf32>
      %mul3A_496 = arith.mulf %get3A_492, %get3A_495 : vector<16xf32>
      %add3A_497 = arith.addf %add3A_487, %mul3A_496 : vector<16xf32>
      %add3A_498 = arith.constant 1152 : i32
      %add3A_499 = arith.addi %add3A_498, %mul3A_460 : i32
      %get3A_500 = arith.index_cast %add3A_499 : i32 to index
      %get3A_501 = tpu.vector_load %arg13[%get3A_500] {strides = array<i32>} : memref<2592xf32, #tpu.memory_space<vmem>>, vector<16xf32>,
      %get3A_502 = vector.shape_cast %get3A_501 : vector<16xf32> to vector<16xf32>
      %get3A_503 = arith.index_cast %add3A_499 : i32 to index
      %get3A_504 = tpu.vector_load %arg12[%get3A_503] {strides = array<i32>} : memref<2592xf32, #tpu.memory_space<vmem>>, vector<16xf32>,
      %get3A_505 = vector.shape_cast %get3A_504 : vector<16xf32> to vector<16xf32>
      %mul3A_506 = arith.mulf %get3A_502, %get3A_505 : vector<16xf32>
      %add3A_507 = arith.addf %add3A_497, %mul3A_506 : vector<16xf32>
      %add3A_508 = arith.constant 1440 : i32
      %add3A_509 = arith.addi %add3A_508, %mul3A_460 : i32
      %get3A_510 = arith.index_cast %add3A_509 : i32 to index
      %get3A_511 = tpu.vector_load %arg13[%get3A_510] {strides = array<i32>} : memref<2592xf32, #tpu.memory_space<vmem>>, vector<16xf32>,
      %get3A_512 = vector.shape_cast %get3A_511 : vector<16xf32> to vector<16xf32>
      %get3A_513 = arith.index_cast %add3A_509 : i32 to index
      %get3A_514 = tpu.vector_load %arg12[%get3A_513] {strides = array<i32>} : memref<2592xf32, #tpu.memory_space<vmem>>, vector<16xf32>,
      %get3A_515 = vector.shape_cast %get3A_514 : vector<16xf32> to vector<16xf32>
      %mul3A_516 = arith.mulf %get3A_512, %get3A_515 : vector<16xf32>
      %add3A_517 = arith.addf %add3A_507, %mul3A_516 : vector<16xf32>
      %add3A_518 = arith.constant 1728 : i32
      %add3A_519 = arith.addi %add3A_518, %mul3A_460 : i32
      %get3A_520 = arith.index_cast %add3A_519 : i32 to index
      %get3A_521 = tpu.vector_load %arg13[%get3A_520] {strides = array<i32>} : memref<2592xf32, #tpu.memory_space<vmem>>, vector<16xf32>,
      %get3A_522 = vector.shape_cast %get3A_521 : vector<16xf32> to vector<16xf32>
      %get3A_523 = arith.index_cast %add3A_519 : i32 to index
      %get3A_524 = tpu.vector_load %arg12[%get3A_523] {strides = array<i32>} : memref<2592xf32, #tpu.memory_space<vmem>>, vector<16xf32>,
      %get3A_525 = vector.shape_cast %get3A_524 : vector<16xf32> to vector<16xf32>
      %mul3A_526 = arith.mulf %get3A_522, %get3A_525 : vector<16xf32>
      %add3A_527 = arith.addf %add3A_517, %mul3A_526 : vector<16xf32>
      %add3A_528 = arith.constant 2016 : i32
      %add3A_529 = arith.addi %add3A_528, %mul3A_460 : i32
      %get3A_530 = arith.index_cast %add3A_529 : i32 to index
      %get3A_531 = tpu.vector_load %arg13[%get3A_530] {strides = array<i32>} : memref<2592xf32, #tpu.memory_space<vmem>>, vector<16xf32>,
      %get3A_532 = vector.shape_cast %get3A_531 : vector<16xf32> to vector<16xf32>
      %get3A_533 = arith.index_cast %add3A_529 : i32 to index
      %get3A_534 = tpu.vector_load %arg12[%get3A_533] {strides = array<i32>} : memref<2592xf32, #tpu.memory_space<vmem>>, vector<16xf32>,
      %get3A_535 = vector.shape_cast %get3A_534 : vector<16xf32> to vector<16xf32>
      %mul3A_536 = arith.mulf %get3A_532, %get3A_535 : vector<16xf32>
      %add3A_537 = arith.addf %add3A_527, %mul3A_536 : vector<16xf32>
      %add3A_538 = arith.constant 2304 : i32
      %add3A_539 = arith.addi %add3A_538, %mul3A_460 : i32
      %get3A_540 = arith.index_cast %add3A_539 : i32 to index
      %get3A_541 = tpu.vector_load %arg13[%get3A_540] {strides = array<i32>} : memref<2592xf32, #tpu.memory_space<vmem>>, vector<16xf32>,
      %get3A_542 = vector.shape_cast %get3A_541 : vector<16xf32> to vector<16xf32>
      %get3A_543 = arith.index_cast %add3A_539 : i32 to index
      %get3A_544 = tpu.vector_load %arg12[%get3A_543] {strides = array<i32>} : memref<2592xf32, #tpu.memory_space<vmem>>, vector<16xf32>,
      %get3A_545 = vector.shape_cast %get3A_544 : vector<16xf32> to vector<16xf32>
      %mul3A_546 = arith.mulf %get3A_542, %get3A_545 : vector<16xf32>
      %add3A_547 = arith.addf %add3A_537, %mul3A_546 : vector<16xf32>
      %swap3A = arith.index_cast %mul3A_460 : i32 to index
      %swap3A_548 = tpu.vector_load %arg15[%swap3A] {strides = array<i32>} : memref<288xf32, #tpu.memory_space<vmem>>, vector<16xf32>,
      %swap3A_549 = vector.shape_cast %swap3A_548 : vector<16xf32> to vector<16xf32>
      %swap3A_550 = vector.shape_cast %add3A_547 : vector<16xf32> to vector<16xf32>
      tpu.vector_store %arg15[%swap3A], %swap3A_550 {strides = array<i32>} : memref<288xf32, #tpu.memory_space<vmem>>, vector<16xf32>,
    }
    %scan3A_223 = arith.constant 18 : i32
    %mul3A_224 = arith.constant 288 : i32
    %mul3A_225 = arith.muli %add3A, %mul3A_224 : i32
    %add3A_226 = arith.constant 92160 : i32
    %add3A_227 = arith.addi %add3A_226, %mul3A_225 : i32
    "tpu.region"() ({
      %run_scoped3A = tpu.sem_alloc : memref<!tpu.dma_semaphore, #tpu.memory_space<semaphore_mem>>
      %dma_start3A_458 = tpu.memref_slice %arg7[%add3A_227] : memref<221184xf32, #tpu.memory_space<hbm>> -> memref<288xf32, #tpu.memory_space<hbm>>
      %dma_start3A_459 = tpu.memref_slice %arg7[%add3A_227] : memref<221184xf32, #tpu.memory_space<hbm>> -> memref<288xf32, #tpu.memory_space<hbm>>
      tpu.enqueue_dma source(%arg15 : memref<288xf32, #tpu.memory_space<vmem>>) target(%dma_start3A_459 : memref<288xf32, #tpu.memory_space<hbm>>) target_semaphore(%run_scoped3A : memref<!tpu.dma_semaphore, #tpu.memory_space<semaphore_mem>>)
      %dma_wait3A_460 = tpu.memref_slice %arg7[%add3A_227] : memref<221184xf32, #tpu.memory_space<hbm>> -> memref<288xf32, #tpu.memory_space<hbm>>
      %dma_wait3A_461 = tpu.memref_slice %arg7[%add3A_227] : memref<221184xf32, #tpu.memory_space<hbm>> -> memref<288xf32, #tpu.memory_space<hbm>>
      tpu.wait_dma2 semaphore(%run_scoped3A : memref<!tpu.dma_semaphore, #tpu.memory_space<semaphore_mem>>) src(%arg15 : memref<288xf32, #tpu.memory_space<vmem>>) dst(%dma_wait3A_461 : memref<288xf32, #tpu.memory_space<hbm>>)
      tpu.yield
    }) : () -> ()
    %dma_start3A_228 = arith.constant 3145728 : i32
    %dma_start3A_229 = tpu.memref_slice %arg2[%dma_start3A_228] : memref<6291456xf32, #tpu.memory_space<hbm>> -> memref<262144xf32, #tpu.memory_space<hbm>>
    %dma_start3A_230 = arith.constant 0 : i32
    %dma_start3A_231 = tpu.memref_slice %dma_start3A_229[%dma_start3A_230] : memref<262144xf32, #tpu.memory_space<hbm>> -> memref<262144xf32, #tpu.memory_space<hbm>>
    tpu.enqueue_indirect_dma source(%dma_start3A_231 : memref<262144xf32, #tpu.memory_space<hbm>>) target(%arg13 : memref<2592xf32, #tpu.memory_space<vmem>>) offsets(%arg11 : memref<2592xi32, #tpu.memory_space<vmem>>) semaphore(%arg17 : memref<!tpu.dma_semaphore, #tpu.memory_space<semaphore_mem>>)
    %dma_wait3A_232 = arith.constant 2883584 : i32
    %dma_wait3A_233 = tpu.memref_slice %arg2[%dma_wait3A_232] : memref<6291456xf32, #tpu.memory_space<hbm>> -> memref<262144xf32, #tpu.memory_space<hbm>>
    %dma_wait3A_234 = arith.constant 0 : i32
    %dma_wait3A_235 = tpu.memref_slice %dma_wait3A_233[%dma_wait3A_234] : memref<262144xf32, #tpu.memory_space<hbm>> -> memref<262144xf32, #tpu.memory_space<hbm>>
    tpu.wait_indirect_dma semaphore(%arg18 : memref<!tpu.dma_semaphore, #tpu.memory_space<semaphore_mem>>) src(%dma_wait3A_235 : memref<262144xf32, #tpu.memory_space<hbm>>) dst(%arg14 : memref<2592xf32, #tpu.memory_space<vmem>>)
    %scan3A_236 = arith.constant 0 : i32
    %scan3A_237 = arith.constant 0 : i32
    %scan3A_238 = arith.constant 18 : i32
    %scan3A_239 = arith.addi %scan3A_237, %scan3A_238 : i32
    %scan3A_240 = arith.constant 1 : i32
    scf.for %scan3A_458 = %scan3A_237 to %scan3A_239 step %scan3A_240  : i32 {
      %mul3A_459 = arith.constant 16 : i32
      %mul3A_460 = arith.muli %scan3A_458, %mul3A_459 : i32
      %get3A_461 = arith.index_cast %mul3A_460 : i32 to index
      %get3A_462 = tpu.vector_load %arg14[%get3A_461] {strides = array<i32>} : memref<2592xf32, #tpu.memory_space<vmem>>, vector<16xf32>,
      %get3A_463 = vector.shape_cast %get3A_462 : vector<16xf32> to vector<16xf32>
      %get3A_464 = arith.index_cast %mul3A_460 : i32 to index
      %get3A_465 = tpu.vector_load %arg12[%get3A_464] {strides = array<i32>} : memref<2592xf32, #tpu.memory_space<vmem>>, vector<16xf32>,
      %get3A_466 = vector.shape_cast %get3A_465 : vector<16xf32> to vector<16xf32>
      %mul3A_467 = arith.mulf %get3A_463, %get3A_466 : vector<16xf32>
      %add3A_468 = arith.constant 288 : i32
      %add3A_469 = arith.addi %add3A_468, %mul3A_460 : i32
      %get3A_470 = arith.index_cast %add3A_469 : i32 to index
      %get3A_471 = tpu.vector_load %arg14[%get3A_470] {strides = array<i32>} : memref<2592xf32, #tpu.memory_space<vmem>>, vector<16xf32>,
      %get3A_472 = vector.shape_cast %get3A_471 : vector<16xf32> to vector<16xf32>
      %get3A_473 = arith.index_cast %add3A_469 : i32 to index
      %get3A_474 = tpu.vector_load %arg12[%get3A_473] {strides = array<i32>} : memref<2592xf32, #tpu.memory_space<vmem>>, vector<16xf32>,
      %get3A_475 = vector.shape_cast %get3A_474 : vector<16xf32> to vector<16xf32>
      %mul3A_476 = arith.mulf %get3A_472, %get3A_475 : vector<16xf32>
      %add3A_477 = arith.addf %mul3A_467, %mul3A_476 : vector<16xf32>
      %add3A_478 = arith.constant 576 : i32
      %add3A_479 = arith.addi %add3A_478, %mul3A_460 : i32
      %get3A_480 = arith.index_cast %add3A_479 : i32 to index
      %get3A_481 = tpu.vector_load %arg14[%get3A_480] {strides = array<i32>} : memref<2592xf32, #tpu.memory_space<vmem>>, vector<16xf32>,
      %get3A_482 = vector.shape_cast %get3A_481 : vector<16xf32> to vector<16xf32>
      %get3A_483 = arith.index_cast %add3A_479 : i32 to index
      %get3A_484 = tpu.vector_load %arg12[%get3A_483] {strides = array<i32>} : memref<2592xf32, #tpu.memory_space<vmem>>, vector<16xf32>,
      %get3A_485 = vector.shape_cast %get3A_484 : vector<16xf32> to vector<16xf32>
      %mul3A_486 = arith.mulf %get3A_482, %get3A_485 : vector<16xf32>
      %add3A_487 = arith.addf %add3A_477, %mul3A_486 : vector<16xf32>
      %add3A_488 = arith.constant 864 : i32
      %add3A_489 = arith.addi %add3A_488, %mul3A_460 : i32
      %get3A_490 = arith.index_cast %add3A_489 : i32 to index
      %get3A_491 = tpu.vector_load %arg14[%get3A_490] {strides = array<i32>} : memref<2592xf32, #tpu.memory_space<vmem>>, vector<16xf32>,
      %get3A_492 = vector.shape_cast %get3A_491 : vector<16xf32> to vector<16xf32>
      %get3A_493 = arith.index_cast %add3A_489 : i32 to index
      %get3A_494 = tpu.vector_load %arg12[%get3A_493] {strides = array<i32>} : memref<2592xf32, #tpu.memory_space<vmem>>, vector<16xf32>,
      %get3A_495 = vector.shape_cast %get3A_494 : vector<16xf32> to vector<16xf32>
      %mul3A_496 = arith.mulf %get3A_492, %get3A_495 : vector<16xf32>
      %add3A_497 = arith.addf %add3A_487, %mul3A_496 : vector<16xf32>
      %add3A_498 = arith.constant 1152 : i32
      %add3A_499 = arith.addi %add3A_498, %mul3A_460 : i32
      %get3A_500 = arith.index_cast %add3A_499 : i32 to index
      %get3A_501 = tpu.vector_load %arg14[%get3A_500] {strides = array<i32>} : memref<2592xf32, #tpu.memory_space<vmem>>, vector<16xf32>,
      %get3A_502 = vector.shape_cast %get3A_501 : vector<16xf32> to vector<16xf32>
      %get3A_503 = arith.index_cast %add3A_499 : i32 to index
      %get3A_504 = tpu.vector_load %arg12[%get3A_503] {strides = array<i32>} : memref<2592xf32, #tpu.memory_space<vmem>>, vector<16xf32>,
      %get3A_505 = vector.shape_cast %get3A_504 : vector<16xf32> to vector<16xf32>
      %mul3A_506 = arith.mulf %get3A_502, %get3A_505 : vector<16xf32>
      %add3A_507 = arith.addf %add3A_497, %mul3A_506 : vector<16xf32>
      %add3A_508 = arith.constant 1440 : i32
      %add3A_509 = arith.addi %add3A_508, %mul3A_460 : i32
      %get3A_510 = arith.index_cast %add3A_509 : i32 to index
      %get3A_511 = tpu.vector_load %arg14[%get3A_510] {strides = array<i32>} : memref<2592xf32, #tpu.memory_space<vmem>>, vector<16xf32>,
      %get3A_512 = vector.shape_cast %get3A_511 : vector<16xf32> to vector<16xf32>
      %get3A_513 = arith.index_cast %add3A_509 : i32 to index
      %get3A_514 = tpu.vector_load %arg12[%get3A_513] {strides = array<i32>} : memref<2592xf32, #tpu.memory_space<vmem>>, vector<16xf32>,
      %get3A_515 = vector.shape_cast %get3A_514 : vector<16xf32> to vector<16xf32>
      %mul3A_516 = arith.mulf %get3A_512, %get3A_515 : vector<16xf32>
      %add3A_517 = arith.addf %add3A_507, %mul3A_516 : vector<16xf32>
      %add3A_518 = arith.constant 1728 : i32
      %add3A_519 = arith.addi %add3A_518, %mul3A_460 : i32
      %get3A_520 = arith.index_cast %add3A_519 : i32 to index
      %get3A_521 = tpu.vector_load %arg14[%get3A_520] {strides = array<i32>} : memref<2592xf32, #tpu.memory_space<vmem>>, vector<16xf32>,
      %get3A_522 = vector.shape_cast %get3A_521 : vector<16xf32> to vector<16xf32>
      %get3A_523 = arith.index_cast %add3A_519 : i32 to index
      %get3A_524 = tpu.vector_load %arg12[%get3A_523] {strides = array<i32>} : memref<2592xf32, #tpu.memory_space<vmem>>, vector<16xf32>,
      %get3A_525 = vector.shape_cast %get3A_524 : vector<16xf32> to vector<16xf32>
      %mul3A_526 = arith.mulf %get3A_522, %get3A_525 : vector<16xf32>
      %add3A_527 = arith.addf %add3A_517, %mul3A_526 : vector<16xf32>
      %add3A_528 = arith.constant 2016 : i32
      %add3A_529 = arith.addi %add3A_528, %mul3A_460 : i32
      %get3A_530 = arith.index_cast %add3A_529 : i32 to index
      %get3A_531 = tpu.vector_load %arg14[%get3A_530] {strides = array<i32>} : memref<2592xf32, #tpu.memory_space<vmem>>, vector<16xf32>,
      %get3A_532 = vector.shape_cast %get3A_531 : vector<16xf32> to vector<16xf32>
      %get3A_533 = arith.index_cast %add3A_529 : i32 to index
      %get3A_534 = tpu.vector_load %arg12[%get3A_533] {strides = array<i32>} : memref<2592xf32, #tpu.memory_space<vmem>>, vector<16xf32>,
      %get3A_535 = vector.shape_cast %get3A_534 : vector<16xf32> to vector<16xf32>
      %mul3A_536 = arith.mulf %get3A_532, %get3A_535 : vector<16xf32>
      %add3A_537 = arith.addf %add3A_527, %mul3A_536 : vector<16xf32>
      %add3A_538 = arith.constant 2304 : i32
      %add3A_539 = arith.addi %add3A_538, %mul3A_460 : i32
      %get3A_540 = arith.index_cast %add3A_539 : i32 to index
      %get3A_541 = tpu.vector_load %arg14[%get3A_540] {strides = array<i32>} : memref<2592xf32, #tpu.memory_space<vmem>>, vector<16xf32>,
      %get3A_542 = vector.shape_cast %get3A_541 : vector<16xf32> to vector<16xf32>
      %get3A_543 = arith.index_cast %add3A_539 : i32 to index
      %get3A_544 = tpu.vector_load %arg12[%get3A_543] {strides = array<i32>} : memref<2592xf32, #tpu.memory_space<vmem>>, vector<16xf32>,
      %get3A_545 = vector.shape_cast %get3A_544 : vector<16xf32> to vector<16xf32>
      %mul3A_546 = arith.mulf %get3A_542, %get3A_545 : vector<16xf32>
      %add3A_547 = arith.addf %add3A_537, %mul3A_546 : vector<16xf32>
      %swap3A = arith.index_cast %mul3A_460 : i32 to index
      %swap3A_548 = tpu.vector_load %arg15[%swap3A] {strides = array<i32>} : memref<288xf32, #tpu.memory_space<vmem>>, vector<16xf32>,
      %swap3A_549 = vector.shape_cast %swap3A_548 : vector<16xf32> to vector<16xf32>
      %swap3A_550 = vector.shape_cast %add3A_547 : vector<16xf32> to vector<16xf32>
      tpu.vector_store %arg15[%swap3A], %swap3A_550 {strides = array<i32>} : memref<288xf32, #tpu.memory_space<vmem>>, vector<16xf32>,
    }
    %scan3A_241 = arith.constant 18 : i32
    %mul3A_242 = arith.constant 288 : i32
    %mul3A_243 = arith.muli %add3A, %mul3A_242 : i32
    %add3A_244 = arith.constant 101376 : i32
    %add3A_245 = arith.addi %add3A_244, %mul3A_243 : i32
    "tpu.region"() ({
      %run_scoped3A = tpu.sem_alloc : memref<!tpu.dma_semaphore, #tpu.memory_space<semaphore_mem>>
      %dma_start3A_458 = tpu.memref_slice %arg7[%add3A_245] : memref<221184xf32, #tpu.memory_space<hbm>> -> memref<288xf32, #tpu.memory_space<hbm>>
      %dma_start3A_459 = tpu.memref_slice %arg7[%add3A_245] : memref<221184xf32, #tpu.memory_space<hbm>> -> memref<288xf32, #tpu.memory_space<hbm>>
      tpu.enqueue_dma source(%arg15 : memref<288xf32, #tpu.memory_space<vmem>>) target(%dma_start3A_459 : memref<288xf32, #tpu.memory_space<hbm>>) target_semaphore(%run_scoped3A : memref<!tpu.dma_semaphore, #tpu.memory_space<semaphore_mem>>)
      %dma_wait3A_460 = tpu.memref_slice %arg7[%add3A_245] : memref<221184xf32, #tpu.memory_space<hbm>> -> memref<288xf32, #tpu.memory_space<hbm>>
      %dma_wait3A_461 = tpu.memref_slice %arg7[%add3A_245] : memref<221184xf32, #tpu.memory_space<hbm>> -> memref<288xf32, #tpu.memory_space<hbm>>
      tpu.wait_dma2 semaphore(%run_scoped3A : memref<!tpu.dma_semaphore, #tpu.memory_space<semaphore_mem>>) src(%arg15 : memref<288xf32, #tpu.memory_space<vmem>>) dst(%dma_wait3A_461 : memref<288xf32, #tpu.memory_space<hbm>>)
      tpu.yield
    }) : () -> ()
    %dma_start3A_246 = arith.constant 3407872 : i32
    %dma_start3A_247 = tpu.memref_slice %arg2[%dma_start3A_246] : memref<6291456xf32, #tpu.memory_space<hbm>> -> memref<262144xf32, #tpu.memory_space<hbm>>
    %dma_start3A_248 = arith.constant 0 : i32
    %dma_start3A_249 = tpu.memref_slice %dma_start3A_247[%dma_start3A_248] : memref<262144xf32, #tpu.memory_space<hbm>> -> memref<262144xf32, #tpu.memory_space<hbm>>
    tpu.enqueue_indirect_dma source(%dma_start3A_249 : memref<262144xf32, #tpu.memory_space<hbm>>) target(%arg14 : memref<2592xf32, #tpu.memory_space<vmem>>) offsets(%arg11 : memref<2592xi32, #tpu.memory_space<vmem>>) semaphore(%arg18 : memref<!tpu.dma_semaphore, #tpu.memory_space<semaphore_mem>>)
    %dma_wait3A_250 = arith.constant 3145728 : i32
    %dma_wait3A_251 = tpu.memref_slice %arg2[%dma_wait3A_250] : memref<6291456xf32, #tpu.memory_space<hbm>> -> memref<262144xf32, #tpu.memory_space<hbm>>
    %dma_wait3A_252 = arith.constant 0 : i32
    %dma_wait3A_253 = tpu.memref_slice %dma_wait3A_251[%dma_wait3A_252] : memref<262144xf32, #tpu.memory_space<hbm>> -> memref<262144xf32, #tpu.memory_space<hbm>>
    tpu.wait_indirect_dma semaphore(%arg17 : memref<!tpu.dma_semaphore, #tpu.memory_space<semaphore_mem>>) src(%dma_wait3A_253 : memref<262144xf32, #tpu.memory_space<hbm>>) dst(%arg13 : memref<2592xf32, #tpu.memory_space<vmem>>)
    %scan3A_254 = arith.constant 0 : i32
    %scan3A_255 = arith.constant 0 : i32
    %scan3A_256 = arith.constant 18 : i32
    %scan3A_257 = arith.addi %scan3A_255, %scan3A_256 : i32
    %scan3A_258 = arith.constant 1 : i32
    scf.for %scan3A_458 = %scan3A_255 to %scan3A_257 step %scan3A_258  : i32 {
      %mul3A_459 = arith.constant 16 : i32
      %mul3A_460 = arith.muli %scan3A_458, %mul3A_459 : i32
      %get3A_461 = arith.index_cast %mul3A_460 : i32 to index
      %get3A_462 = tpu.vector_load %arg13[%get3A_461] {strides = array<i32>} : memref<2592xf32, #tpu.memory_space<vmem>>, vector<16xf32>,
      %get3A_463 = vector.shape_cast %get3A_462 : vector<16xf32> to vector<16xf32>
      %get3A_464 = arith.index_cast %mul3A_460 : i32 to index
      %get3A_465 = tpu.vector_load %arg12[%get3A_464] {strides = array<i32>} : memref<2592xf32, #tpu.memory_space<vmem>>, vector<16xf32>,
      %get3A_466 = vector.shape_cast %get3A_465 : vector<16xf32> to vector<16xf32>
      %mul3A_467 = arith.mulf %get3A_463, %get3A_466 : vector<16xf32>
      %add3A_468 = arith.constant 288 : i32
      %add3A_469 = arith.addi %add3A_468, %mul3A_460 : i32
      %get3A_470 = arith.index_cast %add3A_469 : i32 to index
      %get3A_471 = tpu.vector_load %arg13[%get3A_470] {strides = array<i32>} : memref<2592xf32, #tpu.memory_space<vmem>>, vector<16xf32>,
      %get3A_472 = vector.shape_cast %get3A_471 : vector<16xf32> to vector<16xf32>
      %get3A_473 = arith.index_cast %add3A_469 : i32 to index
      %get3A_474 = tpu.vector_load %arg12[%get3A_473] {strides = array<i32>} : memref<2592xf32, #tpu.memory_space<vmem>>, vector<16xf32>,
      %get3A_475 = vector.shape_cast %get3A_474 : vector<16xf32> to vector<16xf32>
      %mul3A_476 = arith.mulf %get3A_472, %get3A_475 : vector<16xf32>
      %add3A_477 = arith.addf %mul3A_467, %mul3A_476 : vector<16xf32>
      %add3A_478 = arith.constant 576 : i32
      %add3A_479 = arith.addi %add3A_478, %mul3A_460 : i32
      %get3A_480 = arith.index_cast %add3A_479 : i32 to index
      %get3A_481 = tpu.vector_load %arg13[%get3A_480] {strides = array<i32>} : memref<2592xf32, #tpu.memory_space<vmem>>, vector<16xf32>,
      %get3A_482 = vector.shape_cast %get3A_481 : vector<16xf32> to vector<16xf32>
      %get3A_483 = arith.index_cast %add3A_479 : i32 to index
      %get3A_484 = tpu.vector_load %arg12[%get3A_483] {strides = array<i32>} : memref<2592xf32, #tpu.memory_space<vmem>>, vector<16xf32>,
      %get3A_485 = vector.shape_cast %get3A_484 : vector<16xf32> to vector<16xf32>
      %mul3A_486 = arith.mulf %get3A_482, %get3A_485 : vector<16xf32>
      %add3A_487 = arith.addf %add3A_477, %mul3A_486 : vector<16xf32>
      %add3A_488 = arith.constant 864 : i32
      %add3A_489 = arith.addi %add3A_488, %mul3A_460 : i32
      %get3A_490 = arith.index_cast %add3A_489 : i32 to index
      %get3A_491 = tpu.vector_load %arg13[%get3A_490] {strides = array<i32>} : memref<2592xf32, #tpu.memory_space<vmem>>, vector<16xf32>,
      %get3A_492 = vector.shape_cast %get3A_491 : vector<16xf32> to vector<16xf32>
      %get3A_493 = arith.index_cast %add3A_489 : i32 to index
      %get3A_494 = tpu.vector_load %arg12[%get3A_493] {strides = array<i32>} : memref<2592xf32, #tpu.memory_space<vmem>>, vector<16xf32>,
      %get3A_495 = vector.shape_cast %get3A_494 : vector<16xf32> to vector<16xf32>
      %mul3A_496 = arith.mulf %get3A_492, %get3A_495 : vector<16xf32>
      %add3A_497 = arith.addf %add3A_487, %mul3A_496 : vector<16xf32>
      %add3A_498 = arith.constant 1152 : i32
      %add3A_499 = arith.addi %add3A_498, %mul3A_460 : i32
      %get3A_500 = arith.index_cast %add3A_499 : i32 to index
      %get3A_501 = tpu.vector_load %arg13[%get3A_500] {strides = array<i32>} : memref<2592xf32, #tpu.memory_space<vmem>>, vector<16xf32>,
      %get3A_502 = vector.shape_cast %get3A_501 : vector<16xf32> to vector<16xf32>
      %get3A_503 = arith.index_cast %add3A_499 : i32 to index
      %get3A_504 = tpu.vector_load %arg12[%get3A_503] {strides = array<i32>} : memref<2592xf32, #tpu.memory_space<vmem>>, vector<16xf32>,
      %get3A_505 = vector.shape_cast %get3A_504 : vector<16xf32> to vector<16xf32>
      %mul3A_506 = arith.mulf %get3A_502, %get3A_505 : vector<16xf32>
      %add3A_507 = arith.addf %add3A_497, %mul3A_506 : vector<16xf32>
      %add3A_508 = arith.constant 1440 : i32
      %add3A_509 = arith.addi %add3A_508, %mul3A_460 : i32
      %get3A_510 = arith.index_cast %add3A_509 : i32 to index
      %get3A_511 = tpu.vector_load %arg13[%get3A_510] {strides = array<i32>} : memref<2592xf32, #tpu.memory_space<vmem>>, vector<16xf32>,
      %get3A_512 = vector.shape_cast %get3A_511 : vector<16xf32> to vector<16xf32>
      %get3A_513 = arith.index_cast %add3A_509 : i32 to index
      %get3A_514 = tpu.vector_load %arg12[%get3A_513] {strides = array<i32>} : memref<2592xf32, #tpu.memory_space<vmem>>, vector<16xf32>,
      %get3A_515 = vector.shape_cast %get3A_514 : vector<16xf32> to vector<16xf32>
      %mul3A_516 = arith.mulf %get3A_512, %get3A_515 : vector<16xf32>
      %add3A_517 = arith.addf %add3A_507, %mul3A_516 : vector<16xf32>
      %add3A_518 = arith.constant 1728 : i32
      %add3A_519 = arith.addi %add3A_518, %mul3A_460 : i32
      %get3A_520 = arith.index_cast %add3A_519 : i32 to index
      %get3A_521 = tpu.vector_load %arg13[%get3A_520] {strides = array<i32>} : memref<2592xf32, #tpu.memory_space<vmem>>, vector<16xf32>,
      %get3A_522 = vector.shape_cast %get3A_521 : vector<16xf32> to vector<16xf32>
      %get3A_523 = arith.index_cast %add3A_519 : i32 to index
      %get3A_524 = tpu.vector_load %arg12[%get3A_523] {strides = array<i32>} : memref<2592xf32, #tpu.memory_space<vmem>>, vector<16xf32>,
      %get3A_525 = vector.shape_cast %get3A_524 : vector<16xf32> to vector<16xf32>
      %mul3A_526 = arith.mulf %get3A_522, %get3A_525 : vector<16xf32>
      %add3A_527 = arith.addf %add3A_517, %mul3A_526 : vector<16xf32>
      %add3A_528 = arith.constant 2016 : i32
      %add3A_529 = arith.addi %add3A_528, %mul3A_460 : i32
      %get3A_530 = arith.index_cast %add3A_529 : i32 to index
      %get3A_531 = tpu.vector_load %arg13[%get3A_530] {strides = array<i32>} : memref<2592xf32, #tpu.memory_space<vmem>>, vector<16xf32>,
      %get3A_532 = vector.shape_cast %get3A_531 : vector<16xf32> to vector<16xf32>
      %get3A_533 = arith.index_cast %add3A_529 : i32 to index
      %get3A_534 = tpu.vector_load %arg12[%get3A_533] {strides = array<i32>} : memref<2592xf32, #tpu.memory_space<vmem>>, vector<16xf32>,
      %get3A_535 = vector.shape_cast %get3A_534 : vector<16xf32> to vector<16xf32>
      %mul3A_536 = arith.mulf %get3A_532, %get3A_535 : vector<16xf32>
      %add3A_537 = arith.addf %add3A_527, %mul3A_536 : vector<16xf32>
      %add3A_538 = arith.constant 2304 : i32
      %add3A_539 = arith.addi %add3A_538, %mul3A_460 : i32
      %get3A_540 = arith.index_cast %add3A_539 : i32 to index
      %get3A_541 = tpu.vector_load %arg13[%get3A_540] {strides = array<i32>} : memref<2592xf32, #tpu.memory_space<vmem>>, vector<16xf32>,
      %get3A_542 = vector.shape_cast %get3A_541 : vector<16xf32> to vector<16xf32>
      %get3A_543 = arith.index_cast %add3A_539 : i32 to index
      %get3A_544 = tpu.vector_load %arg12[%get3A_543] {strides = array<i32>} : memref<2592xf32, #tpu.memory_space<vmem>>, vector<16xf32>,
      %get3A_545 = vector.shape_cast %get3A_544 : vector<16xf32> to vector<16xf32>
      %mul3A_546 = arith.mulf %get3A_542, %get3A_545 : vector<16xf32>
      %add3A_547 = arith.addf %add3A_537, %mul3A_546 : vector<16xf32>
      %swap3A = arith.index_cast %mul3A_460 : i32 to index
      %swap3A_548 = tpu.vector_load %arg15[%swap3A] {strides = array<i32>} : memref<288xf32, #tpu.memory_space<vmem>>, vector<16xf32>,
      %swap3A_549 = vector.shape_cast %swap3A_548 : vector<16xf32> to vector<16xf32>
      %swap3A_550 = vector.shape_cast %add3A_547 : vector<16xf32> to vector<16xf32>
      tpu.vector_store %arg15[%swap3A], %swap3A_550 {strides = array<i32>} : memref<288xf32, #tpu.memory_space<vmem>>, vector<16xf32>,
    }
    %scan3A_259 = arith.constant 18 : i32
    %mul3A_260 = arith.constant 288 : i32
    %mul3A_261 = arith.muli %add3A, %mul3A_260 : i32
    %add3A_262 = arith.constant 110592 : i32
    %add3A_263 = arith.addi %add3A_262, %mul3A_261 : i32
    "tpu.region"() ({
      %run_scoped3A = tpu.sem_alloc : memref<!tpu.dma_semaphore, #tpu.memory_space<semaphore_mem>>
      %dma_start3A_458 = tpu.memref_slice %arg7[%add3A_263] : memref<221184xf32, #tpu.memory_space<hbm>> -> memref<288xf32, #tpu.memory_space<hbm>>
      %dma_start3A_459 = tpu.memref_slice %arg7[%add3A_263] : memref<221184xf32, #tpu.memory_space<hbm>> -> memref<288xf32, #tpu.memory_space<hbm>>
      tpu.enqueue_dma source(%arg15 : memref<288xf32, #tpu.memory_space<vmem>>) target(%dma_start3A_459 : memref<288xf32, #tpu.memory_space<hbm>>) target_semaphore(%run_scoped3A : memref<!tpu.dma_semaphore, #tpu.memory_space<semaphore_mem>>)
      %dma_wait3A_460 = tpu.memref_slice %arg7[%add3A_263] : memref<221184xf32, #tpu.memory_space<hbm>> -> memref<288xf32, #tpu.memory_space<hbm>>
      %dma_wait3A_461 = tpu.memref_slice %arg7[%add3A_263] : memref<221184xf32, #tpu.memory_space<hbm>> -> memref<288xf32, #tpu.memory_space<hbm>>
      tpu.wait_dma2 semaphore(%run_scoped3A : memref<!tpu.dma_semaphore, #tpu.memory_space<semaphore_mem>>) src(%arg15 : memref<288xf32, #tpu.memory_space<vmem>>) dst(%dma_wait3A_461 : memref<288xf32, #tpu.memory_space<hbm>>)
      tpu.yield
    }) : () -> ()
    %dma_start3A_264 = arith.constant 3670016 : i32
    %dma_start3A_265 = tpu.memref_slice %arg2[%dma_start3A_264] : memref<6291456xf32, #tpu.memory_space<hbm>> -> memref<262144xf32, #tpu.memory_space<hbm>>
    %dma_start3A_266 = arith.constant 0 : i32
    %dma_start3A_267 = tpu.memref_slice %dma_start3A_265[%dma_start3A_266] : memref<262144xf32, #tpu.memory_space<hbm>> -> memref<262144xf32, #tpu.memory_space<hbm>>
    tpu.enqueue_indirect_dma source(%dma_start3A_267 : memref<262144xf32, #tpu.memory_space<hbm>>) target(%arg13 : memref<2592xf32, #tpu.memory_space<vmem>>) offsets(%arg11 : memref<2592xi32, #tpu.memory_space<vmem>>) semaphore(%arg17 : memref<!tpu.dma_semaphore, #tpu.memory_space<semaphore_mem>>)
    %dma_wait3A_268 = arith.constant 3407872 : i32
    %dma_wait3A_269 = tpu.memref_slice %arg2[%dma_wait3A_268] : memref<6291456xf32, #tpu.memory_space<hbm>> -> memref<262144xf32, #tpu.memory_space<hbm>>
    %dma_wait3A_270 = arith.constant 0 : i32
    %dma_wait3A_271 = tpu.memref_slice %dma_wait3A_269[%dma_wait3A_270] : memref<262144xf32, #tpu.memory_space<hbm>> -> memref<262144xf32, #tpu.memory_space<hbm>>
    tpu.wait_indirect_dma semaphore(%arg18 : memref<!tpu.dma_semaphore, #tpu.memory_space<semaphore_mem>>) src(%dma_wait3A_271 : memref<262144xf32, #tpu.memory_space<hbm>>) dst(%arg14 : memref<2592xf32, #tpu.memory_space<vmem>>)
    %scan3A_272 = arith.constant 0 : i32
    %scan3A_273 = arith.constant 0 : i32
    %scan3A_274 = arith.constant 18 : i32
    %scan3A_275 = arith.addi %scan3A_273, %scan3A_274 : i32
    %scan3A_276 = arith.constant 1 : i32
    scf.for %scan3A_458 = %scan3A_273 to %scan3A_275 step %scan3A_276  : i32 {
      %mul3A_459 = arith.constant 16 : i32
      %mul3A_460 = arith.muli %scan3A_458, %mul3A_459 : i32
      %get3A_461 = arith.index_cast %mul3A_460 : i32 to index
      %get3A_462 = tpu.vector_load %arg14[%get3A_461] {strides = array<i32>} : memref<2592xf32, #tpu.memory_space<vmem>>, vector<16xf32>,
      %get3A_463 = vector.shape_cast %get3A_462 : vector<16xf32> to vector<16xf32>
      %get3A_464 = arith.index_cast %mul3A_460 : i32 to index
      %get3A_465 = tpu.vector_load %arg12[%get3A_464] {strides = array<i32>} : memref<2592xf32, #tpu.memory_space<vmem>>, vector<16xf32>,
      %get3A_466 = vector.shape_cast %get3A_465 : vector<16xf32> to vector<16xf32>
      %mul3A_467 = arith.mulf %get3A_463, %get3A_466 : vector<16xf32>
      %add3A_468 = arith.constant 288 : i32
      %add3A_469 = arith.addi %add3A_468, %mul3A_460 : i32
      %get3A_470 = arith.index_cast %add3A_469 : i32 to index
      %get3A_471 = tpu.vector_load %arg14[%get3A_470] {strides = array<i32>} : memref<2592xf32, #tpu.memory_space<vmem>>, vector<16xf32>,
      %get3A_472 = vector.shape_cast %get3A_471 : vector<16xf32> to vector<16xf32>
      %get3A_473 = arith.index_cast %add3A_469 : i32 to index
      %get3A_474 = tpu.vector_load %arg12[%get3A_473] {strides = array<i32>} : memref<2592xf32, #tpu.memory_space<vmem>>, vector<16xf32>,
      %get3A_475 = vector.shape_cast %get3A_474 : vector<16xf32> to vector<16xf32>
      %mul3A_476 = arith.mulf %get3A_472, %get3A_475 : vector<16xf32>
      %add3A_477 = arith.addf %mul3A_467, %mul3A_476 : vector<16xf32>
      %add3A_478 = arith.constant 576 : i32
      %add3A_479 = arith.addi %add3A_478, %mul3A_460 : i32
      %get3A_480 = arith.index_cast %add3A_479 : i32 to index
      %get3A_481 = tpu.vector_load %arg14[%get3A_480] {strides = array<i32>} : memref<2592xf32, #tpu.memory_space<vmem>>, vector<16xf32>,
      %get3A_482 = vector.shape_cast %get3A_481 : vector<16xf32> to vector<16xf32>
      %get3A_483 = arith.index_cast %add3A_479 : i32 to index
      %get3A_484 = tpu.vector_load %arg12[%get3A_483] {strides = array<i32>} : memref<2592xf32, #tpu.memory_space<vmem>>, vector<16xf32>,
      %get3A_485 = vector.shape_cast %get3A_484 : vector<16xf32> to vector<16xf32>
      %mul3A_486 = arith.mulf %get3A_482, %get3A_485 : vector<16xf32>
      %add3A_487 = arith.addf %add3A_477, %mul3A_486 : vector<16xf32>
      %add3A_488 = arith.constant 864 : i32
      %add3A_489 = arith.addi %add3A_488, %mul3A_460 : i32
      %get3A_490 = arith.index_cast %add3A_489 : i32 to index
      %get3A_491 = tpu.vector_load %arg14[%get3A_490] {strides = array<i32>} : memref<2592xf32, #tpu.memory_space<vmem>>, vector<16xf32>,
      %get3A_492 = vector.shape_cast %get3A_491 : vector<16xf32> to vector<16xf32>
      %get3A_493 = arith.index_cast %add3A_489 : i32 to index
      %get3A_494 = tpu.vector_load %arg12[%get3A_493] {strides = array<i32>} : memref<2592xf32, #tpu.memory_space<vmem>>, vector<16xf32>,
      %get3A_495 = vector.shape_cast %get3A_494 : vector<16xf32> to vector<16xf32>
      %mul3A_496 = arith.mulf %get3A_492, %get3A_495 : vector<16xf32>
      %add3A_497 = arith.addf %add3A_487, %mul3A_496 : vector<16xf32>
      %add3A_498 = arith.constant 1152 : i32
      %add3A_499 = arith.addi %add3A_498, %mul3A_460 : i32
      %get3A_500 = arith.index_cast %add3A_499 : i32 to index
      %get3A_501 = tpu.vector_load %arg14[%get3A_500] {strides = array<i32>} : memref<2592xf32, #tpu.memory_space<vmem>>, vector<16xf32>,
      %get3A_502 = vector.shape_cast %get3A_501 : vector<16xf32> to vector<16xf32>
      %get3A_503 = arith.index_cast %add3A_499 : i32 to index
      %get3A_504 = tpu.vector_load %arg12[%get3A_503] {strides = array<i32>} : memref<2592xf32, #tpu.memory_space<vmem>>, vector<16xf32>,
      %get3A_505 = vector.shape_cast %get3A_504 : vector<16xf32> to vector<16xf32>
      %mul3A_506 = arith.mulf %get3A_502, %get3A_505 : vector<16xf32>
      %add3A_507 = arith.addf %add3A_497, %mul3A_506 : vector<16xf32>
      %add3A_508 = arith.constant 1440 : i32
      %add3A_509 = arith.addi %add3A_508, %mul3A_460 : i32
      %get3A_510 = arith.index_cast %add3A_509 : i32 to index
      %get3A_511 = tpu.vector_load %arg14[%get3A_510] {strides = array<i32>} : memref<2592xf32, #tpu.memory_space<vmem>>, vector<16xf32>,
      %get3A_512 = vector.shape_cast %get3A_511 : vector<16xf32> to vector<16xf32>
      %get3A_513 = arith.index_cast %add3A_509 : i32 to index
      %get3A_514 = tpu.vector_load %arg12[%get3A_513] {strides = array<i32>} : memref<2592xf32, #tpu.memory_space<vmem>>, vector<16xf32>,
      %get3A_515 = vector.shape_cast %get3A_514 : vector<16xf32> to vector<16xf32>
      %mul3A_516 = arith.mulf %get3A_512, %get3A_515 : vector<16xf32>
      %add3A_517 = arith.addf %add3A_507, %mul3A_516 : vector<16xf32>
      %add3A_518 = arith.constant 1728 : i32
      %add3A_519 = arith.addi %add3A_518, %mul3A_460 : i32
      %get3A_520 = arith.index_cast %add3A_519 : i32 to index
      %get3A_521 = tpu.vector_load %arg14[%get3A_520] {strides = array<i32>} : memref<2592xf32, #tpu.memory_space<vmem>>, vector<16xf32>,
      %get3A_522 = vector.shape_cast %get3A_521 : vector<16xf32> to vector<16xf32>
      %get3A_523 = arith.index_cast %add3A_519 : i32 to index
      %get3A_524 = tpu.vector_load %arg12[%get3A_523] {strides = array<i32>} : memref<2592xf32, #tpu.memory_space<vmem>>, vector<16xf32>,
      %get3A_525 = vector.shape_cast %get3A_524 : vector<16xf32> to vector<16xf32>
      %mul3A_526 = arith.mulf %get3A_522, %get3A_525 : vector<16xf32>
      %add3A_527 = arith.addf %add3A_517, %mul3A_526 : vector<16xf32>
      %add3A_528 = arith.constant 2016 : i32
      %add3A_529 = arith.addi %add3A_528, %mul3A_460 : i32
      %get3A_530 = arith.index_cast %add3A_529 : i32 to index
      %get3A_531 = tpu.vector_load %arg14[%get3A_530] {strides = array<i32>} : memref<2592xf32, #tpu.memory_space<vmem>>, vector<16xf32>,
      %get3A_532 = vector.shape_cast %get3A_531 : vector<16xf32> to vector<16xf32>
      %get3A_533 = arith.index_cast %add3A_529 : i32 to index
      %get3A_534 = tpu.vector_load %arg12[%get3A_533] {strides = array<i32>} : memref<2592xf32, #tpu.memory_space<vmem>>, vector<16xf32>,
      %get3A_535 = vector.shape_cast %get3A_534 : vector<16xf32> to vector<16xf32>
      %mul3A_536 = arith.mulf %get3A_532, %get3A_535 : vector<16xf32>
      %add3A_537 = arith.addf %add3A_527, %mul3A_536 : vector<16xf32>
      %add3A_538 = arith.constant 2304 : i32
      %add3A_539 = arith.addi %add3A_538, %mul3A_460 : i32
      %get3A_540 = arith.index_cast %add3A_539 : i32 to index
      %get3A_541 = tpu.vector_load %arg14[%get3A_540] {strides = array<i32>} : memref<2592xf32, #tpu.memory_space<vmem>>, vector<16xf32>,
      %get3A_542 = vector.shape_cast %get3A_541 : vector<16xf32> to vector<16xf32>
      %get3A_543 = arith.index_cast %add3A_539 : i32 to index
      %get3A_544 = tpu.vector_load %arg12[%get3A_543] {strides = array<i32>} : memref<2592xf32, #tpu.memory_space<vmem>>, vector<16xf32>,
      %get3A_545 = vector.shape_cast %get3A_544 : vector<16xf32> to vector<16xf32>
      %mul3A_546 = arith.mulf %get3A_542, %get3A_545 : vector<16xf32>
      %add3A_547 = arith.addf %add3A_537, %mul3A_546 : vector<16xf32>
      %swap3A = arith.index_cast %mul3A_460 : i32 to index
      %swap3A_548 = tpu.vector_load %arg15[%swap3A] {strides = array<i32>} : memref<288xf32, #tpu.memory_space<vmem>>, vector<16xf32>,
      %swap3A_549 = vector.shape_cast %swap3A_548 : vector<16xf32> to vector<16xf32>
      %swap3A_550 = vector.shape_cast %add3A_547 : vector<16xf32> to vector<16xf32>
      tpu.vector_store %arg15[%swap3A], %swap3A_550 {strides = array<i32>} : memref<288xf32, #tpu.memory_space<vmem>>, vector<16xf32>,
    }
    %scan3A_277 = arith.constant 18 : i32
    %mul3A_278 = arith.constant 288 : i32
    %mul3A_279 = arith.muli %add3A, %mul3A_278 : i32
    %add3A_280 = arith.constant 119808 : i32
    %add3A_281 = arith.addi %add3A_280, %mul3A_279 : i32
    "tpu.region"() ({
      %run_scoped3A = tpu.sem_alloc : memref<!tpu.dma_semaphore, #tpu.memory_space<semaphore_mem>>
      %dma_start3A_458 = tpu.memref_slice %arg7[%add3A_281] : memref<221184xf32, #tpu.memory_space<hbm>> -> memref<288xf32, #tpu.memory_space<hbm>>
      %dma_start3A_459 = tpu.memref_slice %arg7[%add3A_281] : memref<221184xf32, #tpu.memory_space<hbm>> -> memref<288xf32, #tpu.memory_space<hbm>>
      tpu.enqueue_dma source(%arg15 : memref<288xf32, #tpu.memory_space<vmem>>) target(%dma_start3A_459 : memref<288xf32, #tpu.memory_space<hbm>>) target_semaphore(%run_scoped3A : memref<!tpu.dma_semaphore, #tpu.memory_space<semaphore_mem>>)
      %dma_wait3A_460 = tpu.memref_slice %arg7[%add3A_281] : memref<221184xf32, #tpu.memory_space<hbm>> -> memref<288xf32, #tpu.memory_space<hbm>>
      %dma_wait3A_461 = tpu.memref_slice %arg7[%add3A_281] : memref<221184xf32, #tpu.memory_space<hbm>> -> memref<288xf32, #tpu.memory_space<hbm>>
      tpu.wait_dma2 semaphore(%run_scoped3A : memref<!tpu.dma_semaphore, #tpu.memory_space<semaphore_mem>>) src(%arg15 : memref<288xf32, #tpu.memory_space<vmem>>) dst(%dma_wait3A_461 : memref<288xf32, #tpu.memory_space<hbm>>)
      tpu.yield
    }) : () -> ()
    %dma_start3A_282 = arith.constant 3932160 : i32
    %dma_start3A_283 = tpu.memref_slice %arg2[%dma_start3A_282] : memref<6291456xf32, #tpu.memory_space<hbm>> -> memref<262144xf32, #tpu.memory_space<hbm>>
    %dma_start3A_284 = arith.constant 0 : i32
    %dma_start3A_285 = tpu.memref_slice %dma_start3A_283[%dma_start3A_284] : memref<262144xf32, #tpu.memory_space<hbm>> -> memref<262144xf32, #tpu.memory_space<hbm>>
    tpu.enqueue_indirect_dma source(%dma_start3A_285 : memref<262144xf32, #tpu.memory_space<hbm>>) target(%arg14 : memref<2592xf32, #tpu.memory_space<vmem>>) offsets(%arg11 : memref<2592xi32, #tpu.memory_space<vmem>>) semaphore(%arg18 : memref<!tpu.dma_semaphore, #tpu.memory_space<semaphore_mem>>)
    %dma_wait3A_286 = arith.constant 3670016 : i32
    %dma_wait3A_287 = tpu.memref_slice %arg2[%dma_wait3A_286] : memref<6291456xf32, #tpu.memory_space<hbm>> -> memref<262144xf32, #tpu.memory_space<hbm>>
    %dma_wait3A_288 = arith.constant 0 : i32
    %dma_wait3A_289 = tpu.memref_slice %dma_wait3A_287[%dma_wait3A_288] : memref<262144xf32, #tpu.memory_space<hbm>> -> memref<262144xf32, #tpu.memory_space<hbm>>
    tpu.wait_indirect_dma semaphore(%arg17 : memref<!tpu.dma_semaphore, #tpu.memory_space<semaphore_mem>>) src(%dma_wait3A_289 : memref<262144xf32, #tpu.memory_space<hbm>>) dst(%arg13 : memref<2592xf32, #tpu.memory_space<vmem>>)
    %scan3A_290 = arith.constant 0 : i32
    %scan3A_291 = arith.constant 0 : i32
    %scan3A_292 = arith.constant 18 : i32
    %scan3A_293 = arith.addi %scan3A_291, %scan3A_292 : i32
    %scan3A_294 = arith.constant 1 : i32
    scf.for %scan3A_458 = %scan3A_291 to %scan3A_293 step %scan3A_294  : i32 {
      %mul3A_459 = arith.constant 16 : i32
      %mul3A_460 = arith.muli %scan3A_458, %mul3A_459 : i32
      %get3A_461 = arith.index_cast %mul3A_460 : i32 to index
      %get3A_462 = tpu.vector_load %arg13[%get3A_461] {strides = array<i32>} : memref<2592xf32, #tpu.memory_space<vmem>>, vector<16xf32>,
      %get3A_463 = vector.shape_cast %get3A_462 : vector<16xf32> to vector<16xf32>
      %get3A_464 = arith.index_cast %mul3A_460 : i32 to index
      %get3A_465 = tpu.vector_load %arg12[%get3A_464] {strides = array<i32>} : memref<2592xf32, #tpu.memory_space<vmem>>, vector<16xf32>,
      %get3A_466 = vector.shape_cast %get3A_465 : vector<16xf32> to vector<16xf32>
      %mul3A_467 = arith.mulf %get3A_463, %get3A_466 : vector<16xf32>
      %add3A_468 = arith.constant 288 : i32
      %add3A_469 = arith.addi %add3A_468, %mul3A_460 : i32
      %get3A_470 = arith.index_cast %add3A_469 : i32 to index
      %get3A_471 = tpu.vector_load %arg13[%get3A_470] {strides = array<i32>} : memref<2592xf32, #tpu.memory_space<vmem>>, vector<16xf32>,
      %get3A_472 = vector.shape_cast %get3A_471 : vector<16xf32> to vector<16xf32>
      %get3A_473 = arith.index_cast %add3A_469 : i32 to index
      %get3A_474 = tpu.vector_load %arg12[%get3A_473] {strides = array<i32>} : memref<2592xf32, #tpu.memory_space<vmem>>, vector<16xf32>,
      %get3A_475 = vector.shape_cast %get3A_474 : vector<16xf32> to vector<16xf32>
      %mul3A_476 = arith.mulf %get3A_472, %get3A_475 : vector<16xf32>
      %add3A_477 = arith.addf %mul3A_467, %mul3A_476 : vector<16xf32>
      %add3A_478 = arith.constant 576 : i32
      %add3A_479 = arith.addi %add3A_478, %mul3A_460 : i32
      %get3A_480 = arith.index_cast %add3A_479 : i32 to index
      %get3A_481 = tpu.vector_load %arg13[%get3A_480] {strides = array<i32>} : memref<2592xf32, #tpu.memory_space<vmem>>, vector<16xf32>,
      %get3A_482 = vector.shape_cast %get3A_481 : vector<16xf32> to vector<16xf32>
      %get3A_483 = arith.index_cast %add3A_479 : i32 to index
      %get3A_484 = tpu.vector_load %arg12[%get3A_483] {strides = array<i32>} : memref<2592xf32, #tpu.memory_space<vmem>>, vector<16xf32>,
      %get3A_485 = vector.shape_cast %get3A_484 : vector<16xf32> to vector<16xf32>
      %mul3A_486 = arith.mulf %get3A_482, %get3A_485 : vector<16xf32>
      %add3A_487 = arith.addf %add3A_477, %mul3A_486 : vector<16xf32>
      %add3A_488 = arith.constant 864 : i32
      %add3A_489 = arith.addi %add3A_488, %mul3A_460 : i32
      %get3A_490 = arith.index_cast %add3A_489 : i32 to index
      %get3A_491 = tpu.vector_load %arg13[%get3A_490] {strides = array<i32>} : memref<2592xf32, #tpu.memory_space<vmem>>, vector<16xf32>,
      %get3A_492 = vector.shape_cast %get3A_491 : vector<16xf32> to vector<16xf32>
      %get3A_493 = arith.index_cast %add3A_489 : i32 to index
      %get3A_494 = tpu.vector_load %arg12[%get3A_493] {strides = array<i32>} : memref<2592xf32, #tpu.memory_space<vmem>>, vector<16xf32>,
      %get3A_495 = vector.shape_cast %get3A_494 : vector<16xf32> to vector<16xf32>
      %mul3A_496 = arith.mulf %get3A_492, %get3A_495 : vector<16xf32>
      %add3A_497 = arith.addf %add3A_487, %mul3A_496 : vector<16xf32>
      %add3A_498 = arith.constant 1152 : i32
      %add3A_499 = arith.addi %add3A_498, %mul3A_460 : i32
      %get3A_500 = arith.index_cast %add3A_499 : i32 to index
      %get3A_501 = tpu.vector_load %arg13[%get3A_500] {strides = array<i32>} : memref<2592xf32, #tpu.memory_space<vmem>>, vector<16xf32>,
      %get3A_502 = vector.shape_cast %get3A_501 : vector<16xf32> to vector<16xf32>
      %get3A_503 = arith.index_cast %add3A_499 : i32 to index
      %get3A_504 = tpu.vector_load %arg12[%get3A_503] {strides = array<i32>} : memref<2592xf32, #tpu.memory_space<vmem>>, vector<16xf32>,
      %get3A_505 = vector.shape_cast %get3A_504 : vector<16xf32> to vector<16xf32>
      %mul3A_506 = arith.mulf %get3A_502, %get3A_505 : vector<16xf32>
      %add3A_507 = arith.addf %add3A_497, %mul3A_506 : vector<16xf32>
      %add3A_508 = arith.constant 1440 : i32
      %add3A_509 = arith.addi %add3A_508, %mul3A_460 : i32
      %get3A_510 = arith.index_cast %add3A_509 : i32 to index
      %get3A_511 = tpu.vector_load %arg13[%get3A_510] {strides = array<i32>} : memref<2592xf32, #tpu.memory_space<vmem>>, vector<16xf32>,
      %get3A_512 = vector.shape_cast %get3A_511 : vector<16xf32> to vector<16xf32>
      %get3A_513 = arith.index_cast %add3A_509 : i32 to index
      %get3A_514 = tpu.vector_load %arg12[%get3A_513] {strides = array<i32>} : memref<2592xf32, #tpu.memory_space<vmem>>, vector<16xf32>,
      %get3A_515 = vector.shape_cast %get3A_514 : vector<16xf32> to vector<16xf32>
      %mul3A_516 = arith.mulf %get3A_512, %get3A_515 : vector<16xf32>
      %add3A_517 = arith.addf %add3A_507, %mul3A_516 : vector<16xf32>
      %add3A_518 = arith.constant 1728 : i32
      %add3A_519 = arith.addi %add3A_518, %mul3A_460 : i32
      %get3A_520 = arith.index_cast %add3A_519 : i32 to index
      %get3A_521 = tpu.vector_load %arg13[%get3A_520] {strides = array<i32>} : memref<2592xf32, #tpu.memory_space<vmem>>, vector<16xf32>,
      %get3A_522 = vector.shape_cast %get3A_521 : vector<16xf32> to vector<16xf32>
      %get3A_523 = arith.index_cast %add3A_519 : i32 to index
      %get3A_524 = tpu.vector_load %arg12[%get3A_523] {strides = array<i32>} : memref<2592xf32, #tpu.memory_space<vmem>>, vector<16xf32>,
      %get3A_525 = vector.shape_cast %get3A_524 : vector<16xf32> to vector<16xf32>
      %mul3A_526 = arith.mulf %get3A_522, %get3A_525 : vector<16xf32>
      %add3A_527 = arith.addf %add3A_517, %mul3A_526 : vector<16xf32>
      %add3A_528 = arith.constant 2016 : i32
      %add3A_529 = arith.addi %add3A_528, %mul3A_460 : i32
      %get3A_530 = arith.index_cast %add3A_529 : i32 to index
      %get3A_531 = tpu.vector_load %arg13[%get3A_530] {strides = array<i32>} : memref<2592xf32, #tpu.memory_space<vmem>>, vector<16xf32>,
      %get3A_532 = vector.shape_cast %get3A_531 : vector<16xf32> to vector<16xf32>
      %get3A_533 = arith.index_cast %add3A_529 : i32 to index
      %get3A_534 = tpu.vector_load %arg12[%get3A_533] {strides = array<i32>} : memref<2592xf32, #tpu.memory_space<vmem>>, vector<16xf32>,
      %get3A_535 = vector.shape_cast %get3A_534 : vector<16xf32> to vector<16xf32>
      %mul3A_536 = arith.mulf %get3A_532, %get3A_535 : vector<16xf32>
      %add3A_537 = arith.addf %add3A_527, %mul3A_536 : vector<16xf32>
      %add3A_538 = arith.constant 2304 : i32
      %add3A_539 = arith.addi %add3A_538, %mul3A_460 : i32
      %get3A_540 = arith.index_cast %add3A_539 : i32 to index
      %get3A_541 = tpu.vector_load %arg13[%get3A_540] {strides = array<i32>} : memref<2592xf32, #tpu.memory_space<vmem>>, vector<16xf32>,
      %get3A_542 = vector.shape_cast %get3A_541 : vector<16xf32> to vector<16xf32>
      %get3A_543 = arith.index_cast %add3A_539 : i32 to index
      %get3A_544 = tpu.vector_load %arg12[%get3A_543] {strides = array<i32>} : memref<2592xf32, #tpu.memory_space<vmem>>, vector<16xf32>,
      %get3A_545 = vector.shape_cast %get3A_544 : vector<16xf32> to vector<16xf32>
      %mul3A_546 = arith.mulf %get3A_542, %get3A_545 : vector<16xf32>
      %add3A_547 = arith.addf %add3A_537, %mul3A_546 : vector<16xf32>
      %swap3A = arith.index_cast %mul3A_460 : i32 to index
      %swap3A_548 = tpu.vector_load %arg15[%swap3A] {strides = array<i32>} : memref<288xf32, #tpu.memory_space<vmem>>, vector<16xf32>,
      %swap3A_549 = vector.shape_cast %swap3A_548 : vector<16xf32> to vector<16xf32>
      %swap3A_550 = vector.shape_cast %add3A_547 : vector<16xf32> to vector<16xf32>
      tpu.vector_store %arg15[%swap3A], %swap3A_550 {strides = array<i32>} : memref<288xf32, #tpu.memory_space<vmem>>, vector<16xf32>,
    }
    %scan3A_295 = arith.constant 18 : i32
    %mul3A_296 = arith.constant 288 : i32
    %mul3A_297 = arith.muli %add3A, %mul3A_296 : i32
    %add3A_298 = arith.constant 129024 : i32
    %add3A_299 = arith.addi %add3A_298, %mul3A_297 : i32
    "tpu.region"() ({
      %run_scoped3A = tpu.sem_alloc : memref<!tpu.dma_semaphore, #tpu.memory_space<semaphore_mem>>
      %dma_start3A_458 = tpu.memref_slice %arg7[%add3A_299] : memref<221184xf32, #tpu.memory_space<hbm>> -> memref<288xf32, #tpu.memory_space<hbm>>
      %dma_start3A_459 = tpu.memref_slice %arg7[%add3A_299] : memref<221184xf32, #tpu.memory_space<hbm>> -> memref<288xf32, #tpu.memory_space<hbm>>
      tpu.enqueue_dma source(%arg15 : memref<288xf32, #tpu.memory_space<vmem>>) target(%dma_start3A_459 : memref<288xf32, #tpu.memory_space<hbm>>) target_semaphore(%run_scoped3A : memref<!tpu.dma_semaphore, #tpu.memory_space<semaphore_mem>>)
      %dma_wait3A_460 = tpu.memref_slice %arg7[%add3A_299] : memref<221184xf32, #tpu.memory_space<hbm>> -> memref<288xf32, #tpu.memory_space<hbm>>
      %dma_wait3A_461 = tpu.memref_slice %arg7[%add3A_299] : memref<221184xf32, #tpu.memory_space<hbm>> -> memref<288xf32, #tpu.memory_space<hbm>>
      tpu.wait_dma2 semaphore(%run_scoped3A : memref<!tpu.dma_semaphore, #tpu.memory_space<semaphore_mem>>) src(%arg15 : memref<288xf32, #tpu.memory_space<vmem>>) dst(%dma_wait3A_461 : memref<288xf32, #tpu.memory_space<hbm>>)
      tpu.yield
    }) : () -> ()
    %dma_start3A_300 = arith.constant 4194304 : i32
    %dma_start3A_301 = tpu.memref_slice %arg2[%dma_start3A_300] : memref<6291456xf32, #tpu.memory_space<hbm>> -> memref<262144xf32, #tpu.memory_space<hbm>>
    %dma_start3A_302 = arith.constant 0 : i32
    %dma_start3A_303 = tpu.memref_slice %dma_start3A_301[%dma_start3A_302] : memref<262144xf32, #tpu.memory_space<hbm>> -> memref<262144xf32, #tpu.memory_space<hbm>>
    tpu.enqueue_indirect_dma source(%dma_start3A_303 : memref<262144xf32, #tpu.memory_space<hbm>>) target(%arg13 : memref<2592xf32, #tpu.memory_space<vmem>>) offsets(%arg11 : memref<2592xi32, #tpu.memory_space<vmem>>) semaphore(%arg17 : memref<!tpu.dma_semaphore, #tpu.memory_space<semaphore_mem>>)
    %dma_wait3A_304 = arith.constant 3932160 : i32
    %dma_wait3A_305 = tpu.memref_slice %arg2[%dma_wait3A_304] : memref<6291456xf32, #tpu.memory_space<hbm>> -> memref<262144xf32, #tpu.memory_space<hbm>>
    %dma_wait3A_306 = arith.constant 0 : i32
    %dma_wait3A_307 = tpu.memref_slice %dma_wait3A_305[%dma_wait3A_306] : memref<262144xf32, #tpu.memory_space<hbm>> -> memref<262144xf32, #tpu.memory_space<hbm>>
    tpu.wait_indirect_dma semaphore(%arg18 : memref<!tpu.dma_semaphore, #tpu.memory_space<semaphore_mem>>) src(%dma_wait3A_307 : memref<262144xf32, #tpu.memory_space<hbm>>) dst(%arg14 : memref<2592xf32, #tpu.memory_space<vmem>>)
    %scan3A_308 = arith.constant 0 : i32
    %scan3A_309 = arith.constant 0 : i32
    %scan3A_310 = arith.constant 18 : i32
    %scan3A_311 = arith.addi %scan3A_309, %scan3A_310 : i32
    %scan3A_312 = arith.constant 1 : i32
    scf.for %scan3A_458 = %scan3A_309 to %scan3A_311 step %scan3A_312  : i32 {
      %mul3A_459 = arith.constant 16 : i32
      %mul3A_460 = arith.muli %scan3A_458, %mul3A_459 : i32
      %get3A_461 = arith.index_cast %mul3A_460 : i32 to index
      %get3A_462 = tpu.vector_load %arg14[%get3A_461] {strides = array<i32>} : memref<2592xf32, #tpu.memory_space<vmem>>, vector<16xf32>,
      %get3A_463 = vector.shape_cast %get3A_462 : vector<16xf32> to vector<16xf32>
      %get3A_464 = arith.index_cast %mul3A_460 : i32 to index
      %get3A_465 = tpu.vector_load %arg12[%get3A_464] {strides = array<i32>} : memref<2592xf32, #tpu.memory_space<vmem>>, vector<16xf32>,
      %get3A_466 = vector.shape_cast %get3A_465 : vector<16xf32> to vector<16xf32>
      %mul3A_467 = arith.mulf %get3A_463, %get3A_466 : vector<16xf32>
      %add3A_468 = arith.constant 288 : i32
      %add3A_469 = arith.addi %add3A_468, %mul3A_460 : i32
      %get3A_470 = arith.index_cast %add3A_469 : i32 to index
      %get3A_471 = tpu.vector_load %arg14[%get3A_470] {strides = array<i32>} : memref<2592xf32, #tpu.memory_space<vmem>>, vector<16xf32>,
      %get3A_472 = vector.shape_cast %get3A_471 : vector<16xf32> to vector<16xf32>
      %get3A_473 = arith.index_cast %add3A_469 : i32 to index
      %get3A_474 = tpu.vector_load %arg12[%get3A_473] {strides = array<i32>} : memref<2592xf32, #tpu.memory_space<vmem>>, vector<16xf32>,
      %get3A_475 = vector.shape_cast %get3A_474 : vector<16xf32> to vector<16xf32>
      %mul3A_476 = arith.mulf %get3A_472, %get3A_475 : vector<16xf32>
      %add3A_477 = arith.addf %mul3A_467, %mul3A_476 : vector<16xf32>
      %add3A_478 = arith.constant 576 : i32
      %add3A_479 = arith.addi %add3A_478, %mul3A_460 : i32
      %get3A_480 = arith.index_cast %add3A_479 : i32 to index
      %get3A_481 = tpu.vector_load %arg14[%get3A_480] {strides = array<i32>} : memref<2592xf32, #tpu.memory_space<vmem>>, vector<16xf32>,
      %get3A_482 = vector.shape_cast %get3A_481 : vector<16xf32> to vector<16xf32>
      %get3A_483 = arith.index_cast %add3A_479 : i32 to index
      %get3A_484 = tpu.vector_load %arg12[%get3A_483] {strides = array<i32>} : memref<2592xf32, #tpu.memory_space<vmem>>, vector<16xf32>,
      %get3A_485 = vector.shape_cast %get3A_484 : vector<16xf32> to vector<16xf32>
      %mul3A_486 = arith.mulf %get3A_482, %get3A_485 : vector<16xf32>
      %add3A_487 = arith.addf %add3A_477, %mul3A_486 : vector<16xf32>
      %add3A_488 = arith.constant 864 : i32
      %add3A_489 = arith.addi %add3A_488, %mul3A_460 : i32
      %get3A_490 = arith.index_cast %add3A_489 : i32 to index
      %get3A_491 = tpu.vector_load %arg14[%get3A_490] {strides = array<i32>} : memref<2592xf32, #tpu.memory_space<vmem>>, vector<16xf32>,
      %get3A_492 = vector.shape_cast %get3A_491 : vector<16xf32> to vector<16xf32>
      %get3A_493 = arith.index_cast %add3A_489 : i32 to index
      %get3A_494 = tpu.vector_load %arg12[%get3A_493] {strides = array<i32>} : memref<2592xf32, #tpu.memory_space<vmem>>, vector<16xf32>,
      %get3A_495 = vector.shape_cast %get3A_494 : vector<16xf32> to vector<16xf32>
      %mul3A_496 = arith.mulf %get3A_492, %get3A_495 : vector<16xf32>
      %add3A_497 = arith.addf %add3A_487, %mul3A_496 : vector<16xf32>
      %add3A_498 = arith.constant 1152 : i32
      %add3A_499 = arith.addi %add3A_498, %mul3A_460 : i32
      %get3A_500 = arith.index_cast %add3A_499 : i32 to index
      %get3A_501 = tpu.vector_load %arg14[%get3A_500] {strides = array<i32>} : memref<2592xf32, #tpu.memory_space<vmem>>, vector<16xf32>,
      %get3A_502 = vector.shape_cast %get3A_501 : vector<16xf32> to vector<16xf32>
      %get3A_503 = arith.index_cast %add3A_499 : i32 to index
      %get3A_504 = tpu.vector_load %arg12[%get3A_503] {strides = array<i32>} : memref<2592xf32, #tpu.memory_space<vmem>>, vector<16xf32>,
      %get3A_505 = vector.shape_cast %get3A_504 : vector<16xf32> to vector<16xf32>
      %mul3A_506 = arith.mulf %get3A_502, %get3A_505 : vector<16xf32>
      %add3A_507 = arith.addf %add3A_497, %mul3A_506 : vector<16xf32>
      %add3A_508 = arith.constant 1440 : i32
      %add3A_509 = arith.addi %add3A_508, %mul3A_460 : i32
      %get3A_510 = arith.index_cast %add3A_509 : i32 to index
      %get3A_511 = tpu.vector_load %arg14[%get3A_510] {strides = array<i32>} : memref<2592xf32, #tpu.memory_space<vmem>>, vector<16xf32>,
      %get3A_512 = vector.shape_cast %get3A_511 : vector<16xf32> to vector<16xf32>
      %get3A_513 = arith.index_cast %add3A_509 : i32 to index
      %get3A_514 = tpu.vector_load %arg12[%get3A_513] {strides = array<i32>} : memref<2592xf32, #tpu.memory_space<vmem>>, vector<16xf32>,
      %get3A_515 = vector.shape_cast %get3A_514 : vector<16xf32> to vector<16xf32>
      %mul3A_516 = arith.mulf %get3A_512, %get3A_515 : vector<16xf32>
      %add3A_517 = arith.addf %add3A_507, %mul3A_516 : vector<16xf32>
      %add3A_518 = arith.constant 1728 : i32
      %add3A_519 = arith.addi %add3A_518, %mul3A_460 : i32
      %get3A_520 = arith.index_cast %add3A_519 : i32 to index
      %get3A_521 = tpu.vector_load %arg14[%get3A_520] {strides = array<i32>} : memref<2592xf32, #tpu.memory_space<vmem>>, vector<16xf32>,
      %get3A_522 = vector.shape_cast %get3A_521 : vector<16xf32> to vector<16xf32>
      %get3A_523 = arith.index_cast %add3A_519 : i32 to index
      %get3A_524 = tpu.vector_load %arg12[%get3A_523] {strides = array<i32>} : memref<2592xf32, #tpu.memory_space<vmem>>, vector<16xf32>,
      %get3A_525 = vector.shape_cast %get3A_524 : vector<16xf32> to vector<16xf32>
      %mul3A_526 = arith.mulf %get3A_522, %get3A_525 : vector<16xf32>
      %add3A_527 = arith.addf %add3A_517, %mul3A_526 : vector<16xf32>
      %add3A_528 = arith.constant 2016 : i32
      %add3A_529 = arith.addi %add3A_528, %mul3A_460 : i32
      %get3A_530 = arith.index_cast %add3A_529 : i32 to index
      %get3A_531 = tpu.vector_load %arg14[%get3A_530] {strides = array<i32>} : memref<2592xf32, #tpu.memory_space<vmem>>, vector<16xf32>,
      %get3A_532 = vector.shape_cast %get3A_531 : vector<16xf32> to vector<16xf32>
      %get3A_533 = arith.index_cast %add3A_529 : i32 to index
      %get3A_534 = tpu.vector_load %arg12[%get3A_533] {strides = array<i32>} : memref<2592xf32, #tpu.memory_space<vmem>>, vector<16xf32>,
      %get3A_535 = vector.shape_cast %get3A_534 : vector<16xf32> to vector<16xf32>
      %mul3A_536 = arith.mulf %get3A_532, %get3A_535 : vector<16xf32>
      %add3A_537 = arith.addf %add3A_527, %mul3A_536 : vector<16xf32>
      %add3A_538 = arith.constant 2304 : i32
      %add3A_539 = arith.addi %add3A_538, %mul3A_460 : i32
      %get3A_540 = arith.index_cast %add3A_539 : i32 to index
      %get3A_541 = tpu.vector_load %arg14[%get3A_540] {strides = array<i32>} : memref<2592xf32, #tpu.memory_space<vmem>>, vector<16xf32>,
      %get3A_542 = vector.shape_cast %get3A_541 : vector<16xf32> to vector<16xf32>
      %get3A_543 = arith.index_cast %add3A_539 : i32 to index
      %get3A_544 = tpu.vector_load %arg12[%get3A_543] {strides = array<i32>} : memref<2592xf32, #tpu.memory_space<vmem>>, vector<16xf32>,
      %get3A_545 = vector.shape_cast %get3A_544 : vector<16xf32> to vector<16xf32>
      %mul3A_546 = arith.mulf %get3A_542, %get3A_545 : vector<16xf32>
      %add3A_547 = arith.addf %add3A_537, %mul3A_546 : vector<16xf32>
      %swap3A = arith.index_cast %mul3A_460 : i32 to index
      %swap3A_548 = tpu.vector_load %arg15[%swap3A] {strides = array<i32>} : memref<288xf32, #tpu.memory_space<vmem>>, vector<16xf32>,
      %swap3A_549 = vector.shape_cast %swap3A_548 : vector<16xf32> to vector<16xf32>
      %swap3A_550 = vector.shape_cast %add3A_547 : vector<16xf32> to vector<16xf32>
      tpu.vector_store %arg15[%swap3A], %swap3A_550 {strides = array<i32>} : memref<288xf32, #tpu.memory_space<vmem>>, vector<16xf32>,
    }
    %scan3A_313 = arith.constant 18 : i32
    %mul3A_314 = arith.constant 288 : i32
    %mul3A_315 = arith.muli %add3A, %mul3A_314 : i32
    %add3A_316 = arith.constant 138240 : i32
    %add3A_317 = arith.addi %add3A_316, %mul3A_315 : i32
    "tpu.region"() ({
      %run_scoped3A = tpu.sem_alloc : memref<!tpu.dma_semaphore, #tpu.memory_space<semaphore_mem>>
      %dma_start3A_458 = tpu.memref_slice %arg7[%add3A_317] : memref<221184xf32, #tpu.memory_space<hbm>> -> memref<288xf32, #tpu.memory_space<hbm>>
      %dma_start3A_459 = tpu.memref_slice %arg7[%add3A_317] : memref<221184xf32, #tpu.memory_space<hbm>> -> memref<288xf32, #tpu.memory_space<hbm>>
      tpu.enqueue_dma source(%arg15 : memref<288xf32, #tpu.memory_space<vmem>>) target(%dma_start3A_459 : memref<288xf32, #tpu.memory_space<hbm>>) target_semaphore(%run_scoped3A : memref<!tpu.dma_semaphore, #tpu.memory_space<semaphore_mem>>)
      %dma_wait3A_460 = tpu.memref_slice %arg7[%add3A_317] : memref<221184xf32, #tpu.memory_space<hbm>> -> memref<288xf32, #tpu.memory_space<hbm>>
      %dma_wait3A_461 = tpu.memref_slice %arg7[%add3A_317] : memref<221184xf32, #tpu.memory_space<hbm>> -> memref<288xf32, #tpu.memory_space<hbm>>
      tpu.wait_dma2 semaphore(%run_scoped3A : memref<!tpu.dma_semaphore, #tpu.memory_space<semaphore_mem>>) src(%arg15 : memref<288xf32, #tpu.memory_space<vmem>>) dst(%dma_wait3A_461 : memref<288xf32, #tpu.memory_space<hbm>>)
      tpu.yield
    }) : () -> ()
    %dma_start3A_318 = arith.constant 4456448 : i32
    %dma_start3A_319 = tpu.memref_slice %arg2[%dma_start3A_318] : memref<6291456xf32, #tpu.memory_space<hbm>> -> memref<262144xf32, #tpu.memory_space<hbm>>
    %dma_start3A_320 = arith.constant 0 : i32
    %dma_start3A_321 = tpu.memref_slice %dma_start3A_319[%dma_start3A_320] : memref<262144xf32, #tpu.memory_space<hbm>> -> memref<262144xf32, #tpu.memory_space<hbm>>
    tpu.enqueue_indirect_dma source(%dma_start3A_321 : memref<262144xf32, #tpu.memory_space<hbm>>) target(%arg14 : memref<2592xf32, #tpu.memory_space<vmem>>) offsets(%arg11 : memref<2592xi32, #tpu.memory_space<vmem>>) semaphore(%arg18 : memref<!tpu.dma_semaphore, #tpu.memory_space<semaphore_mem>>)
    %dma_wait3A_322 = arith.constant 4194304 : i32
    %dma_wait3A_323 = tpu.memref_slice %arg2[%dma_wait3A_322] : memref<6291456xf32, #tpu.memory_space<hbm>> -> memref<262144xf32, #tpu.memory_space<hbm>>
    %dma_wait3A_324 = arith.constant 0 : i32
    %dma_wait3A_325 = tpu.memref_slice %dma_wait3A_323[%dma_wait3A_324] : memref<262144xf32, #tpu.memory_space<hbm>> -> memref<262144xf32, #tpu.memory_space<hbm>>
    tpu.wait_indirect_dma semaphore(%arg17 : memref<!tpu.dma_semaphore, #tpu.memory_space<semaphore_mem>>) src(%dma_wait3A_325 : memref<262144xf32, #tpu.memory_space<hbm>>) dst(%arg13 : memref<2592xf32, #tpu.memory_space<vmem>>)
    %scan3A_326 = arith.constant 0 : i32
    %scan3A_327 = arith.constant 0 : i32
    %scan3A_328 = arith.constant 18 : i32
    %scan3A_329 = arith.addi %scan3A_327, %scan3A_328 : i32
    %scan3A_330 = arith.constant 1 : i32
    scf.for %scan3A_458 = %scan3A_327 to %scan3A_329 step %scan3A_330  : i32 {
      %mul3A_459 = arith.constant 16 : i32
      %mul3A_460 = arith.muli %scan3A_458, %mul3A_459 : i32
      %get3A_461 = arith.index_cast %mul3A_460 : i32 to index
      %get3A_462 = tpu.vector_load %arg13[%get3A_461] {strides = array<i32>} : memref<2592xf32, #tpu.memory_space<vmem>>, vector<16xf32>,
      %get3A_463 = vector.shape_cast %get3A_462 : vector<16xf32> to vector<16xf32>
      %get3A_464 = arith.index_cast %mul3A_460 : i32 to index
      %get3A_465 = tpu.vector_load %arg12[%get3A_464] {strides = array<i32>} : memref<2592xf32, #tpu.memory_space<vmem>>, vector<16xf32>,
      %get3A_466 = vector.shape_cast %get3A_465 : vector<16xf32> to vector<16xf32>
      %mul3A_467 = arith.mulf %get3A_463, %get3A_466 : vector<16xf32>
      %add3A_468 = arith.constant 288 : i32
      %add3A_469 = arith.addi %add3A_468, %mul3A_460 : i32
      %get3A_470 = arith.index_cast %add3A_469 : i32 to index
      %get3A_471 = tpu.vector_load %arg13[%get3A_470] {strides = array<i32>} : memref<2592xf32, #tpu.memory_space<vmem>>, vector<16xf32>,
      %get3A_472 = vector.shape_cast %get3A_471 : vector<16xf32> to vector<16xf32>
      %get3A_473 = arith.index_cast %add3A_469 : i32 to index
      %get3A_474 = tpu.vector_load %arg12[%get3A_473] {strides = array<i32>} : memref<2592xf32, #tpu.memory_space<vmem>>, vector<16xf32>,
      %get3A_475 = vector.shape_cast %get3A_474 : vector<16xf32> to vector<16xf32>
      %mul3A_476 = arith.mulf %get3A_472, %get3A_475 : vector<16xf32>
      %add3A_477 = arith.addf %mul3A_467, %mul3A_476 : vector<16xf32>
      %add3A_478 = arith.constant 576 : i32
      %add3A_479 = arith.addi %add3A_478, %mul3A_460 : i32
      %get3A_480 = arith.index_cast %add3A_479 : i32 to index
      %get3A_481 = tpu.vector_load %arg13[%get3A_480] {strides = array<i32>} : memref<2592xf32, #tpu.memory_space<vmem>>, vector<16xf32>,
      %get3A_482 = vector.shape_cast %get3A_481 : vector<16xf32> to vector<16xf32>
      %get3A_483 = arith.index_cast %add3A_479 : i32 to index
      %get3A_484 = tpu.vector_load %arg12[%get3A_483] {strides = array<i32>} : memref<2592xf32, #tpu.memory_space<vmem>>, vector<16xf32>,
      %get3A_485 = vector.shape_cast %get3A_484 : vector<16xf32> to vector<16xf32>
      %mul3A_486 = arith.mulf %get3A_482, %get3A_485 : vector<16xf32>
      %add3A_487 = arith.addf %add3A_477, %mul3A_486 : vector<16xf32>
      %add3A_488 = arith.constant 864 : i32
      %add3A_489 = arith.addi %add3A_488, %mul3A_460 : i32
      %get3A_490 = arith.index_cast %add3A_489 : i32 to index
      %get3A_491 = tpu.vector_load %arg13[%get3A_490] {strides = array<i32>} : memref<2592xf32, #tpu.memory_space<vmem>>, vector<16xf32>,
      %get3A_492 = vector.shape_cast %get3A_491 : vector<16xf32> to vector<16xf32>
      %get3A_493 = arith.index_cast %add3A_489 : i32 to index
      %get3A_494 = tpu.vector_load %arg12[%get3A_493] {strides = array<i32>} : memref<2592xf32, #tpu.memory_space<vmem>>, vector<16xf32>,
      %get3A_495 = vector.shape_cast %get3A_494 : vector<16xf32> to vector<16xf32>
      %mul3A_496 = arith.mulf %get3A_492, %get3A_495 : vector<16xf32>
      %add3A_497 = arith.addf %add3A_487, %mul3A_496 : vector<16xf32>
      %add3A_498 = arith.constant 1152 : i32
      %add3A_499 = arith.addi %add3A_498, %mul3A_460 : i32
      %get3A_500 = arith.index_cast %add3A_499 : i32 to index
      %get3A_501 = tpu.vector_load %arg13[%get3A_500] {strides = array<i32>} : memref<2592xf32, #tpu.memory_space<vmem>>, vector<16xf32>,
      %get3A_502 = vector.shape_cast %get3A_501 : vector<16xf32> to vector<16xf32>
      %get3A_503 = arith.index_cast %add3A_499 : i32 to index
      %get3A_504 = tpu.vector_load %arg12[%get3A_503] {strides = array<i32>} : memref<2592xf32, #tpu.memory_space<vmem>>, vector<16xf32>,
      %get3A_505 = vector.shape_cast %get3A_504 : vector<16xf32> to vector<16xf32>
      %mul3A_506 = arith.mulf %get3A_502, %get3A_505 : vector<16xf32>
      %add3A_507 = arith.addf %add3A_497, %mul3A_506 : vector<16xf32>
      %add3A_508 = arith.constant 1440 : i32
      %add3A_509 = arith.addi %add3A_508, %mul3A_460 : i32
      %get3A_510 = arith.index_cast %add3A_509 : i32 to index
      %get3A_511 = tpu.vector_load %arg13[%get3A_510] {strides = array<i32>} : memref<2592xf32, #tpu.memory_space<vmem>>, vector<16xf32>,
      %get3A_512 = vector.shape_cast %get3A_511 : vector<16xf32> to vector<16xf32>
      %get3A_513 = arith.index_cast %add3A_509 : i32 to index
      %get3A_514 = tpu.vector_load %arg12[%get3A_513] {strides = array<i32>} : memref<2592xf32, #tpu.memory_space<vmem>>, vector<16xf32>,
      %get3A_515 = vector.shape_cast %get3A_514 : vector<16xf32> to vector<16xf32>
      %mul3A_516 = arith.mulf %get3A_512, %get3A_515 : vector<16xf32>
      %add3A_517 = arith.addf %add3A_507, %mul3A_516 : vector<16xf32>
      %add3A_518 = arith.constant 1728 : i32
      %add3A_519 = arith.addi %add3A_518, %mul3A_460 : i32
      %get3A_520 = arith.index_cast %add3A_519 : i32 to index
      %get3A_521 = tpu.vector_load %arg13[%get3A_520] {strides = array<i32>} : memref<2592xf32, #tpu.memory_space<vmem>>, vector<16xf32>,
      %get3A_522 = vector.shape_cast %get3A_521 : vector<16xf32> to vector<16xf32>
      %get3A_523 = arith.index_cast %add3A_519 : i32 to index
      %get3A_524 = tpu.vector_load %arg12[%get3A_523] {strides = array<i32>} : memref<2592xf32, #tpu.memory_space<vmem>>, vector<16xf32>,
      %get3A_525 = vector.shape_cast %get3A_524 : vector<16xf32> to vector<16xf32>
      %mul3A_526 = arith.mulf %get3A_522, %get3A_525 : vector<16xf32>
      %add3A_527 = arith.addf %add3A_517, %mul3A_526 : vector<16xf32>
      %add3A_528 = arith.constant 2016 : i32
      %add3A_529 = arith.addi %add3A_528, %mul3A_460 : i32
      %get3A_530 = arith.index_cast %add3A_529 : i32 to index
      %get3A_531 = tpu.vector_load %arg13[%get3A_530] {strides = array<i32>} : memref<2592xf32, #tpu.memory_space<vmem>>, vector<16xf32>,
      %get3A_532 = vector.shape_cast %get3A_531 : vector<16xf32> to vector<16xf32>
      %get3A_533 = arith.index_cast %add3A_529 : i32 to index
      %get3A_534 = tpu.vector_load %arg12[%get3A_533] {strides = array<i32>} : memref<2592xf32, #tpu.memory_space<vmem>>, vector<16xf32>,
      %get3A_535 = vector.shape_cast %get3A_534 : vector<16xf32> to vector<16xf32>
      %mul3A_536 = arith.mulf %get3A_532, %get3A_535 : vector<16xf32>
      %add3A_537 = arith.addf %add3A_527, %mul3A_536 : vector<16xf32>
      %add3A_538 = arith.constant 2304 : i32
      %add3A_539 = arith.addi %add3A_538, %mul3A_460 : i32
      %get3A_540 = arith.index_cast %add3A_539 : i32 to index
      %get3A_541 = tpu.vector_load %arg13[%get3A_540] {strides = array<i32>} : memref<2592xf32, #tpu.memory_space<vmem>>, vector<16xf32>,
      %get3A_542 = vector.shape_cast %get3A_541 : vector<16xf32> to vector<16xf32>
      %get3A_543 = arith.index_cast %add3A_539 : i32 to index
      %get3A_544 = tpu.vector_load %arg12[%get3A_543] {strides = array<i32>} : memref<2592xf32, #tpu.memory_space<vmem>>, vector<16xf32>,
      %get3A_545 = vector.shape_cast %get3A_544 : vector<16xf32> to vector<16xf32>
      %mul3A_546 = arith.mulf %get3A_542, %get3A_545 : vector<16xf32>
      %add3A_547 = arith.addf %add3A_537, %mul3A_546 : vector<16xf32>
      %swap3A = arith.index_cast %mul3A_460 : i32 to index
      %swap3A_548 = tpu.vector_load %arg15[%swap3A] {strides = array<i32>} : memref<288xf32, #tpu.memory_space<vmem>>, vector<16xf32>,
      %swap3A_549 = vector.shape_cast %swap3A_548 : vector<16xf32> to vector<16xf32>
      %swap3A_550 = vector.shape_cast %add3A_547 : vector<16xf32> to vector<16xf32>
      tpu.vector_store %arg15[%swap3A], %swap3A_550 {strides = array<i32>} : memref<288xf32, #tpu.memory_space<vmem>>, vector<16xf32>,
    }
    %scan3A_331 = arith.constant 18 : i32
    %mul3A_332 = arith.constant 288 : i32
    %mul3A_333 = arith.muli %add3A, %mul3A_332 : i32
    %add3A_334 = arith.constant 147456 : i32
    %add3A_335 = arith.addi %add3A_334, %mul3A_333 : i32
    "tpu.region"() ({
      %run_scoped3A = tpu.sem_alloc : memref<!tpu.dma_semaphore, #tpu.memory_space<semaphore_mem>>
      %dma_start3A_458 = tpu.memref_slice %arg7[%add3A_335] : memref<221184xf32, #tpu.memory_space<hbm>> -> memref<288xf32, #tpu.memory_space<hbm>>
      %dma_start3A_459 = tpu.memref_slice %arg7[%add3A_335] : memref<221184xf32, #tpu.memory_space<hbm>> -> memref<288xf32, #tpu.memory_space<hbm>>
      tpu.enqueue_dma source(%arg15 : memref<288xf32, #tpu.memory_space<vmem>>) target(%dma_start3A_459 : memref<288xf32, #tpu.memory_space<hbm>>) target_semaphore(%run_scoped3A : memref<!tpu.dma_semaphore, #tpu.memory_space<semaphore_mem>>)
      %dma_wait3A_460 = tpu.memref_slice %arg7[%add3A_335] : memref<221184xf32, #tpu.memory_space<hbm>> -> memref<288xf32, #tpu.memory_space<hbm>>
      %dma_wait3A_461 = tpu.memref_slice %arg7[%add3A_335] : memref<221184xf32, #tpu.memory_space<hbm>> -> memref<288xf32, #tpu.memory_space<hbm>>
      tpu.wait_dma2 semaphore(%run_scoped3A : memref<!tpu.dma_semaphore, #tpu.memory_space<semaphore_mem>>) src(%arg15 : memref<288xf32, #tpu.memory_space<vmem>>) dst(%dma_wait3A_461 : memref<288xf32, #tpu.memory_space<hbm>>)
      tpu.yield
    }) : () -> ()
    %dma_start3A_336 = arith.constant 4718592 : i32
    %dma_start3A_337 = tpu.memref_slice %arg2[%dma_start3A_336] : memref<6291456xf32, #tpu.memory_space<hbm>> -> memref<262144xf32, #tpu.memory_space<hbm>>
    %dma_start3A_338 = arith.constant 0 : i32
    %dma_start3A_339 = tpu.memref_slice %dma_start3A_337[%dma_start3A_338] : memref<262144xf32, #tpu.memory_space<hbm>> -> memref<262144xf32, #tpu.memory_space<hbm>>
    tpu.enqueue_indirect_dma source(%dma_start3A_339 : memref<262144xf32, #tpu.memory_space<hbm>>) target(%arg13 : memref<2592xf32, #tpu.memory_space<vmem>>) offsets(%arg11 : memref<2592xi32, #tpu.memory_space<vmem>>) semaphore(%arg17 : memref<!tpu.dma_semaphore, #tpu.memory_space<semaphore_mem>>)
    %dma_wait3A_340 = arith.constant 4456448 : i32
    %dma_wait3A_341 = tpu.memref_slice %arg2[%dma_wait3A_340] : memref<6291456xf32, #tpu.memory_space<hbm>> -> memref<262144xf32, #tpu.memory_space<hbm>>
    %dma_wait3A_342 = arith.constant 0 : i32
    %dma_wait3A_343 = tpu.memref_slice %dma_wait3A_341[%dma_wait3A_342] : memref<262144xf32, #tpu.memory_space<hbm>> -> memref<262144xf32, #tpu.memory_space<hbm>>
    tpu.wait_indirect_dma semaphore(%arg18 : memref<!tpu.dma_semaphore, #tpu.memory_space<semaphore_mem>>) src(%dma_wait3A_343 : memref<262144xf32, #tpu.memory_space<hbm>>) dst(%arg14 : memref<2592xf32, #tpu.memory_space<vmem>>)
    %scan3A_344 = arith.constant 0 : i32
    %scan3A_345 = arith.constant 0 : i32
    %scan3A_346 = arith.constant 18 : i32
    %scan3A_347 = arith.addi %scan3A_345, %scan3A_346 : i32
    %scan3A_348 = arith.constant 1 : i32
    scf.for %scan3A_458 = %scan3A_345 to %scan3A_347 step %scan3A_348  : i32 {
      %mul3A_459 = arith.constant 16 : i32
      %mul3A_460 = arith.muli %scan3A_458, %mul3A_459 : i32
      %get3A_461 = arith.index_cast %mul3A_460 : i32 to index
      %get3A_462 = tpu.vector_load %arg14[%get3A_461] {strides = array<i32>} : memref<2592xf32, #tpu.memory_space<vmem>>, vector<16xf32>,
      %get3A_463 = vector.shape_cast %get3A_462 : vector<16xf32> to vector<16xf32>
      %get3A_464 = arith.index_cast %mul3A_460 : i32 to index
      %get3A_465 = tpu.vector_load %arg12[%get3A_464] {strides = array<i32>} : memref<2592xf32, #tpu.memory_space<vmem>>, vector<16xf32>,
      %get3A_466 = vector.shape_cast %get3A_465 : vector<16xf32> to vector<16xf32>
      %mul3A_467 = arith.mulf %get3A_463, %get3A_466 : vector<16xf32>
      %add3A_468 = arith.constant 288 : i32
      %add3A_469 = arith.addi %add3A_468, %mul3A_460 : i32
      %get3A_470 = arith.index_cast %add3A_469 : i32 to index
      %get3A_471 = tpu.vector_load %arg14[%get3A_470] {strides = array<i32>} : memref<2592xf32, #tpu.memory_space<vmem>>, vector<16xf32>,
      %get3A_472 = vector.shape_cast %get3A_471 : vector<16xf32> to vector<16xf32>
      %get3A_473 = arith.index_cast %add3A_469 : i32 to index
      %get3A_474 = tpu.vector_load %arg12[%get3A_473] {strides = array<i32>} : memref<2592xf32, #tpu.memory_space<vmem>>, vector<16xf32>,
      %get3A_475 = vector.shape_cast %get3A_474 : vector<16xf32> to vector<16xf32>
      %mul3A_476 = arith.mulf %get3A_472, %get3A_475 : vector<16xf32>
      %add3A_477 = arith.addf %mul3A_467, %mul3A_476 : vector<16xf32>
      %add3A_478 = arith.constant 576 : i32
      %add3A_479 = arith.addi %add3A_478, %mul3A_460 : i32
      %get3A_480 = arith.index_cast %add3A_479 : i32 to index
      %get3A_481 = tpu.vector_load %arg14[%get3A_480] {strides = array<i32>} : memref<2592xf32, #tpu.memory_space<vmem>>, vector<16xf32>,
      %get3A_482 = vector.shape_cast %get3A_481 : vector<16xf32> to vector<16xf32>
      %get3A_483 = arith.index_cast %add3A_479 : i32 to index
      %get3A_484 = tpu.vector_load %arg12[%get3A_483] {strides = array<i32>} : memref<2592xf32, #tpu.memory_space<vmem>>, vector<16xf32>,
      %get3A_485 = vector.shape_cast %get3A_484 : vector<16xf32> to vector<16xf32>
      %mul3A_486 = arith.mulf %get3A_482, %get3A_485 : vector<16xf32>
      %add3A_487 = arith.addf %add3A_477, %mul3A_486 : vector<16xf32>
      %add3A_488 = arith.constant 864 : i32
      %add3A_489 = arith.addi %add3A_488, %mul3A_460 : i32
      %get3A_490 = arith.index_cast %add3A_489 : i32 to index
      %get3A_491 = tpu.vector_load %arg14[%get3A_490] {strides = array<i32>} : memref<2592xf32, #tpu.memory_space<vmem>>, vector<16xf32>,
      %get3A_492 = vector.shape_cast %get3A_491 : vector<16xf32> to vector<16xf32>
      %get3A_493 = arith.index_cast %add3A_489 : i32 to index
      %get3A_494 = tpu.vector_load %arg12[%get3A_493] {strides = array<i32>} : memref<2592xf32, #tpu.memory_space<vmem>>, vector<16xf32>,
      %get3A_495 = vector.shape_cast %get3A_494 : vector<16xf32> to vector<16xf32>
      %mul3A_496 = arith.mulf %get3A_492, %get3A_495 : vector<16xf32>
      %add3A_497 = arith.addf %add3A_487, %mul3A_496 : vector<16xf32>
      %add3A_498 = arith.constant 1152 : i32
      %add3A_499 = arith.addi %add3A_498, %mul3A_460 : i32
      %get3A_500 = arith.index_cast %add3A_499 : i32 to index
      %get3A_501 = tpu.vector_load %arg14[%get3A_500] {strides = array<i32>} : memref<2592xf32, #tpu.memory_space<vmem>>, vector<16xf32>,
      %get3A_502 = vector.shape_cast %get3A_501 : vector<16xf32> to vector<16xf32>
      %get3A_503 = arith.index_cast %add3A_499 : i32 to index
      %get3A_504 = tpu.vector_load %arg12[%get3A_503] {strides = array<i32>} : memref<2592xf32, #tpu.memory_space<vmem>>, vector<16xf32>,
      %get3A_505 = vector.shape_cast %get3A_504 : vector<16xf32> to vector<16xf32>
      %mul3A_506 = arith.mulf %get3A_502, %get3A_505 : vector<16xf32>
      %add3A_507 = arith.addf %add3A_497, %mul3A_506 : vector<16xf32>
      %add3A_508 = arith.constant 1440 : i32
      %add3A_509 = arith.addi %add3A_508, %mul3A_460 : i32
      %get3A_510 = arith.index_cast %add3A_509 : i32 to index
      %get3A_511 = tpu.vector_load %arg14[%get3A_510] {strides = array<i32>} : memref<2592xf32, #tpu.memory_space<vmem>>, vector<16xf32>,
      %get3A_512 = vector.shape_cast %get3A_511 : vector<16xf32> to vector<16xf32>
      %get3A_513 = arith.index_cast %add3A_509 : i32 to index
      %get3A_514 = tpu.vector_load %arg12[%get3A_513] {strides = array<i32>} : memref<2592xf32, #tpu.memory_space<vmem>>, vector<16xf32>,
      %get3A_515 = vector.shape_cast %get3A_514 : vector<16xf32> to vector<16xf32>
      %mul3A_516 = arith.mulf %get3A_512, %get3A_515 : vector<16xf32>
      %add3A_517 = arith.addf %add3A_507, %mul3A_516 : vector<16xf32>
      %add3A_518 = arith.constant 1728 : i32
      %add3A_519 = arith.addi %add3A_518, %mul3A_460 : i32
      %get3A_520 = arith.index_cast %add3A_519 : i32 to index
      %get3A_521 = tpu.vector_load %arg14[%get3A_520] {strides = array<i32>} : memref<2592xf32, #tpu.memory_space<vmem>>, vector<16xf32>,
      %get3A_522 = vector.shape_cast %get3A_521 : vector<16xf32> to vector<16xf32>
      %get3A_523 = arith.index_cast %add3A_519 : i32 to index
      %get3A_524 = tpu.vector_load %arg12[%get3A_523] {strides = array<i32>} : memref<2592xf32, #tpu.memory_space<vmem>>, vector<16xf32>,
      %get3A_525 = vector.shape_cast %get3A_524 : vector<16xf32> to vector<16xf32>
      %mul3A_526 = arith.mulf %get3A_522, %get3A_525 : vector<16xf32>
      %add3A_527 = arith.addf %add3A_517, %mul3A_526 : vector<16xf32>
      %add3A_528 = arith.constant 2016 : i32
      %add3A_529 = arith.addi %add3A_528, %mul3A_460 : i32
      %get3A_530 = arith.index_cast %add3A_529 : i32 to index
      %get3A_531 = tpu.vector_load %arg14[%get3A_530] {strides = array<i32>} : memref<2592xf32, #tpu.memory_space<vmem>>, vector<16xf32>,
      %get3A_532 = vector.shape_cast %get3A_531 : vector<16xf32> to vector<16xf32>
      %get3A_533 = arith.index_cast %add3A_529 : i32 to index
      %get3A_534 = tpu.vector_load %arg12[%get3A_533] {strides = array<i32>} : memref<2592xf32, #tpu.memory_space<vmem>>, vector<16xf32>,
      %get3A_535 = vector.shape_cast %get3A_534 : vector<16xf32> to vector<16xf32>
      %mul3A_536 = arith.mulf %get3A_532, %get3A_535 : vector<16xf32>
      %add3A_537 = arith.addf %add3A_527, %mul3A_536 : vector<16xf32>
      %add3A_538 = arith.constant 2304 : i32
      %add3A_539 = arith.addi %add3A_538, %mul3A_460 : i32
      %get3A_540 = arith.index_cast %add3A_539 : i32 to index
      %get3A_541 = tpu.vector_load %arg14[%get3A_540] {strides = array<i32>} : memref<2592xf32, #tpu.memory_space<vmem>>, vector<16xf32>,
      %get3A_542 = vector.shape_cast %get3A_541 : vector<16xf32> to vector<16xf32>
      %get3A_543 = arith.index_cast %add3A_539 : i32 to index
      %get3A_544 = tpu.vector_load %arg12[%get3A_543] {strides = array<i32>} : memref<2592xf32, #tpu.memory_space<vmem>>, vector<16xf32>,
      %get3A_545 = vector.shape_cast %get3A_544 : vector<16xf32> to vector<16xf32>
      %mul3A_546 = arith.mulf %get3A_542, %get3A_545 : vector<16xf32>
      %add3A_547 = arith.addf %add3A_537, %mul3A_546 : vector<16xf32>
      %swap3A = arith.index_cast %mul3A_460 : i32 to index
      %swap3A_548 = tpu.vector_load %arg15[%swap3A] {strides = array<i32>} : memref<288xf32, #tpu.memory_space<vmem>>, vector<16xf32>,
      %swap3A_549 = vector.shape_cast %swap3A_548 : vector<16xf32> to vector<16xf32>
      %swap3A_550 = vector.shape_cast %add3A_547 : vector<16xf32> to vector<16xf32>
      tpu.vector_store %arg15[%swap3A], %swap3A_550 {strides = array<i32>} : memref<288xf32, #tpu.memory_space<vmem>>, vector<16xf32>,
    }
    %scan3A_349 = arith.constant 18 : i32
    %mul3A_350 = arith.constant 288 : i32
    %mul3A_351 = arith.muli %add3A, %mul3A_350 : i32
    %add3A_352 = arith.constant 156672 : i32
    %add3A_353 = arith.addi %add3A_352, %mul3A_351 : i32
    "tpu.region"() ({
      %run_scoped3A = tpu.sem_alloc : memref<!tpu.dma_semaphore, #tpu.memory_space<semaphore_mem>>
      %dma_start3A_458 = tpu.memref_slice %arg7[%add3A_353] : memref<221184xf32, #tpu.memory_space<hbm>> -> memref<288xf32, #tpu.memory_space<hbm>>
      %dma_start3A_459 = tpu.memref_slice %arg7[%add3A_353] : memref<221184xf32, #tpu.memory_space<hbm>> -> memref<288xf32, #tpu.memory_space<hbm>>
      tpu.enqueue_dma source(%arg15 : memref<288xf32, #tpu.memory_space<vmem>>) target(%dma_start3A_459 : memref<288xf32, #tpu.memory_space<hbm>>) target_semaphore(%run_scoped3A : memref<!tpu.dma_semaphore, #tpu.memory_space<semaphore_mem>>)
      %dma_wait3A_460 = tpu.memref_slice %arg7[%add3A_353] : memref<221184xf32, #tpu.memory_space<hbm>> -> memref<288xf32, #tpu.memory_space<hbm>>
      %dma_wait3A_461 = tpu.memref_slice %arg7[%add3A_353] : memref<221184xf32, #tpu.memory_space<hbm>> -> memref<288xf32, #tpu.memory_space<hbm>>
      tpu.wait_dma2 semaphore(%run_scoped3A : memref<!tpu.dma_semaphore, #tpu.memory_space<semaphore_mem>>) src(%arg15 : memref<288xf32, #tpu.memory_space<vmem>>) dst(%dma_wait3A_461 : memref<288xf32, #tpu.memory_space<hbm>>)
      tpu.yield
    }) : () -> ()
    %dma_start3A_354 = arith.constant 4980736 : i32
    %dma_start3A_355 = tpu.memref_slice %arg2[%dma_start3A_354] : memref<6291456xf32, #tpu.memory_space<hbm>> -> memref<262144xf32, #tpu.memory_space<hbm>>
    %dma_start3A_356 = arith.constant 0 : i32
    %dma_start3A_357 = tpu.memref_slice %dma_start3A_355[%dma_start3A_356] : memref<262144xf32, #tpu.memory_space<hbm>> -> memref<262144xf32, #tpu.memory_space<hbm>>
    tpu.enqueue_indirect_dma source(%dma_start3A_357 : memref<262144xf32, #tpu.memory_space<hbm>>) target(%arg14 : memref<2592xf32, #tpu.memory_space<vmem>>) offsets(%arg11 : memref<2592xi32, #tpu.memory_space<vmem>>) semaphore(%arg18 : memref<!tpu.dma_semaphore, #tpu.memory_space<semaphore_mem>>)
    %dma_wait3A_358 = arith.constant 4718592 : i32
    %dma_wait3A_359 = tpu.memref_slice %arg2[%dma_wait3A_358] : memref<6291456xf32, #tpu.memory_space<hbm>> -> memref<262144xf32, #tpu.memory_space<hbm>>
    %dma_wait3A_360 = arith.constant 0 : i32
    %dma_wait3A_361 = tpu.memref_slice %dma_wait3A_359[%dma_wait3A_360] : memref<262144xf32, #tpu.memory_space<hbm>> -> memref<262144xf32, #tpu.memory_space<hbm>>
    tpu.wait_indirect_dma semaphore(%arg17 : memref<!tpu.dma_semaphore, #tpu.memory_space<semaphore_mem>>) src(%dma_wait3A_361 : memref<262144xf32, #tpu.memory_space<hbm>>) dst(%arg13 : memref<2592xf32, #tpu.memory_space<vmem>>)
    %scan3A_362 = arith.constant 0 : i32
    %scan3A_363 = arith.constant 0 : i32
    %scan3A_364 = arith.constant 18 : i32
    %scan3A_365 = arith.addi %scan3A_363, %scan3A_364 : i32
    %scan3A_366 = arith.constant 1 : i32
    scf.for %scan3A_458 = %scan3A_363 to %scan3A_365 step %scan3A_366  : i32 {
      %mul3A_459 = arith.constant 16 : i32
      %mul3A_460 = arith.muli %scan3A_458, %mul3A_459 : i32
      %get3A_461 = arith.index_cast %mul3A_460 : i32 to index
      %get3A_462 = tpu.vector_load %arg13[%get3A_461] {strides = array<i32>} : memref<2592xf32, #tpu.memory_space<vmem>>, vector<16xf32>,
      %get3A_463 = vector.shape_cast %get3A_462 : vector<16xf32> to vector<16xf32>
      %get3A_464 = arith.index_cast %mul3A_460 : i32 to index
      %get3A_465 = tpu.vector_load %arg12[%get3A_464] {strides = array<i32>} : memref<2592xf32, #tpu.memory_space<vmem>>, vector<16xf32>,
      %get3A_466 = vector.shape_cast %get3A_465 : vector<16xf32> to vector<16xf32>
      %mul3A_467 = arith.mulf %get3A_463, %get3A_466 : vector<16xf32>
      %add3A_468 = arith.constant 288 : i32
      %add3A_469 = arith.addi %add3A_468, %mul3A_460 : i32
      %get3A_470 = arith.index_cast %add3A_469 : i32 to index
      %get3A_471 = tpu.vector_load %arg13[%get3A_470] {strides = array<i32>} : memref<2592xf32, #tpu.memory_space<vmem>>, vector<16xf32>,
      %get3A_472 = vector.shape_cast %get3A_471 : vector<16xf32> to vector<16xf32>
      %get3A_473 = arith.index_cast %add3A_469 : i32 to index
      %get3A_474 = tpu.vector_load %arg12[%get3A_473] {strides = array<i32>} : memref<2592xf32, #tpu.memory_space<vmem>>, vector<16xf32>,
      %get3A_475 = vector.shape_cast %get3A_474 : vector<16xf32> to vector<16xf32>
      %mul3A_476 = arith.mulf %get3A_472, %get3A_475 : vector<16xf32>
      %add3A_477 = arith.addf %mul3A_467, %mul3A_476 : vector<16xf32>
      %add3A_478 = arith.constant 576 : i32
      %add3A_479 = arith.addi %add3A_478, %mul3A_460 : i32
      %get3A_480 = arith.index_cast %add3A_479 : i32 to index
      %get3A_481 = tpu.vector_load %arg13[%get3A_480] {strides = array<i32>} : memref<2592xf32, #tpu.memory_space<vmem>>, vector<16xf32>,
      %get3A_482 = vector.shape_cast %get3A_481 : vector<16xf32> to vector<16xf32>
      %get3A_483 = arith.index_cast %add3A_479 : i32 to index
      %get3A_484 = tpu.vector_load %arg12[%get3A_483] {strides = array<i32>} : memref<2592xf32, #tpu.memory_space<vmem>>, vector<16xf32>,
      %get3A_485 = vector.shape_cast %get3A_484 : vector<16xf32> to vector<16xf32>
      %mul3A_486 = arith.mulf %get3A_482, %get3A_485 : vector<16xf32>
      %add3A_487 = arith.addf %add3A_477, %mul3A_486 : vector<16xf32>
      %add3A_488 = arith.constant 864 : i32
      %add3A_489 = arith.addi %add3A_488, %mul3A_460 : i32
      %get3A_490 = arith.index_cast %add3A_489 : i32 to index
      %get3A_491 = tpu.vector_load %arg13[%get3A_490] {strides = array<i32>} : memref<2592xf32, #tpu.memory_space<vmem>>, vector<16xf32>,
      %get3A_492 = vector.shape_cast %get3A_491 : vector<16xf32> to vector<16xf32>
      %get3A_493 = arith.index_cast %add3A_489 : i32 to index
      %get3A_494 = tpu.vector_load %arg12[%get3A_493] {strides = array<i32>} : memref<2592xf32, #tpu.memory_space<vmem>>, vector<16xf32>,
      %get3A_495 = vector.shape_cast %get3A_494 : vector<16xf32> to vector<16xf32>
      %mul3A_496 = arith.mulf %get3A_492, %get3A_495 : vector<16xf32>
      %add3A_497 = arith.addf %add3A_487, %mul3A_496 : vector<16xf32>
      %add3A_498 = arith.constant 1152 : i32
      %add3A_499 = arith.addi %add3A_498, %mul3A_460 : i32
      %get3A_500 = arith.index_cast %add3A_499 : i32 to index
      %get3A_501 = tpu.vector_load %arg13[%get3A_500] {strides = array<i32>} : memref<2592xf32, #tpu.memory_space<vmem>>, vector<16xf32>,
      %get3A_502 = vector.shape_cast %get3A_501 : vector<16xf32> to vector<16xf32>
      %get3A_503 = arith.index_cast %add3A_499 : i32 to index
      %get3A_504 = tpu.vector_load %arg12[%get3A_503] {strides = array<i32>} : memref<2592xf32, #tpu.memory_space<vmem>>, vector<16xf32>,
      %get3A_505 = vector.shape_cast %get3A_504 : vector<16xf32> to vector<16xf32>
      %mul3A_506 = arith.mulf %get3A_502, %get3A_505 : vector<16xf32>
      %add3A_507 = arith.addf %add3A_497, %mul3A_506 : vector<16xf32>
      %add3A_508 = arith.constant 1440 : i32
      %add3A_509 = arith.addi %add3A_508, %mul3A_460 : i32
      %get3A_510 = arith.index_cast %add3A_509 : i32 to index
      %get3A_511 = tpu.vector_load %arg13[%get3A_510] {strides = array<i32>} : memref<2592xf32, #tpu.memory_space<vmem>>, vector<16xf32>,
      %get3A_512 = vector.shape_cast %get3A_511 : vector<16xf32> to vector<16xf32>
      %get3A_513 = arith.index_cast %add3A_509 : i32 to index
      %get3A_514 = tpu.vector_load %arg12[%get3A_513] {strides = array<i32>} : memref<2592xf32, #tpu.memory_space<vmem>>, vector<16xf32>,
      %get3A_515 = vector.shape_cast %get3A_514 : vector<16xf32> to vector<16xf32>
      %mul3A_516 = arith.mulf %get3A_512, %get3A_515 : vector<16xf32>
      %add3A_517 = arith.addf %add3A_507, %mul3A_516 : vector<16xf32>
      %add3A_518 = arith.constant 1728 : i32
      %add3A_519 = arith.addi %add3A_518, %mul3A_460 : i32
      %get3A_520 = arith.index_cast %add3A_519 : i32 to index
      %get3A_521 = tpu.vector_load %arg13[%get3A_520] {strides = array<i32>} : memref<2592xf32, #tpu.memory_space<vmem>>, vector<16xf32>,
      %get3A_522 = vector.shape_cast %get3A_521 : vector<16xf32> to vector<16xf32>
      %get3A_523 = arith.index_cast %add3A_519 : i32 to index
      %get3A_524 = tpu.vector_load %arg12[%get3A_523] {strides = array<i32>} : memref<2592xf32, #tpu.memory_space<vmem>>, vector<16xf32>,
      %get3A_525 = vector.shape_cast %get3A_524 : vector<16xf32> to vector<16xf32>
      %mul3A_526 = arith.mulf %get3A_522, %get3A_525 : vector<16xf32>
      %add3A_527 = arith.addf %add3A_517, %mul3A_526 : vector<16xf32>
      %add3A_528 = arith.constant 2016 : i32
      %add3A_529 = arith.addi %add3A_528, %mul3A_460 : i32
      %get3A_530 = arith.index_cast %add3A_529 : i32 to index
      %get3A_531 = tpu.vector_load %arg13[%get3A_530] {strides = array<i32>} : memref<2592xf32, #tpu.memory_space<vmem>>, vector<16xf32>,
      %get3A_532 = vector.shape_cast %get3A_531 : vector<16xf32> to vector<16xf32>
      %get3A_533 = arith.index_cast %add3A_529 : i32 to index
      %get3A_534 = tpu.vector_load %arg12[%get3A_533] {strides = array<i32>} : memref<2592xf32, #tpu.memory_space<vmem>>, vector<16xf32>,
      %get3A_535 = vector.shape_cast %get3A_534 : vector<16xf32> to vector<16xf32>
      %mul3A_536 = arith.mulf %get3A_532, %get3A_535 : vector<16xf32>
      %add3A_537 = arith.addf %add3A_527, %mul3A_536 : vector<16xf32>
      %add3A_538 = arith.constant 2304 : i32
      %add3A_539 = arith.addi %add3A_538, %mul3A_460 : i32
      %get3A_540 = arith.index_cast %add3A_539 : i32 to index
      %get3A_541 = tpu.vector_load %arg13[%get3A_540] {strides = array<i32>} : memref<2592xf32, #tpu.memory_space<vmem>>, vector<16xf32>,
      %get3A_542 = vector.shape_cast %get3A_541 : vector<16xf32> to vector<16xf32>
      %get3A_543 = arith.index_cast %add3A_539 : i32 to index
      %get3A_544 = tpu.vector_load %arg12[%get3A_543] {strides = array<i32>} : memref<2592xf32, #tpu.memory_space<vmem>>, vector<16xf32>,
      %get3A_545 = vector.shape_cast %get3A_544 : vector<16xf32> to vector<16xf32>
      %mul3A_546 = arith.mulf %get3A_542, %get3A_545 : vector<16xf32>
      %add3A_547 = arith.addf %add3A_537, %mul3A_546 : vector<16xf32>
      %swap3A = arith.index_cast %mul3A_460 : i32 to index
      %swap3A_548 = tpu.vector_load %arg15[%swap3A] {strides = array<i32>} : memref<288xf32, #tpu.memory_space<vmem>>, vector<16xf32>,
      %swap3A_549 = vector.shape_cast %swap3A_548 : vector<16xf32> to vector<16xf32>
      %swap3A_550 = vector.shape_cast %add3A_547 : vector<16xf32> to vector<16xf32>
      tpu.vector_store %arg15[%swap3A], %swap3A_550 {strides = array<i32>} : memref<288xf32, #tpu.memory_space<vmem>>, vector<16xf32>,
    }
    %scan3A_367 = arith.constant 18 : i32
    %mul3A_368 = arith.constant 288 : i32
    %mul3A_369 = arith.muli %add3A, %mul3A_368 : i32
    %add3A_370 = arith.constant 165888 : i32
    %add3A_371 = arith.addi %add3A_370, %mul3A_369 : i32
    "tpu.region"() ({
      %run_scoped3A = tpu.sem_alloc : memref<!tpu.dma_semaphore, #tpu.memory_space<semaphore_mem>>
      %dma_start3A_458 = tpu.memref_slice %arg7[%add3A_371] : memref<221184xf32, #tpu.memory_space<hbm>> -> memref<288xf32, #tpu.memory_space<hbm>>
      %dma_start3A_459 = tpu.memref_slice %arg7[%add3A_371] : memref<221184xf32, #tpu.memory_space<hbm>> -> memref<288xf32, #tpu.memory_space<hbm>>
      tpu.enqueue_dma source(%arg15 : memref<288xf32, #tpu.memory_space<vmem>>) target(%dma_start3A_459 : memref<288xf32, #tpu.memory_space<hbm>>) target_semaphore(%run_scoped3A : memref<!tpu.dma_semaphore, #tpu.memory_space<semaphore_mem>>)
      %dma_wait3A_460 = tpu.memref_slice %arg7[%add3A_371] : memref<221184xf32, #tpu.memory_space<hbm>> -> memref<288xf32, #tpu.memory_space<hbm>>
      %dma_wait3A_461 = tpu.memref_slice %arg7[%add3A_371] : memref<221184xf32, #tpu.memory_space<hbm>> -> memref<288xf32, #tpu.memory_space<hbm>>
      tpu.wait_dma2 semaphore(%run_scoped3A : memref<!tpu.dma_semaphore, #tpu.memory_space<semaphore_mem>>) src(%arg15 : memref<288xf32, #tpu.memory_space<vmem>>) dst(%dma_wait3A_461 : memref<288xf32, #tpu.memory_space<hbm>>)
      tpu.yield
    }) : () -> ()
    %dma_start3A_372 = arith.constant 5242880 : i32
    %dma_start3A_373 = tpu.memref_slice %arg2[%dma_start3A_372] : memref<6291456xf32, #tpu.memory_space<hbm>> -> memref<262144xf32, #tpu.memory_space<hbm>>
    %dma_start3A_374 = arith.constant 0 : i32
    %dma_start3A_375 = tpu.memref_slice %dma_start3A_373[%dma_start3A_374] : memref<262144xf32, #tpu.memory_space<hbm>> -> memref<262144xf32, #tpu.memory_space<hbm>>
    tpu.enqueue_indirect_dma source(%dma_start3A_375 : memref<262144xf32, #tpu.memory_space<hbm>>) target(%arg13 : memref<2592xf32, #tpu.memory_space<vmem>>) offsets(%arg11 : memref<2592xi32, #tpu.memory_space<vmem>>) semaphore(%arg17 : memref<!tpu.dma_semaphore, #tpu.memory_space<semaphore_mem>>)
    %dma_wait3A_376 = arith.constant 4980736 : i32
    %dma_wait3A_377 = tpu.memref_slice %arg2[%dma_wait3A_376] : memref<6291456xf32, #tpu.memory_space<hbm>> -> memref<262144xf32, #tpu.memory_space<hbm>>
    %dma_wait3A_378 = arith.constant 0 : i32
    %dma_wait3A_379 = tpu.memref_slice %dma_wait3A_377[%dma_wait3A_378] : memref<262144xf32, #tpu.memory_space<hbm>> -> memref<262144xf32, #tpu.memory_space<hbm>>
    tpu.wait_indirect_dma semaphore(%arg18 : memref<!tpu.dma_semaphore, #tpu.memory_space<semaphore_mem>>) src(%dma_wait3A_379 : memref<262144xf32, #tpu.memory_space<hbm>>) dst(%arg14 : memref<2592xf32, #tpu.memory_space<vmem>>)
    %scan3A_380 = arith.constant 0 : i32
    %scan3A_381 = arith.constant 0 : i32
    %scan3A_382 = arith.constant 18 : i32
    %scan3A_383 = arith.addi %scan3A_381, %scan3A_382 : i32
    %scan3A_384 = arith.constant 1 : i32
    scf.for %scan3A_458 = %scan3A_381 to %scan3A_383 step %scan3A_384  : i32 {
      %mul3A_459 = arith.constant 16 : i32
      %mul3A_460 = arith.muli %scan3A_458, %mul3A_459 : i32
      %get3A_461 = arith.index_cast %mul3A_460 : i32 to index
      %get3A_462 = tpu.vector_load %arg14[%get3A_461] {strides = array<i32>} : memref<2592xf32, #tpu.memory_space<vmem>>, vector<16xf32>,
      %get3A_463 = vector.shape_cast %get3A_462 : vector<16xf32> to vector<16xf32>
      %get3A_464 = arith.index_cast %mul3A_460 : i32 to index
      %get3A_465 = tpu.vector_load %arg12[%get3A_464] {strides = array<i32>} : memref<2592xf32, #tpu.memory_space<vmem>>, vector<16xf32>,
      %get3A_466 = vector.shape_cast %get3A_465 : vector<16xf32> to vector<16xf32>
      %mul3A_467 = arith.mulf %get3A_463, %get3A_466 : vector<16xf32>
      %add3A_468 = arith.constant 288 : i32
      %add3A_469 = arith.addi %add3A_468, %mul3A_460 : i32
      %get3A_470 = arith.index_cast %add3A_469 : i32 to index
      %get3A_471 = tpu.vector_load %arg14[%get3A_470] {strides = array<i32>} : memref<2592xf32, #tpu.memory_space<vmem>>, vector<16xf32>,
      %get3A_472 = vector.shape_cast %get3A_471 : vector<16xf32> to vector<16xf32>
      %get3A_473 = arith.index_cast %add3A_469 : i32 to index
      %get3A_474 = tpu.vector_load %arg12[%get3A_473] {strides = array<i32>} : memref<2592xf32, #tpu.memory_space<vmem>>, vector<16xf32>,
      %get3A_475 = vector.shape_cast %get3A_474 : vector<16xf32> to vector<16xf32>
      %mul3A_476 = arith.mulf %get3A_472, %get3A_475 : vector<16xf32>
      %add3A_477 = arith.addf %mul3A_467, %mul3A_476 : vector<16xf32>
      %add3A_478 = arith.constant 576 : i32
      %add3A_479 = arith.addi %add3A_478, %mul3A_460 : i32
      %get3A_480 = arith.index_cast %add3A_479 : i32 to index
      %get3A_481 = tpu.vector_load %arg14[%get3A_480] {strides = array<i32>} : memref<2592xf32, #tpu.memory_space<vmem>>, vector<16xf32>,
      %get3A_482 = vector.shape_cast %get3A_481 : vector<16xf32> to vector<16xf32>
      %get3A_483 = arith.index_cast %add3A_479 : i32 to index
      %get3A_484 = tpu.vector_load %arg12[%get3A_483] {strides = array<i32>} : memref<2592xf32, #tpu.memory_space<vmem>>, vector<16xf32>,
      %get3A_485 = vector.shape_cast %get3A_484 : vector<16xf32> to vector<16xf32>
      %mul3A_486 = arith.mulf %get3A_482, %get3A_485 : vector<16xf32>
      %add3A_487 = arith.addf %add3A_477, %mul3A_486 : vector<16xf32>
      %add3A_488 = arith.constant 864 : i32
      %add3A_489 = arith.addi %add3A_488, %mul3A_460 : i32
      %get3A_490 = arith.index_cast %add3A_489 : i32 to index
      %get3A_491 = tpu.vector_load %arg14[%get3A_490] {strides = array<i32>} : memref<2592xf32, #tpu.memory_space<vmem>>, vector<16xf32>,
      %get3A_492 = vector.shape_cast %get3A_491 : vector<16xf32> to vector<16xf32>
      %get3A_493 = arith.index_cast %add3A_489 : i32 to index
      %get3A_494 = tpu.vector_load %arg12[%get3A_493] {strides = array<i32>} : memref<2592xf32, #tpu.memory_space<vmem>>, vector<16xf32>,
      %get3A_495 = vector.shape_cast %get3A_494 : vector<16xf32> to vector<16xf32>
      %mul3A_496 = arith.mulf %get3A_492, %get3A_495 : vector<16xf32>
      %add3A_497 = arith.addf %add3A_487, %mul3A_496 : vector<16xf32>
      %add3A_498 = arith.constant 1152 : i32
      %add3A_499 = arith.addi %add3A_498, %mul3A_460 : i32
      %get3A_500 = arith.index_cast %add3A_499 : i32 to index
      %get3A_501 = tpu.vector_load %arg14[%get3A_500] {strides = array<i32>} : memref<2592xf32, #tpu.memory_space<vmem>>, vector<16xf32>,
      %get3A_502 = vector.shape_cast %get3A_501 : vector<16xf32> to vector<16xf32>
      %get3A_503 = arith.index_cast %add3A_499 : i32 to index
      %get3A_504 = tpu.vector_load %arg12[%get3A_503] {strides = array<i32>} : memref<2592xf32, #tpu.memory_space<vmem>>, vector<16xf32>,
      %get3A_505 = vector.shape_cast %get3A_504 : vector<16xf32> to vector<16xf32>
      %mul3A_506 = arith.mulf %get3A_502, %get3A_505 : vector<16xf32>
      %add3A_507 = arith.addf %add3A_497, %mul3A_506 : vector<16xf32>
      %add3A_508 = arith.constant 1440 : i32
      %add3A_509 = arith.addi %add3A_508, %mul3A_460 : i32
      %get3A_510 = arith.index_cast %add3A_509 : i32 to index
      %get3A_511 = tpu.vector_load %arg14[%get3A_510] {strides = array<i32>} : memref<2592xf32, #tpu.memory_space<vmem>>, vector<16xf32>,
      %get3A_512 = vector.shape_cast %get3A_511 : vector<16xf32> to vector<16xf32>
      %get3A_513 = arith.index_cast %add3A_509 : i32 to index
      %get3A_514 = tpu.vector_load %arg12[%get3A_513] {strides = array<i32>} : memref<2592xf32, #tpu.memory_space<vmem>>, vector<16xf32>,
      %get3A_515 = vector.shape_cast %get3A_514 : vector<16xf32> to vector<16xf32>
      %mul3A_516 = arith.mulf %get3A_512, %get3A_515 : vector<16xf32>
      %add3A_517 = arith.addf %add3A_507, %mul3A_516 : vector<16xf32>
      %add3A_518 = arith.constant 1728 : i32
      %add3A_519 = arith.addi %add3A_518, %mul3A_460 : i32
      %get3A_520 = arith.index_cast %add3A_519 : i32 to index
      %get3A_521 = tpu.vector_load %arg14[%get3A_520] {strides = array<i32>} : memref<2592xf32, #tpu.memory_space<vmem>>, vector<16xf32>,
      %get3A_522 = vector.shape_cast %get3A_521 : vector<16xf32> to vector<16xf32>
      %get3A_523 = arith.index_cast %add3A_519 : i32 to index
      %get3A_524 = tpu.vector_load %arg12[%get3A_523] {strides = array<i32>} : memref<2592xf32, #tpu.memory_space<vmem>>, vector<16xf32>,
      %get3A_525 = vector.shape_cast %get3A_524 : vector<16xf32> to vector<16xf32>
      %mul3A_526 = arith.mulf %get3A_522, %get3A_525 : vector<16xf32>
      %add3A_527 = arith.addf %add3A_517, %mul3A_526 : vector<16xf32>
      %add3A_528 = arith.constant 2016 : i32
      %add3A_529 = arith.addi %add3A_528, %mul3A_460 : i32
      %get3A_530 = arith.index_cast %add3A_529 : i32 to index
      %get3A_531 = tpu.vector_load %arg14[%get3A_530] {strides = array<i32>} : memref<2592xf32, #tpu.memory_space<vmem>>, vector<16xf32>,
      %get3A_532 = vector.shape_cast %get3A_531 : vector<16xf32> to vector<16xf32>
      %get3A_533 = arith.index_cast %add3A_529 : i32 to index
      %get3A_534 = tpu.vector_load %arg12[%get3A_533] {strides = array<i32>} : memref<2592xf32, #tpu.memory_space<vmem>>, vector<16xf32>,
      %get3A_535 = vector.shape_cast %get3A_534 : vector<16xf32> to vector<16xf32>
      %mul3A_536 = arith.mulf %get3A_532, %get3A_535 : vector<16xf32>
      %add3A_537 = arith.addf %add3A_527, %mul3A_536 : vector<16xf32>
      %add3A_538 = arith.constant 2304 : i32
      %add3A_539 = arith.addi %add3A_538, %mul3A_460 : i32
      %get3A_540 = arith.index_cast %add3A_539 : i32 to index
      %get3A_541 = tpu.vector_load %arg14[%get3A_540] {strides = array<i32>} : memref<2592xf32, #tpu.memory_space<vmem>>, vector<16xf32>,
      %get3A_542 = vector.shape_cast %get3A_541 : vector<16xf32> to vector<16xf32>
      %get3A_543 = arith.index_cast %add3A_539 : i32 to index
      %get3A_544 = tpu.vector_load %arg12[%get3A_543] {strides = array<i32>} : memref<2592xf32, #tpu.memory_space<vmem>>, vector<16xf32>,
      %get3A_545 = vector.shape_cast %get3A_544 : vector<16xf32> to vector<16xf32>
      %mul3A_546 = arith.mulf %get3A_542, %get3A_545 : vector<16xf32>
      %add3A_547 = arith.addf %add3A_537, %mul3A_546 : vector<16xf32>
      %swap3A = arith.index_cast %mul3A_460 : i32 to index
      %swap3A_548 = tpu.vector_load %arg15[%swap3A] {strides = array<i32>} : memref<288xf32, #tpu.memory_space<vmem>>, vector<16xf32>,
      %swap3A_549 = vector.shape_cast %swap3A_548 : vector<16xf32> to vector<16xf32>
      %swap3A_550 = vector.shape_cast %add3A_547 : vector<16xf32> to vector<16xf32>
      tpu.vector_store %arg15[%swap3A], %swap3A_550 {strides = array<i32>} : memref<288xf32, #tpu.memory_space<vmem>>, vector<16xf32>,
    }
    %scan3A_385 = arith.constant 18 : i32
    %mul3A_386 = arith.constant 288 : i32
    %mul3A_387 = arith.muli %add3A, %mul3A_386 : i32
    %add3A_388 = arith.constant 175104 : i32
    %add3A_389 = arith.addi %add3A_388, %mul3A_387 : i32
    "tpu.region"() ({
      %run_scoped3A = tpu.sem_alloc : memref<!tpu.dma_semaphore, #tpu.memory_space<semaphore_mem>>
      %dma_start3A_458 = tpu.memref_slice %arg7[%add3A_389] : memref<221184xf32, #tpu.memory_space<hbm>> -> memref<288xf32, #tpu.memory_space<hbm>>
      %dma_start3A_459 = tpu.memref_slice %arg7[%add3A_389] : memref<221184xf32, #tpu.memory_space<hbm>> -> memref<288xf32, #tpu.memory_space<hbm>>
      tpu.enqueue_dma source(%arg15 : memref<288xf32, #tpu.memory_space<vmem>>) target(%dma_start3A_459 : memref<288xf32, #tpu.memory_space<hbm>>) target_semaphore(%run_scoped3A : memref<!tpu.dma_semaphore, #tpu.memory_space<semaphore_mem>>)
      %dma_wait3A_460 = tpu.memref_slice %arg7[%add3A_389] : memref<221184xf32, #tpu.memory_space<hbm>> -> memref<288xf32, #tpu.memory_space<hbm>>
      %dma_wait3A_461 = tpu.memref_slice %arg7[%add3A_389] : memref<221184xf32, #tpu.memory_space<hbm>> -> memref<288xf32, #tpu.memory_space<hbm>>
      tpu.wait_dma2 semaphore(%run_scoped3A : memref<!tpu.dma_semaphore, #tpu.memory_space<semaphore_mem>>) src(%arg15 : memref<288xf32, #tpu.memory_space<vmem>>) dst(%dma_wait3A_461 : memref<288xf32, #tpu.memory_space<hbm>>)
      tpu.yield
    }) : () -> ()
    %dma_start3A_390 = arith.constant 5505024 : i32
    %dma_start3A_391 = tpu.memref_slice %arg2[%dma_start3A_390] : memref<6291456xf32, #tpu.memory_space<hbm>> -> memref<262144xf32, #tpu.memory_space<hbm>>
    %dma_start3A_392 = arith.constant 0 : i32
    %dma_start3A_393 = tpu.memref_slice %dma_start3A_391[%dma_start3A_392] : memref<262144xf32, #tpu.memory_space<hbm>> -> memref<262144xf32, #tpu.memory_space<hbm>>
    tpu.enqueue_indirect_dma source(%dma_start3A_393 : memref<262144xf32, #tpu.memory_space<hbm>>) target(%arg14 : memref<2592xf32, #tpu.memory_space<vmem>>) offsets(%arg11 : memref<2592xi32, #tpu.memory_space<vmem>>) semaphore(%arg18 : memref<!tpu.dma_semaphore, #tpu.memory_space<semaphore_mem>>)
    %dma_wait3A_394 = arith.constant 5242880 : i32
    %dma_wait3A_395 = tpu.memref_slice %arg2[%dma_wait3A_394] : memref<6291456xf32, #tpu.memory_space<hbm>> -> memref<262144xf32, #tpu.memory_space<hbm>>
    %dma_wait3A_396 = arith.constant 0 : i32
    %dma_wait3A_397 = tpu.memref_slice %dma_wait3A_395[%dma_wait3A_396] : memref<262144xf32, #tpu.memory_space<hbm>> -> memref<262144xf32, #tpu.memory_space<hbm>>
    tpu.wait_indirect_dma semaphore(%arg17 : memref<!tpu.dma_semaphore, #tpu.memory_space<semaphore_mem>>) src(%dma_wait3A_397 : memref<262144xf32, #tpu.memory_space<hbm>>) dst(%arg13 : memref<2592xf32, #tpu.memory_space<vmem>>)
    %scan3A_398 = arith.constant 0 : i32
    %scan3A_399 = arith.constant 0 : i32
    %scan3A_400 = arith.constant 18 : i32
    %scan3A_401 = arith.addi %scan3A_399, %scan3A_400 : i32
    %scan3A_402 = arith.constant 1 : i32
    scf.for %scan3A_458 = %scan3A_399 to %scan3A_401 step %scan3A_402  : i32 {
      %mul3A_459 = arith.constant 16 : i32
      %mul3A_460 = arith.muli %scan3A_458, %mul3A_459 : i32
      %get3A_461 = arith.index_cast %mul3A_460 : i32 to index
      %get3A_462 = tpu.vector_load %arg13[%get3A_461] {strides = array<i32>} : memref<2592xf32, #tpu.memory_space<vmem>>, vector<16xf32>,
      %get3A_463 = vector.shape_cast %get3A_462 : vector<16xf32> to vector<16xf32>
      %get3A_464 = arith.index_cast %mul3A_460 : i32 to index
      %get3A_465 = tpu.vector_load %arg12[%get3A_464] {strides = array<i32>} : memref<2592xf32, #tpu.memory_space<vmem>>, vector<16xf32>,
      %get3A_466 = vector.shape_cast %get3A_465 : vector<16xf32> to vector<16xf32>
      %mul3A_467 = arith.mulf %get3A_463, %get3A_466 : vector<16xf32>
      %add3A_468 = arith.constant 288 : i32
      %add3A_469 = arith.addi %add3A_468, %mul3A_460 : i32
      %get3A_470 = arith.index_cast %add3A_469 : i32 to index
      %get3A_471 = tpu.vector_load %arg13[%get3A_470] {strides = array<i32>} : memref<2592xf32, #tpu.memory_space<vmem>>, vector<16xf32>,
      %get3A_472 = vector.shape_cast %get3A_471 : vector<16xf32> to vector<16xf32>
      %get3A_473 = arith.index_cast %add3A_469 : i32 to index
      %get3A_474 = tpu.vector_load %arg12[%get3A_473] {strides = array<i32>} : memref<2592xf32, #tpu.memory_space<vmem>>, vector<16xf32>,
      %get3A_475 = vector.shape_cast %get3A_474 : vector<16xf32> to vector<16xf32>
      %mul3A_476 = arith.mulf %get3A_472, %get3A_475 : vector<16xf32>
      %add3A_477 = arith.addf %mul3A_467, %mul3A_476 : vector<16xf32>
      %add3A_478 = arith.constant 576 : i32
      %add3A_479 = arith.addi %add3A_478, %mul3A_460 : i32
      %get3A_480 = arith.index_cast %add3A_479 : i32 to index
      %get3A_481 = tpu.vector_load %arg13[%get3A_480] {strides = array<i32>} : memref<2592xf32, #tpu.memory_space<vmem>>, vector<16xf32>,
      %get3A_482 = vector.shape_cast %get3A_481 : vector<16xf32> to vector<16xf32>
      %get3A_483 = arith.index_cast %add3A_479 : i32 to index
      %get3A_484 = tpu.vector_load %arg12[%get3A_483] {strides = array<i32>} : memref<2592xf32, #tpu.memory_space<vmem>>, vector<16xf32>,
      %get3A_485 = vector.shape_cast %get3A_484 : vector<16xf32> to vector<16xf32>
      %mul3A_486 = arith.mulf %get3A_482, %get3A_485 : vector<16xf32>
      %add3A_487 = arith.addf %add3A_477, %mul3A_486 : vector<16xf32>
      %add3A_488 = arith.constant 864 : i32
      %add3A_489 = arith.addi %add3A_488, %mul3A_460 : i32
      %get3A_490 = arith.index_cast %add3A_489 : i32 to index
      %get3A_491 = tpu.vector_load %arg13[%get3A_490] {strides = array<i32>} : memref<2592xf32, #tpu.memory_space<vmem>>, vector<16xf32>,
      %get3A_492 = vector.shape_cast %get3A_491 : vector<16xf32> to vector<16xf32>
      %get3A_493 = arith.index_cast %add3A_489 : i32 to index
      %get3A_494 = tpu.vector_load %arg12[%get3A_493] {strides = array<i32>} : memref<2592xf32, #tpu.memory_space<vmem>>, vector<16xf32>,
      %get3A_495 = vector.shape_cast %get3A_494 : vector<16xf32> to vector<16xf32>
      %mul3A_496 = arith.mulf %get3A_492, %get3A_495 : vector<16xf32>
      %add3A_497 = arith.addf %add3A_487, %mul3A_496 : vector<16xf32>
      %add3A_498 = arith.constant 1152 : i32
      %add3A_499 = arith.addi %add3A_498, %mul3A_460 : i32
      %get3A_500 = arith.index_cast %add3A_499 : i32 to index
      %get3A_501 = tpu.vector_load %arg13[%get3A_500] {strides = array<i32>} : memref<2592xf32, #tpu.memory_space<vmem>>, vector<16xf32>,
      %get3A_502 = vector.shape_cast %get3A_501 : vector<16xf32> to vector<16xf32>
      %get3A_503 = arith.index_cast %add3A_499 : i32 to index
      %get3A_504 = tpu.vector_load %arg12[%get3A_503] {strides = array<i32>} : memref<2592xf32, #tpu.memory_space<vmem>>, vector<16xf32>,
      %get3A_505 = vector.shape_cast %get3A_504 : vector<16xf32> to vector<16xf32>
      %mul3A_506 = arith.mulf %get3A_502, %get3A_505 : vector<16xf32>
      %add3A_507 = arith.addf %add3A_497, %mul3A_506 : vector<16xf32>
      %add3A_508 = arith.constant 1440 : i32
      %add3A_509 = arith.addi %add3A_508, %mul3A_460 : i32
      %get3A_510 = arith.index_cast %add3A_509 : i32 to index
      %get3A_511 = tpu.vector_load %arg13[%get3A_510] {strides = array<i32>} : memref<2592xf32, #tpu.memory_space<vmem>>, vector<16xf32>,
      %get3A_512 = vector.shape_cast %get3A_511 : vector<16xf32> to vector<16xf32>
      %get3A_513 = arith.index_cast %add3A_509 : i32 to index
      %get3A_514 = tpu.vector_load %arg12[%get3A_513] {strides = array<i32>} : memref<2592xf32, #tpu.memory_space<vmem>>, vector<16xf32>,
      %get3A_515 = vector.shape_cast %get3A_514 : vector<16xf32> to vector<16xf32>
      %mul3A_516 = arith.mulf %get3A_512, %get3A_515 : vector<16xf32>
      %add3A_517 = arith.addf %add3A_507, %mul3A_516 : vector<16xf32>
      %add3A_518 = arith.constant 1728 : i32
      %add3A_519 = arith.addi %add3A_518, %mul3A_460 : i32
      %get3A_520 = arith.index_cast %add3A_519 : i32 to index
      %get3A_521 = tpu.vector_load %arg13[%get3A_520] {strides = array<i32>} : memref<2592xf32, #tpu.memory_space<vmem>>, vector<16xf32>,
      %get3A_522 = vector.shape_cast %get3A_521 : vector<16xf32> to vector<16xf32>
      %get3A_523 = arith.index_cast %add3A_519 : i32 to index
      %get3A_524 = tpu.vector_load %arg12[%get3A_523] {strides = array<i32>} : memref<2592xf32, #tpu.memory_space<vmem>>, vector<16xf32>,
      %get3A_525 = vector.shape_cast %get3A_524 : vector<16xf32> to vector<16xf32>
      %mul3A_526 = arith.mulf %get3A_522, %get3A_525 : vector<16xf32>
      %add3A_527 = arith.addf %add3A_517, %mul3A_526 : vector<16xf32>
      %add3A_528 = arith.constant 2016 : i32
      %add3A_529 = arith.addi %add3A_528, %mul3A_460 : i32
      %get3A_530 = arith.index_cast %add3A_529 : i32 to index
      %get3A_531 = tpu.vector_load %arg13[%get3A_530] {strides = array<i32>} : memref<2592xf32, #tpu.memory_space<vmem>>, vector<16xf32>,
      %get3A_532 = vector.shape_cast %get3A_531 : vector<16xf32> to vector<16xf32>
      %get3A_533 = arith.index_cast %add3A_529 : i32 to index
      %get3A_534 = tpu.vector_load %arg12[%get3A_533] {strides = array<i32>} : memref<2592xf32, #tpu.memory_space<vmem>>, vector<16xf32>,
      %get3A_535 = vector.shape_cast %get3A_534 : vector<16xf32> to vector<16xf32>
      %mul3A_536 = arith.mulf %get3A_532, %get3A_535 : vector<16xf32>
      %add3A_537 = arith.addf %add3A_527, %mul3A_536 : vector<16xf32>
      %add3A_538 = arith.constant 2304 : i32
      %add3A_539 = arith.addi %add3A_538, %mul3A_460 : i32
      %get3A_540 = arith.index_cast %add3A_539 : i32 to index
      %get3A_541 = tpu.vector_load %arg13[%get3A_540] {strides = array<i32>} : memref<2592xf32, #tpu.memory_space<vmem>>, vector<16xf32>,
      %get3A_542 = vector.shape_cast %get3A_541 : vector<16xf32> to vector<16xf32>
      %get3A_543 = arith.index_cast %add3A_539 : i32 to index
      %get3A_544 = tpu.vector_load %arg12[%get3A_543] {strides = array<i32>} : memref<2592xf32, #tpu.memory_space<vmem>>, vector<16xf32>,
      %get3A_545 = vector.shape_cast %get3A_544 : vector<16xf32> to vector<16xf32>
      %mul3A_546 = arith.mulf %get3A_542, %get3A_545 : vector<16xf32>
      %add3A_547 = arith.addf %add3A_537, %mul3A_546 : vector<16xf32>
      %swap3A = arith.index_cast %mul3A_460 : i32 to index
      %swap3A_548 = tpu.vector_load %arg15[%swap3A] {strides = array<i32>} : memref<288xf32, #tpu.memory_space<vmem>>, vector<16xf32>,
      %swap3A_549 = vector.shape_cast %swap3A_548 : vector<16xf32> to vector<16xf32>
      %swap3A_550 = vector.shape_cast %add3A_547 : vector<16xf32> to vector<16xf32>
      tpu.vector_store %arg15[%swap3A], %swap3A_550 {strides = array<i32>} : memref<288xf32, #tpu.memory_space<vmem>>, vector<16xf32>,
    }
    %scan3A_403 = arith.constant 18 : i32
    %mul3A_404 = arith.constant 288 : i32
    %mul3A_405 = arith.muli %add3A, %mul3A_404 : i32
    %add3A_406 = arith.constant 184320 : i32
    %add3A_407 = arith.addi %add3A_406, %mul3A_405 : i32
    "tpu.region"() ({
      %run_scoped3A = tpu.sem_alloc : memref<!tpu.dma_semaphore, #tpu.memory_space<semaphore_mem>>
      %dma_start3A_458 = tpu.memref_slice %arg7[%add3A_407] : memref<221184xf32, #tpu.memory_space<hbm>> -> memref<288xf32, #tpu.memory_space<hbm>>
      %dma_start3A_459 = tpu.memref_slice %arg7[%add3A_407] : memref<221184xf32, #tpu.memory_space<hbm>> -> memref<288xf32, #tpu.memory_space<hbm>>
      tpu.enqueue_dma source(%arg15 : memref<288xf32, #tpu.memory_space<vmem>>) target(%dma_start3A_459 : memref<288xf32, #tpu.memory_space<hbm>>) target_semaphore(%run_scoped3A : memref<!tpu.dma_semaphore, #tpu.memory_space<semaphore_mem>>)
      %dma_wait3A_460 = tpu.memref_slice %arg7[%add3A_407] : memref<221184xf32, #tpu.memory_space<hbm>> -> memref<288xf32, #tpu.memory_space<hbm>>
      %dma_wait3A_461 = tpu.memref_slice %arg7[%add3A_407] : memref<221184xf32, #tpu.memory_space<hbm>> -> memref<288xf32, #tpu.memory_space<hbm>>
      tpu.wait_dma2 semaphore(%run_scoped3A : memref<!tpu.dma_semaphore, #tpu.memory_space<semaphore_mem>>) src(%arg15 : memref<288xf32, #tpu.memory_space<vmem>>) dst(%dma_wait3A_461 : memref<288xf32, #tpu.memory_space<hbm>>)
      tpu.yield
    }) : () -> ()
    %dma_start3A_408 = arith.constant 5767168 : i32
    %dma_start3A_409 = tpu.memref_slice %arg2[%dma_start3A_408] : memref<6291456xf32, #tpu.memory_space<hbm>> -> memref<262144xf32, #tpu.memory_space<hbm>>
    %dma_start3A_410 = arith.constant 0 : i32
    %dma_start3A_411 = tpu.memref_slice %dma_start3A_409[%dma_start3A_410] : memref<262144xf32, #tpu.memory_space<hbm>> -> memref<262144xf32, #tpu.memory_space<hbm>>
    tpu.enqueue_indirect_dma source(%dma_start3A_411 : memref<262144xf32, #tpu.memory_space<hbm>>) target(%arg13 : memref<2592xf32, #tpu.memory_space<vmem>>) offsets(%arg11 : memref<2592xi32, #tpu.memory_space<vmem>>) semaphore(%arg17 : memref<!tpu.dma_semaphore, #tpu.memory_space<semaphore_mem>>)
    %dma_wait3A_412 = arith.constant 5505024 : i32
    %dma_wait3A_413 = tpu.memref_slice %arg2[%dma_wait3A_412] : memref<6291456xf32, #tpu.memory_space<hbm>> -> memref<262144xf32, #tpu.memory_space<hbm>>
    %dma_wait3A_414 = arith.constant 0 : i32
    %dma_wait3A_415 = tpu.memref_slice %dma_wait3A_413[%dma_wait3A_414] : memref<262144xf32, #tpu.memory_space<hbm>> -> memref<262144xf32, #tpu.memory_space<hbm>>
    tpu.wait_indirect_dma semaphore(%arg18 : memref<!tpu.dma_semaphore, #tpu.memory_space<semaphore_mem>>) src(%dma_wait3A_415 : memref<262144xf32, #tpu.memory_space<hbm>>) dst(%arg14 : memref<2592xf32, #tpu.memory_space<vmem>>)
    %scan3A_416 = arith.constant 0 : i32
    %scan3A_417 = arith.constant 0 : i32
    %scan3A_418 = arith.constant 18 : i32
    %scan3A_419 = arith.addi %scan3A_417, %scan3A_418 : i32
    %scan3A_420 = arith.constant 1 : i32
    scf.for %scan3A_458 = %scan3A_417 to %scan3A_419 step %scan3A_420  : i32 {
      %mul3A_459 = arith.constant 16 : i32
      %mul3A_460 = arith.muli %scan3A_458, %mul3A_459 : i32
      %get3A_461 = arith.index_cast %mul3A_460 : i32 to index
      %get3A_462 = tpu.vector_load %arg14[%get3A_461] {strides = array<i32>} : memref<2592xf32, #tpu.memory_space<vmem>>, vector<16xf32>,
      %get3A_463 = vector.shape_cast %get3A_462 : vector<16xf32> to vector<16xf32>
      %get3A_464 = arith.index_cast %mul3A_460 : i32 to index
      %get3A_465 = tpu.vector_load %arg12[%get3A_464] {strides = array<i32>} : memref<2592xf32, #tpu.memory_space<vmem>>, vector<16xf32>,
      %get3A_466 = vector.shape_cast %get3A_465 : vector<16xf32> to vector<16xf32>
      %mul3A_467 = arith.mulf %get3A_463, %get3A_466 : vector<16xf32>
      %add3A_468 = arith.constant 288 : i32
      %add3A_469 = arith.addi %add3A_468, %mul3A_460 : i32
      %get3A_470 = arith.index_cast %add3A_469 : i32 to index
      %get3A_471 = tpu.vector_load %arg14[%get3A_470] {strides = array<i32>} : memref<2592xf32, #tpu.memory_space<vmem>>, vector<16xf32>,
      %get3A_472 = vector.shape_cast %get3A_471 : vector<16xf32> to vector<16xf32>
      %get3A_473 = arith.index_cast %add3A_469 : i32 to index
      %get3A_474 = tpu.vector_load %arg12[%get3A_473] {strides = array<i32>} : memref<2592xf32, #tpu.memory_space<vmem>>, vector<16xf32>,
      %get3A_475 = vector.shape_cast %get3A_474 : vector<16xf32> to vector<16xf32>
      %mul3A_476 = arith.mulf %get3A_472, %get3A_475 : vector<16xf32>
      %add3A_477 = arith.addf %mul3A_467, %mul3A_476 : vector<16xf32>
      %add3A_478 = arith.constant 576 : i32
      %add3A_479 = arith.addi %add3A_478, %mul3A_460 : i32
      %get3A_480 = arith.index_cast %add3A_479 : i32 to index
      %get3A_481 = tpu.vector_load %arg14[%get3A_480] {strides = array<i32>} : memref<2592xf32, #tpu.memory_space<vmem>>, vector<16xf32>,
      %get3A_482 = vector.shape_cast %get3A_481 : vector<16xf32> to vector<16xf32>
      %get3A_483 = arith.index_cast %add3A_479 : i32 to index
      %get3A_484 = tpu.vector_load %arg12[%get3A_483] {strides = array<i32>} : memref<2592xf32, #tpu.memory_space<vmem>>, vector<16xf32>,
      %get3A_485 = vector.shape_cast %get3A_484 : vector<16xf32> to vector<16xf32>
      %mul3A_486 = arith.mulf %get3A_482, %get3A_485 : vector<16xf32>
      %add3A_487 = arith.addf %add3A_477, %mul3A_486 : vector<16xf32>
      %add3A_488 = arith.constant 864 : i32
      %add3A_489 = arith.addi %add3A_488, %mul3A_460 : i32
      %get3A_490 = arith.index_cast %add3A_489 : i32 to index
      %get3A_491 = tpu.vector_load %arg14[%get3A_490] {strides = array<i32>} : memref<2592xf32, #tpu.memory_space<vmem>>, vector<16xf32>,
      %get3A_492 = vector.shape_cast %get3A_491 : vector<16xf32> to vector<16xf32>
      %get3A_493 = arith.index_cast %add3A_489 : i32 to index
      %get3A_494 = tpu.vector_load %arg12[%get3A_493] {strides = array<i32>} : memref<2592xf32, #tpu.memory_space<vmem>>, vector<16xf32>,
      %get3A_495 = vector.shape_cast %get3A_494 : vector<16xf32> to vector<16xf32>
      %mul3A_496 = arith.mulf %get3A_492, %get3A_495 : vector<16xf32>
      %add3A_497 = arith.addf %add3A_487, %mul3A_496 : vector<16xf32>
      %add3A_498 = arith.constant 1152 : i32
      %add3A_499 = arith.addi %add3A_498, %mul3A_460 : i32
      %get3A_500 = arith.index_cast %add3A_499 : i32 to index
      %get3A_501 = tpu.vector_load %arg14[%get3A_500] {strides = array<i32>} : memref<2592xf32, #tpu.memory_space<vmem>>, vector<16xf32>,
      %get3A_502 = vector.shape_cast %get3A_501 : vector<16xf32> to vector<16xf32>
      %get3A_503 = arith.index_cast %add3A_499 : i32 to index
      %get3A_504 = tpu.vector_load %arg12[%get3A_503] {strides = array<i32>} : memref<2592xf32, #tpu.memory_space<vmem>>, vector<16xf32>,
      %get3A_505 = vector.shape_cast %get3A_504 : vector<16xf32> to vector<16xf32>
      %mul3A_506 = arith.mulf %get3A_502, %get3A_505 : vector<16xf32>
      %add3A_507 = arith.addf %add3A_497, %mul3A_506 : vector<16xf32>
      %add3A_508 = arith.constant 1440 : i32
      %add3A_509 = arith.addi %add3A_508, %mul3A_460 : i32
      %get3A_510 = arith.index_cast %add3A_509 : i32 to index
      %get3A_511 = tpu.vector_load %arg14[%get3A_510] {strides = array<i32>} : memref<2592xf32, #tpu.memory_space<vmem>>, vector<16xf32>,
      %get3A_512 = vector.shape_cast %get3A_511 : vector<16xf32> to vector<16xf32>
      %get3A_513 = arith.index_cast %add3A_509 : i32 to index
      %get3A_514 = tpu.vector_load %arg12[%get3A_513] {strides = array<i32>} : memref<2592xf32, #tpu.memory_space<vmem>>, vector<16xf32>,
      %get3A_515 = vector.shape_cast %get3A_514 : vector<16xf32> to vector<16xf32>
      %mul3A_516 = arith.mulf %get3A_512, %get3A_515 : vector<16xf32>
      %add3A_517 = arith.addf %add3A_507, %mul3A_516 : vector<16xf32>
      %add3A_518 = arith.constant 1728 : i32
      %add3A_519 = arith.addi %add3A_518, %mul3A_460 : i32
      %get3A_520 = arith.index_cast %add3A_519 : i32 to index
      %get3A_521 = tpu.vector_load %arg14[%get3A_520] {strides = array<i32>} : memref<2592xf32, #tpu.memory_space<vmem>>, vector<16xf32>,
      %get3A_522 = vector.shape_cast %get3A_521 : vector<16xf32> to vector<16xf32>
      %get3A_523 = arith.index_cast %add3A_519 : i32 to index
      %get3A_524 = tpu.vector_load %arg12[%get3A_523] {strides = array<i32>} : memref<2592xf32, #tpu.memory_space<vmem>>, vector<16xf32>,
      %get3A_525 = vector.shape_cast %get3A_524 : vector<16xf32> to vector<16xf32>
      %mul3A_526 = arith.mulf %get3A_522, %get3A_525 : vector<16xf32>
      %add3A_527 = arith.addf %add3A_517, %mul3A_526 : vector<16xf32>
      %add3A_528 = arith.constant 2016 : i32
      %add3A_529 = arith.addi %add3A_528, %mul3A_460 : i32
      %get3A_530 = arith.index_cast %add3A_529 : i32 to index
      %get3A_531 = tpu.vector_load %arg14[%get3A_530] {strides = array<i32>} : memref<2592xf32, #tpu.memory_space<vmem>>, vector<16xf32>,
      %get3A_532 = vector.shape_cast %get3A_531 : vector<16xf32> to vector<16xf32>
      %get3A_533 = arith.index_cast %add3A_529 : i32 to index
      %get3A_534 = tpu.vector_load %arg12[%get3A_533] {strides = array<i32>} : memref<2592xf32, #tpu.memory_space<vmem>>, vector<16xf32>,
      %get3A_535 = vector.shape_cast %get3A_534 : vector<16xf32> to vector<16xf32>
      %mul3A_536 = arith.mulf %get3A_532, %get3A_535 : vector<16xf32>
      %add3A_537 = arith.addf %add3A_527, %mul3A_536 : vector<16xf32>
      %add3A_538 = arith.constant 2304 : i32
      %add3A_539 = arith.addi %add3A_538, %mul3A_460 : i32
      %get3A_540 = arith.index_cast %add3A_539 : i32 to index
      %get3A_541 = tpu.vector_load %arg14[%get3A_540] {strides = array<i32>} : memref<2592xf32, #tpu.memory_space<vmem>>, vector<16xf32>,
      %get3A_542 = vector.shape_cast %get3A_541 : vector<16xf32> to vector<16xf32>
      %get3A_543 = arith.index_cast %add3A_539 : i32 to index
      %get3A_544 = tpu.vector_load %arg12[%get3A_543] {strides = array<i32>} : memref<2592xf32, #tpu.memory_space<vmem>>, vector<16xf32>,
      %get3A_545 = vector.shape_cast %get3A_544 : vector<16xf32> to vector<16xf32>
      %mul3A_546 = arith.mulf %get3A_542, %get3A_545 : vector<16xf32>
      %add3A_547 = arith.addf %add3A_537, %mul3A_546 : vector<16xf32>
      %swap3A = arith.index_cast %mul3A_460 : i32 to index
      %swap3A_548 = tpu.vector_load %arg15[%swap3A] {strides = array<i32>} : memref<288xf32, #tpu.memory_space<vmem>>, vector<16xf32>,
      %swap3A_549 = vector.shape_cast %swap3A_548 : vector<16xf32> to vector<16xf32>
      %swap3A_550 = vector.shape_cast %add3A_547 : vector<16xf32> to vector<16xf32>
      tpu.vector_store %arg15[%swap3A], %swap3A_550 {strides = array<i32>} : memref<288xf32, #tpu.memory_space<vmem>>, vector<16xf32>,
    }
    %scan3A_421 = arith.constant 18 : i32
    %mul3A_422 = arith.constant 288 : i32
    %mul3A_423 = arith.muli %add3A, %mul3A_422 : i32
    %add3A_424 = arith.constant 193536 : i32
    %add3A_425 = arith.addi %add3A_424, %mul3A_423 : i32
    "tpu.region"() ({
      %run_scoped3A = tpu.sem_alloc : memref<!tpu.dma_semaphore, #tpu.memory_space<semaphore_mem>>
      %dma_start3A_458 = tpu.memref_slice %arg7[%add3A_425] : memref<221184xf32, #tpu.memory_space<hbm>> -> memref<288xf32, #tpu.memory_space<hbm>>
      %dma_start3A_459 = tpu.memref_slice %arg7[%add3A_425] : memref<221184xf32, #tpu.memory_space<hbm>> -> memref<288xf32, #tpu.memory_space<hbm>>
      tpu.enqueue_dma source(%arg15 : memref<288xf32, #tpu.memory_space<vmem>>) target(%dma_start3A_459 : memref<288xf32, #tpu.memory_space<hbm>>) target_semaphore(%run_scoped3A : memref<!tpu.dma_semaphore, #tpu.memory_space<semaphore_mem>>)
      %dma_wait3A_460 = tpu.memref_slice %arg7[%add3A_425] : memref<221184xf32, #tpu.memory_space<hbm>> -> memref<288xf32, #tpu.memory_space<hbm>>
      %dma_wait3A_461 = tpu.memref_slice %arg7[%add3A_425] : memref<221184xf32, #tpu.memory_space<hbm>> -> memref<288xf32, #tpu.memory_space<hbm>>
      tpu.wait_dma2 semaphore(%run_scoped3A : memref<!tpu.dma_semaphore, #tpu.memory_space<semaphore_mem>>) src(%arg15 : memref<288xf32, #tpu.memory_space<vmem>>) dst(%dma_wait3A_461 : memref<288xf32, #tpu.memory_space<hbm>>)
      tpu.yield
    }) : () -> ()
    %dma_start3A_426 = arith.constant 6029312 : i32
    %dma_start3A_427 = tpu.memref_slice %arg2[%dma_start3A_426] : memref<6291456xf32, #tpu.memory_space<hbm>> -> memref<262144xf32, #tpu.memory_space<hbm>>
    %dma_start3A_428 = arith.constant 0 : i32
    %dma_start3A_429 = tpu.memref_slice %dma_start3A_427[%dma_start3A_428] : memref<262144xf32, #tpu.memory_space<hbm>> -> memref<262144xf32, #tpu.memory_space<hbm>>
    tpu.enqueue_indirect_dma source(%dma_start3A_429 : memref<262144xf32, #tpu.memory_space<hbm>>) target(%arg14 : memref<2592xf32, #tpu.memory_space<vmem>>) offsets(%arg11 : memref<2592xi32, #tpu.memory_space<vmem>>) semaphore(%arg18 : memref<!tpu.dma_semaphore, #tpu.memory_space<semaphore_mem>>)
    %dma_wait3A_430 = arith.constant 5767168 : i32
    %dma_wait3A_431 = tpu.memref_slice %arg2[%dma_wait3A_430] : memref<6291456xf32, #tpu.memory_space<hbm>> -> memref<262144xf32, #tpu.memory_space<hbm>>
    %dma_wait3A_432 = arith.constant 0 : i32
    %dma_wait3A_433 = tpu.memref_slice %dma_wait3A_431[%dma_wait3A_432] : memref<262144xf32, #tpu.memory_space<hbm>> -> memref<262144xf32, #tpu.memory_space<hbm>>
    tpu.wait_indirect_dma semaphore(%arg17 : memref<!tpu.dma_semaphore, #tpu.memory_space<semaphore_mem>>) src(%dma_wait3A_433 : memref<262144xf32, #tpu.memory_space<hbm>>) dst(%arg13 : memref<2592xf32, #tpu.memory_space<vmem>>)
    %scan3A_434 = arith.constant 0 : i32
    %scan3A_435 = arith.constant 0 : i32
    %scan3A_436 = arith.constant 18 : i32
    %scan3A_437 = arith.addi %scan3A_435, %scan3A_436 : i32
    %scan3A_438 = arith.constant 1 : i32
    scf.for %scan3A_458 = %scan3A_435 to %scan3A_437 step %scan3A_438  : i32 {
      %mul3A_459 = arith.constant 16 : i32
      %mul3A_460 = arith.muli %scan3A_458, %mul3A_459 : i32
      %get3A_461 = arith.index_cast %mul3A_460 : i32 to index
      %get3A_462 = tpu.vector_load %arg13[%get3A_461] {strides = array<i32>} : memref<2592xf32, #tpu.memory_space<vmem>>, vector<16xf32>,
      %get3A_463 = vector.shape_cast %get3A_462 : vector<16xf32> to vector<16xf32>
      %get3A_464 = arith.index_cast %mul3A_460 : i32 to index
      %get3A_465 = tpu.vector_load %arg12[%get3A_464] {strides = array<i32>} : memref<2592xf32, #tpu.memory_space<vmem>>, vector<16xf32>,
      %get3A_466 = vector.shape_cast %get3A_465 : vector<16xf32> to vector<16xf32>
      %mul3A_467 = arith.mulf %get3A_463, %get3A_466 : vector<16xf32>
      %add3A_468 = arith.constant 288 : i32
      %add3A_469 = arith.addi %add3A_468, %mul3A_460 : i32
      %get3A_470 = arith.index_cast %add3A_469 : i32 to index
      %get3A_471 = tpu.vector_load %arg13[%get3A_470] {strides = array<i32>} : memref<2592xf32, #tpu.memory_space<vmem>>, vector<16xf32>,
      %get3A_472 = vector.shape_cast %get3A_471 : vector<16xf32> to vector<16xf32>
      %get3A_473 = arith.index_cast %add3A_469 : i32 to index
      %get3A_474 = tpu.vector_load %arg12[%get3A_473] {strides = array<i32>} : memref<2592xf32, #tpu.memory_space<vmem>>, vector<16xf32>,
      %get3A_475 = vector.shape_cast %get3A_474 : vector<16xf32> to vector<16xf32>
      %mul3A_476 = arith.mulf %get3A_472, %get3A_475 : vector<16xf32>
      %add3A_477 = arith.addf %mul3A_467, %mul3A_476 : vector<16xf32>
      %add3A_478 = arith.constant 576 : i32
      %add3A_479 = arith.addi %add3A_478, %mul3A_460 : i32
      %get3A_480 = arith.index_cast %add3A_479 : i32 to index
      %get3A_481 = tpu.vector_load %arg13[%get3A_480] {strides = array<i32>} : memref<2592xf32, #tpu.memory_space<vmem>>, vector<16xf32>,
      %get3A_482 = vector.shape_cast %get3A_481 : vector<16xf32> to vector<16xf32>
      %get3A_483 = arith.index_cast %add3A_479 : i32 to index
      %get3A_484 = tpu.vector_load %arg12[%get3A_483] {strides = array<i32>} : memref<2592xf32, #tpu.memory_space<vmem>>, vector<16xf32>,
      %get3A_485 = vector.shape_cast %get3A_484 : vector<16xf32> to vector<16xf32>
      %mul3A_486 = arith.mulf %get3A_482, %get3A_485 : vector<16xf32>
      %add3A_487 = arith.addf %add3A_477, %mul3A_486 : vector<16xf32>
      %add3A_488 = arith.constant 864 : i32
      %add3A_489 = arith.addi %add3A_488, %mul3A_460 : i32
      %get3A_490 = arith.index_cast %add3A_489 : i32 to index
      %get3A_491 = tpu.vector_load %arg13[%get3A_490] {strides = array<i32>} : memref<2592xf32, #tpu.memory_space<vmem>>, vector<16xf32>,
      %get3A_492 = vector.shape_cast %get3A_491 : vector<16xf32> to vector<16xf32>
      %get3A_493 = arith.index_cast %add3A_489 : i32 to index
      %get3A_494 = tpu.vector_load %arg12[%get3A_493] {strides = array<i32>} : memref<2592xf32, #tpu.memory_space<vmem>>, vector<16xf32>,
      %get3A_495 = vector.shape_cast %get3A_494 : vector<16xf32> to vector<16xf32>
      %mul3A_496 = arith.mulf %get3A_492, %get3A_495 : vector<16xf32>
      %add3A_497 = arith.addf %add3A_487, %mul3A_496 : vector<16xf32>
      %add3A_498 = arith.constant 1152 : i32
      %add3A_499 = arith.addi %add3A_498, %mul3A_460 : i32
      %get3A_500 = arith.index_cast %add3A_499 : i32 to index
      %get3A_501 = tpu.vector_load %arg13[%get3A_500] {strides = array<i32>} : memref<2592xf32, #tpu.memory_space<vmem>>, vector<16xf32>,
      %get3A_502 = vector.shape_cast %get3A_501 : vector<16xf32> to vector<16xf32>
      %get3A_503 = arith.index_cast %add3A_499 : i32 to index
      %get3A_504 = tpu.vector_load %arg12[%get3A_503] {strides = array<i32>} : memref<2592xf32, #tpu.memory_space<vmem>>, vector<16xf32>,
      %get3A_505 = vector.shape_cast %get3A_504 : vector<16xf32> to vector<16xf32>
      %mul3A_506 = arith.mulf %get3A_502, %get3A_505 : vector<16xf32>
      %add3A_507 = arith.addf %add3A_497, %mul3A_506 : vector<16xf32>
      %add3A_508 = arith.constant 1440 : i32
      %add3A_509 = arith.addi %add3A_508, %mul3A_460 : i32
      %get3A_510 = arith.index_cast %add3A_509 : i32 to index
      %get3A_511 = tpu.vector_load %arg13[%get3A_510] {strides = array<i32>} : memref<2592xf32, #tpu.memory_space<vmem>>, vector<16xf32>,
      %get3A_512 = vector.shape_cast %get3A_511 : vector<16xf32> to vector<16xf32>
      %get3A_513 = arith.index_cast %add3A_509 : i32 to index
      %get3A_514 = tpu.vector_load %arg12[%get3A_513] {strides = array<i32>} : memref<2592xf32, #tpu.memory_space<vmem>>, vector<16xf32>,
      %get3A_515 = vector.shape_cast %get3A_514 : vector<16xf32> to vector<16xf32>
      %mul3A_516 = arith.mulf %get3A_512, %get3A_515 : vector<16xf32>
      %add3A_517 = arith.addf %add3A_507, %mul3A_516 : vector<16xf32>
      %add3A_518 = arith.constant 1728 : i32
      %add3A_519 = arith.addi %add3A_518, %mul3A_460 : i32
      %get3A_520 = arith.index_cast %add3A_519 : i32 to index
      %get3A_521 = tpu.vector_load %arg13[%get3A_520] {strides = array<i32>} : memref<2592xf32, #tpu.memory_space<vmem>>, vector<16xf32>,
      %get3A_522 = vector.shape_cast %get3A_521 : vector<16xf32> to vector<16xf32>
      %get3A_523 = arith.index_cast %add3A_519 : i32 to index
      %get3A_524 = tpu.vector_load %arg12[%get3A_523] {strides = array<i32>} : memref<2592xf32, #tpu.memory_space<vmem>>, vector<16xf32>,
      %get3A_525 = vector.shape_cast %get3A_524 : vector<16xf32> to vector<16xf32>
      %mul3A_526 = arith.mulf %get3A_522, %get3A_525 : vector<16xf32>
      %add3A_527 = arith.addf %add3A_517, %mul3A_526 : vector<16xf32>
      %add3A_528 = arith.constant 2016 : i32
      %add3A_529 = arith.addi %add3A_528, %mul3A_460 : i32
      %get3A_530 = arith.index_cast %add3A_529 : i32 to index
      %get3A_531 = tpu.vector_load %arg13[%get3A_530] {strides = array<i32>} : memref<2592xf32, #tpu.memory_space<vmem>>, vector<16xf32>,
      %get3A_532 = vector.shape_cast %get3A_531 : vector<16xf32> to vector<16xf32>
      %get3A_533 = arith.index_cast %add3A_529 : i32 to index
      %get3A_534 = tpu.vector_load %arg12[%get3A_533] {strides = array<i32>} : memref<2592xf32, #tpu.memory_space<vmem>>, vector<16xf32>,
      %get3A_535 = vector.shape_cast %get3A_534 : vector<16xf32> to vector<16xf32>
      %mul3A_536 = arith.mulf %get3A_532, %get3A_535 : vector<16xf32>
      %add3A_537 = arith.addf %add3A_527, %mul3A_536 : vector<16xf32>
      %add3A_538 = arith.constant 2304 : i32
      %add3A_539 = arith.addi %add3A_538, %mul3A_460 : i32
      %get3A_540 = arith.index_cast %add3A_539 : i32 to index
      %get3A_541 = tpu.vector_load %arg13[%get3A_540] {strides = array<i32>} : memref<2592xf32, #tpu.memory_space<vmem>>, vector<16xf32>,
      %get3A_542 = vector.shape_cast %get3A_541 : vector<16xf32> to vector<16xf32>
      %get3A_543 = arith.index_cast %add3A_539 : i32 to index
      %get3A_544 = tpu.vector_load %arg12[%get3A_543] {strides = array<i32>} : memref<2592xf32, #tpu.memory_space<vmem>>, vector<16xf32>,
      %get3A_545 = vector.shape_cast %get3A_544 : vector<16xf32> to vector<16xf32>
      %mul3A_546 = arith.mulf %get3A_542, %get3A_545 : vector<16xf32>
      %add3A_547 = arith.addf %add3A_537, %mul3A_546 : vector<16xf32>
      %swap3A = arith.index_cast %mul3A_460 : i32 to index
      %swap3A_548 = tpu.vector_load %arg15[%swap3A] {strides = array<i32>} : memref<288xf32, #tpu.memory_space<vmem>>, vector<16xf32>,
      %swap3A_549 = vector.shape_cast %swap3A_548 : vector<16xf32> to vector<16xf32>
      %swap3A_550 = vector.shape_cast %add3A_547 : vector<16xf32> to vector<16xf32>
      tpu.vector_store %arg15[%swap3A], %swap3A_550 {strides = array<i32>} : memref<288xf32, #tpu.memory_space<vmem>>, vector<16xf32>,
    }
    %scan3A_439 = arith.constant 18 : i32
    %mul3A_440 = arith.constant 288 : i32
    %mul3A_441 = arith.muli %add3A, %mul3A_440 : i32
    %add3A_442 = arith.constant 202752 : i32
    %add3A_443 = arith.addi %add3A_442, %mul3A_441 : i32
    "tpu.region"() ({
      %run_scoped3A = tpu.sem_alloc : memref<!tpu.dma_semaphore, #tpu.memory_space<semaphore_mem>>
      %dma_start3A_458 = tpu.memref_slice %arg7[%add3A_443] : memref<221184xf32, #tpu.memory_space<hbm>> -> memref<288xf32, #tpu.memory_space<hbm>>
      %dma_start3A_459 = tpu.memref_slice %arg7[%add3A_443] : memref<221184xf32, #tpu.memory_space<hbm>> -> memref<288xf32, #tpu.memory_space<hbm>>
      tpu.enqueue_dma source(%arg15 : memref<288xf32, #tpu.memory_space<vmem>>) target(%dma_start3A_459 : memref<288xf32, #tpu.memory_space<hbm>>) target_semaphore(%run_scoped3A : memref<!tpu.dma_semaphore, #tpu.memory_space<semaphore_mem>>)
      %dma_wait3A_460 = tpu.memref_slice %arg7[%add3A_443] : memref<221184xf32, #tpu.memory_space<hbm>> -> memref<288xf32, #tpu.memory_space<hbm>>
      %dma_wait3A_461 = tpu.memref_slice %arg7[%add3A_443] : memref<221184xf32, #tpu.memory_space<hbm>> -> memref<288xf32, #tpu.memory_space<hbm>>
      tpu.wait_dma2 semaphore(%run_scoped3A : memref<!tpu.dma_semaphore, #tpu.memory_space<semaphore_mem>>) src(%arg15 : memref<288xf32, #tpu.memory_space<vmem>>) dst(%dma_wait3A_461 : memref<288xf32, #tpu.memory_space<hbm>>)
      tpu.yield
    }) : () -> ()
    %dma_wait3A_444 = arith.constant 6029312 : i32
    %dma_wait3A_445 = tpu.memref_slice %arg2[%dma_wait3A_444] : memref<6291456xf32, #tpu.memory_space<hbm>> -> memref<262144xf32, #tpu.memory_space<hbm>>
    %dma_wait3A_446 = arith.constant 0 : i32
    %dma_wait3A_447 = tpu.memref_slice %dma_wait3A_445[%dma_wait3A_446] : memref<262144xf32, #tpu.memory_space<hbm>> -> memref<262144xf32, #tpu.memory_space<hbm>>
    tpu.wait_indirect_dma semaphore(%arg18 : memref<!tpu.dma_semaphore, #tpu.memory_space<semaphore_mem>>) src(%dma_wait3A_447 : memref<262144xf32, #tpu.memory_space<hbm>>) dst(%arg14 : memref<2592xf32, #tpu.memory_space<vmem>>)
    %scan3A_448 = arith.constant 0 : i32
    %scan3A_449 = arith.constant 0 : i32
    %scan3A_450 = arith.constant 18 : i32
    %scan3A_451 = arith.addi %scan3A_449, %scan3A_450 : i32
    %scan3A_452 = arith.constant 1 : i32
    scf.for %scan3A_458 = %scan3A_449 to %scan3A_451 step %scan3A_452  : i32 {
      %mul3A_459 = arith.constant 16 : i32
      %mul3A_460 = arith.muli %scan3A_458, %mul3A_459 : i32
      %get3A_461 = arith.index_cast %mul3A_460 : i32 to index
      %get3A_462 = tpu.vector_load %arg14[%get3A_461] {strides = array<i32>} : memref<2592xf32, #tpu.memory_space<vmem>>, vector<16xf32>,
      %get3A_463 = vector.shape_cast %get3A_462 : vector<16xf32> to vector<16xf32>
      %get3A_464 = arith.index_cast %mul3A_460 : i32 to index
      %get3A_465 = tpu.vector_load %arg12[%get3A_464] {strides = array<i32>} : memref<2592xf32, #tpu.memory_space<vmem>>, vector<16xf32>,
      %get3A_466 = vector.shape_cast %get3A_465 : vector<16xf32> to vector<16xf32>
      %mul3A_467 = arith.mulf %get3A_463, %get3A_466 : vector<16xf32>
      %add3A_468 = arith.constant 288 : i32
      %add3A_469 = arith.addi %add3A_468, %mul3A_460 : i32
      %get3A_470 = arith.index_cast %add3A_469 : i32 to index
      %get3A_471 = tpu.vector_load %arg14[%get3A_470] {strides = array<i32>} : memref<2592xf32, #tpu.memory_space<vmem>>, vector<16xf32>,
      %get3A_472 = vector.shape_cast %get3A_471 : vector<16xf32> to vector<16xf32>
      %get3A_473 = arith.index_cast %add3A_469 : i32 to index
      %get3A_474 = tpu.vector_load %arg12[%get3A_473] {strides = array<i32>} : memref<2592xf32, #tpu.memory_space<vmem>>, vector<16xf32>,
      %get3A_475 = vector.shape_cast %get3A_474 : vector<16xf32> to vector<16xf32>
      %mul3A_476 = arith.mulf %get3A_472, %get3A_475 : vector<16xf32>
      %add3A_477 = arith.addf %mul3A_467, %mul3A_476 : vector<16xf32>
      %add3A_478 = arith.constant 576 : i32
      %add3A_479 = arith.addi %add3A_478, %mul3A_460 : i32
      %get3A_480 = arith.index_cast %add3A_479 : i32 to index
      %get3A_481 = tpu.vector_load %arg14[%get3A_480] {strides = array<i32>} : memref<2592xf32, #tpu.memory_space<vmem>>, vector<16xf32>,
      %get3A_482 = vector.shape_cast %get3A_481 : vector<16xf32> to vector<16xf32>
      %get3A_483 = arith.index_cast %add3A_479 : i32 to index
      %get3A_484 = tpu.vector_load %arg12[%get3A_483] {strides = array<i32>} : memref<2592xf32, #tpu.memory_space<vmem>>, vector<16xf32>,
      %get3A_485 = vector.shape_cast %get3A_484 : vector<16xf32> to vector<16xf32>
      %mul3A_486 = arith.mulf %get3A_482, %get3A_485 : vector<16xf32>
      %add3A_487 = arith.addf %add3A_477, %mul3A_486 : vector<16xf32>
      %add3A_488 = arith.constant 864 : i32
      %add3A_489 = arith.addi %add3A_488, %mul3A_460 : i32
      %get3A_490 = arith.index_cast %add3A_489 : i32 to index
      %get3A_491 = tpu.vector_load %arg14[%get3A_490] {strides = array<i32>} : memref<2592xf32, #tpu.memory_space<vmem>>, vector<16xf32>,
      %get3A_492 = vector.shape_cast %get3A_491 : vector<16xf32> to vector<16xf32>
      %get3A_493 = arith.index_cast %add3A_489 : i32 to index
      %get3A_494 = tpu.vector_load %arg12[%get3A_493] {strides = array<i32>} : memref<2592xf32, #tpu.memory_space<vmem>>, vector<16xf32>,
      %get3A_495 = vector.shape_cast %get3A_494 : vector<16xf32> to vector<16xf32>
      %mul3A_496 = arith.mulf %get3A_492, %get3A_495 : vector<16xf32>
      %add3A_497 = arith.addf %add3A_487, %mul3A_496 : vector<16xf32>
      %add3A_498 = arith.constant 1152 : i32
      %add3A_499 = arith.addi %add3A_498, %mul3A_460 : i32
      %get3A_500 = arith.index_cast %add3A_499 : i32 to index
      %get3A_501 = tpu.vector_load %arg14[%get3A_500] {strides = array<i32>} : memref<2592xf32, #tpu.memory_space<vmem>>, vector<16xf32>,
      %get3A_502 = vector.shape_cast %get3A_501 : vector<16xf32> to vector<16xf32>
      %get3A_503 = arith.index_cast %add3A_499 : i32 to index
      %get3A_504 = tpu.vector_load %arg12[%get3A_503] {strides = array<i32>} : memref<2592xf32, #tpu.memory_space<vmem>>, vector<16xf32>,
      %get3A_505 = vector.shape_cast %get3A_504 : vector<16xf32> to vector<16xf32>
      %mul3A_506 = arith.mulf %get3A_502, %get3A_505 : vector<16xf32>
      %add3A_507 = arith.addf %add3A_497, %mul3A_506 : vector<16xf32>
      %add3A_508 = arith.constant 1440 : i32
      %add3A_509 = arith.addi %add3A_508, %mul3A_460 : i32
      %get3A_510 = arith.index_cast %add3A_509 : i32 to index
      %get3A_511 = tpu.vector_load %arg14[%get3A_510] {strides = array<i32>} : memref<2592xf32, #tpu.memory_space<vmem>>, vector<16xf32>,
      %get3A_512 = vector.shape_cast %get3A_511 : vector<16xf32> to vector<16xf32>
      %get3A_513 = arith.index_cast %add3A_509 : i32 to index
      %get3A_514 = tpu.vector_load %arg12[%get3A_513] {strides = array<i32>} : memref<2592xf32, #tpu.memory_space<vmem>>, vector<16xf32>,
      %get3A_515 = vector.shape_cast %get3A_514 : vector<16xf32> to vector<16xf32>
      %mul3A_516 = arith.mulf %get3A_512, %get3A_515 : vector<16xf32>
      %add3A_517 = arith.addf %add3A_507, %mul3A_516 : vector<16xf32>
      %add3A_518 = arith.constant 1728 : i32
      %add3A_519 = arith.addi %add3A_518, %mul3A_460 : i32
      %get3A_520 = arith.index_cast %add3A_519 : i32 to index
      %get3A_521 = tpu.vector_load %arg14[%get3A_520] {strides = array<i32>} : memref<2592xf32, #tpu.memory_space<vmem>>, vector<16xf32>,
      %get3A_522 = vector.shape_cast %get3A_521 : vector<16xf32> to vector<16xf32>
      %get3A_523 = arith.index_cast %add3A_519 : i32 to index
      %get3A_524 = tpu.vector_load %arg12[%get3A_523] {strides = array<i32>} : memref<2592xf32, #tpu.memory_space<vmem>>, vector<16xf32>,
      %get3A_525 = vector.shape_cast %get3A_524 : vector<16xf32> to vector<16xf32>
      %mul3A_526 = arith.mulf %get3A_522, %get3A_525 : vector<16xf32>
      %add3A_527 = arith.addf %add3A_517, %mul3A_526 : vector<16xf32>
      %add3A_528 = arith.constant 2016 : i32
      %add3A_529 = arith.addi %add3A_528, %mul3A_460 : i32
      %get3A_530 = arith.index_cast %add3A_529 : i32 to index
      %get3A_531 = tpu.vector_load %arg14[%get3A_530] {strides = array<i32>} : memref<2592xf32, #tpu.memory_space<vmem>>, vector<16xf32>,
      %get3A_532 = vector.shape_cast %get3A_531 : vector<16xf32> to vector<16xf32>
      %get3A_533 = arith.index_cast %add3A_529 : i32 to index
      %get3A_534 = tpu.vector_load %arg12[%get3A_533] {strides = array<i32>} : memref<2592xf32, #tpu.memory_space<vmem>>, vector<16xf32>,
      %get3A_535 = vector.shape_cast %get3A_534 : vector<16xf32> to vector<16xf32>
      %mul3A_536 = arith.mulf %get3A_532, %get3A_535 : vector<16xf32>
      %add3A_537 = arith.addf %add3A_527, %mul3A_536 : vector<16xf32>
      %add3A_538 = arith.constant 2304 : i32
      %add3A_539 = arith.addi %add3A_538, %mul3A_460 : i32
      %get3A_540 = arith.index_cast %add3A_539 : i32 to index
      %get3A_541 = tpu.vector_load %arg14[%get3A_540] {strides = array<i32>} : memref<2592xf32, #tpu.memory_space<vmem>>, vector<16xf32>,
      %get3A_542 = vector.shape_cast %get3A_541 : vector<16xf32> to vector<16xf32>
      %get3A_543 = arith.index_cast %add3A_539 : i32 to index
      %get3A_544 = tpu.vector_load %arg12[%get3A_543] {strides = array<i32>} : memref<2592xf32, #tpu.memory_space<vmem>>, vector<16xf32>,
      %get3A_545 = vector.shape_cast %get3A_544 : vector<16xf32> to vector<16xf32>
      %mul3A_546 = arith.mulf %get3A_542, %get3A_545 : vector<16xf32>
      %add3A_547 = arith.addf %add3A_537, %mul3A_546 : vector<16xf32>
      %swap3A = arith.index_cast %mul3A_460 : i32 to index
      %swap3A_548 = tpu.vector_load %arg15[%swap3A] {strides = array<i32>} : memref<288xf32, #tpu.memory_space<vmem>>, vector<16xf32>,
      %swap3A_549 = vector.shape_cast %swap3A_548 : vector<16xf32> to vector<16xf32>
      %swap3A_550 = vector.shape_cast %add3A_547 : vector<16xf32> to vector<16xf32>
      tpu.vector_store %arg15[%swap3A], %swap3A_550 {strides = array<i32>} : memref<288xf32, #tpu.memory_space<vmem>>, vector<16xf32>,
    }
    %scan3A_453 = arith.constant 18 : i32
    %mul3A_454 = arith.constant 288 : i32
    %mul3A_455 = arith.muli %add3A, %mul3A_454 : i32
    %add3A_456 = arith.constant 211968 : i32
    %add3A_457 = arith.addi %add3A_456, %mul3A_455 : i32
    "tpu.region"() ({
      %run_scoped3A = tpu.sem_alloc : memref<!tpu.dma_semaphore, #tpu.memory_space<semaphore_mem>>
      %dma_start3A_458 = tpu.memref_slice %arg7[%add3A_457] : memref<221184xf32, #tpu.memory_space<hbm>> -> memref<288xf32, #tpu.memory_space<hbm>>
      %dma_start3A_459 = tpu.memref_slice %arg7[%add3A_457] : memref<221184xf32, #tpu.memory_space<hbm>> -> memref<288xf32, #tpu.memory_space<hbm>>
      tpu.enqueue_dma source(%arg15 : memref<288xf32, #tpu.memory_space<vmem>>) target(%dma_start3A_459 : memref<288xf32, #tpu.memory_space<hbm>>) target_semaphore(%run_scoped3A : memref<!tpu.dma_semaphore, #tpu.memory_space<semaphore_mem>>)
      %dma_wait3A_460 = tpu.memref_slice %arg7[%add3A_457] : memref<221184xf32, #tpu.memory_space<hbm>> -> memref<288xf32, #tpu.memory_space<hbm>>
      %dma_wait3A_461 = tpu.memref_slice %arg7[%add3A_457] : memref<221184xf32, #tpu.memory_space<hbm>> -> memref<288xf32, #tpu.memory_space<hbm>>
      tpu.wait_dma2 semaphore(%run_scoped3A : memref<!tpu.dma_semaphore, #tpu.memory_space<semaphore_mem>>) src(%arg15 : memref<288xf32, #tpu.memory_space<vmem>>) dst(%dma_wait3A_461 : memref<288xf32, #tpu.memory_space<hbm>>)
      tpu.yield
    }) : () -> ()
    return
  }
}

</mosaic_0001>

<sc_bundles>
// kernel: kernel.3.cloned.1.call-start
scs
__scs_entry_jumppad:
0x0: {  	(pc) =	sbr.rel $0x88, $3  }
0x1: {  	(tag) =	ssettag $0x0;
	lr =	simm.s32 $0x1  }
0x2: {  	[smem:$0x3F9C] =	sst lr;
	_ =	strace $0xD0000000  }
0x3: {  	_ = 	snop  }
0x4: {  	_ = 	snop  }
0x5: {  	_ = 	snop  }
0x6: {  	_ = 	snop  }
0x7: {  	_ = 	snop  }
__scs_overlays_trampoline_lowered:
0x8: {  	[smem:$0x3FAB] =	sst s0  }
0x9: {  	[smem:$0x3FAC] =	sst s1  }
0xa: {  	[smem:$0x3FAD] =	sst s2  }
0xb: {  	[smem:$0x3FAE] =	sst s3  }
0xc: {  	[smem:$0x3FAF] =	sst s4  }
0xd: {  	[smem:$0x3FB0] =	sst s5  }
0xe: {  	[smem:$0x3FB1] =	sst s6  }
0xf: {  	[smem:$0x3FB2] =	sst s7  }
0x10: {  	[smem:$0x3FB3] =	sst s8  }
0x11: {  	[smem:$0x3FB4] =	sst s9;
	s0 =	simm.s32 @!p0 $0x0  }
0x12: {  	s1 =	sld [smem:$0x3F9A];
	s0 =	simm.s32 @p0 $0x1  }
0x13: {  	[smem:$0x3FB5] =	sst s0;
	s0 =	simm.s32 @!p1 $0x0  }
0x14: {  	s2 =	sld [smem:$0x3F99];
	s0 =	simm.s32 @p1 $0x1  }
0x15: {  	[smem:$0x3FB6] =	sst s0;
	s0 =	simm.s32 @!p2 $0x0  }
0x16: {  	s3 =	sld [smem:$0x3FDB];
	s0 =	simm.s32 @p2 $0x1  }
0x17: {  	s4 =	simm.s32 $0x1BF5;
	[smem:$0x3FB8] =	sst s0  }
0x18: {  	s0 =	sld [smem:$0x3F9B];
	_ =	swait.ge [sflag:s4], $0x0  }
0x19: {  	s7 =	sld [smem:$0x3F9C]  }
0x1a: {  	s8 =	sadd.s32 $0xFFFFE003, lr  }
0x1b: {  	s9 =	sadd.s32 $0xFFFFFEF7, lr;
	s5 =	simm.s32 $0xFFFFFFFF;
	p2 =	slt.u32 s8, $0xFFFFF086  }
0x1c: {  	p1 =	slt.u32 s9, $0xF7A;
	s5 =	simm.s32 @!p2 $0x0  }
0x1d: {  	s5 =	simm.s32 @p1 $0x1;
	p0 =	seq.s32 s7, s2  }
0x1e: {  	s7 =	smul.u32 @!p0 $0xF7A, s2;
	p2 =	seq.s32 @!p0 s5, $0x0  }
0x1f: {  	s9 =	smul.u32 $0xF7A, s1;
	s8 =	simm.s32 @!p0 $0x1BF5;
	p2 =	por !p2, p0  }
0x20: {  	[sflag:s8] =	ssyncset.s32 @!p0 $0xFFFFF086;
	s6 =	sadd.s32 @!p0 s3, s7;
	s7 =	simm.s32 @!p0 $0x108  }
0x21: {  	s3 =	sadd.s32 s3, s9;
	s6 =	sadd.s32 @!p0 $0x88, s6;
	s7 =	simm.s32 @p2 $0x1082  }
0x22: {  	[simem:s7], [sflag:s8] =	dma.local @!p0 [hbm:s6], $0xF7A  }
0x23: {  	s9 =	sor.u32 $0xD0000000, s2;
	s6 =	simm.s32 $0x108;
	_ =	swait.ge @!p0 [sflag:s8], $0x0  }
0x24: {  	s3 =	sadd.s32 $0x88, s3;
	s6 =	simm.s32 @!p1 $0x1082;
	[sflag:s4] =	ssyncset.s32 $0xFFFFF086  }
0x25: {  	[simem:s6], [sflag:s4] =	dma.local [hbm:s3], $0xF7A  }
0x26: {  	[smem:$0x3F9C] =	sst s1;
	(tag) =	ssettag s2;
	_ =	strace s9  }
0x27: {  	s1 =	sld [smem:$0x3FAC]  }
0x28: {  	s2 =	sld [smem:$0x3FAD]  }
0x29: {  	s4 =	sld [smem:$0x3FAF]  }
0x2a: {  	p0 =	seq.s32 s5, $0x0;
	s5 =	sld [smem:$0x3FB0]  }
0x2b: {  	s6 =	sld [smem:$0x3FB1]  }
0x2c: {  	s7 =	sld [smem:$0x3FB2]  }
0x2d: {  	s3 =	simm.s32 $0x108;
	s8 =	sld [smem:$0x3FB3]  }
0x2e: {  	s3 =	simm.s32 @!p0 $0x1082;
	s9 =	sld [smem:$0x3FB4]  }
0x2f: {  	lr =	sadd.s32 s0, s3;
	s0 =	sld [smem:$0x3FAB]  }
0x30: {  	s3 =	sld [smem:$0x3FAE]  }
0x31: {  	[smem:$0x3FB7] =	sst s10  }
0x32: {  	s10 =	sld [smem:$0x3FB5];
	_ =	sdelay $0x3  }
0x33: {  	p0 =	seq.s32 s10, $0x1;
	s10 =	sld [smem:$0x3FB7];
	_ =	sdelay $0x3  }
0x34: {  	[smem:$0x3FB7] =	sst s10  }
0x35: {  	s10 =	sld [smem:$0x3FB6];
	_ =	sdelay $0x3  }
0x36: {  	p1 =	seq.s32 s10, $0x1;
	s10 =	sld [smem:$0x3FB7];
	_ =	sdelay $0x3  }
0x37: {  	[smem:$0x3FB7] =	sst s10  }
0x38: {  	s10 =	sld [smem:$0x3FB8]  }
0x39: {  	_ = 	snop;
	(pc) =	sbr.ind lr, $3  }
0x3a: {  	_ = 	snop  }
0x3b: {  	_ = 	snop  }
0x3c: {  	p2 =	seq.s32 s10, $0x1;
	s10 =	sld [smem:$0x3FB7]  }
0x3d: {  	_ =	shalt  }
0x3e: {  	_ =	shalt  }
0x3f: {  	_ =	shalt  }
0x40: {  	_ =	shalt  }
0x41: {  	_ =	shalt  }
0x42: {  	_ =	shalt  }
0x43: {  	_ =	shalt  }
0x44: {  	_ =	shalt  }
0x45: {  	_ =	shalt  }
0x46: {  	_ =	shalt  }
0x47: {  	_ =	shalt  }
0x48: {  	_ =	shalt  }
0x49: {  	_ =	shalt  }
0x4a: {  	_ =	shalt  }
0x4b: {  	_ =	shalt  }
0x4c: {  	_ =	shalt  }
0x4d: {  	_ =	shalt  }
0x4e: {  	_ =	shalt  }
0x4f: {  	_ =	shalt  }
0x50: {  	_ =	shalt  }
0x51: {  	_ =	shalt  }
0x52: {  	_ =	shalt  }
0x53: {  	_ =	shalt  }
0x54: {  	_ =	shalt  }
0x55: {  	_ =	shalt  }
0x56: {  	_ =	shalt  }
0x57: {  	_ =	shalt  }
0x58: {  	_ =	shalt  }
0x59: {  	_ =	shalt  }
0x5a: {  	_ =	shalt  }
0x5b: {  	_ =	shalt  }
0x5c: {  	_ =	shalt  }
0x5d: {  	_ =	shalt  }
0x5e: {  	_ =	shalt  }
0x5f: {  	_ =	shalt  }
0x60: {  	_ =	shalt  }
0x61: {  	_ =	shalt  }
0x62: {  	_ =	shalt  }
0x63: {  	_ =	shalt  }
0x64: {  	_ =	shalt  }
0x65: {  	_ =	shalt  }
0x66: {  	_ =	shalt  }
0x67: {  	_ =	shalt  }
0x68: {  	_ =	shalt  }
0x69: {  	_ =	shalt  }
0x6a: {  	_ =	shalt  }
0x6b: {  	_ =	shalt  }
0x6c: {  	_ =	shalt  }
0x6d: {  	_ =	shalt  }
0x6e: {  	_ =	shalt  }
0x6f: {  	_ =	shalt  }
0x70: {  	_ =	shalt  }
0x71: {  	_ =	shalt  }
0x72: {  	_ =	shalt  }
0x73: {  	_ =	shalt  }
0x74: {  	_ =	shalt  }
0x75: {  	_ =	shalt  }
0x76: {  	_ =	shalt  }
0x77: {  	_ =	shalt  }
0x78: {  	_ =	shalt  }
0x79: {  	_ =	shalt  }
0x7a: {  	_ =	shalt  }
0x7b: {  	_ =	shalt  }
0x7c: {  	_ =	shalt  }
0x7d: {  	_ =	shalt  }
0x7e: {  	_ =	shalt  }
0x7f: {  	_ =	shalt  }
0x80: {  	_ =	shalt  }
0x81: {  	_ =	shalt  }
0x82: {  	_ =	shalt  }
0x83: {  	_ =	shalt  }
0x84: {  	_ =	shalt  }
0x85: {  	_ =	shalt  }
0x86: {  	_ =	shalt  }
0x87: {  	_ =	shalt  }
.Lfunc_end0:
.L_simem_size_0:
called_computation_lowered:
.L_overlay_start_0:
0x88: {  	s2 =	sld [smem:$0x3FD9]  }
0x89: {  	s3 =	sld [smem:$0x3FFE];
	_ =	sdelay $0x1  }
0x8a: {  	s1 =	srdreg.scid  }
0x8b: {  	s0 =	sand.u32 $0x1, s1  }
0x8c: {  	s17 =	sshll.u32 s0, $0xA;
	s2 =	sadd.s32 s3, s2  }
0x8d: {  	s2 =	sadd.s32 s2, s17  }
0x8e: {  	[smem:$0x3FC3] =	sst s2  }
0x8f: {  	_ = 	snop  }
0x90: {  	s2 =	sld [smem:$0x3FD0];
	(tm) =	ssettm $0x1  }
0x91: {  	s18 =	sld [smem:$0x3FFB];
	_ =	sdelay $0x3  }
0x92: {  	_ =	strace s18  }
0x93: {  	s3 =	sld [smem:$0x3FFC];
	_ =	sdelay $0x3  }
0x94: {  	_ =	strace s3  }
0x95: {  	s3 =	sld [smem:$0x3FFD];
	_ =	sdelay $0x3  }
0x96: {  	_ =	strace s3  }
0x97: {  	_ =	strace $0x8FFFFFFF  }
0x98: {  	s19 =	sld [smem:$0x3FDB];
	_ =	sdelay $0x1  }
0x99: {  	s4 =	simm.s32 $_scs_section_size  }
0x9a: {  	s5 =	simm.s32 $_size__tile_overlayer_lowered;
	s6 =	simm.s32 $_tile_overlayer_lowered  }
0x9b: {  	s22 =	simm.s32 $0x1BFF;
	s21 =	sshll.u32 s6, $0x1;
	s3 =	sadd.s32 s4, s19  }
0x9c: {  	s7 =	simm.s32 $0x0;
	s20 =	sshll.u32 s5, $0x1;
	s5 =	sadd.s32 s21, s3  }
0x9d: {  	[timem:s7], [sflag:s22] =	dma.local [hbm:s5], s20  }
0x9e: {  	_ =	swait.ge [sflag:s22], s20  }
0x9f: {  	s4 =	ssub.s32 $0x0, s20;
	[sflag:s22] =	ssyncset.done $0x0  }
0xa0: {  	[sflag:s22] =	ssyncadd.s32 s4;
	_ =	sdelay $0x1  }
0xa1: {  	s23 =	simm.s32 $0x1B8B  }
0xa2: {  	_ =	swait.ge [sflag:s23], $0x1  }
0xa3: {  	[sflag:s23] =	ssyncset.done $0x0  }
0xa4: {  	s25 =	simm.s32 $0x1B8E;
	s24 =	sld [smem:$0x3FFE];
	[sflag:s23] =	ssyncadd.s32 $0xFFFFFFFF  }
0xa5: {  	s26 =	simm.s32 $execute0_lowered;
	[smem:$0x3FD2] =	sst s25  }
0xa6: {  	s5 =	sshll.u32 s26, $0x1;
	_ =	strace $0x80000046;
	[dreg:$0x1] =	wrdreg $0xFFFFFFFF  }
0xa7: {  	s28 =	simm.s32 $_size_execute0_lowered;
	s3 =	sadd.s32 s3, s5;
	[dreg:$0x0] =	wrdreg $0x0  }
0xa8: {  	s5 =	sshll.u32 s28, $0x1;
	[dreg:$0x2] =	wrdreg s3  }
0xa9: {  	[dreg:$0x3] =	wrdreg s5  }
0xaa: {  	[dreg:$0x4] =	wrdreg $0xC0  }
0xab: {  	_ =	task [dreg:s7], $0x5FFFF  }
0xac: {  	[dreg:$0x1] =	wrdreg $0xFFFFFFFF  }
0xad: {  	[dreg:$0x0] =	wrdreg $0x60  }
0xae: {  	[dreg:$0x2] =	wrdreg s24  }
0xaf: {  	[dreg:$0x3] =	wrdreg s2  }
0xb0: {  	[dreg:$0x4] =	wrdreg $0x9  }
0xb1: {  	_ =	task.clear_ibuf [dreg:s7], $0x5FFFF;
	_ =	strace $0x90000046  }
0xb2: {  	s29 =	simm.s32 $0x9;
	_ =	strace $0x80000048  }
0xb3: {  	_ =	swait.ge [sflag:s29], $0x1  }
0xb4: {  	[sflag:s29] =	ssyncadd.s32 $0xFFFFFFFF  }
0xb5: {  	_ =	strace $0x90000048  }
0xb6: {  	_ =	sfence  }
0xb7: {  	s30 =	sld [smem:$0x0];
	_ =	sdelay $0x2  }
0xb8: {  	s31 =	sshll.u32 s1, $0xD;
	s1 =	sshrl.u32 s1, $0x2  }
0xb9: {  	s3 =	sand.u32 $0x4000, s31;
	s1 =	sadd.s32 s1, s30  }
0xba: {  	s0 =	sor.u32 s3, s0;
	s1 =	sshll.u32 s1, $0x11  }
0xbb: {  	s0 =	sor.u32 s1, s0  }
0xbc: {  	s0 =	sadd.s32 $0x8F2B, s0  }
0xbd: {  	[sflag:s0] =	ssyncadd.remote.s32 $0x1  }
0xbe: {  	_ =	sfence.sel $0xFFFF  }
0xbf: {  	[dreg:$0x0] =	wrdreg $0xFFFFFFFF;
	(pc) =	sbr.abs _section_cstart, $3  }
0xc0: {  	[dreg:$0x1] =	wrdreg $0xFFFFFFFF  }
0xc1: {  	_ =	task.clear_ibuf [dreg:s7], $0x2FFFF;
	_ =	strace $0x9FFFFFFF  }
0xc2: {  	(tm) =	ssettm $0x7FFFFFFF  }
0xc3: {  	_ =	shalt  }
tec
execute0_lowered:
.L_overlay_start_1:
0x0: {  	(tag) =	ssettag $0x1  }
0x1: {  	s0 =	rddreg [dreg:$0x0]  }
0x2: {  	s1 =	rddreg [dreg:$0x1];
	s2 =	simm.s32 $0x0  }
0x3: {  	[smem:$0x7FF] =	sst s2;
	s6 =	sadd.s32 $0x8A00, s0  }
0x4: {  	s7 =	sadd.s32 $0x6000, s0;
	_ =	strace $0x80000047;
	[dreg:$0x3] =	wrdreg s6  }
0x5: {  	s15 =	sadd.s32 $0x3600, s0;
	[dreg:$0x4] =	wrdreg s7  }
0x6: {  	s16 =	sadd.s32 $0x800, s0;
	[dreg:$0x5] =	wrdreg s15  }
0x7: {  	s18 =	sadd.s32 $0x10A00, s0;
	[dreg:$0x6] =	wrdreg s16  }
0x8: {  	s19 =	sadd.s32 $0x18A00, s0;
	[dreg:$0x8] =	wrdreg s18  }
0x9: {  	s20 =	sadd.s32 $0x20A00, s0;
	[dreg:$0x9] =	wrdreg s19  }
0xa: {  	s3 =	srdreg.scid;
	s21 =	sadd.s32 $0x28A00, s0;
	[dreg:$0xa] =	wrdreg s20  }
0xb: {  	s5 =	stileid.u32;
	s22 =	sadd.s32 $0x30A00, s0;
	[dreg:$0xb] =	wrdreg s21  }
0xc: {  	s28 =	simm.s32 $0x3;
	s23 =	sadd.s32 $0x38A00, s0;
	[dreg:$0xc] =	wrdreg s22  }
0xd: {  	s29 =	simm.s32 $0xA20;
	s24 =	sadd.s32 $0x40A00, s0;
	[dreg:$0xd] =	wrdreg s23  }
0xe: {  	s30 =	simm.s32 $0x1;
	s25 =	sadd.s32 $0x48A00, s0;
	[dreg:$0xe] =	wrdreg s24  }
0xf: {  	s31 =	simm.s32 $0x1F80;
	s26 =	sadd.s32 $0x50A00, s0;
	[dreg:$0xf] =	wrdreg s25  }
0x10: {  	s3 =	sand.u32 $0x1, s3;
	s8 =	sadd.s32 $0x78A00, s0;
	[dreg:$0x10] =	wrdreg s26  }
0x11: {  	s4 =	sshll.u32 s5, $0x1;
	s10 =	sadd.s32 $0x80A00, s0;
	[dreg:$0x15] =	wrdreg s8  }
0x12: {  	s5 =	sshrl.u32 s5, $0x2;
	s11 =	sadd.s32 $0x88A00, s0;
	[dreg:$0x16] =	wrdreg s10  }
0x13: {  	s12 =	sadd.s32 $0x90A00, s0;
	s13 =	sadd.s32 $0x98A00, s0;
	[dreg:$0x17] =	wrdreg s11  }
0x14: {  	s4 =	sor.u32 s3, s4;
	s5 =	smul.u32 $0x5400, s5;
	[dreg:$0x18] =	wrdreg s12  }
0x15: {  	s3 =	ssub.s32 $0x2, s3;
	s7 =	sadd.s32 $0x70A00, s0;
	[dreg:$0x19] =	wrdreg s13  }
0x16: {  	s15 =	sadd.s32 $0xA8A00, s0;
	s16 =	sadd.s32 $0xB0A00, s0;
	[dreg:$0x14] =	wrdreg s7  }
0x17: {  	s14 =	sshll.u32 s4, $0x7;
	s4 =	smul.u32 $0x120, s4;
	[dreg:$0x1b] =	wrdreg s15  }
0x18: {  	s17 =	sshrl.u32 s3, $0x1;
	[dreg:$0x1c] =	wrdreg s16;
	s6 =	sand.u32 $0x380, s14  }
0x19: {  	s3 =	ssub.s32 s3, s17;
	s14 =	sadd.s32 $0xA0A00, s0;
	s17 =	sadd.s32 $0xB8A00, s0  }
0x1a: {  	s5 =	sor.u32 s5, s6;
	s4 =	sshrl.u32 s4, $0x3;
	[dreg:$0x1a] =	wrdreg s14  }
0x1b: {  	s6 =	sadd.s32 $0x68A00, s0;
	[dreg:$0x1d] =	wrdreg s17;
	s18 =	smax.u32 s3, $0x1  }
0x1c: {  	s3 =	simm.s32 $0x2;
	s5 =	sshrl.u32 s5, $0x3;
	[dreg:$0x13] =	wrdreg s6  }
0x1d: {  	s9 =	sadd.s32 s1, s4;
	s4 =	sadd.s32 $0x58A00, s0;
	[dreg:$0x1f] =	wrdreg s18  }
0x1e: {  	s1 =	simm.s32 $0x3F00;
	s5 =	sadd.s32 s5, s0;
	[dreg:$0x11] =	wrdreg s4  }
0x1f: {  	s19 =	sadd.s32 $0x480, s9;
	s20 =	sadd.s32 $0x900, s9;
	s21 =	sadd.s32 $0xD80, s9  }
0x20: {  	s22 =	sadd.s32 $0x1200, s9;
	s23 =	sadd.s32 $0x1680, s9;
	[smem:$0x7F6] =	sst s19  }
0x21: {  	s24 =	sadd.s32 $0x1B00, s9;
	s25 =	sadd.s32 $0x1F80, s9;
	[smem:$0x7F7] =	sst s20  }
0x22: {  	s26 =	sadd.s32 $0x2400, s9;
	s12 =	sadd.s32 $0x2880, s9;
	[smem:$0x7F8] =	sst s21  }
0x23: {  	s13 =	sadd.s32 $0x2D00, s9;
	s14 =	sadd.s32 $0x3180, s9;
	[smem:$0x7F9] =	sst s22  }
0x24: {  	s15 =	sadd.s32 $0x3600, s9;
	s16 =	sadd.s32 $0x3A80, s9;
	[smem:$0x7FA] =	sst s23  }
0x25: {  	s17 =	sadd.s32 $0x3F00, s9;
	s18 =	sadd.s32 $0x4380, s9;
	[smem:$0x7FB] =	sst s24  }
0x26: {  	s4 =	simm.s32 $0x0;
	s5 =	sadd.s32 $0xC00, s5;
	[smem:$0x7FC] =	sst s25  }
0x27: {  	[smem:$0x7FD] =	sst s26;
	s19 =	sadd.s32 $0x4800, s9;
	s20 =	sadd.s32 $0x4C80, s9  }
0x28: {  	s21 =	sadd.s32 $0x5100, s9;
	s22 =	sadd.s32 $0x5580, s9;
	s23 =	sadd.s32 $0x5A00, s9  }
0x29: {  	s24 =	sadd.s32 $0x5E80, s9;
	[dreg:$0x7] =	wrdreg s5;
	s5 =	sadd.s32 $0x60A00, s0  }
0x2a: {  	s25 =	sadd.s32 $0x6300, s9;
	s0 =	sadd.s32 $0xC0A00, s0;
	[dreg:$0x12] =	wrdreg s5  }
0x2b: {  	v0 =	vimm.s32 $0x0;
	v1 =	vimm.f32 $0.0e+00;
	s26 =	sadd.s32 $0x6780, s9;
	[dreg:$0x1e] =	wrdreg s0;
	s0 =	simm.s32 $0x3480  }
.LBB2_1:
0x2c: {  	s5 =	rddreg [dreg:$0x6];
	s6 =	simm.s32 $0x4B00  }
0x2d: {  	[tilespmem:s6], [sflag:$0x3] =	stream.linear.gather [hbm4b:s5+s2], $0x180, $0x38;
	[tilespmem:$0x4D00] =	vst v63  }
0x2e: {  	_ =	swait.ge [sflag:s28], $0x180  }
0x2f: {  	s11 =	simm.s32 $0x80;
	[sflag:s28] =	ssyncset.done $0x0  }
0x30: {  	s7 =	simm.s32 $0x400;
	s10 =	rddreg [dreg:$0x7];
	[sflag:s28] =	ssyncadd.s32 $0xFFFFFE80  }
0x31: {  	[tilespmem:s2], [sflag:$0x3] =	stream.strided.gather [hbm4b:s10+s11], $0xA80, s7, s11, $0x38;
	[tilespmem:$0x4D00] =	vst v63  }
0x32: {  	_ =	swait.ge [sflag:s28], $0xA80  }
0x33: {  	[sflag:s28] =	ssyncset.done $0x0  }
0x34: {  	s8 =	simm.s32 $0xA80;
	s7 =	rddreg [dreg:$0x4];
	[sflag:s28] =	ssyncadd.s32 $0xFFFFF580  }
0x35: {  	[tilespmem:s8], [sflag:$0x1] =	stream.indirect.gather [hbm4b:s7+s29], $0x1, s2, s29, $0xb8;
	[tilespmem:$0x4D00] =	vst v63  }
0x36: {  	_ =	swait.ge [sflag:s30], $0xA20  }
0x37: {  	[sflag:s30] =	ssyncset.done $0x0  }
0x38: {  	s11 =	simm.s32 $0x1500;
	s10 =	rddreg [dreg:$0x5];
	[sflag:s30] =	ssyncadd.s32 $0xFFFFF5E0  }
0x39: {  	[tilespmem:s11], [sflag:$0x1] =	stream.indirect.gather [hbm4b:s10+s29], $0x1, s2, s29, $0xb8;
	[tilespmem:$0x4D00] =	vst v63  }
0x3a: {  	_ =	swait.ge [sflag:s30], $0xA20  }
0x3b: {  	[sflag:s30] =	ssyncset.done $0x0  }
0x3c: {  	[sflag:s30] =	ssyncadd.s32 $0xFFFFF5E0  }
0x3d: {  	s5 =	simm.s32 $0x0;
	v3 =	vld [tilespmem:$0x4C00]  }
0x3e: {  	v5 =	vld [tilespmem:s5+$0x1500]  }
0x3f: {  	v6 =	vld [tilespmem:s5+$0xA80]  }
0x40: {  	v4 =	vld [tilespmem:$0x4B80]  }
0x41: {  	v2 =	vld [tilespmem:$0x4B00];
	_ =	sdelay $0x1  }
0x42: {  	v5 =	vmul.f32 v5, v3  }
0x43: {  	v6 =	vmul.f32 v6, v3  }
0x44: {  	v5 =	vsub.f32 v4, v5  }
0x45: {  	v6 =	vadd.f32 v6, v2  }
0x46: {  	v5 =	vadd.f32 $5.000000000e-01, v5  }
0x47: {  	v6 =	vadd.f32 $5.000000000e-01, v6  }
0x48: {  	v7 =	vtrunc.f32 v5  }
0x49: {  	s6 =	simm.s32 $0x10;
	v8 =	vtrunc.f32 v6;
	v9 =	vcvt.f32.s32 v7;
	vm0 =	vlt.f32 v5, v7  }
0x4a: {  	v10 =	vld [tilespmem:s6+$0x1500];
	v7 =	vcvt.f32.s32 v8;
	vm1 =	vlt.f32 v6, v8;
	v8 =	vsel vm0, $0xFFFFFFFF, v0  }
0x4b: {  	v11 =	vsel vm1, $0xFFFFFFFF, v0;
	v8 =	vadd.s32 v9, v8;
	v9 =	vld [tilespmem:s6+$0xA80]  }
0x4c: {  	v7 =	vadd.s32 v7, v11;
	v11 =	vcvt.s32.f32 v8  }
0x4d: {  	v12 =	vcvt.s32.f32 v7;
	v13 =	vand.u32 $0x1, v8;
	v14 =	vand.u32 $0x1, v7  }
0x4e: {  	vm1 =	veq.s32 v13, $0x1;
	vm3 =	veq.s32 v14, $0x1;
	vm0 =	veq.f32 v5, v11  }
0x4f: {  	vm2 =	veq.f32 v6, v12;
	v5 =	vmul.f32 v10, v3;
	vm0 =	vmand vm0, vm1  }
0x50: {  	vm1 =	vmand vm2, vm3;
	v6 =	vsel vm0, $0xFFFFFFFF, v0;
	v9 =	vmul.f32 v9, v3  }
0x51: {  	v10 =	vsel vm1, $0xFFFFFFFF, v0;
	v5 =	vsub.f32 v4, v5;
	v8 =	vadd.s32 v6, v8  }
0x52: {  	v7 =	vadd.s32 v10, v7;
	vm0 =	vgt.s32 v8, $0x0  }
0x53: {  	v6 =	vadd.f32 v9, v2;
	vm1 =	vgt.s32 v7, $0x0;
	v5 =	vadd.f32 $5.000000000e-01, v5  }
0x54: {  	v9 =	vnsel vm0, $0x0, v8;
	v10 =	vnsel vm1, $0x0, v7;
	v7 =	vor.u32 v7, v8  }
0x55: {  	v9 =	vmin.u32 v9, $0x1FF;
	v6 =	vadd.f32 $5.000000000e-01, v6;
	v11 =	vtrunc.f32 v5  }
0x56: {  	v10 =	vmin.u32 v10, $0x1FF;
	v9 =	vshll.u32 v9, $0x9;
	v8 =	vcvt.f32.s32 v11  }
0x57: {  	vm1 =	vlt.f32 v5, v11;
	v9 =	vor.u32 v10, v9;
	v10 =	vtrunc.f32 v6  }
0x58: {  	s7 =	simm.s32 $0x20;
	s8 =	simm.s32 $0xC0;
	[tilespmem:s5+$0x1F80] =	vst v9;
	v9 =	vcvt.f32.s32 v10;
	vm0 =	vlt.f32 v6, v10;
	v10 =	vsel vm1, $0xFFFFFFFF, v0  }
.LBB2_2:
0x59: {  	p0 =	sne.s32 s8, $0x2840;
	v11 =	vld [tilespmem:s7+$0x1500];
	v12 =	vsel vm0, $0xFFFFFFFF, v0;
	v8 =	vadd.s32 v8, v10;
	vm0 =	vlt.u32 v7, $0x200  }
0x5a: {  	v7 =	vld [tilespmem:s7+$0xA80];
	v9 =	vadd.s32 v9, v12;
	v10 =	vcvt.s32.f32 v8;
	v12 =	vsel vm0, $0x3DE38E39, v1  }
0x5b: {  	v14 =	vand.u32 $0x1, v8;
	v13 =	vcvt.s32.f32 v9;
	[tilespmem:s5+$0x2A00] =	vst v12;
	s5 =	smov.u32 s6;
	s6 =	smov.u32 s7  }
0x5c: {  	v12 =	vand.u32 $0x1, v9;
	vm1 =	veq.s32 v14, $0x1;
	vm0 =	veq.f32 v5, v10  }
0x5d: {  	vm3 =	veq.s32 v12, $0x1;
	vm2 =	veq.f32 v6, v13;
	vm0 =	vmand vm0, vm1  }
0x5e: {  	v5 =	vmul.f32 v11, v3;
	vm1 =	vmand vm2, vm3;
	v6 =	vsel vm0, $0xFFFFFFFF, v0  }
0x5f: {  	v7 =	vmul.f32 v7, v3;
	v10 =	vsel vm1, $0xFFFFFFFF, v0;
	v8 =	vadd.s32 v6, v8  }
0x60: {  	v5 =	vsub.f32 v4, v5;
	v9 =	vadd.s32 v10, v9;
	vm0 =	vgt.s32 v8, $0x0  }
0x61: {  	v6 =	vadd.f32 v7, v2;
	vm1 =	vgt.s32 v9, $0x0;
	v7 =	vnsel vm0, $0x0, v8  }
.Ltmp0:
0x62: {  	v5 =	vadd.f32 $5.000000000e-01, v5;
	v10 =	vnsel vm1, $0x0, v9;
	v7 =	vmin.u32 v7, $0x1FF;
	(pc) =	sbr.rel @p0 .LBB2_2-.Ltmp0, $4  }
0x63: {  	v6 =	vadd.f32 $5.000000000e-01, v6;
	v10 =	vmin.u32 v10, $0x1FF;
	v11 =	vshll.u32 v7, $0x9  }
0x64: {  	v7 =	vor.u32 v9, v8;
	v12 =	vtrunc.f32 v5;
	v9 =	vor.u32 v10, v11  }
0x65: {  	v10 =	vtrunc.f32 v6;
	v8 =	vcvt.f32.s32 v12;
	vm1 =	vlt.f32 v5, v12;
	[tilespmem:s5+$0x1F80] =	vst v9  }
0x66: {  	s7 =	sshra.s32 s8, $0x2;
	s8 =	sadd.s32 $0x40, s8;
	v9 =	vcvt.f32.s32 v10;
	vm0 =	vlt.f32 v6, v10;
	v10 =	vsel vm1, $0xFFFFFFFF, v0  }
0x67: {  	v11 =	vld [tilespmem:s7+$0x1500]  }
0x68: {  	v12 =	vld [tilespmem:s7+$0xA80]  }
0x69: {  	v13 =	vsel vm0, $0xFFFFFFFF, v0;
	v8 =	vadd.s32 v8, v10  }
0x6a: {  	vm12 =	vlt.u32 v7, $0x200;
	v7 =	vadd.s32 v9, v13;
	v50 =	vcvt.s32.f32 v8  }
0x6b: {  	v51 =	vsel vm12, $0x3DE38E39, v1;
	v14 =	vand.u32 $0x1, v8;
	v13 =	vcvt.s32.f32 v7  }
0x6c: {  	vm1 =	veq.s32 v14, $0x1;
	vm13 =	veq.f32 v5, v50;
	v52 =	vmul.f32 v11, v3  }
0x6d: {  	v5 =	vand.u32 $0x1, v7;
	vm2 =	veq.f32 v6, v13;
	v3 =	vmul.f32 v12, v3  }
0x6e: {  	vm3 =	veq.s32 v5, $0x1;
	vm0 =	vmand vm13, vm1;
	v4 =	vsub.f32 v4, v52  }
0x6f: {  	vm14 =	vmand vm2, vm3;
	v5 =	vsel vm0, $0xFFFFFFFF, v0;
	v2 =	vadd.f32 v3, v2  }
0x70: {  	v5 =	vadd.s32 v5, v8;
	v3 =	vsel vm14, $0xFFFFFFFF, v0;
	v4 =	vadd.f32 $5.000000000e-01, v4  }
0x71: {  	vm15 =	vgt.s32 v5, $0x0;
	v3 =	vadd.s32 v3, v7;
	v2 =	vadd.f32 $5.000000000e-01, v2  }
0x72: {  	v6 =	vnsel vm15, $0x0, v5;
	vm4 =	vgt.s32 v3, $0x0;
	v7 =	vtrunc.f32 v4  }
0x73: {  	v53 =	vtrunc.f32 v2;
	v54 =	vcvt.f32.s32 v7;
	vm5 =	vlt.f32 v4, v7  }
0x74: {  	v7 =	vcvt.f32.s32 v53;
	vm6 =	vlt.f32 v2, v53;
	v55 =	vsel vm5, $0xFFFFFFFF, v0  }
0x75: {  	v6 =	vmin.u32 v6, $0x1FF;
	v57 =	vsel vm6, $0xFFFFFFFF, v0;
	v8 =	vadd.s32 v54, v55  }
0x76: {  	v56 =	vnsel vm4, $0x0, v3;
	v7 =	vadd.s32 v7, v57;
	v9 =	vcvt.s32.f32 v8  }
0x77: {  	v3 =	vor.u32 v3, v5;
	v12 =	vcvt.s32.f32 v7;
	v58 =	vand.u32 $0x1, v8  }
0x78: {  	v59 =	vand.u32 $0x1, v7;
	vm8 =	veq.s32 v58, $0x1;
	vm7 =	veq.f32 v4, v9  }
0x79: {  	vm10 =	veq.s32 v59, $0x1;
	vm9 =	veq.f32 v2, v12;
	vm0 =	vmand vm7, vm8  }
0x7a: {  	v11 =	vmin.u32 v56, $0x1FF;
	vm11 =	vmand vm9, vm10;
	v4 =	vsel vm0, $0xFFFFFFFF, v0  }
0x7b: {  	vm13 =	vlt.u32 v3, $0x200;
	v5 =	vsel vm11, $0xFFFFFFFF, v0;
	v4 =	vadd.s32 v4, v8  }
0x7c: {  	v2 =	vshll.u32 v6, $0x9;
	v5 =	vadd.s32 v5, v7;
	vm12 =	vgt.s32 v4, $0x0  }
0x7d: {  	v6 =	vsel vm13, $0x3DE38E39, v1;
	vm14 =	vgt.s32 v5, $0x0;
	v3 =	vnsel vm12, $0x0, v4  }
0x7e: {  	[tilespmem:s5+$0x2A00] =	vst v51;
	v2 =	vor.u32 v11, v2;
	v7 =	vnsel vm14, $0x0, v5;
	v3 =	vmin.u32 v3, $0x1FF  }
0x7f: {  	[tilespmem:s6+$0x1F80] =	vst v2;
	v4 =	vor.u32 v5, v4;
	v2 =	vmin.u32 v7, $0x1FF;
	v3 =	vshll.u32 v3, $0x9  }
0x80: {  	[tilespmem:s6+$0x2A00] =	vst v6;
	vm15 =	vlt.u32 v4, $0x200;
	v2 =	vor.u32 v2, v3  }
0x81: {  	[tilespmem:s7+$0x1F80] =	vst v2;
	v2 =	vsel vm15, $0x3DE38E39, v1  }
0x82: {  	s6 =	rddreg [dreg:$0x3];
	[tilespmem:s7+$0x2A00] =	vst v2  }
0x83: {  	[tilespmem:s0], [sflag:$0x1] =	stream.indirect.gather [hbm4b:s6+s29], $0x1, s31, s29, $0xb8;
	[tilespmem:$0x4D00] =	vst v63  }
0x84: {  	s7 =	rddreg [dreg:$0x8]  }
0x85: {  	[tilespmem:s1], [sflag:$0x2] =	stream.indirect.gather [hbm4b:s7+s29], $0x1, s31, s29, $0xb8;
	[tilespmem:$0x4D00] =	vst v63  }
0x86: {  	_ =	swait.ge [sflag:s30], $0xA20  }
0x87: {  	[sflag:s30] =	ssyncset.done $0x0  }
0x88: {  	s8 =	simm.s32 $0x2FA0;
	[sflag:s30] =	ssyncadd.s32 $0xFFFFF5E0  }
0x89: {  	s10 =	simm.s32 $0x3A20;
	v2 =	vld [tilespmem:s8+$0xFFFFFA60]  }
0x8a: {  	v3 =	vld [tilespmem:s10+$0xFFFFFA60]  }
0x8b: {  	v4 =	vld [tilespmem:s10+$0xFFFFFB80]  }
0x8c: {  	v5 =	vld [tilespmem:s8+$0xFFFFFB80]  }
0x8d: {  	v6 =	vld [tilespmem:s10+$0xFFFFFCA0]  }
0x8e: {  	v7 =	vld [tilespmem:s8+$0xFFFFFCA0]  }
0x8f: {  	s11 =	simm.s32 $0x0;
	v60 =	vld [tilespmem:s10+$0xFFFFFDC0]  }
0x90: {  	s7 =	sand.u32 $0x1F0, s11;
	v61 =	vld [tilespmem:s8+$0xFFFFFDC0]  }
0x91: {  	v2 =	vmul.f32 v2, v3;
	v3 =	vmul.f32 v5, v4;
	v4 =	vld [tilespmem:s7+$0x3900]  }
0x92: {  	v5 =	vld [tilespmem:s7+$0x2E80]  }
0x93: {  	v2 =	vadd.f32 v3, v2;
	v3 =	vmul.f32 v7, v6;
	v6 =	vld [tilespmem:s10+$0x0]  }
0x94: {  	v7 =	vld [tilespmem:s8+$0x0]  }
0x95: {  	v62 =	vld [tilespmem:s10+$0x120];
	v2 =	vadd.f32 v3, v2;
	v3 =	vmul.f32 v61, v60  }
0x96: {  	v63 =	vld [tilespmem:s8+$0x120]  }
0x97: {  	v2 =	vadd.f32 v3, v2;
	v3 =	vmul.f32 v5, v4;
	v4 =	vld [tilespmem:s10+$0x240]  }
0x98: {  	v5 =	vld [tilespmem:s8+$0x240]  }
0x99: {  	v2 =	vadd.f32 v3, v2;
	v3 =	vmul.f32 v7, v6;
	v6 =	vld [tilespmem:s7+$0x3D80]  }
0x9a: {  	v7 =	vld [tilespmem:s7+$0x3300]  }
0x9b: {  	v2 =	vadd.f32 v3, v2;
	v3 =	vmul.f32 v63, v62;
	_ =	sdelay $0x1  }
0x9c: {  	v2 =	vadd.f32 v3, v2;
	v3 =	vmul.f32 v5, v4;
	_ =	sdelay $0x1  }
0x9d: {  	v2 =	vadd.f32 v3, v2;
	v3 =	vmul.f32 v7, v6;
	_ =	sdelay $0x1  }
0x9e: {  	v2 =	vadd.f32 v3, v2  }
0x9f: {  	s5 =	simm.s32 $0x4980  }
0xa0: {  	s6 =	simm.s32 $0x2FB0;
	[tilespmem:s5+$0x0] =	vst v2  }
0xa1: {  	s7 =	simm.s32 $0x3A30;
	v2 =	vld [tilespmem:s6+$0xFFFFFA60]  }
0xa2: {  	v3 =	vld [tilespmem:s7+$0xFFFFFA60]  }
0xa3: {  	v4 =	vld [tilespmem:s7+$0xFFFFFB80]  }
0xa4: {  	s8 =	simm.s32 $0x10;
	s10 =	simm.s32 $0x20;
	v5 =	vld [tilespmem:s6+$0xFFFFFB80]  }
.LBB2_4:
0xa5: {  	p0 =	sne.s32 s10, $0x110;
	v6 =	vld [tilespmem:s7+$0xFFFFFCA0]  }
0xa6: {  	v7 =	vld [tilespmem:s6+$0xFFFFFCA0]  }
0xa7: {  	v8 =	vld [tilespmem:s7+$0xFFFFFDC0]  }
0xa8: {  	s11 =	sand.u32 $0x1F0, s8;
	s8 =	smov.u32 s10;
	v9 =	vld [tilespmem:s6+$0xFFFFFDC0]  }
0xa9: {  	v2 =	vmul.f32 v2, v3;
	v3 =	vmul.f32 v5, v4;
	v4 =	vld [tilespmem:s11+$0x3900]  }
0xaa: {  	v5 =	vld [tilespmem:s11+$0x2E80]  }
0xab: {  	v2 =	vadd.f32 v3, v2;
	v3 =	vmul.f32 v7, v6;
	v6 =	vld [tilespmem:s7+$0x0]  }
0xac: {  	v7 =	vld [tilespmem:s6+$0x0]  }
0xad: {  	v2 =	vadd.f32 v3, v2;
	v3 =	vmul.f32 v9, v8;
	v8 =	vld [tilespmem:s7+$0x120]  }
0xae: {  	v9 =	vld [tilespmem:s6+$0x120]  }
0xaf: {  	v2 =	vadd.f32 v3, v2;
	v3 =	vmul.f32 v5, v4;
	v4 =	vld [tilespmem:s7+$0x240]  }
0xb0: {  	v5 =	vld [tilespmem:s6+$0x240]  }
0xb1: {  	v2 =	vadd.f32 v3, v2;
	v3 =	vmul.f32 v7, v6;
	v6 =	vld [tilespmem:s11+$0x3D80]  }
0xb2: {  	v7 =	vld [tilespmem:s11+$0x3300]  }
0xb3: {  	v2 =	vadd.f32 v3, v2;
	v3 =	vmul.f32 v9, v8;
	_ =	sdelay $0x1  }
0xb4: {  	v2 =	vadd.f32 v3, v2;
	v3 =	vmul.f32 v5, v4;
	_ =	sdelay $0x1  }
0xb5: {  	v2 =	vadd.f32 v3, v2;
	v3 =	vmul.f32 v7, v6;
	_ =	sdelay $0x1  }
0xb6: {  	v2 =	vadd.f32 v3, v2  }
0xb7: {  	s5 =	sadd.s32 $0x10, s5  }
.Ltmp1:
0xb8: {  	s6 =	sadd.s32 $0x10, s6;
	[tilespmem:s5+$0x0] =	vst v2;
	(pc) =	sbr.rel @p0 .LBB2_4-.Ltmp1, $4  }
0xb9: {  	s7 =	sadd.s32 $0x10, s7;
	v2 =	vld [tilespmem:s6+$0xFFFFFA60]  }
0xba: {  	v3 =	vld [tilespmem:s7+$0xFFFFFA60]  }
0xbb: {  	v4 =	vld [tilespmem:s7+$0xFFFFFB80]  }
0xbc: {  	s10 =	sadd.s32 $0x10, s10;
	v5 =	vld [tilespmem:s6+$0xFFFFFB80]  }
0xbd: {  	v6 =	vld [tilespmem:s7+$0xFFFFFCA0]  }
0xbe: {  	v7 =	vld [tilespmem:s6+$0xFFFFFCA0]  }
0xbf: {  	v8 =	vld [tilespmem:s7+$0xFFFFFDC0]  }
0xc0: {  	v9 =	vld [tilespmem:s6+$0xFFFFFDC0];
	s8 =	sand.u32 $0x1F0, s8  }
0xc1: {  	v2 =	vmul.f32 v2, v3;
	v3 =	vmul.f32 v5, v4;
	v4 =	vld [tilespmem:s8+$0x3900]  }
0xc2: {  	v5 =	vld [tilespmem:s8+$0x2E80]  }
0xc3: {  	v2 =	vadd.f32 v3, v2;
	v3 =	vmul.f32 v7, v6;
	v6 =	vld [tilespmem:s7+$0x0]  }
0xc4: {  	v7 =	vld [tilespmem:s6+$0x0]  }
0xc5: {  	v58 =	vld [tilespmem:s7+$0x120];
	v2 =	vadd.f32 v3, v2;
	v3 =	vmul.f32 v9, v8  }
0xc6: {  	v59 =	vld [tilespmem:s6+$0x120]  }
0xc7: {  	v2 =	vadd.f32 v3, v2;
	v3 =	vmul.f32 v5, v4;
	v4 =	vld [tilespmem:s7+$0x240]  }
0xc8: {  	v5 =	vld [tilespmem:s6+$0x240]  }
0xc9: {  	v2 =	vadd.f32 v3, v2;
	v3 =	vmul.f32 v7, v6;
	v6 =	vld [tilespmem:s8+$0x3D80]  }
0xca: {  	v7 =	vld [tilespmem:s8+$0x3300]  }
0xcb: {  	v2 =	vadd.f32 v3, v2;
	v3 =	vmul.f32 v59, v58;
	_ =	sdelay $0x1  }
0xcc: {  	v2 =	vadd.f32 v3, v2;
	v3 =	vmul.f32 v5, v4;
	_ =	sdelay $0x1  }
0xcd: {  	v2 =	vadd.f32 v3, v2;
	v3 =	vmul.f32 v7, v6;
	_ =	sdelay $0x1  }
0xce: {  	v2 =	vadd.f32 v3, v2  }
0xcf: {  	s5 =	sadd.s32 $0x10, s5  }
0xd0: {  	s6 =	simm.s32 $0x0;
	[tilespmem:s5+$0x0] =	vst v2;
	s5 =	simm.s32 $0x4980  }
0xd1: {  	[hbm4b:s9+s6] =	stream.linear.scatter [tilespmem:s5], [sflag:$0x3], $0x120, $0x38;
	[tilespmem:$0x4D00] =	vst v63  }
0xd2: {  	_ =	swait.ge [sflag:s28], $0x120  }
0xd3: {  	[sflag:s28] =	ssyncset.done $0x0  }
0xd4: {  	s8 =	rddreg [dreg:$0x9];
	[sflag:s28] =	ssyncadd.s32 $0xFFFFFEE0  }
0xd5: {  	[tilespmem:s0], [sflag:$0x1] =	stream.indirect.gather [hbm4b:s8+s29], $0x1, s31, s29, $0xb8;
	[tilespmem:$0x4D00] =	vst v63  }
0xd6: {  	_ =	swait.ge [sflag:s3], $0xA20  }
0xd7: {  	[sflag:s3] =	ssyncset.done $0x0  }
0xd8: {  	s10 =	simm.s32 $0x2FA0;
	[sflag:s3] =	ssyncadd.s32 $0xFFFFF5E0  }
0xd9: {  	s11 =	simm.s32 $0x44A0;
	v2 =	vld [tilespmem:s10+$0xFFFFFA60]  }
0xda: {  	v3 =	vld [tilespmem:s11+$0xFFFFFA60]  }
0xdb: {  	v4 =	vld [tilespmem:s11+$0xFFFFFB80]  }
0xdc: {  	v5 =	vld [tilespmem:s10+$0xFFFFFB80]  }
0xdd: {  	v6 =	vld [tilespmem:s11+$0xFFFFFCA0]  }
0xde: {  	v7 =	vld [tilespmem:s10+$0xFFFFFCA0]  }
0xdf: {  	v60 =	vld [tilespmem:s11+$0xFFFFFDC0]  }
0xe0: {  	s6 =	sand.u32 $0x1F0, s6;
	v61 =	vld [tilespmem:s10+$0xFFFFFDC0]  }
0xe1: {  	v2 =	vmul.f32 v2, v3;
	v3 =	vmul.f32 v5, v4;
	v4 =	vld [tilespmem:s6+$0x4380]  }
0xe2: {  	v5 =	vld [tilespmem:s6+$0x2E80]  }
0xe3: {  	v2 =	vadd.f32 v3, v2;
	v3 =	vmul.f32 v7, v6;
	v6 =	vld [tilespmem:s11+$0x0]  }
0xe4: {  	v7 =	vld [tilespmem:s10+$0x0]  }
0xe5: {  	v62 =	vld [tilespmem:s11+$0x120];
	v2 =	vadd.f32 v3, v2;
	v3 =	vmul.f32 v61, v60  }
0xe6: {  	v63 =	vld [tilespmem:s10+$0x120]  }
0xe7: {  	v2 =	vadd.f32 v3, v2;
	v3 =	vmul.f32 v5, v4;
	v4 =	vld [tilespmem:s11+$0x240]  }
0xe8: {  	v5 =	vld [tilespmem:s10+$0x240]  }
0xe9: {  	v2 =	vadd.f32 v3, v2;
	v3 =	vmul.f32 v7, v6;
	v6 =	vld [tilespmem:s6+$0x4800]  }
0xea: {  	v7 =	vld [tilespmem:s6+$0x3300]  }
0xeb: {  	v2 =	vadd.f32 v3, v2;
	v3 =	vmul.f32 v63, v62;
	_ =	sdelay $0x1  }
0xec: {  	v2 =	vadd.f32 v3, v2;
	v3 =	vmul.f32 v5, v4;
	_ =	sdelay $0x1  }
0xed: {  	v2 =	vadd.f32 v3, v2;
	v3 =	vmul.f32 v7, v6;
	_ =	sdelay $0x1  }
0xee: {  	v2 =	vadd.f32 v3, v2;
	_ =	sdelay $0x1  }
0xef: {  	s6 =	simm.s32 $0x2FB0;
	[tilespmem:s5+$0x0] =	vst v2  }
0xf0: {  	s7 =	simm.s32 $0x44B0;
	v2 =	vld [tilespmem:s6+$0xFFFFFA60]  }
0xf1: {  	v3 =	vld [tilespmem:s7+$0xFFFFFA60]  }
0xf2: {  	v4 =	vld [tilespmem:s7+$0xFFFFFB80]  }
0xf3: {  	s8 =	simm.s32 $0x10;
	s10 =	simm.s32 $0x20;
	v5 =	vld [tilespmem:s6+$0xFFFFFB80]  }
.LBB2_6:
0xf4: {  	p0 =	sne.s32 s10, $0x110;
	v6 =	vld [tilespmem:s7+$0xFFFFFCA0]  }
0xf5: {  	v7 =	vld [tilespmem:s6+$0xFFFFFCA0]  }
0xf6: {  	v8 =	vld [tilespmem:s7+$0xFFFFFDC0]  }
0xf7: {  	s11 =	sand.u32 $0x1F0, s8;
	s8 =	smov.u32 s10;
	v9 =	vld [tilespmem:s6+$0xFFFFFDC0]  }
0xf8: {  	v2 =	vmul.f32 v2, v3;
	v3 =	vmul.f32 v5, v4;
	v4 =	vld [tilespmem:s11+$0x4380]  }
0xf9: {  	v5 =	vld [tilespmem:s11+$0x2E80]  }
0xfa: {  	v2 =	vadd.f32 v3, v2;
	v3 =	vmul.f32 v7, v6;
	v6 =	vld [tilespmem:s7+$0x0]  }
0xfb: {  	v7 =	vld [tilespmem:s6+$0x0]  }
0xfc: {  	v2 =	vadd.f32 v3, v2;
	v3 =	vmul.f32 v9, v8;
	v8 =	vld [tilespmem:s7+$0x120]  }
0xfd: {  	v9 =	vld [tilespmem:s6+$0x120]  }
0xfe: {  	v2 =	vadd.f32 v3, v2;
	v3 =	vmul.f32 v5, v4;
	v4 =	vld [tilespmem:s7+$0x240]  }
0xff: {  	v5 =	vld [tilespmem:s6+$0x240]  }
0x100: {  	v2 =	vadd.f32 v3, v2;
	v3 =	vmul.f32 v7, v6;
	v6 =	vld [tilespmem:s11+$0x4800]  }
0x101: {  	v7 =	vld [tilespmem:s11+$0x3300]  }
0x102: {  	v2 =	vadd.f32 v3, v2;
	v3 =	vmul.f32 v9, v8;
	_ =	sdelay $0x1  }
0x103: {  	v2 =	vadd.f32 v3, v2;
	v3 =	vmul.f32 v5, v4;
	_ =	sdelay $0x1  }
0x104: {  	v2 =	vadd.f32 v3, v2;
	v3 =	vmul.f32 v7, v6;
	_ =	sdelay $0x1  }
0x105: {  	v2 =	vadd.f32 v3, v2  }
0x106: {  	s5 =	sadd.s32 $0x10, s5  }
.Ltmp2:
0x107: {  	s6 =	sadd.s32 $0x10, s6;
	[tilespmem:s5+$0x0] =	vst v2;
	(pc) =	sbr.rel @p0 .LBB2_6-.Ltmp2, $4  }
0x108: {  	s7 =	sadd.s32 $0x10, s7;
	v2 =	vld [tilespmem:s6+$0xFFFFFA60]  }
0x109: {  	v3 =	vld [tilespmem:s7+$0xFFFFFA60]  }
0x10a: {  	v4 =	vld [tilespmem:s7+$0xFFFFFB80]  }
0x10b: {  	s10 =	sadd.s32 $0x10, s10;
	v5 =	vld [tilespmem:s6+$0xFFFFFB80]  }
0x10c: {  	v6 =	vld [tilespmem:s7+$0xFFFFFCA0]  }
0x10d: {  	v7 =	vld [tilespmem:s6+$0xFFFFFCA0]  }
0x10e: {  	v8 =	vld [tilespmem:s7+$0xFFFFFDC0]  }
0x10f: {  	v9 =	vld [tilespmem:s6+$0xFFFFFDC0];
	s8 =	sand.u32 $0x1F0, s8  }
0x110: {  	v2 =	vmul.f32 v2, v3;
	v3 =	vmul.f32 v5, v4;
	v4 =	vld [tilespmem:s8+$0x4380]  }
0x111: {  	v5 =	vld [tilespmem:s8+$0x2E80]  }
0x112: {  	v2 =	vadd.f32 v3, v2;
	v3 =	vmul.f32 v7, v6;
	v6 =	vld [tilespmem:s7+$0x0]  }
0x113: {  	v7 =	vld [tilespmem:s6+$0x0]  }
0x114: {  	v58 =	vld [tilespmem:s7+$0x120];
	v2 =	vadd.f32 v3, v2;
	v3 =	vmul.f32 v9, v8  }
0x115: {  	v59 =	vld [tilespmem:s6+$0x120]  }
0x116: {  	v2 =	vadd.f32 v3, v2;
	v3 =	vmul.f32 v5, v4;
	v4 =	vld [tilespmem:s7+$0x240]  }
0x117: {  	v5 =	vld [tilespmem:s6+$0x240]  }
0x118: {  	v2 =	vadd.f32 v3, v2;
	v3 =	vmul.f32 v7, v6;
	v6 =	vld [tilespmem:s8+$0x4800]  }
0x119: {  	v7 =	vld [tilespmem:s8+$0x3300]  }
0x11a: {  	v2 =	vadd.f32 v3, v2;
	v3 =	vmul.f32 v59, v58;
	_ =	sdelay $0x1  }
0x11b: {  	v2 =	vadd.f32 v3, v2;
	v3 =	vmul.f32 v5, v4;
	_ =	sdelay $0x1  }
0x11c: {  	v2 =	vadd.f32 v3, v2;
	v3 =	vmul.f32 v7, v6;
	_ =	sdelay $0x1  }
0x11d: {  	s11 =	sld [smem:$0x7F6];
	v2 =	vadd.f32 v3, v2  }
0x11e: {  	s5 =	sadd.s32 $0x10, s5  }
0x11f: {  	s6 =	simm.s32 $0x0;
	[tilespmem:s5+$0x0] =	vst v2;
	s5 =	simm.s32 $0x4980  }
0x120: {  	[hbm4b:s11+s6] =	stream.linear.scatter [tilespmem:s5], [sflag:$0x3], $0x120, $0x38;
	[tilespmem:$0x4D00] =	vst v63  }
0x121: {  	_ =	swait.ge [sflag:s28], $0x120  }
0x122: {  	[sflag:s28] =	ssyncset.done $0x0  }
0x123: {  	s8 =	rddreg [dreg:$0xa];
	[sflag:s28] =	ssyncadd.s32 $0xFFFFFEE0  }
0x124: {  	[tilespmem:s1], [sflag:$0x2] =	stream.indirect.gather [hbm4b:s8+s29], $0x1, s31, s29, $0xb8;
	[tilespmem:$0x4D00] =	vst v63  }
0x125: {  	_ =	swait.ge [sflag:s30], $0xA20  }
0x126: {  	[sflag:s30] =	ssyncset.done $0x0  }
0x127: {  	s10 =	simm.s32 $0x2FA0;
	[sflag:s30] =	ssyncadd.s32 $0xFFFFF5E0  }
0x128: {  	s11 =	simm.s32 $0x3A20;
	v2 =	vld [tilespmem:s10+$0xFFFFFA60]  }
0x129: {  	v3 =	vld [tilespmem:s11+$0xFFFFFA60]  }
0x12a: {  	v4 =	vld [tilespmem:s11+$0xFFFFFB80]  }
0x12b: {  	v5 =	vld [tilespmem:s10+$0xFFFFFB80]  }
0x12c: {  	v6 =	vld [tilespmem:s11+$0xFFFFFCA0]  }
0x12d: {  	v7 =	vld [tilespmem:s10+$0xFFFFFCA0]  }
0x12e: {  	v60 =	vld [tilespmem:s11+$0xFFFFFDC0]  }
0x12f: {  	s6 =	sand.u32 $0x1F0, s6;
	v61 =	vld [tilespmem:s10+$0xFFFFFDC0]  }
0x130: {  	v2 =	vmul.f32 v2, v3;
	v3 =	vmul.f32 v5, v4;
	v4 =	vld [tilespmem:s6+$0x3900]  }
0x131: {  	v5 =	vld [tilespmem:s6+$0x2E80]  }
0x132: {  	v2 =	vadd.f32 v3, v2;
	v3 =	vmul.f32 v7, v6;
	v6 =	vld [tilespmem:s11+$0x0]  }
0x133: {  	v7 =	vld [tilespmem:s10+$0x0]  }
0x134: {  	v62 =	vld [tilespmem:s11+$0x120];
	v2 =	vadd.f32 v3, v2;
	v3 =	vmul.f32 v61, v60  }
0x135: {  	v63 =	vld [tilespmem:s10+$0x120]  }
0x136: {  	v2 =	vadd.f32 v3, v2;
	v3 =	vmul.f32 v5, v4;
	v4 =	vld [tilespmem:s11+$0x240]  }
0x137: {  	v5 =	vld [tilespmem:s10+$0x240]  }
0x138: {  	v2 =	vadd.f32 v3, v2;
	v3 =	vmul.f32 v7, v6;
	v6 =	vld [tilespmem:s6+$0x3D80]  }
0x139: {  	v7 =	vld [tilespmem:s6+$0x3300]  }
0x13a: {  	v2 =	vadd.f32 v3, v2;
	v3 =	vmul.f32 v63, v62;
	_ =	sdelay $0x1  }
0x13b: {  	v2 =	vadd.f32 v3, v2;
	v3 =	vmul.f32 v5, v4;
	_ =	sdelay $0x1  }
0x13c: {  	v2 =	vadd.f32 v3, v2;
	v3 =	vmul.f32 v7, v6;
	_ =	sdelay $0x1  }
0x13d: {  	v2 =	vadd.f32 v3, v2;
	_ =	sdelay $0x1  }
0x13e: {  	s6 =	simm.s32 $0x2FB0;
	[tilespmem:s5+$0x0] =	vst v2  }
0x13f: {  	s7 =	simm.s32 $0x3A30;
	v2 =	vld [tilespmem:s6+$0xFFFFFA60]  }
0x140: {  	v3 =	vld [tilespmem:s7+$0xFFFFFA60]  }
0x141: {  	v4 =	vld [tilespmem:s7+$0xFFFFFB80]  }
0x142: {  	s8 =	simm.s32 $0x10;
	s10 =	simm.s32 $0x20;
	v5 =	vld [tilespmem:s6+$0xFFFFFB80]  }
.LBB2_8:
0x143: {  	p0 =	sne.s32 s10, $0x110;
	v6 =	vld [tilespmem:s7+$0xFFFFFCA0]  }
0x144: {  	v7 =	vld [tilespmem:s6+$0xFFFFFCA0]  }
0x145: {  	v8 =	vld [tilespmem:s7+$0xFFFFFDC0]  }
0x146: {  	s11 =	sand.u32 $0x1F0, s8;
	s8 =	smov.u32 s10;
	v9 =	vld [tilespmem:s6+$0xFFFFFDC0]  }
0x147: {  	v2 =	vmul.f32 v2, v3;
	v3 =	vmul.f32 v5, v4;
	v4 =	vld [tilespmem:s11+$0x3900]  }
0x148: {  	v5 =	vld [tilespmem:s11+$0x2E80]  }
0x149: {  	v2 =	vadd.f32 v3, v2;
	v3 =	vmul.f32 v7, v6;
	v6 =	vld [tilespmem:s7+$0x0]  }
0x14a: {  	v7 =	vld [tilespmem:s6+$0x0]  }
0x14b: {  	v2 =	vadd.f32 v3, v2;
	v3 =	vmul.f32 v9, v8;
	v8 =	vld [tilespmem:s7+$0x120]  }
0x14c: {  	v9 =	vld [tilespmem:s6+$0x120]  }
0x14d: {  	v2 =	vadd.f32 v3, v2;
	v3 =	vmul.f32 v5, v4;
	v4 =	vld [tilespmem:s7+$0x240]  }
0x14e: {  	v5 =	vld [tilespmem:s6+$0x240]  }
0x14f: {  	v2 =	vadd.f32 v3, v2;
	v3 =	vmul.f32 v7, v6;
	v6 =	vld [tilespmem:s11+$0x3D80]  }
0x150: {  	v7 =	vld [tilespmem:s11+$0x3300]  }
0x151: {  	v2 =	vadd.f32 v3, v2;
	v3 =	vmul.f32 v9, v8;
	_ =	sdelay $0x1  }
0x152: {  	v2 =	vadd.f32 v3, v2;
	v3 =	vmul.f32 v5, v4;
	_ =	sdelay $0x1  }
0x153: {  	v2 =	vadd.f32 v3, v2;
	v3 =	vmul.f32 v7, v6;
	_ =	sdelay $0x1  }
0x154: {  	v2 =	vadd.f32 v3, v2  }
0x155: {  	s5 =	sadd.s32 $0x10, s5  }
.Ltmp3:
0x156: {  	s6 =	sadd.s32 $0x10, s6;
	[tilespmem:s5+$0x0] =	vst v2;
	(pc) =	sbr.rel @p0 .LBB2_8-.Ltmp3, $4  }
0x157: {  	s7 =	sadd.s32 $0x10, s7;
	v2 =	vld [tilespmem:s6+$0xFFFFFA60]  }
0x158: {  	v3 =	vld [tilespmem:s7+$0xFFFFFA60]  }
0x159: {  	v4 =	vld [tilespmem:s7+$0xFFFFFB80]  }
0x15a: {  	s10 =	sadd.s32 $0x10, s10;
	v5 =	vld [tilespmem:s6+$0xFFFFFB80]  }
0x15b: {  	v6 =	vld [tilespmem:s7+$0xFFFFFCA0]  }
0x15c: {  	v7 =	vld [tilespmem:s6+$0xFFFFFCA0]  }
0x15d: {  	v8 =	vld [tilespmem:s7+$0xFFFFFDC0]  }
0x15e: {  	v9 =	vld [tilespmem:s6+$0xFFFFFDC0];
	s8 =	sand.u32 $0x1F0, s8  }
0x15f: {  	v2 =	vmul.f32 v2, v3;
	v3 =	vmul.f32 v5, v4;
	v4 =	vld [tilespmem:s8+$0x3900]  }
0x160: {  	v5 =	vld [tilespmem:s8+$0x2E80]  }
0x161: {  	v2 =	vadd.f32 v3, v2;
	v3 =	vmul.f32 v7, v6;
	v6 =	vld [tilespmem:s7+$0x0]  }
0x162: {  	v7 =	vld [tilespmem:s6+$0x0]  }
0x163: {  	v58 =	vld [tilespmem:s7+$0x120];
	v2 =	vadd.f32 v3, v2;
	v3 =	vmul.f32 v9, v8  }
0x164: {  	v59 =	vld [tilespmem:s6+$0x120]  }
0x165: {  	v2 =	vadd.f32 v3, v2;
	v3 =	vmul.f32 v5, v4;
	v4 =	vld [tilespmem:s7+$0x240]  }
0x166: {  	v5 =	vld [tilespmem:s6+$0x240]  }
0x167: {  	v2 =	vadd.f32 v3, v2;
	v3 =	vmul.f32 v7, v6;
	v6 =	vld [tilespmem:s8+$0x3D80]  }
0x168: {  	v7 =	vld [tilespmem:s8+$0x3300]  }
0x169: {  	v2 =	vadd.f32 v3, v2;
	v3 =	vmul.f32 v59, v58;
	_ =	sdelay $0x1  }
0x16a: {  	v2 =	vadd.f32 v3, v2;
	v3 =	vmul.f32 v5, v4;
	_ =	sdelay $0x1  }
0x16b: {  	v2 =	vadd.f32 v3, v2;
	v3 =	vmul.f32 v7, v6;
	_ =	sdelay $0x1  }
0x16c: {  	s11 =	sld [smem:$0x7F7];
	v2 =	vadd.f32 v3, v2  }
0x16d: {  	s5 =	sadd.s32 $0x10, s5  }
0x16e: {  	s6 =	simm.s32 $0x0;
	[tilespmem:s5+$0x0] =	vst v2;
	s5 =	simm.s32 $0x4980  }
0x16f: {  	[hbm4b:s11+s6] =	stream.linear.scatter [tilespmem:s5], [sflag:$0x3], $0x120, $0x38;
	[tilespmem:$0x4D00] =	vst v63  }
0x170: {  	_ =	swait.ge [sflag:s28], $0x120  }
0x171: {  	[sflag:s28] =	ssyncset.done $0x0  }
0x172: {  	s8 =	rddreg [dreg:$0xb];
	[sflag:s28] =	ssyncadd.s32 $0xFFFFFEE0  }
0x173: {  	[tilespmem:s0], [sflag:$0x1] =	stream.indirect.gather [hbm4b:s8+s29], $0x1, s31, s29, $0xb8;
	[tilespmem:$0x4D00] =	vst v63  }
0x174: {  	_ =	swait.ge [sflag:s3], $0xA20  }
0x175: {  	[sflag:s3] =	ssyncset.done $0x0  }
0x176: {  	s10 =	simm.s32 $0x2FA0;
	[sflag:s3] =	ssyncadd.s32 $0xFFFFF5E0  }
0x177: {  	s11 =	simm.s32 $0x44A0;
	v2 =	vld [tilespmem:s10+$0xFFFFFA60]  }
0x178: {  	v3 =	vld [tilespmem:s11+$0xFFFFFA60]  }
0x179: {  	v4 =	vld [tilespmem:s11+$0xFFFFFB80]  }
0x17a: {  	v5 =	vld [tilespmem:s10+$0xFFFFFB80]  }
0x17b: {  	v6 =	vld [tilespmem:s11+$0xFFFFFCA0]  }
0x17c: {  	v7 =	vld [tilespmem:s10+$0xFFFFFCA0]  }
0x17d: {  	v60 =	vld [tilespmem:s11+$0xFFFFFDC0]  }
0x17e: {  	s6 =	sand.u32 $0x1F0, s6;
	v61 =	vld [tilespmem:s10+$0xFFFFFDC0]  }
0x17f: {  	v2 =	vmul.f32 v2, v3;
	v3 =	vmul.f32 v5, v4;
	v4 =	vld [tilespmem:s6+$0x4380]  }
0x180: {  	v5 =	vld [tilespmem:s6+$0x2E80]  }
0x181: {  	v2 =	vadd.f32 v3, v2;
	v3 =	vmul.f32 v7, v6;
	v6 =	vld [tilespmem:s11+$0x0]  }
0x182: {  	v7 =	vld [tilespmem:s10+$0x0]  }
0x183: {  	v62 =	vld [tilespmem:s11+$0x120];
	v2 =	vadd.f32 v3, v2;
	v3 =	vmul.f32 v61, v60  }
0x184: {  	v63 =	vld [tilespmem:s10+$0x120]  }
0x185: {  	v2 =	vadd.f32 v3, v2;
	v3 =	vmul.f32 v5, v4;
	v4 =	vld [tilespmem:s11+$0x240]  }
0x186: {  	v5 =	vld [tilespmem:s10+$0x240]  }
0x187: {  	v2 =	vadd.f32 v3, v2;
	v3 =	vmul.f32 v7, v6;
	v6 =	vld [tilespmem:s6+$0x4800]  }
0x188: {  	v7 =	vld [tilespmem:s6+$0x3300]  }
0x189: {  	v2 =	vadd.f32 v3, v2;
	v3 =	vmul.f32 v63, v62;
	_ =	sdelay $0x1  }
0x18a: {  	v2 =	vadd.f32 v3, v2;
	v3 =	vmul.f32 v5, v4;
	_ =	sdelay $0x1  }
0x18b: {  	v2 =	vadd.f32 v3, v2;
	v3 =	vmul.f32 v7, v6;
	_ =	sdelay $0x1  }
0x18c: {  	v2 =	vadd.f32 v3, v2;
	_ =	sdelay $0x1  }
0x18d: {  	s6 =	simm.s32 $0x2FB0;
	[tilespmem:s5+$0x0] =	vst v2  }
0x18e: {  	s7 =	simm.s32 $0x44B0;
	v2 =	vld [tilespmem:s6+$0xFFFFFA60]  }
0x18f: {  	v3 =	vld [tilespmem:s7+$0xFFFFFA60]  }
0x190: {  	v4 =	vld [tilespmem:s7+$0xFFFFFB80]  }
0x191: {  	s8 =	simm.s32 $0x10;
	s10 =	simm.s32 $0x20;
	v5 =	vld [tilespmem:s6+$0xFFFFFB80]  }
.LBB2_10:
0x192: {  	p0 =	sne.s32 s10, $0x110;
	v6 =	vld [tilespmem:s7+$0xFFFFFCA0]  }
0x193: {  	v7 =	vld [tilespmem:s6+$0xFFFFFCA0]  }
0x194: {  	v8 =	vld [tilespmem:s7+$0xFFFFFDC0]  }
0x195: {  	s11 =	sand.u32 $0x1F0, s8;
	s8 =	smov.u32 s10;
	v9 =	vld [tilespmem:s6+$0xFFFFFDC0]  }
0x196: {  	v2 =	vmul.f32 v2, v3;
	v3 =	vmul.f32 v5, v4;
	v4 =	vld [tilespmem:s11+$0x4380]  }
0x197: {  	v5 =	vld [tilespmem:s11+$0x2E80]  }
0x198: {  	v2 =	vadd.f32 v3, v2;
	v3 =	vmul.f32 v7, v6;
	v6 =	vld [tilespmem:s7+$0x0]  }
0x199: {  	v7 =	vld [tilespmem:s6+$0x0]  }
0x19a: {  	v2 =	vadd.f32 v3, v2;
	v3 =	vmul.f32 v9, v8;
	v8 =	vld [tilespmem:s7+$0x120]  }
0x19b: {  	v9 =	vld [tilespmem:s6+$0x120]  }
0x19c: {  	v2 =	vadd.f32 v3, v2;
	v3 =	vmul.f32 v5, v4;
	v4 =	vld [tilespmem:s7+$0x240]  }
0x19d: {  	v5 =	vld [tilespmem:s6+$0x240]  }
0x19e: {  	v2 =	vadd.f32 v3, v2;
	v3 =	vmul.f32 v7, v6;
	v6 =	vld [tilespmem:s11+$0x4800]  }
0x19f: {  	v7 =	vld [tilespmem:s11+$0x3300]  }
0x1a0: {  	v2 =	vadd.f32 v3, v2;
	v3 =	vmul.f32 v9, v8;
	_ =	sdelay $0x1  }
0x1a1: {  	v2 =	vadd.f32 v3, v2;
	v3 =	vmul.f32 v5, v4;
	_ =	sdelay $0x1  }
0x1a2: {  	v2 =	vadd.f32 v3, v2;
	v3 =	vmul.f32 v7, v6;
	_ =	sdelay $0x1  }
0x1a3: {  	v2 =	vadd.f32 v3, v2  }
0x1a4: {  	s5 =	sadd.s32 $0x10, s5  }
.Ltmp4:
0x1a5: {  	s6 =	sadd.s32 $0x10, s6;
	[tilespmem:s5+$0x0] =	vst v2;
	(pc) =	sbr.rel @p0 .LBB2_10-.Ltmp4, $4  }
0x1a6: {  	s7 =	sadd.s32 $0x10, s7;
	v2 =	vld [tilespmem:s6+$0xFFFFFA60]  }
0x1a7: {  	v3 =	vld [tilespmem:s7+$0xFFFFFA60]  }
0x1a8: {  	v4 =	vld [tilespmem:s7+$0xFFFFFB80]  }
0x1a9: {  	s10 =	sadd.s32 $0x10, s10;
	v5 =	vld [tilespmem:s6+$0xFFFFFB80]  }
0x1aa: {  	v6 =	vld [tilespmem:s7+$0xFFFFFCA0]  }
0x1ab: {  	v7 =	vld [tilespmem:s6+$0xFFFFFCA0]  }
0x1ac: {  	v8 =	vld [tilespmem:s7+$0xFFFFFDC0]  }
0x1ad: {  	v9 =	vld [tilespmem:s6+$0xFFFFFDC0];
	s8 =	sand.u32 $0x1F0, s8  }
0x1ae: {  	v2 =	vmul.f32 v2, v3;
	v3 =	vmul.f32 v5, v4;
	v4 =	vld [tilespmem:s8+$0x4380]  }
0x1af: {  	v5 =	vld [tilespmem:s8+$0x2E80]  }
0x1b0: {  	v2 =	vadd.f32 v3, v2;
	v3 =	vmul.f32 v7, v6;
	v6 =	vld [tilespmem:s7+$0x0]  }
0x1b1: {  	v7 =	vld [tilespmem:s6+$0x0]  }
0x1b2: {  	v58 =	vld [tilespmem:s7+$0x120];
	v2 =	vadd.f32 v3, v2;
	v3 =	vmul.f32 v9, v8  }
0x1b3: {  	v59 =	vld [tilespmem:s6+$0x120]  }
0x1b4: {  	v2 =	vadd.f32 v3, v2;
	v3 =	vmul.f32 v5, v4;
	v4 =	vld [tilespmem:s7+$0x240]  }
0x1b5: {  	v5 =	vld [tilespmem:s6+$0x240]  }
0x1b6: {  	v2 =	vadd.f32 v3, v2;
	v3 =	vmul.f32 v7, v6;
	v6 =	vld [tilespmem:s8+$0x4800]  }
0x1b7: {  	v7 =	vld [tilespmem:s8+$0x3300]  }
0x1b8: {  	v2 =	vadd.f32 v3, v2;
	v3 =	vmul.f32 v59, v58;
	_ =	sdelay $0x1  }
0x1b9: {  	v2 =	vadd.f32 v3, v2;
	v3 =	vmul.f32 v5, v4;
	_ =	sdelay $0x1  }
0x1ba: {  	v2 =	vadd.f32 v3, v2;
	v3 =	vmul.f32 v7, v6;
	_ =	sdelay $0x1  }
0x1bb: {  	s11 =	sld [smem:$0x7F8];
	v2 =	vadd.f32 v3, v2  }
0x1bc: {  	s5 =	sadd.s32 $0x10, s5  }
0x1bd: {  	s6 =	simm.s32 $0x0;
	[tilespmem:s5+$0x0] =	vst v2;
	s5 =	simm.s32 $0x4980  }
0x1be: {  	[hbm4b:s11+s6] =	stream.linear.scatter [tilespmem:s5], [sflag:$0x3], $0x120, $0x38;
	[tilespmem:$0x4D00] =	vst v63  }
0x1bf: {  	_ =	swait.ge [sflag:s28], $0x120  }
0x1c0: {  	[sflag:s28] =	ssyncset.done $0x0  }
0x1c1: {  	s8 =	rddreg [dreg:$0xc];
	[sflag:s28] =	ssyncadd.s32 $0xFFFFFEE0  }
0x1c2: {  	[tilespmem:s1], [sflag:$0x2] =	stream.indirect.gather [hbm4b:s8+s29], $0x1, s31, s29, $0xb8;
	[tilespmem:$0x4D00] =	vst v63  }
0x1c3: {  	_ =	swait.ge [sflag:s30], $0xA20  }
0x1c4: {  	[sflag:s30] =	ssyncset.done $0x0  }
0x1c5: {  	s10 =	simm.s32 $0x2FA0;
	[sflag:s30] =	ssyncadd.s32 $0xFFFFF5E0  }
0x1c6: {  	s11 =	simm.s32 $0x3A20;
	v2 =	vld [tilespmem:s10+$0xFFFFFA60]  }
0x1c7: {  	v3 =	vld [tilespmem:s11+$0xFFFFFA60]  }
0x1c8: {  	v4 =	vld [tilespmem:s11+$0xFFFFFB80]  }
0x1c9: {  	v5 =	vld [tilespmem:s10+$0xFFFFFB80]  }
0x1ca: {  	v6 =	vld [tilespmem:s11+$0xFFFFFCA0]  }
0x1cb: {  	v7 =	vld [tilespmem:s10+$0xFFFFFCA0]  }
0x1cc: {  	v60 =	vld [tilespmem:s11+$0xFFFFFDC0]  }
0x1cd: {  	s6 =	sand.u32 $0x1F0, s6;
	v61 =	vld [tilespmem:s10+$0xFFFFFDC0]  }
0x1ce: {  	v2 =	vmul.f32 v2, v3;
	v3 =	vmul.f32 v5, v4;
	v4 =	vld [tilespmem:s6+$0x3900]  }
0x1cf: {  	v5 =	vld [tilespmem:s6+$0x2E80]  }
0x1d0: {  	v2 =	vadd.f32 v3, v2;
	v3 =	vmul.f32 v7, v6;
	v6 =	vld [tilespmem:s11+$0x0]  }
0x1d1: {  	v7 =	vld [tilespmem:s10+$0x0]  }
0x1d2: {  	v62 =	vld [tilespmem:s11+$0x120];
	v2 =	vadd.f32 v3, v2;
	v3 =	vmul.f32 v61, v60  }
0x1d3: {  	v63 =	vld [tilespmem:s10+$0x120]  }
0x1d4: {  	v2 =	vadd.f32 v3, v2;
	v3 =	vmul.f32 v5, v4;
	v4 =	vld [tilespmem:s11+$0x240]  }
0x1d5: {  	v5 =	vld [tilespmem:s10+$0x240]  }
0x1d6: {  	v2 =	vadd.f32 v3, v2;
	v3 =	vmul.f32 v7, v6;
	v6 =	vld [tilespmem:s6+$0x3D80]  }
0x1d7: {  	v7 =	vld [tilespmem:s6+$0x3300]  }
0x1d8: {  	v2 =	vadd.f32 v3, v2;
	v3 =	vmul.f32 v63, v62;
	_ =	sdelay $0x1  }
0x1d9: {  	v2 =	vadd.f32 v3, v2;
	v3 =	vmul.f32 v5, v4;
	_ =	sdelay $0x1  }
0x1da: {  	v2 =	vadd.f32 v3, v2;
	v3 =	vmul.f32 v7, v6;
	_ =	sdelay $0x1  }
0x1db: {  	v2 =	vadd.f32 v3, v2;
	_ =	sdelay $0x1  }
0x1dc: {  	s6 =	simm.s32 $0x2FB0;
	[tilespmem:s5+$0x0] =	vst v2  }
0x1dd: {  	s7 =	simm.s32 $0x3A30;
	v2 =	vld [tilespmem:s6+$0xFFFFFA60]  }
0x1de: {  	v3 =	vld [tilespmem:s7+$0xFFFFFA60]  }
0x1df: {  	v4 =	vld [tilespmem:s7+$0xFFFFFB80]  }
0x1e0: {  	s8 =	simm.s32 $0x10;
	s10 =	simm.s32 $0x20;
	v5 =	vld [tilespmem:s6+$0xFFFFFB80]  }
.LBB2_12:
0x1e1: {  	p0 =	sne.s32 s10, $0x110;
	v6 =	vld [tilespmem:s7+$0xFFFFFCA0]  }
0x1e2: {  	v7 =	vld [tilespmem:s6+$0xFFFFFCA0]  }
0x1e3: {  	v8 =	vld [tilespmem:s7+$0xFFFFFDC0]  }
0x1e4: {  	s11 =	sand.u32 $0x1F0, s8;
	s8 =	smov.u32 s10;
	v9 =	vld [tilespmem:s6+$0xFFFFFDC0]  }
0x1e5: {  	v2 =	vmul.f32 v2, v3;
	v3 =	vmul.f32 v5, v4;
	v4 =	vld [tilespmem:s11+$0x3900]  }
0x1e6: {  	v5 =	vld [tilespmem:s11+$0x2E80]  }
0x1e7: {  	v2 =	vadd.f32 v3, v2;
	v3 =	vmul.f32 v7, v6;
	v6 =	vld [tilespmem:s7+$0x0]  }
0x1e8: {  	v7 =	vld [tilespmem:s6+$0x0]  }
0x1e9: {  	v2 =	vadd.f32 v3, v2;
	v3 =	vmul.f32 v9, v8;
	v8 =	vld [tilespmem:s7+$0x120]  }
0x1ea: {  	v9 =	vld [tilespmem:s6+$0x120]  }
0x1eb: {  	v2 =	vadd.f32 v3, v2;
	v3 =	vmul.f32 v5, v4;
	v4 =	vld [tilespmem:s7+$0x240]  }
0x1ec: {  	v5 =	vld [tilespmem:s6+$0x240]  }
0x1ed: {  	v2 =	vadd.f32 v3, v2;
	v3 =	vmul.f32 v7, v6;
	v6 =	vld [tilespmem:s11+$0x3D80]  }
0x1ee: {  	v7 =	vld [tilespmem:s11+$0x3300]  }
0x1ef: {  	v2 =	vadd.f32 v3, v2;
	v3 =	vmul.f32 v9, v8;
	_ =	sdelay $0x1  }
0x1f0: {  	v2 =	vadd.f32 v3, v2;
	v3 =	vmul.f32 v5, v4;
	_ =	sdelay $0x1  }
0x1f1: {  	v2 =	vadd.f32 v3, v2;
	v3 =	vmul.f32 v7, v6;
	_ =	sdelay $0x1  }
0x1f2: {  	v2 =	vadd.f32 v3, v2  }
0x1f3: {  	s5 =	sadd.s32 $0x10, s5  }
.Ltmp5:
0x1f4: {  	s6 =	sadd.s32 $0x10, s6;
	[tilespmem:s5+$0x0] =	vst v2;
	(pc) =	sbr.rel @p0 .LBB2_12-.Ltmp5, $4  }
0x1f5: {  	s7 =	sadd.s32 $0x10, s7;
	v2 =	vld [tilespmem:s6+$0xFFFFFA60]  }
0x1f6: {  	v3 =	vld [tilespmem:s7+$0xFFFFFA60]  }
0x1f7: {  	v4 =	vld [tilespmem:s7+$0xFFFFFB80]  }
0x1f8: {  	s10 =	sadd.s32 $0x10, s10;
	v5 =	vld [tilespmem:s6+$0xFFFFFB80]  }
0x1f9: {  	v6 =	vld [tilespmem:s7+$0xFFFFFCA0]  }
0x1fa: {  	v7 =	vld [tilespmem:s6+$0xFFFFFCA0]  }
0x1fb: {  	v8 =	vld [tilespmem:s7+$0xFFFFFDC0]  }
0x1fc: {  	v9 =	vld [tilespmem:s6+$0xFFFFFDC0];
	s8 =	sand.u32 $0x1F0, s8  }
0x1fd: {  	v2 =	vmul.f32 v2, v3;
	v3 =	vmul.f32 v5, v4;
	v4 =	vld [tilespmem:s8+$0x3900]  }
0x1fe: {  	v5 =	vld [tilespmem:s8+$0x2E80]  }
0x1ff: {  	v2 =	vadd.f32 v3, v2;
	v3 =	vmul.f32 v7, v6;
	v6 =	vld [tilespmem:s7+$0x0]  }
0x200: {  	v7 =	vld [tilespmem:s6+$0x0]  }
0x201: {  	v58 =	vld [tilespmem:s7+$0x120];
	v2 =	vadd.f32 v3, v2;
	v3 =	vmul.f32 v9, v8  }
0x202: {  	v59 =	vld [tilespmem:s6+$0x120]  }
0x203: {  	v2 =	vadd.f32 v3, v2;
	v3 =	vmul.f32 v5, v4;
	v4 =	vld [tilespmem:s7+$0x240]  }
0x204: {  	v5 =	vld [tilespmem:s6+$0x240]  }
0x205: {  	v2 =	vadd.f32 v3, v2;
	v3 =	vmul.f32 v7, v6;
	v6 =	vld [tilespmem:s8+$0x3D80]  }
0x206: {  	v7 =	vld [tilespmem:s8+$0x3300]  }
0x207: {  	v2 =	vadd.f32 v3, v2;
	v3 =	vmul.f32 v59, v58;
	_ =	sdelay $0x1  }
0x208: {  	v2 =	vadd.f32 v3, v2;
	v3 =	vmul.f32 v5, v4;
	_ =	sdelay $0x1  }
0x209: {  	v2 =	vadd.f32 v3, v2;
	v3 =	vmul.f32 v7, v6;
	_ =	sdelay $0x1  }
0x20a: {  	s11 =	sld [smem:$0x7F9];
	v2 =	vadd.f32 v3, v2  }
0x20b: {  	s5 =	sadd.s32 $0x10, s5  }
0x20c: {  	s6 =	simm.s32 $0x0;
	[tilespmem:s5+$0x0] =	vst v2;
	s5 =	simm.s32 $0x4980  }
0x20d: {  	[hbm4b:s11+s6] =	stream.linear.scatter [tilespmem:s5], [sflag:$0x3], $0x120, $0x38;
	[tilespmem:$0x4D00] =	vst v63  }
0x20e: {  	_ =	swait.ge [sflag:s28], $0x120  }
0x20f: {  	[sflag:s28] =	ssyncset.done $0x0  }
0x210: {  	s8 =	rddreg [dreg:$0xd];
	[sflag:s28] =	ssyncadd.s32 $0xFFFFFEE0  }
0x211: {  	[tilespmem:s0], [sflag:$0x1] =	stream.indirect.gather [hbm4b:s8+s29], $0x1, s31, s29, $0xb8;
	[tilespmem:$0x4D00] =	vst v63  }
0x212: {  	_ =	swait.ge [sflag:s3], $0xA20  }
0x213: {  	[sflag:s3] =	ssyncset.done $0x0  }
0x214: {  	s10 =	simm.s32 $0x2FA0;
	[sflag:s3] =	ssyncadd.s32 $0xFFFFF5E0  }
0x215: {  	s11 =	simm.s32 $0x44A0;
	v2 =	vld [tilespmem:s10+$0xFFFFFA60]  }
0x216: {  	v3 =	vld [tilespmem:s11+$0xFFFFFA60]  }
0x217: {  	v4 =	vld [tilespmem:s11+$0xFFFFFB80]  }
0x218: {  	v5 =	vld [tilespmem:s10+$0xFFFFFB80]  }
0x219: {  	v6 =	vld [tilespmem:s11+$0xFFFFFCA0]  }
0x21a: {  	v7 =	vld [tilespmem:s10+$0xFFFFFCA0]  }
0x21b: {  	v60 =	vld [tilespmem:s11+$0xFFFFFDC0]  }
0x21c: {  	s6 =	sand.u32 $0x1F0, s6;
	v61 =	vld [tilespmem:s10+$0xFFFFFDC0]  }
0x21d: {  	v2 =	vmul.f32 v2, v3;
	v3 =	vmul.f32 v5, v4;
	v4 =	vld [tilespmem:s6+$0x4380]  }
0x21e: {  	v5 =	vld [tilespmem:s6+$0x2E80]  }
0x21f: {  	v2 =	vadd.f32 v3, v2;
	v3 =	vmul.f32 v7, v6;
	v6 =	vld [tilespmem:s11+$0x0]  }
0x220: {  	v7 =	vld [tilespmem:s10+$0x0]  }
0x221: {  	v62 =	vld [tilespmem:s11+$0x120];
	v2 =	vadd.f32 v3, v2;
	v3 =	vmul.f32 v61, v60  }
0x222: {  	v63 =	vld [tilespmem:s10+$0x120]  }
0x223: {  	v2 =	vadd.f32 v3, v2;
	v3 =	vmul.f32 v5, v4;
	v4 =	vld [tilespmem:s11+$0x240]  }
0x224: {  	v5 =	vld [tilespmem:s10+$0x240]  }
0x225: {  	v2 =	vadd.f32 v3, v2;
	v3 =	vmul.f32 v7, v6;
	v6 =	vld [tilespmem:s6+$0x4800]  }
0x226: {  	v7 =	vld [tilespmem:s6+$0x3300]  }
0x227: {  	v2 =	vadd.f32 v3, v2;
	v3 =	vmul.f32 v63, v62;
	_ =	sdelay $0x1  }
0x228: {  	v2 =	vadd.f32 v3, v2;
	v3 =	vmul.f32 v5, v4;
	_ =	sdelay $0x1  }
0x229: {  	v2 =	vadd.f32 v3, v2;
	v3 =	vmul.f32 v7, v6;
	_ =	sdelay $0x1  }
0x22a: {  	v2 =	vadd.f32 v3, v2;
	_ =	sdelay $0x1  }
0x22b: {  	s6 =	simm.s32 $0x2FB0;
	[tilespmem:s5+$0x0] =	vst v2  }
0x22c: {  	s7 =	simm.s32 $0x44B0;
	v2 =	vld [tilespmem:s6+$0xFFFFFA60]  }
0x22d: {  	v3 =	vld [tilespmem:s7+$0xFFFFFA60]  }
0x22e: {  	v4 =	vld [tilespmem:s7+$0xFFFFFB80]  }
0x22f: {  	s8 =	simm.s32 $0x10;
	s10 =	simm.s32 $0x20;
	v5 =	vld [tilespmem:s6+$0xFFFFFB80]  }
.LBB2_14:
0x230: {  	p0 =	sne.s32 s10, $0x110;
	v6 =	vld [tilespmem:s7+$0xFFFFFCA0]  }
0x231: {  	v7 =	vld [tilespmem:s6+$0xFFFFFCA0]  }
0x232: {  	v8 =	vld [tilespmem:s7+$0xFFFFFDC0]  }
0x233: {  	s11 =	sand.u32 $0x1F0, s8;
	s8 =	smov.u32 s10;
	v9 =	vld [tilespmem:s6+$0xFFFFFDC0]  }
0x234: {  	v2 =	vmul.f32 v2, v3;
	v3 =	vmul.f32 v5, v4;
	v4 =	vld [tilespmem:s11+$0x4380]  }
0x235: {  	v5 =	vld [tilespmem:s11+$0x2E80]  }
0x236: {  	v2 =	vadd.f32 v3, v2;
	v3 =	vmul.f32 v7, v6;
	v6 =	vld [tilespmem:s7+$0x0]  }
0x237: {  	v7 =	vld [tilespmem:s6+$0x0]  }
0x238: {  	v2 =	vadd.f32 v3, v2;
	v3 =	vmul.f32 v9, v8;
	v8 =	vld [tilespmem:s7+$0x120]  }
0x239: {  	v9 =	vld [tilespmem:s6+$0x120]  }
0x23a: {  	v2 =	vadd.f32 v3, v2;
	v3 =	vmul.f32 v5, v4;
	v4 =	vld [tilespmem:s7+$0x240]  }
0x23b: {  	v5 =	vld [tilespmem:s6+$0x240]  }
0x23c: {  	v2 =	vadd.f32 v3, v2;
	v3 =	vmul.f32 v7, v6;
	v6 =	vld [tilespmem:s11+$0x4800]  }
0x23d: {  	v7 =	vld [tilespmem:s11+$0x3300]  }
0x23e: {  	v2 =	vadd.f32 v3, v2;
	v3 =	vmul.f32 v9, v8;
	_ =	sdelay $0x1  }
0x23f: {  	v2 =	vadd.f32 v3, v2;
	v3 =	vmul.f32 v5, v4;
	_ =	sdelay $0x1  }
0x240: {  	v2 =	vadd.f32 v3, v2;
	v3 =	vmul.f32 v7, v6;
	_ =	sdelay $0x1  }
0x241: {  	v2 =	vadd.f32 v3, v2  }
0x242: {  	s5 =	sadd.s32 $0x10, s5  }
.Ltmp6:
0x243: {  	s6 =	sadd.s32 $0x10, s6;
	[tilespmem:s5+$0x0] =	vst v2;
	(pc) =	sbr.rel @p0 .LBB2_14-.Ltmp6, $4  }
0x244: {  	s7 =	sadd.s32 $0x10, s7;
	v2 =	vld [tilespmem:s6+$0xFFFFFA60]  }
0x245: {  	v3 =	vld [tilespmem:s7+$0xFFFFFA60]  }
0x246: {  	v4 =	vld [tilespmem:s7+$0xFFFFFB80]  }
0x247: {  	s10 =	sadd.s32 $0x10, s10;
	v5 =	vld [tilespmem:s6+$0xFFFFFB80]  }
0x248: {  	v6 =	vld [tilespmem:s7+$0xFFFFFCA0]  }
0x249: {  	v7 =	vld [tilespmem:s6+$0xFFFFFCA0]  }
0x24a: {  	v8 =	vld [tilespmem:s7+$0xFFFFFDC0]  }
0x24b: {  	v9 =	vld [tilespmem:s6+$0xFFFFFDC0];
	s8 =	sand.u32 $0x1F0, s8  }
0x24c: {  	v2 =	vmul.f32 v2, v3;
	v3 =	vmul.f32 v5, v4;
	v4 =	vld [tilespmem:s8+$0x4380]  }
0x24d: {  	v5 =	vld [tilespmem:s8+$0x2E80]  }
0x24e: {  	v2 =	vadd.f32 v3, v2;
	v3 =	vmul.f32 v7, v6;
	v6 =	vld [tilespmem:s7+$0x0]  }
0x24f: {  	v7 =	vld [tilespmem:s6+$0x0]  }
0x250: {  	v58 =	vld [tilespmem:s7+$0x120];
	v2 =	vadd.f32 v3, v2;
	v3 =	vmul.f32 v9, v8  }
0x251: {  	v59 =	vld [tilespmem:s6+$0x120]  }
0x252: {  	v2 =	vadd.f32 v3, v2;
	v3 =	vmul.f32 v5, v4;
	v4 =	vld [tilespmem:s7+$0x240]  }
0x253: {  	v5 =	vld [tilespmem:s6+$0x240]  }
0x254: {  	v2 =	vadd.f32 v3, v2;
	v3 =	vmul.f32 v7, v6;
	v6 =	vld [tilespmem:s8+$0x4800]  }
0x255: {  	v7 =	vld [tilespmem:s8+$0x3300]  }
0x256: {  	v2 =	vadd.f32 v3, v2;
	v3 =	vmul.f32 v59, v58;
	_ =	sdelay $0x1  }
0x257: {  	v2 =	vadd.f32 v3, v2;
	v3 =	vmul.f32 v5, v4;
	_ =	sdelay $0x1  }
0x258: {  	v2 =	vadd.f32 v3, v2;
	v3 =	vmul.f32 v7, v6;
	_ =	sdelay $0x1  }
0x259: {  	s11 =	sld [smem:$0x7FA];
	v2 =	vadd.f32 v3, v2  }
0x25a: {  	s5 =	sadd.s32 $0x10, s5  }
0x25b: {  	s6 =	simm.s32 $0x0;
	[tilespmem:s5+$0x0] =	vst v2;
	s5 =	simm.s32 $0x4980  }
0x25c: {  	[hbm4b:s11+s6] =	stream.linear.scatter [tilespmem:s5], [sflag:$0x3], $0x120, $0x38;
	[tilespmem:$0x4D00] =	vst v63  }
0x25d: {  	_ =	swait.ge [sflag:s28], $0x120  }
0x25e: {  	[sflag:s28] =	ssyncset.done $0x0  }
0x25f: {  	s8 =	rddreg [dreg:$0xe];
	[sflag:s28] =	ssyncadd.s32 $0xFFFFFEE0  }
0x260: {  	[tilespmem:s1], [sflag:$0x2] =	stream.indirect.gather [hbm4b:s8+s29], $0x1, s31, s29, $0xb8;
	[tilespmem:$0x4D00] =	vst v63  }
0x261: {  	_ =	swait.ge [sflag:s30], $0xA20  }
0x262: {  	[sflag:s30] =	ssyncset.done $0x0  }
0x263: {  	s10 =	simm.s32 $0x2FA0;
	[sflag:s30] =	ssyncadd.s32 $0xFFFFF5E0  }
0x264: {  	s11 =	simm.s32 $0x3A20;
	v2 =	vld [tilespmem:s10+$0xFFFFFA60]  }
0x265: {  	v3 =	vld [tilespmem:s11+$0xFFFFFA60]  }
0x266: {  	v4 =	vld [tilespmem:s11+$0xFFFFFB80]  }
0x267: {  	v5 =	vld [tilespmem:s10+$0xFFFFFB80]  }
0x268: {  	v6 =	vld [tilespmem:s11+$0xFFFFFCA0]  }
0x269: {  	v7 =	vld [tilespmem:s10+$0xFFFFFCA0]  }
0x26a: {  	v60 =	vld [tilespmem:s11+$0xFFFFFDC0]  }
0x26b: {  	s6 =	sand.u32 $0x1F0, s6;
	v61 =	vld [tilespmem:s10+$0xFFFFFDC0]  }
0x26c: {  	v2 =	vmul.f32 v2, v3;
	v3 =	vmul.f32 v5, v4;
	v4 =	vld [tilespmem:s6+$0x3900]  }
0x26d: {  	v5 =	vld [tilespmem:s6+$0x2E80]  }
0x26e: {  	v2 =	vadd.f32 v3, v2;
	v3 =	vmul.f32 v7, v6;
	v6 =	vld [tilespmem:s11+$0x0]  }
0x26f: {  	v7 =	vld [tilespmem:s10+$0x0]  }
0x270: {  	v62 =	vld [tilespmem:s11+$0x120];
	v2 =	vadd.f32 v3, v2;
	v3 =	vmul.f32 v61, v60  }
0x271: {  	v63 =	vld [tilespmem:s10+$0x120]  }
0x272: {  	v2 =	vadd.f32 v3, v2;
	v3 =	vmul.f32 v5, v4;
	v4 =	vld [tilespmem:s11+$0x240]  }
0x273: {  	v5 =	vld [tilespmem:s10+$0x240]  }
0x274: {  	v2 =	vadd.f32 v3, v2;
	v3 =	vmul.f32 v7, v6;
	v6 =	vld [tilespmem:s6+$0x3D80]  }
0x275: {  	v7 =	vld [tilespmem:s6+$0x3300]  }
0x276: {  	v2 =	vadd.f32 v3, v2;
	v3 =	vmul.f32 v63, v62;
	_ =	sdelay $0x1  }
0x277: {  	v2 =	vadd.f32 v3, v2;
	v3 =	vmul.f32 v5, v4;
	_ =	sdelay $0x1  }
0x278: {  	v2 =	vadd.f32 v3, v2;
	v3 =	vmul.f32 v7, v6;
	_ =	sdelay $0x1  }
0x279: {  	v2 =	vadd.f32 v3, v2;
	_ =	sdelay $0x1  }
0x27a: {  	s6 =	simm.s32 $0x2FB0;
	[tilespmem:s5+$0x0] =	vst v2  }
0x27b: {  	s7 =	simm.s32 $0x3A30;
	v2 =	vld [tilespmem:s6+$0xFFFFFA60]  }
0x27c: {  	v3 =	vld [tilespmem:s7+$0xFFFFFA60]  }
0x27d: {  	v4 =	vld [tilespmem:s7+$0xFFFFFB80]  }
0x27e: {  	s8 =	simm.s32 $0x10;
	s10 =	simm.s32 $0x20;
	v5 =	vld [tilespmem:s6+$0xFFFFFB80]  }
.LBB2_16:
0x27f: {  	p0 =	sne.s32 s10, $0x110;
	v6 =	vld [tilespmem:s7+$0xFFFFFCA0]  }
0x280: {  	v7 =	vld [tilespmem:s6+$0xFFFFFCA0]  }
0x281: {  	v8 =	vld [tilespmem:s7+$0xFFFFFDC0]  }
0x282: {  	s11 =	sand.u32 $0x1F0, s8;
	s8 =	smov.u32 s10;
	v9 =	vld [tilespmem:s6+$0xFFFFFDC0]  }
0x283: {  	v2 =	vmul.f32 v2, v3;
	v3 =	vmul.f32 v5, v4;
	v4 =	vld [tilespmem:s11+$0x3900]  }
0x284: {  	v5 =	vld [tilespmem:s11+$0x2E80]  }
0x285: {  	v2 =	vadd.f32 v3, v2;
	v3 =	vmul.f32 v7, v6;
	v6 =	vld [tilespmem:s7+$0x0]  }
0x286: {  	v7 =	vld [tilespmem:s6+$0x0]  }
0x287: {  	v2 =	vadd.f32 v3, v2;
	v3 =	vmul.f32 v9, v8;
	v8 =	vld [tilespmem:s7+$0x120]  }
0x288: {  	v9 =	vld [tilespmem:s6+$0x120]  }
0x289: {  	v2 =	vadd.f32 v3, v2;
	v3 =	vmul.f32 v5, v4;
	v4 =	vld [tilespmem:s7+$0x240]  }
0x28a: {  	v5 =	vld [tilespmem:s6+$0x240]  }
0x28b: {  	v2 =	vadd.f32 v3, v2;
	v3 =	vmul.f32 v7, v6;
	v6 =	vld [tilespmem:s11+$0x3D80]  }
0x28c: {  	v7 =	vld [tilespmem:s11+$0x3300]  }
0x28d: {  	v2 =	vadd.f32 v3, v2;
	v3 =	vmul.f32 v9, v8;
	_ =	sdelay $0x1  }
0x28e: {  	v2 =	vadd.f32 v3, v2;
	v3 =	vmul.f32 v5, v4;
	_ =	sdelay $0x1  }
0x28f: {  	v2 =	vadd.f32 v3, v2;
	v3 =	vmul.f32 v7, v6;
	_ =	sdelay $0x1  }
0x290: {  	v2 =	vadd.f32 v3, v2  }
0x291: {  	s5 =	sadd.s32 $0x10, s5  }
.Ltmp7:
0x292: {  	s6 =	sadd.s32 $0x10, s6;
	[tilespmem:s5+$0x0] =	vst v2;
	(pc) =	sbr.rel @p0 .LBB2_16-.Ltmp7, $4  }
0x293: {  	s7 =	sadd.s32 $0x10, s7;
	v2 =	vld [tilespmem:s6+$0xFFFFFA60]  }
0x294: {  	v3 =	vld [tilespmem:s7+$0xFFFFFA60]  }
0x295: {  	v4 =	vld [tilespmem:s7+$0xFFFFFB80]  }
0x296: {  	s10 =	sadd.s32 $0x10, s10;
	v5 =	vld [tilespmem:s6+$0xFFFFFB80]  }
0x297: {  	v6 =	vld [tilespmem:s7+$0xFFFFFCA0]  }
0x298: {  	v7 =	vld [tilespmem:s6+$0xFFFFFCA0]  }
0x299: {  	v8 =	vld [tilespmem:s7+$0xFFFFFDC0]  }
0x29a: {  	v9 =	vld [tilespmem:s6+$0xFFFFFDC0];
	s8 =	sand.u32 $0x1F0, s8  }
0x29b: {  	v2 =	vmul.f32 v2, v3;
	v3 =	vmul.f32 v5, v4;
	v4 =	vld [tilespmem:s8+$0x3900]  }
0x29c: {  	v5 =	vld [tilespmem:s8+$0x2E80]  }
0x29d: {  	v2 =	vadd.f32 v3, v2;
	v3 =	vmul.f32 v7, v6;
	v6 =	vld [tilespmem:s7+$0x0]  }
0x29e: {  	v7 =	vld [tilespmem:s6+$0x0]  }
0x29f: {  	v58 =	vld [tilespmem:s7+$0x120];
	v2 =	vadd.f32 v3, v2;
	v3 =	vmul.f32 v9, v8  }
0x2a0: {  	v59 =	vld [tilespmem:s6+$0x120]  }
0x2a1: {  	v2 =	vadd.f32 v3, v2;
	v3 =	vmul.f32 v5, v4;
	v4 =	vld [tilespmem:s7+$0x240]  }
0x2a2: {  	v5 =	vld [tilespmem:s6+$0x240]  }
0x2a3: {  	v2 =	vadd.f32 v3, v2;
	v3 =	vmul.f32 v7, v6;
	v6 =	vld [tilespmem:s8+$0x3D80]  }
0x2a4: {  	v7 =	vld [tilespmem:s8+$0x3300]  }
0x2a5: {  	v2 =	vadd.f32 v3, v2;
	v3 =	vmul.f32 v59, v58;
	_ =	sdelay $0x1  }
0x2a6: {  	v2 =	vadd.f32 v3, v2;
	v3 =	vmul.f32 v5, v4;
	_ =	sdelay $0x1  }
0x2a7: {  	v2 =	vadd.f32 v3, v2;
	v3 =	vmul.f32 v7, v6;
	_ =	sdelay $0x1  }
0x2a8: {  	s11 =	sld [smem:$0x7FB];
	v2 =	vadd.f32 v3, v2  }
0x2a9: {  	s5 =	sadd.s32 $0x10, s5  }
0x2aa: {  	s6 =	simm.s32 $0x0;
	[tilespmem:s5+$0x0] =	vst v2;
	s5 =	simm.s32 $0x4980  }
0x2ab: {  	[hbm4b:s11+s6] =	stream.linear.scatter [tilespmem:s5], [sflag:$0x3], $0x120, $0x38;
	[tilespmem:$0x4D00] =	vst v63  }
0x2ac: {  	_ =	swait.ge [sflag:s28], $0x120  }
0x2ad: {  	[sflag:s28] =	ssyncset.done $0x0  }
0x2ae: {  	s8 =	rddreg [dreg:$0xf];
	[sflag:s28] =	ssyncadd.s32 $0xFFFFFEE0  }
0x2af: {  	[tilespmem:s0], [sflag:$0x1] =	stream.indirect.gather [hbm4b:s8+s29], $0x1, s31, s29, $0xb8;
	[tilespmem:$0x4D00] =	vst v63  }
0x2b0: {  	_ =	swait.ge [sflag:s3], $0xA20  }
0x2b1: {  	[sflag:s3] =	ssyncset.done $0x0  }
0x2b2: {  	s10 =	simm.s32 $0x2FA0;
	[sflag:s3] =	ssyncadd.s32 $0xFFFFF5E0  }
0x2b3: {  	s11 =	simm.s32 $0x44A0;
	v2 =	vld [tilespmem:s10+$0xFFFFFA60]  }
0x2b4: {  	v3 =	vld [tilespmem:s11+$0xFFFFFA60]  }
0x2b5: {  	v4 =	vld [tilespmem:s11+$0xFFFFFB80]  }
0x2b6: {  	v5 =	vld [tilespmem:s10+$0xFFFFFB80]  }
0x2b7: {  	v6 =	vld [tilespmem:s11+$0xFFFFFCA0]  }
0x2b8: {  	v7 =	vld [tilespmem:s10+$0xFFFFFCA0]  }
0x2b9: {  	v60 =	vld [tilespmem:s11+$0xFFFFFDC0]  }
0x2ba: {  	s6 =	sand.u32 $0x1F0, s6;
	v61 =	vld [tilespmem:s10+$0xFFFFFDC0]  }
0x2bb: {  	v2 =	vmul.f32 v2, v3;
	v3 =	vmul.f32 v5, v4;
	v4 =	vld [tilespmem:s6+$0x4380]  }
0x2bc: {  	v5 =	vld [tilespmem:s6+$0x2E80]  }
0x2bd: {  	v2 =	vadd.f32 v3, v2;
	v3 =	vmul.f32 v7, v6;
	v6 =	vld [tilespmem:s11+$0x0]  }
0x2be: {  	v7 =	vld [tilespmem:s10+$0x0]  }
0x2bf: {  	v62 =	vld [tilespmem:s11+$0x120];
	v2 =	vadd.f32 v3, v2;
	v3 =	vmul.f32 v61, v60  }
0x2c0: {  	v63 =	vld [tilespmem:s10+$0x120]  }
0x2c1: {  	v2 =	vadd.f32 v3, v2;
	v3 =	vmul.f32 v5, v4;
	v4 =	vld [tilespmem:s11+$0x240]  }
0x2c2: {  	v5 =	vld [tilespmem:s10+$0x240]  }
0x2c3: {  	v2 =	vadd.f32 v3, v2;
	v3 =	vmul.f32 v7, v6;
	v6 =	vld [tilespmem:s6+$0x4800]  }
0x2c4: {  	v7 =	vld [tilespmem:s6+$0x3300]  }
0x2c5: {  	v2 =	vadd.f32 v3, v2;
	v3 =	vmul.f32 v63, v62;
	_ =	sdelay $0x1  }
0x2c6: {  	v2 =	vadd.f32 v3, v2;
	v3 =	vmul.f32 v5, v4;
	_ =	sdelay $0x1  }
0x2c7: {  	v2 =	vadd.f32 v3, v2;
	v3 =	vmul.f32 v7, v6;
	_ =	sdelay $0x1  }
0x2c8: {  	v2 =	vadd.f32 v3, v2;
	_ =	sdelay $0x1  }
0x2c9: {  	s6 =	simm.s32 $0x2FB0;
	[tilespmem:s5+$0x0] =	vst v2  }
0x2ca: {  	s7 =	simm.s32 $0x44B0;
	v2 =	vld [tilespmem:s6+$0xFFFFFA60]  }
0x2cb: {  	v3 =	vld [tilespmem:s7+$0xFFFFFA60]  }
0x2cc: {  	v4 =	vld [tilespmem:s7+$0xFFFFFB80]  }
0x2cd: {  	s8 =	simm.s32 $0x10;
	s10 =	simm.s32 $0x20;
	v5 =	vld [tilespmem:s6+$0xFFFFFB80]  }
.LBB2_18:
0x2ce: {  	p0 =	sne.s32 s10, $0x110;
	v6 =	vld [tilespmem:s7+$0xFFFFFCA0]  }
0x2cf: {  	v7 =	vld [tilespmem:s6+$0xFFFFFCA0]  }
0x2d0: {  	v8 =	vld [tilespmem:s7+$0xFFFFFDC0]  }
0x2d1: {  	s11 =	sand.u32 $0x1F0, s8;
	s8 =	smov.u32 s10;
	v9 =	vld [tilespmem:s6+$0xFFFFFDC0]  }
0x2d2: {  	v2 =	vmul.f32 v2, v3;
	v3 =	vmul.f32 v5, v4;
	v4 =	vld [tilespmem:s11+$0x4380]  }
0x2d3: {  	v5 =	vld [tilespmem:s11+$0x2E80]  }
0x2d4: {  	v2 =	vadd.f32 v3, v2;
	v3 =	vmul.f32 v7, v6;
	v6 =	vld [tilespmem:s7+$0x0]  }
0x2d5: {  	v7 =	vld [tilespmem:s6+$0x0]  }
0x2d6: {  	v2 =	vadd.f32 v3, v2;
	v3 =	vmul.f32 v9, v8;
	v8 =	vld [tilespmem:s7+$0x120]  }
0x2d7: {  	v9 =	vld [tilespmem:s6+$0x120]  }
0x2d8: {  	v2 =	vadd.f32 v3, v2;
	v3 =	vmul.f32 v5, v4;
	v4 =	vld [tilespmem:s7+$0x240]  }
0x2d9: {  	v5 =	vld [tilespmem:s6+$0x240]  }
0x2da: {  	v2 =	vadd.f32 v3, v2;
	v3 =	vmul.f32 v7, v6;
	v6 =	vld [tilespmem:s11+$0x4800]  }
0x2db: {  	v7 =	vld [tilespmem:s11+$0x3300]  }
0x2dc: {  	v2 =	vadd.f32 v3, v2;
	v3 =	vmul.f32 v9, v8;
	_ =	sdelay $0x1  }
0x2dd: {  	v2 =	vadd.f32 v3, v2;
	v3 =	vmul.f32 v5, v4;
	_ =	sdelay $0x1  }
0x2de: {  	v2 =	vadd.f32 v3, v2;
	v3 =	vmul.f32 v7, v6;
	_ =	sdelay $0x1  }
0x2df: {  	v2 =	vadd.f32 v3, v2  }
0x2e0: {  	s5 =	sadd.s32 $0x10, s5  }
.Ltmp8:
0x2e1: {  	s6 =	sadd.s32 $0x10, s6;
	[tilespmem:s5+$0x0] =	vst v2;
	(pc) =	sbr.rel @p0 .LBB2_18-.Ltmp8, $4  }
0x2e2: {  	s7 =	sadd.s32 $0x10, s7;
	v2 =	vld [tilespmem:s6+$0xFFFFFA60]  }
0x2e3: {  	v3 =	vld [tilespmem:s7+$0xFFFFFA60]  }
0x2e4: {  	v4 =	vld [tilespmem:s7+$0xFFFFFB80]  }
0x2e5: {  	s10 =	sadd.s32 $0x10, s10;
	v5 =	vld [tilespmem:s6+$0xFFFFFB80]  }
0x2e6: {  	v6 =	vld [tilespmem:s7+$0xFFFFFCA0]  }
0x2e7: {  	v7 =	vld [tilespmem:s6+$0xFFFFFCA0]  }
0x2e8: {  	v8 =	vld [tilespmem:s7+$0xFFFFFDC0]  }
0x2e9: {  	v9 =	vld [tilespmem:s6+$0xFFFFFDC0];
	s8 =	sand.u32 $0x1F0, s8  }
0x2ea: {  	v2 =	vmul.f32 v2, v3;
	v3 =	vmul.f32 v5, v4;
	v4 =	vld [tilespmem:s8+$0x4380]  }
0x2eb: {  	v5 =	vld [tilespmem:s8+$0x2E80]  }
0x2ec: {  	v2 =	vadd.f32 v3, v2;
	v3 =	vmul.f32 v7, v6;
	v6 =	vld [tilespmem:s7+$0x0]  }
0x2ed: {  	v7 =	vld [tilespmem:s6+$0x0]  }
0x2ee: {  	v58 =	vld [tilespmem:s7+$0x120];
	v2 =	vadd.f32 v3, v2;
	v3 =	vmul.f32 v9, v8  }
0x2ef: {  	v59 =	vld [tilespmem:s6+$0x120]  }
0x2f0: {  	v2 =	vadd.f32 v3, v2;
	v3 =	vmul.f32 v5, v4;
	v4 =	vld [tilespmem:s7+$0x240]  }
0x2f1: {  	v5 =	vld [tilespmem:s6+$0x240]  }
0x2f2: {  	v2 =	vadd.f32 v3, v2;
	v3 =	vmul.f32 v7, v6;
	v6 =	vld [tilespmem:s8+$0x4800]  }
0x2f3: {  	v7 =	vld [tilespmem:s8+$0x3300]  }
0x2f4: {  	v2 =	vadd.f32 v3, v2;
	v3 =	vmul.f32 v59, v58;
	_ =	sdelay $0x1  }
0x2f5: {  	v2 =	vadd.f32 v3, v2;
	v3 =	vmul.f32 v5, v4;
	_ =	sdelay $0x1  }
0x2f6: {  	v2 =	vadd.f32 v3, v2;
	v3 =	vmul.f32 v7, v6;
	_ =	sdelay $0x1  }
0x2f7: {  	s11 =	sld [smem:$0x7FC];
	v2 =	vadd.f32 v3, v2  }
0x2f8: {  	s5 =	sadd.s32 $0x10, s5  }
0x2f9: {  	s6 =	simm.s32 $0x0;
	[tilespmem:s5+$0x0] =	vst v2;
	s5 =	simm.s32 $0x4980  }
0x2fa: {  	[hbm4b:s11+s6] =	stream.linear.scatter [tilespmem:s5], [sflag:$0x3], $0x120, $0x38;
	[tilespmem:$0x4D00] =	vst v63  }
0x2fb: {  	_ =	swait.ge [sflag:s28], $0x120  }
0x2fc: {  	[sflag:s28] =	ssyncset.done $0x0  }
0x2fd: {  	s8 =	rddreg [dreg:$0x10];
	[sflag:s28] =	ssyncadd.s32 $0xFFFFFEE0  }
0x2fe: {  	[tilespmem:s1], [sflag:$0x2] =	stream.indirect.gather [hbm4b:s8+s29], $0x1, s31, s29, $0xb8;
	[tilespmem:$0x4D00] =	vst v63  }
0x2ff: {  	_ =	swait.ge [sflag:s30], $0xA20  }
0x300: {  	[sflag:s30] =	ssyncset.done $0x0  }
0x301: {  	s10 =	simm.s32 $0x2FA0;
	[sflag:s30] =	ssyncadd.s32 $0xFFFFF5E0  }
0x302: {  	s11 =	simm.s32 $0x3A20;
	v2 =	vld [tilespmem:s10+$0xFFFFFA60]  }
0x303: {  	v3 =	vld [tilespmem:s11+$0xFFFFFA60]  }
0x304: {  	v4 =	vld [tilespmem:s11+$0xFFFFFB80]  }
0x305: {  	v5 =	vld [tilespmem:s10+$0xFFFFFB80]  }
0x306: {  	v6 =	vld [tilespmem:s11+$0xFFFFFCA0]  }
0x307: {  	v7 =	vld [tilespmem:s10+$0xFFFFFCA0]  }
0x308: {  	v60 =	vld [tilespmem:s11+$0xFFFFFDC0]  }
0x309: {  	s6 =	sand.u32 $0x1F0, s6;
	v61 =	vld [tilespmem:s10+$0xFFFFFDC0]  }
0x30a: {  	v2 =	vmul.f32 v2, v3;
	v3 =	vmul.f32 v5, v4;
	v4 =	vld [tilespmem:s6+$0x3900]  }
0x30b: {  	v5 =	vld [tilespmem:s6+$0x2E80]  }
0x30c: {  	v2 =	vadd.f32 v3, v2;
	v3 =	vmul.f32 v7, v6;
	v6 =	vld [tilespmem:s11+$0x0]  }
0x30d: {  	v7 =	vld [tilespmem:s10+$0x0]  }
0x30e: {  	v62 =	vld [tilespmem:s11+$0x120];
	v2 =	vadd.f32 v3, v2;
	v3 =	vmul.f32 v61, v60  }
0x30f: {  	v63 =	vld [tilespmem:s10+$0x120]  }
0x310: {  	v2 =	vadd.f32 v3, v2;
	v3 =	vmul.f32 v5, v4;
	v4 =	vld [tilespmem:s11+$0x240]  }
0x311: {  	v5 =	vld [tilespmem:s10+$0x240]  }
0x312: {  	v2 =	vadd.f32 v3, v2;
	v3 =	vmul.f32 v7, v6;
	v6 =	vld [tilespmem:s6+$0x3D80]  }
0x313: {  	v7 =	vld [tilespmem:s6+$0x3300]  }
0x314: {  	v2 =	vadd.f32 v3, v2;
	v3 =	vmul.f32 v63, v62;
	_ =	sdelay $0x1  }
0x315: {  	v2 =	vadd.f32 v3, v2;
	v3 =	vmul.f32 v5, v4;
	_ =	sdelay $0x1  }
0x316: {  	v2 =	vadd.f32 v3, v2;
	v3 =	vmul.f32 v7, v6;
	_ =	sdelay $0x1  }
0x317: {  	v2 =	vadd.f32 v3, v2;
	_ =	sdelay $0x1  }
0x318: {  	s6 =	simm.s32 $0x2FB0;
	[tilespmem:s5+$0x0] =	vst v2  }
0x319: {  	s7 =	simm.s32 $0x3A30;
	v2 =	vld [tilespmem:s6+$0xFFFFFA60]  }
0x31a: {  	v3 =	vld [tilespmem:s7+$0xFFFFFA60]  }
0x31b: {  	v4 =	vld [tilespmem:s7+$0xFFFFFB80]  }
0x31c: {  	s8 =	simm.s32 $0x10;
	s10 =	simm.s32 $0x20;
	v5 =	vld [tilespmem:s6+$0xFFFFFB80]  }
.LBB2_20:
0x31d: {  	p0 =	sne.s32 s10, $0x110;
	v6 =	vld [tilespmem:s7+$0xFFFFFCA0]  }
0x31e: {  	v7 =	vld [tilespmem:s6+$0xFFFFFCA0]  }
0x31f: {  	v8 =	vld [tilespmem:s7+$0xFFFFFDC0]  }
0x320: {  	s11 =	sand.u32 $0x1F0, s8;
	s8 =	smov.u32 s10;
	v9 =	vld [tilespmem:s6+$0xFFFFFDC0]  }
0x321: {  	v2 =	vmul.f32 v2, v3;
	v3 =	vmul.f32 v5, v4;
	v4 =	vld [tilespmem:s11+$0x3900]  }
0x322: {  	v5 =	vld [tilespmem:s11+$0x2E80]  }
0x323: {  	v2 =	vadd.f32 v3, v2;
	v3 =	vmul.f32 v7, v6;
	v6 =	vld [tilespmem:s7+$0x0]  }
0x324: {  	v7 =	vld [tilespmem:s6+$0x0]  }
0x325: {  	v2 =	vadd.f32 v3, v2;
	v3 =	vmul.f32 v9, v8;
	v8 =	vld [tilespmem:s7+$0x120]  }
0x326: {  	v9 =	vld [tilespmem:s6+$0x120]  }
0x327: {  	v2 =	vadd.f32 v3, v2;
	v3 =	vmul.f32 v5, v4;
	v4 =	vld [tilespmem:s7+$0x240]  }
0x328: {  	v5 =	vld [tilespmem:s6+$0x240]  }
0x329: {  	v2 =	vadd.f32 v3, v2;
	v3 =	vmul.f32 v7, v6;
	v6 =	vld [tilespmem:s11+$0x3D80]  }
0x32a: {  	v7 =	vld [tilespmem:s11+$0x3300]  }
0x32b: {  	v2 =	vadd.f32 v3, v2;
	v3 =	vmul.f32 v9, v8;
	_ =	sdelay $0x1  }
0x32c: {  	v2 =	vadd.f32 v3, v2;
	v3 =	vmul.f32 v5, v4;
	_ =	sdelay $0x1  }
0x32d: {  	v2 =	vadd.f32 v3, v2;
	v3 =	vmul.f32 v7, v6;
	_ =	sdelay $0x1  }
0x32e: {  	v2 =	vadd.f32 v3, v2  }
0x32f: {  	s5 =	sadd.s32 $0x10, s5  }
.Ltmp9:
0x330: {  	s6 =	sadd.s32 $0x10, s6;
	[tilespmem:s5+$0x0] =	vst v2;
	(pc) =	sbr.rel @p0 .LBB2_20-.Ltmp9, $4  }
0x331: {  	s7 =	sadd.s32 $0x10, s7;
	v2 =	vld [tilespmem:s6+$0xFFFFFA60]  }
0x332: {  	v3 =	vld [tilespmem:s7+$0xFFFFFA60]  }
0x333: {  	v4 =	vld [tilespmem:s7+$0xFFFFFB80]  }
0x334: {  	s10 =	sadd.s32 $0x10, s10;
	v5 =	vld [tilespmem:s6+$0xFFFFFB80]  }
0x335: {  	v6 =	vld [tilespmem:s7+$0xFFFFFCA0]  }
0x336: {  	v7 =	vld [tilespmem:s6+$0xFFFFFCA0]  }
0x337: {  	v8 =	vld [tilespmem:s7+$0xFFFFFDC0]  }
0x338: {  	v9 =	vld [tilespmem:s6+$0xFFFFFDC0];
	s8 =	sand.u32 $0x1F0, s8  }
0x339: {  	v2 =	vmul.f32 v2, v3;
	v3 =	vmul.f32 v5, v4;
	v4 =	vld [tilespmem:s8+$0x3900]  }
0x33a: {  	v5 =	vld [tilespmem:s8+$0x2E80]  }
0x33b: {  	v2 =	vadd.f32 v3, v2;
	v3 =	vmul.f32 v7, v6;
	v6 =	vld [tilespmem:s7+$0x0]  }
0x33c: {  	v7 =	vld [tilespmem:s6+$0x0]  }
0x33d: {  	v58 =	vld [tilespmem:s7+$0x120];
	v2 =	vadd.f32 v3, v2;
	v3 =	vmul.f32 v9, v8  }
0x33e: {  	v59 =	vld [tilespmem:s6+$0x120]  }
0x33f: {  	v2 =	vadd.f32 v3, v2;
	v3 =	vmul.f32 v5, v4;
	v4 =	vld [tilespmem:s7+$0x240]  }
0x340: {  	v5 =	vld [tilespmem:s6+$0x240]  }
0x341: {  	v2 =	vadd.f32 v3, v2;
	v3 =	vmul.f32 v7, v6;
	v6 =	vld [tilespmem:s8+$0x3D80]  }
0x342: {  	v7 =	vld [tilespmem:s8+$0x3300]  }
0x343: {  	v2 =	vadd.f32 v3, v2;
	v3 =	vmul.f32 v59, v58;
	_ =	sdelay $0x1  }
0x344: {  	v2 =	vadd.f32 v3, v2;
	v3 =	vmul.f32 v5, v4;
	_ =	sdelay $0x1  }
0x345: {  	v2 =	vadd.f32 v3, v2;
	v3 =	vmul.f32 v7, v6;
	_ =	sdelay $0x1  }
0x346: {  	s11 =	sld [smem:$0x7FD];
	v2 =	vadd.f32 v3, v2  }
0x347: {  	s5 =	sadd.s32 $0x10, s5  }
0x348: {  	s6 =	simm.s32 $0x0;
	[tilespmem:s5+$0x0] =	vst v2;
	s5 =	simm.s32 $0x4980  }
0x349: {  	[hbm4b:s11+s6] =	stream.linear.scatter [tilespmem:s5], [sflag:$0x3], $0x120, $0x38;
	[tilespmem:$0x4D00] =	vst v63  }
0x34a: {  	_ =	swait.ge [sflag:s28], $0x120  }
0x34b: {  	[sflag:s28] =	ssyncset.done $0x0  }
0x34c: {  	s8 =	rddreg [dreg:$0x11];
	[sflag:s28] =	ssyncadd.s32 $0xFFFFFEE0  }
0x34d: {  	[tilespmem:s0], [sflag:$0x1] =	stream.indirect.gather [hbm4b:s8+s29], $0x1, s31, s29, $0xb8;
	[tilespmem:$0x4D00] =	vst v63  }
0x34e: {  	_ =	swait.ge [sflag:s3], $0xA20  }
0x34f: {  	[sflag:s3] =	ssyncset.done $0x0  }
0x350: {  	s10 =	simm.s32 $0x2FA0;
	[sflag:s3] =	ssyncadd.s32 $0xFFFFF5E0  }
0x351: {  	s11 =	simm.s32 $0x44A0;
	v2 =	vld [tilespmem:s10+$0xFFFFFA60]  }
0x352: {  	v3 =	vld [tilespmem:s11+$0xFFFFFA60]  }
0x353: {  	v4 =	vld [tilespmem:s11+$0xFFFFFB80]  }
0x354: {  	v5 =	vld [tilespmem:s10+$0xFFFFFB80]  }
0x355: {  	v6 =	vld [tilespmem:s11+$0xFFFFFCA0]  }
0x356: {  	v7 =	vld [tilespmem:s10+$0xFFFFFCA0]  }
0x357: {  	v60 =	vld [tilespmem:s11+$0xFFFFFDC0]  }
0x358: {  	s6 =	sand.u32 $0x1F0, s6;
	v61 =	vld [tilespmem:s10+$0xFFFFFDC0]  }
0x359: {  	v2 =	vmul.f32 v2, v3;
	v3 =	vmul.f32 v5, v4;
	v4 =	vld [tilespmem:s6+$0x4380]  }
0x35a: {  	v5 =	vld [tilespmem:s6+$0x2E80]  }
0x35b: {  	v2 =	vadd.f32 v3, v2;
	v3 =	vmul.f32 v7, v6;
	v6 =	vld [tilespmem:s11+$0x0]  }
0x35c: {  	v7 =	vld [tilespmem:s10+$0x0]  }
0x35d: {  	v62 =	vld [tilespmem:s11+$0x120];
	v2 =	vadd.f32 v3, v2;
	v3 =	vmul.f32 v61, v60  }
0x35e: {  	v63 =	vld [tilespmem:s10+$0x120]  }
0x35f: {  	v2 =	vadd.f32 v3, v2;
	v3 =	vmul.f32 v5, v4;
	v4 =	vld [tilespmem:s11+$0x240]  }
0x360: {  	v5 =	vld [tilespmem:s10+$0x240]  }
0x361: {  	v2 =	vadd.f32 v3, v2;
	v3 =	vmul.f32 v7, v6;
	v6 =	vld [tilespmem:s6+$0x4800]  }
0x362: {  	v7 =	vld [tilespmem:s6+$0x3300]  }
0x363: {  	v2 =	vadd.f32 v3, v2;
	v3 =	vmul.f32 v63, v62;
	_ =	sdelay $0x1  }
0x364: {  	v2 =	vadd.f32 v3, v2;
	v3 =	vmul.f32 v5, v4;
	_ =	sdelay $0x1  }
0x365: {  	v2 =	vadd.f32 v3, v2;
	v3 =	vmul.f32 v7, v6;
	_ =	sdelay $0x1  }
0x366: {  	v2 =	vadd.f32 v3, v2;
	_ =	sdelay $0x1  }
0x367: {  	s6 =	simm.s32 $0x2FB0;
	[tilespmem:s5+$0x0] =	vst v2  }
0x368: {  	s7 =	simm.s32 $0x44B0;
	v2 =	vld [tilespmem:s6+$0xFFFFFA60]  }
0x369: {  	v3 =	vld [tilespmem:s7+$0xFFFFFA60]  }
0x36a: {  	v4 =	vld [tilespmem:s7+$0xFFFFFB80]  }
0x36b: {  	s8 =	simm.s32 $0x10;
	s10 =	simm.s32 $0x20;
	v5 =	vld [tilespmem:s6+$0xFFFFFB80]  }
.LBB2_22:
0x36c: {  	p0 =	sne.s32 s10, $0x110;
	v6 =	vld [tilespmem:s7+$0xFFFFFCA0]  }
0x36d: {  	v7 =	vld [tilespmem:s6+$0xFFFFFCA0]  }
0x36e: {  	v8 =	vld [tilespmem:s7+$0xFFFFFDC0]  }
0x36f: {  	s11 =	sand.u32 $0x1F0, s8;
	s8 =	smov.u32 s10;
	v9 =	vld [tilespmem:s6+$0xFFFFFDC0]  }
0x370: {  	v2 =	vmul.f32 v2, v3;
	v3 =	vmul.f32 v5, v4;
	v4 =	vld [tilespmem:s11+$0x4380]  }
0x371: {  	v5 =	vld [tilespmem:s11+$0x2E80]  }
0x372: {  	v2 =	vadd.f32 v3, v2;
	v3 =	vmul.f32 v7, v6;
	v6 =	vld [tilespmem:s7+$0x0]  }
0x373: {  	v7 =	vld [tilespmem:s6+$0x0]  }
0x374: {  	v2 =	vadd.f32 v3, v2;
	v3 =	vmul.f32 v9, v8;
	v8 =	vld [tilespmem:s7+$0x120]  }
0x375: {  	v9 =	vld [tilespmem:s6+$0x120]  }
0x376: {  	v2 =	vadd.f32 v3, v2;
	v3 =	vmul.f32 v5, v4;
	v4 =	vld [tilespmem:s7+$0x240]  }
0x377: {  	v5 =	vld [tilespmem:s6+$0x240]  }
0x378: {  	v2 =	vadd.f32 v3, v2;
	v3 =	vmul.f32 v7, v6;
	v6 =	vld [tilespmem:s11+$0x4800]  }
0x379: {  	v7 =	vld [tilespmem:s11+$0x3300]  }
0x37a: {  	v2 =	vadd.f32 v3, v2;
	v3 =	vmul.f32 v9, v8;
	_ =	sdelay $0x1  }
0x37b: {  	v2 =	vadd.f32 v3, v2;
	v3 =	vmul.f32 v5, v4;
	_ =	sdelay $0x1  }
0x37c: {  	v2 =	vadd.f32 v3, v2;
	v3 =	vmul.f32 v7, v6;
	_ =	sdelay $0x1  }
0x37d: {  	v2 =	vadd.f32 v3, v2  }
0x37e: {  	s5 =	sadd.s32 $0x10, s5  }
.Ltmp10:
0x37f: {  	s6 =	sadd.s32 $0x10, s6;
	[tilespmem:s5+$0x0] =	vst v2;
	(pc) =	sbr.rel @p0 .LBB2_22-.Ltmp10, $4  }
0x380: {  	s7 =	sadd.s32 $0x10, s7;
	v2 =	vld [tilespmem:s6+$0xFFFFFA60]  }
0x381: {  	v3 =	vld [tilespmem:s7+$0xFFFFFA60]  }
0x382: {  	v4 =	vld [tilespmem:s7+$0xFFFFFB80]  }
0x383: {  	s10 =	sadd.s32 $0x10, s10;
	v5 =	vld [tilespmem:s6+$0xFFFFFB80]  }
0x384: {  	v6 =	vld [tilespmem:s7+$0xFFFFFCA0]  }
0x385: {  	v7 =	vld [tilespmem:s6+$0xFFFFFCA0]  }
0x386: {  	v8 =	vld [tilespmem:s7+$0xFFFFFDC0]  }
0x387: {  	v9 =	vld [tilespmem:s6+$0xFFFFFDC0];
	s8 =	sand.u32 $0x1F0, s8  }
0x388: {  	v2 =	vmul.f32 v2, v3;
	v3 =	vmul.f32 v5, v4;
	v4 =	vld [tilespmem:s8+$0x4380]  }
0x389: {  	v5 =	vld [tilespmem:s8+$0x2E80]  }
0x38a: {  	v2 =	vadd.f32 v3, v2;
	v3 =	vmul.f32 v7, v6;
	v6 =	vld [tilespmem:s7+$0x0]  }
0x38b: {  	v7 =	vld [tilespmem:s6+$0x0]  }
0x38c: {  	v58 =	vld [tilespmem:s7+$0x120];
	v2 =	vadd.f32 v3, v2;
	v3 =	vmul.f32 v9, v8  }
0x38d: {  	v59 =	vld [tilespmem:s6+$0x120]  }
0x38e: {  	v2 =	vadd.f32 v3, v2;
	v3 =	vmul.f32 v5, v4;
	v4 =	vld [tilespmem:s7+$0x240]  }
0x38f: {  	v5 =	vld [tilespmem:s6+$0x240]  }
0x390: {  	v2 =	vadd.f32 v3, v2;
	v3 =	vmul.f32 v7, v6;
	v6 =	vld [tilespmem:s8+$0x4800]  }
0x391: {  	v7 =	vld [tilespmem:s8+$0x3300]  }
0x392: {  	v2 =	vadd.f32 v3, v2;
	v3 =	vmul.f32 v59, v58;
	_ =	sdelay $0x1  }
0x393: {  	v2 =	vadd.f32 v3, v2;
	v3 =	vmul.f32 v5, v4;
	_ =	sdelay $0x1  }
0x394: {  	v2 =	vadd.f32 v3, v2;
	v3 =	vmul.f32 v7, v6;
	_ =	sdelay $0x1  }
0x395: {  	v2 =	vadd.f32 v3, v2  }
0x396: {  	s5 =	sadd.s32 $0x10, s5  }
0x397: {  	s6 =	simm.s32 $0x0;
	[tilespmem:s5+$0x0] =	vst v2;
	s5 =	simm.s32 $0x4980  }
0x398: {  	[hbm4b:s12+s6] =	stream.linear.scatter [tilespmem:s5], [sflag:$0x3], $0x120, $0x38;
	[tilespmem:$0x4D00] =	vst v63  }
0x399: {  	_ =	swait.ge [sflag:s28], $0x120  }
0x39a: {  	[sflag:s28] =	ssyncset.done $0x0  }
0x39b: {  	s8 =	rddreg [dreg:$0x12];
	[sflag:s28] =	ssyncadd.s32 $0xFFFFFEE0  }
0x39c: {  	[tilespmem:s1], [sflag:$0x2] =	stream.indirect.gather [hbm4b:s8+s29], $0x1, s31, s29, $0xb8;
	[tilespmem:$0x4D00] =	vst v63  }
0x39d: {  	_ =	swait.ge [sflag:s30], $0xA20  }
0x39e: {  	[sflag:s30] =	ssyncset.done $0x0  }
0x39f: {  	s10 =	simm.s32 $0x2FA0;
	[sflag:s30] =	ssyncadd.s32 $0xFFFFF5E0  }
0x3a0: {  	s11 =	simm.s32 $0x3A20;
	v2 =	vld [tilespmem:s10+$0xFFFFFA60]  }
0x3a1: {  	v3 =	vld [tilespmem:s11+$0xFFFFFA60]  }
0x3a2: {  	v4 =	vld [tilespmem:s11+$0xFFFFFB80]  }
0x3a3: {  	v5 =	vld [tilespmem:s10+$0xFFFFFB80]  }
0x3a4: {  	v6 =	vld [tilespmem:s11+$0xFFFFFCA0]  }
0x3a5: {  	v7 =	vld [tilespmem:s10+$0xFFFFFCA0]  }
0x3a6: {  	v60 =	vld [tilespmem:s11+$0xFFFFFDC0]  }
0x3a7: {  	s6 =	sand.u32 $0x1F0, s6;
	v61 =	vld [tilespmem:s10+$0xFFFFFDC0]  }
0x3a8: {  	v2 =	vmul.f32 v2, v3;
	v3 =	vmul.f32 v5, v4;
	v4 =	vld [tilespmem:s6+$0x3900]  }
0x3a9: {  	v5 =	vld [tilespmem:s6+$0x2E80]  }
0x3aa: {  	v2 =	vadd.f32 v3, v2;
	v3 =	vmul.f32 v7, v6;
	v6 =	vld [tilespmem:s11+$0x0]  }
0x3ab: {  	v7 =	vld [tilespmem:s10+$0x0]  }
0x3ac: {  	v62 =	vld [tilespmem:s11+$0x120];
	v2 =	vadd.f32 v3, v2;
	v3 =	vmul.f32 v61, v60  }
0x3ad: {  	v63 =	vld [tilespmem:s10+$0x120]  }
0x3ae: {  	v2 =	vadd.f32 v3, v2;
	v3 =	vmul.f32 v5, v4;
	v4 =	vld [tilespmem:s11+$0x240]  }
0x3af: {  	v5 =	vld [tilespmem:s10+$0x240]  }
0x3b0: {  	v2 =	vadd.f32 v3, v2;
	v3 =	vmul.f32 v7, v6;
	v6 =	vld [tilespmem:s6+$0x3D80]  }
0x3b1: {  	v7 =	vld [tilespmem:s6+$0x3300]  }
0x3b2: {  	v2 =	vadd.f32 v3, v2;
	v3 =	vmul.f32 v63, v62;
	_ =	sdelay $0x1  }
0x3b3: {  	v2 =	vadd.f32 v3, v2;
	v3 =	vmul.f32 v5, v4;
	_ =	sdelay $0x1  }
0x3b4: {  	v2 =	vadd.f32 v3, v2;
	v3 =	vmul.f32 v7, v6;
	_ =	sdelay $0x1  }
0x3b5: {  	v2 =	vadd.f32 v3, v2;
	_ =	sdelay $0x1  }
0x3b6: {  	s6 =	simm.s32 $0x2FB0;
	[tilespmem:s5+$0x0] =	vst v2  }
0x3b7: {  	s7 =	simm.s32 $0x3A30;
	v2 =	vld [tilespmem:s6+$0xFFFFFA60]  }
0x3b8: {  	v3 =	vld [tilespmem:s7+$0xFFFFFA60]  }
0x3b9: {  	v4 =	vld [tilespmem:s7+$0xFFFFFB80]  }
0x3ba: {  	s8 =	simm.s32 $0x10;
	s10 =	simm.s32 $0x20;
	v5 =	vld [tilespmem:s6+$0xFFFFFB80]  }
.LBB2_24:
0x3bb: {  	p0 =	sne.s32 s10, $0x110;
	v6 =	vld [tilespmem:s7+$0xFFFFFCA0]  }
0x3bc: {  	v7 =	vld [tilespmem:s6+$0xFFFFFCA0]  }
0x3bd: {  	v8 =	vld [tilespmem:s7+$0xFFFFFDC0]  }
0x3be: {  	s11 =	sand.u32 $0x1F0, s8;
	s8 =	smov.u32 s10;
	v9 =	vld [tilespmem:s6+$0xFFFFFDC0]  }
0x3bf: {  	v2 =	vmul.f32 v2, v3;
	v3 =	vmul.f32 v5, v4;
	v4 =	vld [tilespmem:s11+$0x3900]  }
0x3c0: {  	v5 =	vld [tilespmem:s11+$0x2E80]  }
0x3c1: {  	v2 =	vadd.f32 v3, v2;
	v3 =	vmul.f32 v7, v6;
	v6 =	vld [tilespmem:s7+$0x0]  }
0x3c2: {  	v7 =	vld [tilespmem:s6+$0x0]  }
0x3c3: {  	v2 =	vadd.f32 v3, v2;
	v3 =	vmul.f32 v9, v8;
	v8 =	vld [tilespmem:s7+$0x120]  }
0x3c4: {  	v9 =	vld [tilespmem:s6+$0x120]  }
0x3c5: {  	v2 =	vadd.f32 v3, v2;
	v3 =	vmul.f32 v5, v4;
	v4 =	vld [tilespmem:s7+$0x240]  }
0x3c6: {  	v5 =	vld [tilespmem:s6+$0x240]  }
0x3c7: {  	v2 =	vadd.f32 v3, v2;
	v3 =	vmul.f32 v7, v6;
	v6 =	vld [tilespmem:s11+$0x3D80]  }
0x3c8: {  	v7 =	vld [tilespmem:s11+$0x3300]  }
0x3c9: {  	v2 =	vadd.f32 v3, v2;
	v3 =	vmul.f32 v9, v8;
	_ =	sdelay $0x1  }
0x3ca: {  	v2 =	vadd.f32 v3, v2;
	v3 =	vmul.f32 v5, v4;
	_ =	sdelay $0x1  }
0x3cb: {  	v2 =	vadd.f32 v3, v2;
	v3 =	vmul.f32 v7, v6;
	_ =	sdelay $0x1  }
0x3cc: {  	v2 =	vadd.f32 v3, v2  }
0x3cd: {  	s5 =	sadd.s32 $0x10, s5  }
.Ltmp11:
0x3ce: {  	s6 =	sadd.s32 $0x10, s6;
	[tilespmem:s5+$0x0] =	vst v2;
	(pc) =	sbr.rel @p0 .LBB2_24-.Ltmp11, $4  }
0x3cf: {  	s7 =	sadd.s32 $0x10, s7;
	v2 =	vld [tilespmem:s6+$0xFFFFFA60]  }
0x3d0: {  	v3 =	vld [tilespmem:s7+$0xFFFFFA60]  }
0x3d1: {  	v4 =	vld [tilespmem:s7+$0xFFFFFB80]  }
0x3d2: {  	s10 =	sadd.s32 $0x10, s10;
	v5 =	vld [tilespmem:s6+$0xFFFFFB80]  }
0x3d3: {  	v6 =	vld [tilespmem:s7+$0xFFFFFCA0]  }
0x3d4: {  	v7 =	vld [tilespmem:s6+$0xFFFFFCA0]  }
0x3d5: {  	v8 =	vld [tilespmem:s7+$0xFFFFFDC0]  }
0x3d6: {  	v9 =	vld [tilespmem:s6+$0xFFFFFDC0];
	s8 =	sand.u32 $0x1F0, s8  }
0x3d7: {  	v2 =	vmul.f32 v2, v3;
	v3 =	vmul.f32 v5, v4;
	v4 =	vld [tilespmem:s8+$0x3900]  }
0x3d8: {  	v5 =	vld [tilespmem:s8+$0x2E80]  }
0x3d9: {  	v2 =	vadd.f32 v3, v2;
	v3 =	vmul.f32 v7, v6;
	v6 =	vld [tilespmem:s7+$0x0]  }
0x3da: {  	v7 =	vld [tilespmem:s6+$0x0]  }
0x3db: {  	v58 =	vld [tilespmem:s7+$0x120];
	v2 =	vadd.f32 v3, v2;
	v3 =	vmul.f32 v9, v8  }
0x3dc: {  	v59 =	vld [tilespmem:s6+$0x120]  }
0x3dd: {  	v2 =	vadd.f32 v3, v2;
	v3 =	vmul.f32 v5, v4;
	v4 =	vld [tilespmem:s7+$0x240]  }
0x3de: {  	v5 =	vld [tilespmem:s6+$0x240]  }
0x3df: {  	v2 =	vadd.f32 v3, v2;
	v3 =	vmul.f32 v7, v6;
	v6 =	vld [tilespmem:s8+$0x3D80]  }
0x3e0: {  	v7 =	vld [tilespmem:s8+$0x3300]  }
0x3e1: {  	v2 =	vadd.f32 v3, v2;
	v3 =	vmul.f32 v59, v58;
	_ =	sdelay $0x1  }
0x3e2: {  	v2 =	vadd.f32 v3, v2;
	v3 =	vmul.f32 v5, v4;
	_ =	sdelay $0x1  }
0x3e3: {  	v2 =	vadd.f32 v3, v2;
	v3 =	vmul.f32 v7, v6;
	_ =	sdelay $0x1  }
0x3e4: {  	v2 =	vadd.f32 v3, v2  }
0x3e5: {  	s5 =	sadd.s32 $0x10, s5  }
0x3e6: {  	s6 =	simm.s32 $0x0;
	[tilespmem:s5+$0x0] =	vst v2;
	s5 =	simm.s32 $0x4980  }
0x3e7: {  	[hbm4b:s13+s6] =	stream.linear.scatter [tilespmem:s5], [sflag:$0x3], $0x120, $0x38;
	[tilespmem:$0x4D00] =	vst v63  }
0x3e8: {  	_ =	swait.ge [sflag:s28], $0x120  }
0x3e9: {  	[sflag:s28] =	ssyncset.done $0x0  }
0x3ea: {  	s8 =	rddreg [dreg:$0x13];
	[sflag:s28] =	ssyncadd.s32 $0xFFFFFEE0  }
0x3eb: {  	[tilespmem:s0], [sflag:$0x1] =	stream.indirect.gather [hbm4b:s8+s29], $0x1, s31, s29, $0xb8;
	[tilespmem:$0x4D00] =	vst v63  }
0x3ec: {  	_ =	swait.ge [sflag:s3], $0xA20  }
0x3ed: {  	[sflag:s3] =	ssyncset.done $0x0  }
0x3ee: {  	s10 =	simm.s32 $0x2FA0;
	[sflag:s3] =	ssyncadd.s32 $0xFFFFF5E0  }
0x3ef: {  	s11 =	simm.s32 $0x44A0;
	v2 =	vld [tilespmem:s10+$0xFFFFFA60]  }
0x3f0: {  	v3 =	vld [tilespmem:s11+$0xFFFFFA60]  }
0x3f1: {  	v4 =	vld [tilespmem:s11+$0xFFFFFB80]  }
0x3f2: {  	v5 =	vld [tilespmem:s10+$0xFFFFFB80]  }
0x3f3: {  	v6 =	vld [tilespmem:s11+$0xFFFFFCA0]  }
0x3f4: {  	v7 =	vld [tilespmem:s10+$0xFFFFFCA0]  }
0x3f5: {  	v60 =	vld [tilespmem:s11+$0xFFFFFDC0]  }
0x3f6: {  	s6 =	sand.u32 $0x1F0, s6;
	v61 =	vld [tilespmem:s10+$0xFFFFFDC0]  }
0x3f7: {  	v2 =	vmul.f32 v2, v3;
	v3 =	vmul.f32 v5, v4;
	v4 =	vld [tilespmem:s6+$0x4380]  }
0x3f8: {  	v5 =	vld [tilespmem:s6+$0x2E80]  }
0x3f9: {  	v2 =	vadd.f32 v3, v2;
	v3 =	vmul.f32 v7, v6;
	v6 =	vld [tilespmem:s11+$0x0]  }
0x3fa: {  	v7 =	vld [tilespmem:s10+$0x0]  }
0x3fb: {  	v62 =	vld [tilespmem:s11+$0x120];
	v2 =	vadd.f32 v3, v2;
	v3 =	vmul.f32 v61, v60  }
0x3fc: {  	v63 =	vld [tilespmem:s10+$0x120]  }
0x3fd: {  	v2 =	vadd.f32 v3, v2;
	v3 =	vmul.f32 v5, v4;
	v4 =	vld [tilespmem:s11+$0x240]  }
0x3fe: {  	v5 =	vld [tilespmem:s10+$0x240]  }
0x3ff: {  	v2 =	vadd.f32 v3, v2;
	v3 =	vmul.f32 v7, v6;
	v6 =	vld [tilespmem:s6+$0x4800]  }
0x400: {  	v7 =	vld [tilespmem:s6+$0x3300]  }
0x401: {  	v2 =	vadd.f32 v3, v2;
	v3 =	vmul.f32 v63, v62;
	_ =	sdelay $0x1  }
0x402: {  	v2 =	vadd.f32 v3, v2;
	v3 =	vmul.f32 v5, v4;
	_ =	sdelay $0x1  }
0x403: {  	v2 =	vadd.f32 v3, v2;
	v3 =	vmul.f32 v7, v6;
	_ =	sdelay $0x1  }
0x404: {  	v2 =	vadd.f32 v3, v2;
	_ =	sdelay $0x1  }
0x405: {  	s6 =	simm.s32 $0x2FB0;
	[tilespmem:s5+$0x0] =	vst v2  }
0x406: {  	s7 =	simm.s32 $0x44B0;
	v2 =	vld [tilespmem:s6+$0xFFFFFA60]  }
0x407: {  	v3 =	vld [tilespmem:s7+$0xFFFFFA60]  }
0x408: {  	v4 =	vld [tilespmem:s7+$0xFFFFFB80]  }
0x409: {  	s8 =	simm.s32 $0x10;
	s10 =	simm.s32 $0x20;
	v5 =	vld [tilespmem:s6+$0xFFFFFB80]  }
.LBB2_26:
0x40a: {  	p0 =	sne.s32 s10, $0x110;
	v6 =	vld [tilespmem:s7+$0xFFFFFCA0]  }
0x40b: {  	v7 =	vld [tilespmem:s6+$0xFFFFFCA0]  }
0x40c: {  	v8 =	vld [tilespmem:s7+$0xFFFFFDC0]  }
0x40d: {  	s11 =	sand.u32 $0x1F0, s8;
	s8 =	smov.u32 s10;
	v9 =	vld [tilespmem:s6+$0xFFFFFDC0]  }
0x40e: {  	v2 =	vmul.f32 v2, v3;
	v3 =	vmul.f32 v5, v4;
	v4 =	vld [tilespmem:s11+$0x4380]  }
0x40f: {  	v5 =	vld [tilespmem:s11+$0x2E80]  }
0x410: {  	v2 =	vadd.f32 v3, v2;
	v3 =	vmul.f32 v7, v6;
	v6 =	vld [tilespmem:s7+$0x0]  }
0x411: {  	v7 =	vld [tilespmem:s6+$0x0]  }
0x412: {  	v2 =	vadd.f32 v3, v2;
	v3 =	vmul.f32 v9, v8;
	v8 =	vld [tilespmem:s7+$0x120]  }
0x413: {  	v9 =	vld [tilespmem:s6+$0x120]  }
0x414: {  	v2 =	vadd.f32 v3, v2;
	v3 =	vmul.f32 v5, v4;
	v4 =	vld [tilespmem:s7+$0x240]  }
0x415: {  	v5 =	vld [tilespmem:s6+$0x240]  }
0x416: {  	v2 =	vadd.f32 v3, v2;
	v3 =	vmul.f32 v7, v6;
	v6 =	vld [tilespmem:s11+$0x4800]  }
0x417: {  	v7 =	vld [tilespmem:s11+$0x3300]  }
0x418: {  	v2 =	vadd.f32 v3, v2;
	v3 =	vmul.f32 v9, v8;
	_ =	sdelay $0x1  }
0x419: {  	v2 =	vadd.f32 v3, v2;
	v3 =	vmul.f32 v5, v4;
	_ =	sdelay $0x1  }
0x41a: {  	v2 =	vadd.f32 v3, v2;
	v3 =	vmul.f32 v7, v6;
	_ =	sdelay $0x1  }
0x41b: {  	v2 =	vadd.f32 v3, v2  }
0x41c: {  	s5 =	sadd.s32 $0x10, s5  }
.Ltmp12:
0x41d: {  	s6 =	sadd.s32 $0x10, s6;
	[tilespmem:s5+$0x0] =	vst v2;
	(pc) =	sbr.rel @p0 .LBB2_26-.Ltmp12, $4  }
0x41e: {  	s7 =	sadd.s32 $0x10, s7;
	v2 =	vld [tilespmem:s6+$0xFFFFFA60]  }
0x41f: {  	v3 =	vld [tilespmem:s7+$0xFFFFFA60]  }
0x420: {  	v4 =	vld [tilespmem:s7+$0xFFFFFB80]  }
0x421: {  	s10 =	sadd.s32 $0x10, s10;
	v5 =	vld [tilespmem:s6+$0xFFFFFB80]  }
0x422: {  	v6 =	vld [tilespmem:s7+$0xFFFFFCA0]  }
0x423: {  	v7 =	vld [tilespmem:s6+$0xFFFFFCA0]  }
0x424: {  	v8 =	vld [tilespmem:s7+$0xFFFFFDC0]  }
0x425: {  	v9 =	vld [tilespmem:s6+$0xFFFFFDC0];
	s8 =	sand.u32 $0x1F0, s8  }
0x426: {  	v2 =	vmul.f32 v2, v3;
	v3 =	vmul.f32 v5, v4;
	v4 =	vld [tilespmem:s8+$0x4380]  }
0x427: {  	v5 =	vld [tilespmem:s8+$0x2E80]  }
0x428: {  	v2 =	vadd.f32 v3, v2;
	v3 =	vmul.f32 v7, v6;
	v6 =	vld [tilespmem:s7+$0x0]  }
0x429: {  	v7 =	vld [tilespmem:s6+$0x0]  }
0x42a: {  	v58 =	vld [tilespmem:s7+$0x120];
	v2 =	vadd.f32 v3, v2;
	v3 =	vmul.f32 v9, v8  }
0x42b: {  	v59 =	vld [tilespmem:s6+$0x120]  }
0x42c: {  	v2 =	vadd.f32 v3, v2;
	v3 =	vmul.f32 v5, v4;
	v4 =	vld [tilespmem:s7+$0x240]  }
0x42d: {  	v5 =	vld [tilespmem:s6+$0x240]  }
0x42e: {  	v2 =	vadd.f32 v3, v2;
	v3 =	vmul.f32 v7, v6;
	v6 =	vld [tilespmem:s8+$0x4800]  }
0x42f: {  	v7 =	vld [tilespmem:s8+$0x3300]  }
0x430: {  	v2 =	vadd.f32 v3, v2;
	v3 =	vmul.f32 v59, v58;
	_ =	sdelay $0x1  }
0x431: {  	v2 =	vadd.f32 v3, v2;
	v3 =	vmul.f32 v5, v4;
	_ =	sdelay $0x1  }
0x432: {  	v2 =	vadd.f32 v3, v2;
	v3 =	vmul.f32 v7, v6;
	_ =	sdelay $0x1  }
0x433: {  	v2 =	vadd.f32 v3, v2  }
0x434: {  	s5 =	sadd.s32 $0x10, s5  }
0x435: {  	s6 =	simm.s32 $0x0;
	[tilespmem:s5+$0x0] =	vst v2;
	s5 =	simm.s32 $0x4980  }
0x436: {  	[hbm4b:s14+s6] =	stream.linear.scatter [tilespmem:s5], [sflag:$0x3], $0x120, $0x38;
	[tilespmem:$0x4D00] =	vst v63  }
0x437: {  	_ =	swait.ge [sflag:s28], $0x120  }
0x438: {  	[sflag:s28] =	ssyncset.done $0x0  }
0x439: {  	s8 =	rddreg [dreg:$0x14];
	[sflag:s28] =	ssyncadd.s32 $0xFFFFFEE0  }
0x43a: {  	[tilespmem:s1], [sflag:$0x2] =	stream.indirect.gather [hbm4b:s8+s29], $0x1, s31, s29, $0xb8;
	[tilespmem:$0x4D00] =	vst v63  }
0x43b: {  	_ =	swait.ge [sflag:s30], $0xA20  }
0x43c: {  	[sflag:s30] =	ssyncset.done $0x0  }
0x43d: {  	s10 =	simm.s32 $0x2FA0;
	[sflag:s30] =	ssyncadd.s32 $0xFFFFF5E0  }
0x43e: {  	s11 =	simm.s32 $0x3A20;
	v2 =	vld [tilespmem:s10+$0xFFFFFA60]  }
0x43f: {  	v3 =	vld [tilespmem:s11+$0xFFFFFA60]  }
0x440: {  	v4 =	vld [tilespmem:s11+$0xFFFFFB80]  }
0x441: {  	v5 =	vld [tilespmem:s10+$0xFFFFFB80]  }
0x442: {  	v6 =	vld [tilespmem:s11+$0xFFFFFCA0]  }
0x443: {  	v7 =	vld [tilespmem:s10+$0xFFFFFCA0]  }
0x444: {  	v60 =	vld [tilespmem:s11+$0xFFFFFDC0]  }
0x445: {  	s6 =	sand.u32 $0x1F0, s6;
	v61 =	vld [tilespmem:s10+$0xFFFFFDC0]  }
0x446: {  	v2 =	vmul.f32 v2, v3;
	v3 =	vmul.f32 v5, v4;
	v4 =	vld [tilespmem:s6+$0x3900]  }
0x447: {  	v5 =	vld [tilespmem:s6+$0x2E80]  }
0x448: {  	v2 =	vadd.f32 v3, v2;
	v3 =	vmul.f32 v7, v6;
	v6 =	vld [tilespmem:s11+$0x0]  }
0x449: {  	v7 =	vld [tilespmem:s10+$0x0]  }
0x44a: {  	v62 =	vld [tilespmem:s11+$0x120];
	v2 =	vadd.f32 v3, v2;
	v3 =	vmul.f32 v61, v60  }
0x44b: {  	v63 =	vld [tilespmem:s10+$0x120]  }
0x44c: {  	v2 =	vadd.f32 v3, v2;
	v3 =	vmul.f32 v5, v4;
	v4 =	vld [tilespmem:s11+$0x240]  }
0x44d: {  	v5 =	vld [tilespmem:s10+$0x240]  }
0x44e: {  	v2 =	vadd.f32 v3, v2;
	v3 =	vmul.f32 v7, v6;
	v6 =	vld [tilespmem:s6+$0x3D80]  }
0x44f: {  	v7 =	vld [tilespmem:s6+$0x3300]  }
0x450: {  	v2 =	vadd.f32 v3, v2;
	v3 =	vmul.f32 v63, v62;
	_ =	sdelay $0x1  }
0x451: {  	v2 =	vadd.f32 v3, v2;
	v3 =	vmul.f32 v5, v4;
	_ =	sdelay $0x1  }
0x452: {  	v2 =	vadd.f32 v3, v2;
	v3 =	vmul.f32 v7, v6;
	_ =	sdelay $0x1  }
0x453: {  	v2 =	vadd.f32 v3, v2;
	_ =	sdelay $0x1  }
0x454: {  	s6 =	simm.s32 $0x2FB0;
	[tilespmem:s5+$0x0] =	vst v2  }
0x455: {  	s7 =	simm.s32 $0x3A30;
	v2 =	vld [tilespmem:s6+$0xFFFFFA60]  }
0x456: {  	v3 =	vld [tilespmem:s7+$0xFFFFFA60]  }
0x457: {  	v4 =	vld [tilespmem:s7+$0xFFFFFB80]  }
0x458: {  	s8 =	simm.s32 $0x10;
	s10 =	simm.s32 $0x20;
	v5 =	vld [tilespmem:s6+$0xFFFFFB80]  }
.LBB2_28:
0x459: {  	p0 =	sne.s32 s10, $0x110;
	v6 =	vld [tilespmem:s7+$0xFFFFFCA0]  }
0x45a: {  	v7 =	vld [tilespmem:s6+$0xFFFFFCA0]  }
0x45b: {  	v8 =	vld [tilespmem:s7+$0xFFFFFDC0]  }
0x45c: {  	s11 =	sand.u32 $0x1F0, s8;
	s8 =	smov.u32 s10;
	v9 =	vld [tilespmem:s6+$0xFFFFFDC0]  }
0x45d: {  	v2 =	vmul.f32 v2, v3;
	v3 =	vmul.f32 v5, v4;
	v4 =	vld [tilespmem:s11+$0x3900]  }
0x45e: {  	v5 =	vld [tilespmem:s11+$0x2E80]  }
0x45f: {  	v2 =	vadd.f32 v3, v2;
	v3 =	vmul.f32 v7, v6;
	v6 =	vld [tilespmem:s7+$0x0]  }
0x460: {  	v7 =	vld [tilespmem:s6+$0x0]  }
0x461: {  	v2 =	vadd.f32 v3, v2;
	v3 =	vmul.f32 v9, v8;
	v8 =	vld [tilespmem:s7+$0x120]  }
0x462: {  	v9 =	vld [tilespmem:s6+$0x120]  }
0x463: {  	v2 =	vadd.f32 v3, v2;
	v3 =	vmul.f32 v5, v4;
	v4 =	vld [tilespmem:s7+$0x240]  }
0x464: {  	v5 =	vld [tilespmem:s6+$0x240]  }
0x465: {  	v2 =	vadd.f32 v3, v2;
	v3 =	vmul.f32 v7, v6;
	v6 =	vld [tilespmem:s11+$0x3D80]  }
0x466: {  	v7 =	vld [tilespmem:s11+$0x3300]  }
0x467: {  	v2 =	vadd.f32 v3, v2;
	v3 =	vmul.f32 v9, v8;
	_ =	sdelay $0x1  }
0x468: {  	v2 =	vadd.f32 v3, v2;
	v3 =	vmul.f32 v5, v4;
	_ =	sdelay $0x1  }
0x469: {  	v2 =	vadd.f32 v3, v2;
	v3 =	vmul.f32 v7, v6;
	_ =	sdelay $0x1  }
0x46a: {  	v2 =	vadd.f32 v3, v2  }
0x46b: {  	s5 =	sadd.s32 $0x10, s5  }
.Ltmp13:
0x46c: {  	s6 =	sadd.s32 $0x10, s6;
	[tilespmem:s5+$0x0] =	vst v2;
	(pc) =	sbr.rel @p0 .LBB2_28-.Ltmp13, $4  }
0x46d: {  	s7 =	sadd.s32 $0x10, s7;
	v2 =	vld [tilespmem:s6+$0xFFFFFA60]  }
0x46e: {  	v3 =	vld [tilespmem:s7+$0xFFFFFA60]  }
0x46f: {  	v4 =	vld [tilespmem:s7+$0xFFFFFB80]  }
0x470: {  	s10 =	sadd.s32 $0x10, s10;
	v5 =	vld [tilespmem:s6+$0xFFFFFB80]  }
0x471: {  	v6 =	vld [tilespmem:s7+$0xFFFFFCA0]  }
0x472: {  	v7 =	vld [tilespmem:s6+$0xFFFFFCA0]  }
0x473: {  	v8 =	vld [tilespmem:s7+$0xFFFFFDC0]  }
0x474: {  	v9 =	vld [tilespmem:s6+$0xFFFFFDC0];
	s8 =	sand.u32 $0x1F0, s8  }
0x475: {  	v2 =	vmul.f32 v2, v3;
	v3 =	vmul.f32 v5, v4;
	v4 =	vld [tilespmem:s8+$0x3900]  }
0x476: {  	v5 =	vld [tilespmem:s8+$0x2E80]  }
0x477: {  	v2 =	vadd.f32 v3, v2;
	v3 =	vmul.f32 v7, v6;
	v6 =	vld [tilespmem:s7+$0x0]  }
0x478: {  	v7 =	vld [tilespmem:s6+$0x0]  }
0x479: {  	v58 =	vld [tilespmem:s7+$0x120];
	v2 =	vadd.f32 v3, v2;
	v3 =	vmul.f32 v9, v8  }
0x47a: {  	v59 =	vld [tilespmem:s6+$0x120]  }
0x47b: {  	v2 =	vadd.f32 v3, v2;
	v3 =	vmul.f32 v5, v4;
	v4 =	vld [tilespmem:s7+$0x240]  }
0x47c: {  	v5 =	vld [tilespmem:s6+$0x240]  }
0x47d: {  	v2 =	vadd.f32 v3, v2;
	v3 =	vmul.f32 v7, v6;
	v6 =	vld [tilespmem:s8+$0x3D80]  }
0x47e: {  	v7 =	vld [tilespmem:s8+$0x3300]  }
0x47f: {  	v2 =	vadd.f32 v3, v2;
	v3 =	vmul.f32 v59, v58;
	_ =	sdelay $0x1  }
0x480: {  	v2 =	vadd.f32 v3, v2;
	v3 =	vmul.f32 v5, v4;
	_ =	sdelay $0x1  }
0x481: {  	v2 =	vadd.f32 v3, v2;
	v3 =	vmul.f32 v7, v6;
	_ =	sdelay $0x1  }
0x482: {  	v2 =	vadd.f32 v3, v2  }
0x483: {  	s5 =	sadd.s32 $0x10, s5  }
0x484: {  	s6 =	simm.s32 $0x0;
	[tilespmem:s5+$0x0] =	vst v2;
	s5 =	simm.s32 $0x4980  }
0x485: {  	[hbm4b:s15+s6] =	stream.linear.scatter [tilespmem:s5], [sflag:$0x3], $0x120, $0x38;
	[tilespmem:$0x4D00] =	vst v63  }
0x486: {  	_ =	swait.ge [sflag:s28], $0x120  }
0x487: {  	[sflag:s28] =	ssyncset.done $0x0  }
0x488: {  	s8 =	rddreg [dreg:$0x15];
	[sflag:s28] =	ssyncadd.s32 $0xFFFFFEE0  }
0x489: {  	[tilespmem:s0], [sflag:$0x1] =	stream.indirect.gather [hbm4b:s8+s29], $0x1, s31, s29, $0xb8;
	[tilespmem:$0x4D00] =	vst v63  }
0x48a: {  	_ =	swait.ge [sflag:s3], $0xA20  }
0x48b: {  	[sflag:s3] =	ssyncset.done $0x0  }
0x48c: {  	s10 =	simm.s32 $0x2FA0;
	[sflag:s3] =	ssyncadd.s32 $0xFFFFF5E0  }
0x48d: {  	s11 =	simm.s32 $0x44A0;
	v2 =	vld [tilespmem:s10+$0xFFFFFA60]  }
0x48e: {  	v3 =	vld [tilespmem:s11+$0xFFFFFA60]  }
0x48f: {  	v4 =	vld [tilespmem:s11+$0xFFFFFB80]  }
0x490: {  	v5 =	vld [tilespmem:s10+$0xFFFFFB80]  }
0x491: {  	v6 =	vld [tilespmem:s11+$0xFFFFFCA0]  }
0x492: {  	v7 =	vld [tilespmem:s10+$0xFFFFFCA0]  }
0x493: {  	v60 =	vld [tilespmem:s11+$0xFFFFFDC0]  }
0x494: {  	s6 =	sand.u32 $0x1F0, s6;
	v61 =	vld [tilespmem:s10+$0xFFFFFDC0]  }
0x495: {  	v2 =	vmul.f32 v2, v3;
	v3 =	vmul.f32 v5, v4;
	v4 =	vld [tilespmem:s6+$0x4380]  }
0x496: {  	v5 =	vld [tilespmem:s6+$0x2E80]  }
0x497: {  	v2 =	vadd.f32 v3, v2;
	v3 =	vmul.f32 v7, v6;
	v6 =	vld [tilespmem:s11+$0x0]  }
0x498: {  	v7 =	vld [tilespmem:s10+$0x0]  }
0x499: {  	v62 =	vld [tilespmem:s11+$0x120];
	v2 =	vadd.f32 v3, v2;
	v3 =	vmul.f32 v61, v60  }
0x49a: {  	v63 =	vld [tilespmem:s10+$0x120]  }
0x49b: {  	v2 =	vadd.f32 v3, v2;
	v3 =	vmul.f32 v5, v4;
	v4 =	vld [tilespmem:s11+$0x240]  }
0x49c: {  	v5 =	vld [tilespmem:s10+$0x240]  }
0x49d: {  	v2 =	vadd.f32 v3, v2;
	v3 =	vmul.f32 v7, v6;
	v6 =	vld [tilespmem:s6+$0x4800]  }
0x49e: {  	v7 =	vld [tilespmem:s6+$0x3300]  }
0x49f: {  	v2 =	vadd.f32 v3, v2;
	v3 =	vmul.f32 v63, v62;
	_ =	sdelay $0x1  }
0x4a0: {  	v2 =	vadd.f32 v3, v2;
	v3 =	vmul.f32 v5, v4;
	_ =	sdelay $0x1  }
0x4a1: {  	v2 =	vadd.f32 v3, v2;
	v3 =	vmul.f32 v7, v6;
	_ =	sdelay $0x1  }
0x4a2: {  	v2 =	vadd.f32 v3, v2;
	_ =	sdelay $0x1  }
0x4a3: {  	s6 =	simm.s32 $0x2FB0;
	[tilespmem:s5+$0x0] =	vst v2  }
0x4a4: {  	s7 =	simm.s32 $0x44B0;
	v2 =	vld [tilespmem:s6+$0xFFFFFA60]  }
0x4a5: {  	v3 =	vld [tilespmem:s7+$0xFFFFFA60]  }
0x4a6: {  	v4 =	vld [tilespmem:s7+$0xFFFFFB80]  }
0x4a7: {  	s8 =	simm.s32 $0x10;
	s10 =	simm.s32 $0x20;
	v5 =	vld [tilespmem:s6+$0xFFFFFB80]  }
.LBB2_30:
0x4a8: {  	p0 =	sne.s32 s10, $0x110;
	v6 =	vld [tilespmem:s7+$0xFFFFFCA0]  }
0x4a9: {  	v7 =	vld [tilespmem:s6+$0xFFFFFCA0]  }
0x4aa: {  	v8 =	vld [tilespmem:s7+$0xFFFFFDC0]  }
0x4ab: {  	s11 =	sand.u32 $0x1F0, s8;
	s8 =	smov.u32 s10;
	v9 =	vld [tilespmem:s6+$0xFFFFFDC0]  }
0x4ac: {  	v2 =	vmul.f32 v2, v3;
	v3 =	vmul.f32 v5, v4;
	v4 =	vld [tilespmem:s11+$0x4380]  }
0x4ad: {  	v5 =	vld [tilespmem:s11+$0x2E80]  }
0x4ae: {  	v2 =	vadd.f32 v3, v2;
	v3 =	vmul.f32 v7, v6;
	v6 =	vld [tilespmem:s7+$0x0]  }
0x4af: {  	v7 =	vld [tilespmem:s6+$0x0]  }
0x4b0: {  	v2 =	vadd.f32 v3, v2;
	v3 =	vmul.f32 v9, v8;
	v8 =	vld [tilespmem:s7+$0x120]  }
0x4b1: {  	v9 =	vld [tilespmem:s6+$0x120]  }
0x4b2: {  	v2 =	vadd.f32 v3, v2;
	v3 =	vmul.f32 v5, v4;
	v4 =	vld [tilespmem:s7+$0x240]  }
0x4b3: {  	v5 =	vld [tilespmem:s6+$0x240]  }
0x4b4: {  	v2 =	vadd.f32 v3, v2;
	v3 =	vmul.f32 v7, v6;
	v6 =	vld [tilespmem:s11+$0x4800]  }
0x4b5: {  	v7 =	vld [tilespmem:s11+$0x3300]  }
0x4b6: {  	v2 =	vadd.f32 v3, v2;
	v3 =	vmul.f32 v9, v8;
	_ =	sdelay $0x1  }
0x4b7: {  	v2 =	vadd.f32 v3, v2;
	v3 =	vmul.f32 v5, v4;
	_ =	sdelay $0x1  }
0x4b8: {  	v2 =	vadd.f32 v3, v2;
	v3 =	vmul.f32 v7, v6;
	_ =	sdelay $0x1  }
0x4b9: {  	v2 =	vadd.f32 v3, v2  }
0x4ba: {  	s5 =	sadd.s32 $0x10, s5  }
.Ltmp14:
0x4bb: {  	s6 =	sadd.s32 $0x10, s6;
	[tilespmem:s5+$0x0] =	vst v2;
	(pc) =	sbr.rel @p0 .LBB2_30-.Ltmp14, $4  }
0x4bc: {  	s7 =	sadd.s32 $0x10, s7;
	v2 =	vld [tilespmem:s6+$0xFFFFFA60]  }
0x4bd: {  	v3 =	vld [tilespmem:s7+$0xFFFFFA60]  }
0x4be: {  	v4 =	vld [tilespmem:s7+$0xFFFFFB80]  }
0x4bf: {  	s10 =	sadd.s32 $0x10, s10;
	v5 =	vld [tilespmem:s6+$0xFFFFFB80]  }
0x4c0: {  	v6 =	vld [tilespmem:s7+$0xFFFFFCA0]  }
0x4c1: {  	v7 =	vld [tilespmem:s6+$0xFFFFFCA0]  }
0x4c2: {  	v8 =	vld [tilespmem:s7+$0xFFFFFDC0]  }
0x4c3: {  	v9 =	vld [tilespmem:s6+$0xFFFFFDC0];
	s8 =	sand.u32 $0x1F0, s8  }
0x4c4: {  	v2 =	vmul.f32 v2, v3;
	v3 =	vmul.f32 v5, v4;
	v4 =	vld [tilespmem:s8+$0x4380]  }
0x4c5: {  	v5 =	vld [tilespmem:s8+$0x2E80]  }
0x4c6: {  	v2 =	vadd.f32 v3, v2;
	v3 =	vmul.f32 v7, v6;
	v6 =	vld [tilespmem:s7+$0x0]  }
0x4c7: {  	v7 =	vld [tilespmem:s6+$0x0]  }
0x4c8: {  	v58 =	vld [tilespmem:s7+$0x120];
	v2 =	vadd.f32 v3, v2;
	v3 =	vmul.f32 v9, v8  }
0x4c9: {  	v59 =	vld [tilespmem:s6+$0x120]  }
0x4ca: {  	v2 =	vadd.f32 v3, v2;
	v3 =	vmul.f32 v5, v4;
	v4 =	vld [tilespmem:s7+$0x240]  }
0x4cb: {  	v5 =	vld [tilespmem:s6+$0x240]  }
0x4cc: {  	v2 =	vadd.f32 v3, v2;
	v3 =	vmul.f32 v7, v6;
	v6 =	vld [tilespmem:s8+$0x4800]  }
0x4cd: {  	v7 =	vld [tilespmem:s8+$0x3300]  }
0x4ce: {  	v2 =	vadd.f32 v3, v2;
	v3 =	vmul.f32 v59, v58;
	_ =	sdelay $0x1  }
0x4cf: {  	v2 =	vadd.f32 v3, v2;
	v3 =	vmul.f32 v5, v4;
	_ =	sdelay $0x1  }
0x4d0: {  	v2 =	vadd.f32 v3, v2;
	v3 =	vmul.f32 v7, v6;
	_ =	sdelay $0x1  }
0x4d1: {  	v2 =	vadd.f32 v3, v2  }
0x4d2: {  	s5 =	sadd.s32 $0x10, s5  }
0x4d3: {  	s6 =	simm.s32 $0x0;
	[tilespmem:s5+$0x0] =	vst v2;
	s5 =	simm.s32 $0x4980  }
0x4d4: {  	[hbm4b:s16+s6] =	stream.linear.scatter [tilespmem:s5], [sflag:$0x3], $0x120, $0x38;
	[tilespmem:$0x4D00] =	vst v63  }
0x4d5: {  	_ =	swait.ge [sflag:s28], $0x120  }
0x4d6: {  	[sflag:s28] =	ssyncset.done $0x0  }
0x4d7: {  	s8 =	rddreg [dreg:$0x16];
	[sflag:s28] =	ssyncadd.s32 $0xFFFFFEE0  }
0x4d8: {  	[tilespmem:s1], [sflag:$0x2] =	stream.indirect.gather [hbm4b:s8+s29], $0x1, s31, s29, $0xb8;
	[tilespmem:$0x4D00] =	vst v63  }
0x4d9: {  	_ =	swait.ge [sflag:s30], $0xA20  }
0x4da: {  	[sflag:s30] =	ssyncset.done $0x0  }
0x4db: {  	s10 =	simm.s32 $0x2FA0;
	[sflag:s30] =	ssyncadd.s32 $0xFFFFF5E0  }
0x4dc: {  	s11 =	simm.s32 $0x3A20;
	v2 =	vld [tilespmem:s10+$0xFFFFFA60]  }
0x4dd: {  	v3 =	vld [tilespmem:s11+$0xFFFFFA60]  }
0x4de: {  	v4 =	vld [tilespmem:s11+$0xFFFFFB80]  }
0x4df: {  	v5 =	vld [tilespmem:s10+$0xFFFFFB80]  }
0x4e0: {  	v6 =	vld [tilespmem:s11+$0xFFFFFCA0]  }
0x4e1: {  	v7 =	vld [tilespmem:s10+$0xFFFFFCA0]  }
0x4e2: {  	v60 =	vld [tilespmem:s11+$0xFFFFFDC0]  }
0x4e3: {  	s6 =	sand.u32 $0x1F0, s6;
	v61 =	vld [tilespmem:s10+$0xFFFFFDC0]  }
0x4e4: {  	v2 =	vmul.f32 v2, v3;
	v3 =	vmul.f32 v5, v4;
	v4 =	vld [tilespmem:s6+$0x3900]  }
0x4e5: {  	v5 =	vld [tilespmem:s6+$0x2E80]  }
0x4e6: {  	v2 =	vadd.f32 v3, v2;
	v3 =	vmul.f32 v7, v6;
	v6 =	vld [tilespmem:s11+$0x0]  }
0x4e7: {  	v7 =	vld [tilespmem:s10+$0x0]  }
0x4e8: {  	v62 =	vld [tilespmem:s11+$0x120];
	v2 =	vadd.f32 v3, v2;
	v3 =	vmul.f32 v61, v60  }
0x4e9: {  	v63 =	vld [tilespmem:s10+$0x120]  }
0x4ea: {  	v2 =	vadd.f32 v3, v2;
	v3 =	vmul.f32 v5, v4;
	v4 =	vld [tilespmem:s11+$0x240]  }
0x4eb: {  	v5 =	vld [tilespmem:s10+$0x240]  }
0x4ec: {  	v2 =	vadd.f32 v3, v2;
	v3 =	vmul.f32 v7, v6;
	v6 =	vld [tilespmem:s6+$0x3D80]  }
0x4ed: {  	v7 =	vld [tilespmem:s6+$0x3300]  }
0x4ee: {  	v2 =	vadd.f32 v3, v2;
	v3 =	vmul.f32 v63, v62;
	_ =	sdelay $0x1  }
0x4ef: {  	v2 =	vadd.f32 v3, v2;
	v3 =	vmul.f32 v5, v4;
	_ =	sdelay $0x1  }
0x4f0: {  	v2 =	vadd.f32 v3, v2;
	v3 =	vmul.f32 v7, v6;
	_ =	sdelay $0x1  }
0x4f1: {  	v2 =	vadd.f32 v3, v2;
	_ =	sdelay $0x1  }
0x4f2: {  	s6 =	simm.s32 $0x2FB0;
	[tilespmem:s5+$0x0] =	vst v2  }
0x4f3: {  	s7 =	simm.s32 $0x3A30;
	v2 =	vld [tilespmem:s6+$0xFFFFFA60]  }
0x4f4: {  	v3 =	vld [tilespmem:s7+$0xFFFFFA60]  }
0x4f5: {  	v4 =	vld [tilespmem:s7+$0xFFFFFB80]  }
0x4f6: {  	s8 =	simm.s32 $0x10;
	s10 =	simm.s32 $0x20;
	v5 =	vld [tilespmem:s6+$0xFFFFFB80]  }
.LBB2_32:
0x4f7: {  	p0 =	sne.s32 s10, $0x110;
	v6 =	vld [tilespmem:s7+$0xFFFFFCA0]  }
0x4f8: {  	v7 =	vld [tilespmem:s6+$0xFFFFFCA0]  }
0x4f9: {  	v8 =	vld [tilespmem:s7+$0xFFFFFDC0]  }
0x4fa: {  	s11 =	sand.u32 $0x1F0, s8;
	s8 =	smov.u32 s10;
	v9 =	vld [tilespmem:s6+$0xFFFFFDC0]  }
0x4fb: {  	v2 =	vmul.f32 v2, v3;
	v3 =	vmul.f32 v5, v4;
	v4 =	vld [tilespmem:s11+$0x3900]  }
0x4fc: {  	v5 =	vld [tilespmem:s11+$0x2E80]  }
0x4fd: {  	v2 =	vadd.f32 v3, v2;
	v3 =	vmul.f32 v7, v6;
	v6 =	vld [tilespmem:s7+$0x0]  }
0x4fe: {  	v7 =	vld [tilespmem:s6+$0x0]  }
0x4ff: {  	v2 =	vadd.f32 v3, v2;
	v3 =	vmul.f32 v9, v8;
	v8 =	vld [tilespmem:s7+$0x120]  }
0x500: {  	v9 =	vld [tilespmem:s6+$0x120]  }
0x501: {  	v2 =	vadd.f32 v3, v2;
	v3 =	vmul.f32 v5, v4;
	v4 =	vld [tilespmem:s7+$0x240]  }
0x502: {  	v5 =	vld [tilespmem:s6+$0x240]  }
0x503: {  	v2 =	vadd.f32 v3, v2;
	v3 =	vmul.f32 v7, v6;
	v6 =	vld [tilespmem:s11+$0x3D80]  }
0x504: {  	v7 =	vld [tilespmem:s11+$0x3300]  }
0x505: {  	v2 =	vadd.f32 v3, v2;
	v3 =	vmul.f32 v9, v8;
	_ =	sdelay $0x1  }
0x506: {  	v2 =	vadd.f32 v3, v2;
	v3 =	vmul.f32 v5, v4;
	_ =	sdelay $0x1  }
0x507: {  	v2 =	vadd.f32 v3, v2;
	v3 =	vmul.f32 v7, v6;
	_ =	sdelay $0x1  }
0x508: {  	v2 =	vadd.f32 v3, v2  }
0x509: {  	s5 =	sadd.s32 $0x10, s5  }
.Ltmp15:
0x50a: {  	s6 =	sadd.s32 $0x10, s6;
	[tilespmem:s5+$0x0] =	vst v2;
	(pc) =	sbr.rel @p0 .LBB2_32-.Ltmp15, $4  }
0x50b: {  	s7 =	sadd.s32 $0x10, s7;
	v2 =	vld [tilespmem:s6+$0xFFFFFA60]  }
0x50c: {  	v3 =	vld [tilespmem:s7+$0xFFFFFA60]  }
0x50d: {  	v4 =	vld [tilespmem:s7+$0xFFFFFB80]  }
0x50e: {  	s10 =	sadd.s32 $0x10, s10;
	v5 =	vld [tilespmem:s6+$0xFFFFFB80]  }
0x50f: {  	v6 =	vld [tilespmem:s7+$0xFFFFFCA0]  }
0x510: {  	v7 =	vld [tilespmem:s6+$0xFFFFFCA0]  }
0x511: {  	v8 =	vld [tilespmem:s7+$0xFFFFFDC0]  }
0x512: {  	v9 =	vld [tilespmem:s6+$0xFFFFFDC0];
	s8 =	sand.u32 $0x1F0, s8  }
0x513: {  	v2 =	vmul.f32 v2, v3;
	v3 =	vmul.f32 v5, v4;
	v4 =	vld [tilespmem:s8+$0x3900]  }
0x514: {  	v5 =	vld [tilespmem:s8+$0x2E80]  }
0x515: {  	v2 =	vadd.f32 v3, v2;
	v3 =	vmul.f32 v7, v6;
	v6 =	vld [tilespmem:s7+$0x0]  }
0x516: {  	v7 =	vld [tilespmem:s6+$0x0]  }
0x517: {  	v58 =	vld [tilespmem:s7+$0x120];
	v2 =	vadd.f32 v3, v2;
	v3 =	vmul.f32 v9, v8  }
0x518: {  	v59 =	vld [tilespmem:s6+$0x120]  }
0x519: {  	v2 =	vadd.f32 v3, v2;
	v3 =	vmul.f32 v5, v4;
	v4 =	vld [tilespmem:s7+$0x240]  }
0x51a: {  	v5 =	vld [tilespmem:s6+$0x240]  }
0x51b: {  	v2 =	vadd.f32 v3, v2;
	v3 =	vmul.f32 v7, v6;
	v6 =	vld [tilespmem:s8+$0x3D80]  }
0x51c: {  	v7 =	vld [tilespmem:s8+$0x3300]  }
0x51d: {  	v2 =	vadd.f32 v3, v2;
	v3 =	vmul.f32 v59, v58;
	_ =	sdelay $0x1  }
0x51e: {  	v2 =	vadd.f32 v3, v2;
	v3 =	vmul.f32 v5, v4;
	_ =	sdelay $0x1  }
0x51f: {  	v2 =	vadd.f32 v3, v2;
	v3 =	vmul.f32 v7, v6;
	_ =	sdelay $0x1  }
0x520: {  	v2 =	vadd.f32 v3, v2  }
0x521: {  	s5 =	sadd.s32 $0x10, s5  }
0x522: {  	s6 =	simm.s32 $0x0;
	[tilespmem:s5+$0x0] =	vst v2;
	s5 =	simm.s32 $0x4980  }
0x523: {  	[hbm4b:s17+s6] =	stream.linear.scatter [tilespmem:s5], [sflag:$0x3], $0x120, $0x38;
	[tilespmem:$0x4D00] =	vst v63  }
0x524: {  	_ =	swait.ge [sflag:s28], $0x120  }
0x525: {  	[sflag:s28] =	ssyncset.done $0x0  }
0x526: {  	s8 =	rddreg [dreg:$0x17];
	[sflag:s28] =	ssyncadd.s32 $0xFFFFFEE0  }
0x527: {  	[tilespmem:s0], [sflag:$0x1] =	stream.indirect.gather [hbm4b:s8+s29], $0x1, s31, s29, $0xb8;
	[tilespmem:$0x4D00] =	vst v63  }
0x528: {  	_ =	swait.ge [sflag:s3], $0xA20  }
0x529: {  	[sflag:s3] =	ssyncset.done $0x0  }
0x52a: {  	s10 =	simm.s32 $0x2FA0;
	[sflag:s3] =	ssyncadd.s32 $0xFFFFF5E0  }
0x52b: {  	s11 =	simm.s32 $0x44A0;
	v2 =	vld [tilespmem:s10+$0xFFFFFA60]  }
0x52c: {  	v3 =	vld [tilespmem:s11+$0xFFFFFA60]  }
0x52d: {  	v4 =	vld [tilespmem:s11+$0xFFFFFB80]  }
0x52e: {  	v5 =	vld [tilespmem:s10+$0xFFFFFB80]  }
0x52f: {  	v6 =	vld [tilespmem:s11+$0xFFFFFCA0]  }
0x530: {  	v7 =	vld [tilespmem:s10+$0xFFFFFCA0]  }
0x531: {  	v60 =	vld [tilespmem:s11+$0xFFFFFDC0]  }
0x532: {  	s6 =	sand.u32 $0x1F0, s6;
	v61 =	vld [tilespmem:s10+$0xFFFFFDC0]  }
0x533: {  	v2 =	vmul.f32 v2, v3;
	v3 =	vmul.f32 v5, v4;
	v4 =	vld [tilespmem:s6+$0x4380]  }
0x534: {  	v5 =	vld [tilespmem:s6+$0x2E80]  }
0x535: {  	v2 =	vadd.f32 v3, v2;
	v3 =	vmul.f32 v7, v6;
	v6 =	vld [tilespmem:s11+$0x0]  }
0x536: {  	v7 =	vld [tilespmem:s10+$0x0]  }
0x537: {  	v62 =	vld [tilespmem:s11+$0x120];
	v2 =	vadd.f32 v3, v2;
	v3 =	vmul.f32 v61, v60  }
0x538: {  	v63 =	vld [tilespmem:s10+$0x120]  }
0x539: {  	v2 =	vadd.f32 v3, v2;
	v3 =	vmul.f32 v5, v4;
	v4 =	vld [tilespmem:s11+$0x240]  }
0x53a: {  	v5 =	vld [tilespmem:s10+$0x240]  }
0x53b: {  	v2 =	vadd.f32 v3, v2;
	v3 =	vmul.f32 v7, v6;
	v6 =	vld [tilespmem:s6+$0x4800]  }
0x53c: {  	v7 =	vld [tilespmem:s6+$0x3300]  }
0x53d: {  	v2 =	vadd.f32 v3, v2;
	v3 =	vmul.f32 v63, v62;
	_ =	sdelay $0x1  }
0x53e: {  	v2 =	vadd.f32 v3, v2;
	v3 =	vmul.f32 v5, v4;
	_ =	sdelay $0x1  }
0x53f: {  	v2 =	vadd.f32 v3, v2;
	v3 =	vmul.f32 v7, v6;
	_ =	sdelay $0x1  }
0x540: {  	v2 =	vadd.f32 v3, v2;
	_ =	sdelay $0x1  }
0x541: {  	s6 =	simm.s32 $0x2FB0;
	[tilespmem:s5+$0x0] =	vst v2  }
0x542: {  	s7 =	simm.s32 $0x44B0;
	v2 =	vld [tilespmem:s6+$0xFFFFFA60]  }
0x543: {  	v3 =	vld [tilespmem:s7+$0xFFFFFA60]  }
0x544: {  	v4 =	vld [tilespmem:s7+$0xFFFFFB80]  }
0x545: {  	s8 =	simm.s32 $0x10;
	s10 =	simm.s32 $0x20;
	v5 =	vld [tilespmem:s6+$0xFFFFFB80]  }
.LBB2_34:
0x546: {  	p0 =	sne.s32 s10, $0x110;
	v6 =	vld [tilespmem:s7+$0xFFFFFCA0]  }
0x547: {  	v7 =	vld [tilespmem:s6+$0xFFFFFCA0]  }
0x548: {  	v8 =	vld [tilespmem:s7+$0xFFFFFDC0]  }
0x549: {  	s11 =	sand.u32 $0x1F0, s8;
	s8 =	smov.u32 s10;
	v9 =	vld [tilespmem:s6+$0xFFFFFDC0]  }
0x54a: {  	v2 =	vmul.f32 v2, v3;
	v3 =	vmul.f32 v5, v4;
	v4 =	vld [tilespmem:s11+$0x4380]  }
0x54b: {  	v5 =	vld [tilespmem:s11+$0x2E80]  }
0x54c: {  	v2 =	vadd.f32 v3, v2;
	v3 =	vmul.f32 v7, v6;
	v6 =	vld [tilespmem:s7+$0x0]  }
0x54d: {  	v7 =	vld [tilespmem:s6+$0x0]  }
0x54e: {  	v2 =	vadd.f32 v3, v2;
	v3 =	vmul.f32 v9, v8;
	v8 =	vld [tilespmem:s7+$0x120]  }
0x54f: {  	v9 =	vld [tilespmem:s6+$0x120]  }
0x550: {  	v2 =	vadd.f32 v3, v2;
	v3 =	vmul.f32 v5, v4;
	v4 =	vld [tilespmem:s7+$0x240]  }
0x551: {  	v5 =	vld [tilespmem:s6+$0x240]  }
0x552: {  	v2 =	vadd.f32 v3, v2;
	v3 =	vmul.f32 v7, v6;
	v6 =	vld [tilespmem:s11+$0x4800]  }
0x553: {  	v7 =	vld [tilespmem:s11+$0x3300]  }
0x554: {  	v2 =	vadd.f32 v3, v2;
	v3 =	vmul.f32 v9, v8;
	_ =	sdelay $0x1  }
0x555: {  	v2 =	vadd.f32 v3, v2;
	v3 =	vmul.f32 v5, v4;
	_ =	sdelay $0x1  }
0x556: {  	v2 =	vadd.f32 v3, v2;
	v3 =	vmul.f32 v7, v6;
	_ =	sdelay $0x1  }
0x557: {  	v2 =	vadd.f32 v3, v2  }
0x558: {  	s5 =	sadd.s32 $0x10, s5  }
.Ltmp16:
0x559: {  	s6 =	sadd.s32 $0x10, s6;
	[tilespmem:s5+$0x0] =	vst v2;
	(pc) =	sbr.rel @p0 .LBB2_34-.Ltmp16, $4  }
0x55a: {  	s7 =	sadd.s32 $0x10, s7;
	v2 =	vld [tilespmem:s6+$0xFFFFFA60]  }
0x55b: {  	v3 =	vld [tilespmem:s7+$0xFFFFFA60]  }
0x55c: {  	v4 =	vld [tilespmem:s7+$0xFFFFFB80]  }
0x55d: {  	s10 =	sadd.s32 $0x10, s10;
	v5 =	vld [tilespmem:s6+$0xFFFFFB80]  }
0x55e: {  	v6 =	vld [tilespmem:s7+$0xFFFFFCA0]  }
0x55f: {  	v7 =	vld [tilespmem:s6+$0xFFFFFCA0]  }
0x560: {  	v8 =	vld [tilespmem:s7+$0xFFFFFDC0]  }
0x561: {  	v9 =	vld [tilespmem:s6+$0xFFFFFDC0];
	s8 =	sand.u32 $0x1F0, s8  }
0x562: {  	v2 =	vmul.f32 v2, v3;
	v3 =	vmul.f32 v5, v4;
	v4 =	vld [tilespmem:s8+$0x4380]  }
0x563: {  	v5 =	vld [tilespmem:s8+$0x2E80]  }
0x564: {  	v2 =	vadd.f32 v3, v2;
	v3 =	vmul.f32 v7, v6;
	v6 =	vld [tilespmem:s7+$0x0]  }
0x565: {  	v7 =	vld [tilespmem:s6+$0x0]  }
0x566: {  	v58 =	vld [tilespmem:s7+$0x120];
	v2 =	vadd.f32 v3, v2;
	v3 =	vmul.f32 v9, v8  }
0x567: {  	v59 =	vld [tilespmem:s6+$0x120]  }
0x568: {  	v2 =	vadd.f32 v3, v2;
	v3 =	vmul.f32 v5, v4;
	v4 =	vld [tilespmem:s7+$0x240]  }
0x569: {  	v5 =	vld [tilespmem:s6+$0x240]  }
0x56a: {  	v2 =	vadd.f32 v3, v2;
	v3 =	vmul.f32 v7, v6;
	v6 =	vld [tilespmem:s8+$0x4800]  }
0x56b: {  	v7 =	vld [tilespmem:s8+$0x3300]  }
0x56c: {  	v2 =	vadd.f32 v3, v2;
	v3 =	vmul.f32 v59, v58;
	_ =	sdelay $0x1  }
0x56d: {  	v2 =	vadd.f32 v3, v2;
	v3 =	vmul.f32 v5, v4;
	_ =	sdelay $0x1  }
0x56e: {  	v2 =	vadd.f32 v3, v2;
	v3 =	vmul.f32 v7, v6;
	_ =	sdelay $0x1  }
0x56f: {  	v2 =	vadd.f32 v3, v2  }
0x570: {  	s5 =	sadd.s32 $0x10, s5  }
0x571: {  	s6 =	simm.s32 $0x0;
	[tilespmem:s5+$0x0] =	vst v2;
	s5 =	simm.s32 $0x4980  }
0x572: {  	[hbm4b:s18+s6] =	stream.linear.scatter [tilespmem:s5], [sflag:$0x3], $0x120, $0x38;
	[tilespmem:$0x4D00] =	vst v63  }
0x573: {  	_ =	swait.ge [sflag:s28], $0x120  }
0x574: {  	[sflag:s28] =	ssyncset.done $0x0  }
0x575: {  	s8 =	rddreg [dreg:$0x18];
	[sflag:s28] =	ssyncadd.s32 $0xFFFFFEE0  }
0x576: {  	[tilespmem:s1], [sflag:$0x2] =	stream.indirect.gather [hbm4b:s8+s29], $0x1, s31, s29, $0xb8;
	[tilespmem:$0x4D00] =	vst v63  }
0x577: {  	_ =	swait.ge [sflag:s30], $0xA20  }
0x578: {  	[sflag:s30] =	ssyncset.done $0x0  }
0x579: {  	s10 =	simm.s32 $0x2FA0;
	[sflag:s30] =	ssyncadd.s32 $0xFFFFF5E0  }
0x57a: {  	s11 =	simm.s32 $0x3A20;
	v2 =	vld [tilespmem:s10+$0xFFFFFA60]  }
0x57b: {  	v3 =	vld [tilespmem:s11+$0xFFFFFA60]  }
0x57c: {  	v4 =	vld [tilespmem:s11+$0xFFFFFB80]  }
0x57d: {  	v5 =	vld [tilespmem:s10+$0xFFFFFB80]  }
0x57e: {  	v6 =	vld [tilespmem:s11+$0xFFFFFCA0]  }
0x57f: {  	v7 =	vld [tilespmem:s10+$0xFFFFFCA0]  }
0x580: {  	v60 =	vld [tilespmem:s11+$0xFFFFFDC0]  }
0x581: {  	s6 =	sand.u32 $0x1F0, s6;
	v61 =	vld [tilespmem:s10+$0xFFFFFDC0]  }
0x582: {  	v2 =	vmul.f32 v2, v3;
	v3 =	vmul.f32 v5, v4;
	v4 =	vld [tilespmem:s6+$0x3900]  }
0x583: {  	v5 =	vld [tilespmem:s6+$0x2E80]  }
0x584: {  	v2 =	vadd.f32 v3, v2;
	v3 =	vmul.f32 v7, v6;
	v6 =	vld [tilespmem:s11+$0x0]  }
0x585: {  	v7 =	vld [tilespmem:s10+$0x0]  }
0x586: {  	v62 =	vld [tilespmem:s11+$0x120];
	v2 =	vadd.f32 v3, v2;
	v3 =	vmul.f32 v61, v60  }
0x587: {  	v63 =	vld [tilespmem:s10+$0x120]  }
0x588: {  	v2 =	vadd.f32 v3, v2;
	v3 =	vmul.f32 v5, v4;
	v4 =	vld [tilespmem:s11+$0x240]  }
0x589: {  	v5 =	vld [tilespmem:s10+$0x240]  }
0x58a: {  	v2 =	vadd.f32 v3, v2;
	v3 =	vmul.f32 v7, v6;
	v6 =	vld [tilespmem:s6+$0x3D80]  }
0x58b: {  	v7 =	vld [tilespmem:s6+$0x3300]  }
0x58c: {  	v2 =	vadd.f32 v3, v2;
	v3 =	vmul.f32 v63, v62;
	_ =	sdelay $0x1  }
0x58d: {  	v2 =	vadd.f32 v3, v2;
	v3 =	vmul.f32 v5, v4;
	_ =	sdelay $0x1  }
0x58e: {  	v2 =	vadd.f32 v3, v2;
	v3 =	vmul.f32 v7, v6;
	_ =	sdelay $0x1  }
0x58f: {  	v2 =	vadd.f32 v3, v2;
	_ =	sdelay $0x1  }
0x590: {  	s6 =	simm.s32 $0x2FB0;
	[tilespmem:s5+$0x0] =	vst v2  }
0x591: {  	s7 =	simm.s32 $0x3A30;
	v2 =	vld [tilespmem:s6+$0xFFFFFA60]  }
0x592: {  	v3 =	vld [tilespmem:s7+$0xFFFFFA60]  }
0x593: {  	v4 =	vld [tilespmem:s7+$0xFFFFFB80]  }
0x594: {  	s8 =	simm.s32 $0x10;
	s10 =	simm.s32 $0x20;
	v5 =	vld [tilespmem:s6+$0xFFFFFB80]  }
.LBB2_36:
0x595: {  	p0 =	sne.s32 s10, $0x110;
	v6 =	vld [tilespmem:s7+$0xFFFFFCA0]  }
0x596: {  	v7 =	vld [tilespmem:s6+$0xFFFFFCA0]  }
0x597: {  	v8 =	vld [tilespmem:s7+$0xFFFFFDC0]  }
0x598: {  	s11 =	sand.u32 $0x1F0, s8;
	s8 =	smov.u32 s10;
	v9 =	vld [tilespmem:s6+$0xFFFFFDC0]  }
0x599: {  	v2 =	vmul.f32 v2, v3;
	v3 =	vmul.f32 v5, v4;
	v4 =	vld [tilespmem:s11+$0x3900]  }
0x59a: {  	v5 =	vld [tilespmem:s11+$0x2E80]  }
0x59b: {  	v2 =	vadd.f32 v3, v2;
	v3 =	vmul.f32 v7, v6;
	v6 =	vld [tilespmem:s7+$0x0]  }
0x59c: {  	v7 =	vld [tilespmem:s6+$0x0]  }
0x59d: {  	v2 =	vadd.f32 v3, v2;
	v3 =	vmul.f32 v9, v8;
	v8 =	vld [tilespmem:s7+$0x120]  }
0x59e: {  	v9 =	vld [tilespmem:s6+$0x120]  }
0x59f: {  	v2 =	vadd.f32 v3, v2;
	v3 =	vmul.f32 v5, v4;
	v4 =	vld [tilespmem:s7+$0x240]  }
0x5a0: {  	v5 =	vld [tilespmem:s6+$0x240]  }
0x5a1: {  	v2 =	vadd.f32 v3, v2;
	v3 =	vmul.f32 v7, v6;
	v6 =	vld [tilespmem:s11+$0x3D80]  }
0x5a2: {  	v7 =	vld [tilespmem:s11+$0x3300]  }
0x5a3: {  	v2 =	vadd.f32 v3, v2;
	v3 =	vmul.f32 v9, v8;
	_ =	sdelay $0x1  }
0x5a4: {  	v2 =	vadd.f32 v3, v2;
	v3 =	vmul.f32 v5, v4;
	_ =	sdelay $0x1  }
0x5a5: {  	v2 =	vadd.f32 v3, v2;
	v3 =	vmul.f32 v7, v6;
	_ =	sdelay $0x1  }
0x5a6: {  	v2 =	vadd.f32 v3, v2  }
0x5a7: {  	s5 =	sadd.s32 $0x10, s5  }
.Ltmp17:
0x5a8: {  	s6 =	sadd.s32 $0x10, s6;
	[tilespmem:s5+$0x0] =	vst v2;
	(pc) =	sbr.rel @p0 .LBB2_36-.Ltmp17, $4  }
0x5a9: {  	s7 =	sadd.s32 $0x10, s7;
	v2 =	vld [tilespmem:s6+$0xFFFFFA60]  }
0x5aa: {  	v3 =	vld [tilespmem:s7+$0xFFFFFA60]  }
0x5ab: {  	v4 =	vld [tilespmem:s7+$0xFFFFFB80]  }
0x5ac: {  	s10 =	sadd.s32 $0x10, s10;
	v5 =	vld [tilespmem:s6+$0xFFFFFB80]  }
0x5ad: {  	v6 =	vld [tilespmem:s7+$0xFFFFFCA0]  }
0x5ae: {  	v7 =	vld [tilespmem:s6+$0xFFFFFCA0]  }
0x5af: {  	v8 =	vld [tilespmem:s7+$0xFFFFFDC0]  }
0x5b0: {  	v9 =	vld [tilespmem:s6+$0xFFFFFDC0];
	s8 =	sand.u32 $0x1F0, s8  }
0x5b1: {  	v2 =	vmul.f32 v2, v3;
	v3 =	vmul.f32 v5, v4;
	v4 =	vld [tilespmem:s8+$0x3900]  }
0x5b2: {  	v5 =	vld [tilespmem:s8+$0x2E80]  }
0x5b3: {  	v2 =	vadd.f32 v3, v2;
	v3 =	vmul.f32 v7, v6;
	v6 =	vld [tilespmem:s7+$0x0]  }
0x5b4: {  	v7 =	vld [tilespmem:s6+$0x0]  }
0x5b5: {  	v58 =	vld [tilespmem:s7+$0x120];
	v2 =	vadd.f32 v3, v2;
	v3 =	vmul.f32 v9, v8  }
0x5b6: {  	v59 =	vld [tilespmem:s6+$0x120]  }
0x5b7: {  	v2 =	vadd.f32 v3, v2;
	v3 =	vmul.f32 v5, v4;
	v4 =	vld [tilespmem:s7+$0x240]  }
0x5b8: {  	v5 =	vld [tilespmem:s6+$0x240]  }
0x5b9: {  	v2 =	vadd.f32 v3, v2;
	v3 =	vmul.f32 v7, v6;
	v6 =	vld [tilespmem:s8+$0x3D80]  }
0x5ba: {  	v7 =	vld [tilespmem:s8+$0x3300]  }
0x5bb: {  	v2 =	vadd.f32 v3, v2;
	v3 =	vmul.f32 v59, v58;
	_ =	sdelay $0x1  }
0x5bc: {  	v2 =	vadd.f32 v3, v2;
	v3 =	vmul.f32 v5, v4;
	_ =	sdelay $0x1  }
0x5bd: {  	v2 =	vadd.f32 v3, v2;
	v3 =	vmul.f32 v7, v6;
	_ =	sdelay $0x1  }
0x5be: {  	v2 =	vadd.f32 v3, v2  }
0x5bf: {  	s5 =	sadd.s32 $0x10, s5  }
0x5c0: {  	s6 =	simm.s32 $0x0;
	[tilespmem:s5+$0x0] =	vst v2;
	s5 =	simm.s32 $0x4980  }
0x5c1: {  	[hbm4b:s19+s6] =	stream.linear.scatter [tilespmem:s5], [sflag:$0x3], $0x120, $0x38;
	[tilespmem:$0x4D00] =	vst v63  }
0x5c2: {  	_ =	swait.ge [sflag:s28], $0x120  }
0x5c3: {  	[sflag:s28] =	ssyncset.done $0x0  }
0x5c4: {  	s8 =	rddreg [dreg:$0x19];
	[sflag:s28] =	ssyncadd.s32 $0xFFFFFEE0  }
0x5c5: {  	[tilespmem:s0], [sflag:$0x1] =	stream.indirect.gather [hbm4b:s8+s29], $0x1, s31, s29, $0xb8;
	[tilespmem:$0x4D00] =	vst v63  }
0x5c6: {  	_ =	swait.ge [sflag:s3], $0xA20  }
0x5c7: {  	[sflag:s3] =	ssyncset.done $0x0  }
0x5c8: {  	s10 =	simm.s32 $0x2FA0;
	[sflag:s3] =	ssyncadd.s32 $0xFFFFF5E0  }
0x5c9: {  	s11 =	simm.s32 $0x44A0;
	v2 =	vld [tilespmem:s10+$0xFFFFFA60]  }
0x5ca: {  	v3 =	vld [tilespmem:s11+$0xFFFFFA60]  }
0x5cb: {  	v4 =	vld [tilespmem:s11+$0xFFFFFB80]  }
0x5cc: {  	v5 =	vld [tilespmem:s10+$0xFFFFFB80]  }
0x5cd: {  	v6 =	vld [tilespmem:s11+$0xFFFFFCA0]  }
0x5ce: {  	v7 =	vld [tilespmem:s10+$0xFFFFFCA0]  }
0x5cf: {  	v60 =	vld [tilespmem:s11+$0xFFFFFDC0]  }
0x5d0: {  	s6 =	sand.u32 $0x1F0, s6;
	v61 =	vld [tilespmem:s10+$0xFFFFFDC0]  }
0x5d1: {  	v2 =	vmul.f32 v2, v3;
	v3 =	vmul.f32 v5, v4;
	v4 =	vld [tilespmem:s6+$0x4380]  }
0x5d2: {  	v5 =	vld [tilespmem:s6+$0x2E80]  }
0x5d3: {  	v2 =	vadd.f32 v3, v2;
	v3 =	vmul.f32 v7, v6;
	v6 =	vld [tilespmem:s11+$0x0]  }
0x5d4: {  	v7 =	vld [tilespmem:s10+$0x0]  }
0x5d5: {  	v62 =	vld [tilespmem:s11+$0x120];
	v2 =	vadd.f32 v3, v2;
	v3 =	vmul.f32 v61, v60  }
0x5d6: {  	v63 =	vld [tilespmem:s10+$0x120]  }
0x5d7: {  	v2 =	vadd.f32 v3, v2;
	v3 =	vmul.f32 v5, v4;
	v4 =	vld [tilespmem:s11+$0x240]  }
0x5d8: {  	v5 =	vld [tilespmem:s10+$0x240]  }
0x5d9: {  	v2 =	vadd.f32 v3, v2;
	v3 =	vmul.f32 v7, v6;
	v6 =	vld [tilespmem:s6+$0x4800]  }
0x5da: {  	v7 =	vld [tilespmem:s6+$0x3300]  }
0x5db: {  	v2 =	vadd.f32 v3, v2;
	v3 =	vmul.f32 v63, v62;
	_ =	sdelay $0x1  }
0x5dc: {  	v2 =	vadd.f32 v3, v2;
	v3 =	vmul.f32 v5, v4;
	_ =	sdelay $0x1  }
0x5dd: {  	v2 =	vadd.f32 v3, v2;
	v3 =	vmul.f32 v7, v6;
	_ =	sdelay $0x1  }
0x5de: {  	v2 =	vadd.f32 v3, v2;
	_ =	sdelay $0x1  }
0x5df: {  	s6 =	simm.s32 $0x2FB0;
	[tilespmem:s5+$0x0] =	vst v2  }
0x5e0: {  	s7 =	simm.s32 $0x44B0;
	v2 =	vld [tilespmem:s6+$0xFFFFFA60]  }
0x5e1: {  	v3 =	vld [tilespmem:s7+$0xFFFFFA60]  }
0x5e2: {  	v4 =	vld [tilespmem:s7+$0xFFFFFB80]  }
0x5e3: {  	s8 =	simm.s32 $0x10;
	s10 =	simm.s32 $0x20;
	v5 =	vld [tilespmem:s6+$0xFFFFFB80]  }
.LBB2_38:
0x5e4: {  	p0 =	sne.s32 s10, $0x110;
	v6 =	vld [tilespmem:s7+$0xFFFFFCA0]  }
0x5e5: {  	v7 =	vld [tilespmem:s6+$0xFFFFFCA0]  }
0x5e6: {  	v8 =	vld [tilespmem:s7+$0xFFFFFDC0]  }
0x5e7: {  	s11 =	sand.u32 $0x1F0, s8;
	s8 =	smov.u32 s10;
	v9 =	vld [tilespmem:s6+$0xFFFFFDC0]  }
0x5e8: {  	v2 =	vmul.f32 v2, v3;
	v3 =	vmul.f32 v5, v4;
	v4 =	vld [tilespmem:s11+$0x4380]  }
0x5e9: {  	v5 =	vld [tilespmem:s11+$0x2E80]  }
0x5ea: {  	v2 =	vadd.f32 v3, v2;
	v3 =	vmul.f32 v7, v6;
	v6 =	vld [tilespmem:s7+$0x0]  }
0x5eb: {  	v7 =	vld [tilespmem:s6+$0x0]  }
0x5ec: {  	v2 =	vadd.f32 v3, v2;
	v3 =	vmul.f32 v9, v8;
	v8 =	vld [tilespmem:s7+$0x120]  }
0x5ed: {  	v9 =	vld [tilespmem:s6+$0x120]  }
0x5ee: {  	v2 =	vadd.f32 v3, v2;
	v3 =	vmul.f32 v5, v4;
	v4 =	vld [tilespmem:s7+$0x240]  }
0x5ef: {  	v5 =	vld [tilespmem:s6+$0x240]  }
0x5f0: {  	v2 =	vadd.f32 v3, v2;
	v3 =	vmul.f32 v7, v6;
	v6 =	vld [tilespmem:s11+$0x4800]  }
0x5f1: {  	v7 =	vld [tilespmem:s11+$0x3300]  }
0x5f2: {  	v2 =	vadd.f32 v3, v2;
	v3 =	vmul.f32 v9, v8;
	_ =	sdelay $0x1  }
0x5f3: {  	v2 =	vadd.f32 v3, v2;
	v3 =	vmul.f32 v5, v4;
	_ =	sdelay $0x1  }
0x5f4: {  	v2 =	vadd.f32 v3, v2;
	v3 =	vmul.f32 v7, v6;
	_ =	sdelay $0x1  }
0x5f5: {  	v2 =	vadd.f32 v3, v2  }
0x5f6: {  	s5 =	sadd.s32 $0x10, s5  }
.Ltmp18:
0x5f7: {  	s6 =	sadd.s32 $0x10, s6;
	[tilespmem:s5+$0x0] =	vst v2;
	(pc) =	sbr.rel @p0 .LBB2_38-.Ltmp18, $4  }
0x5f8: {  	s7 =	sadd.s32 $0x10, s7;
	v2 =	vld [tilespmem:s6+$0xFFFFFA60]  }
0x5f9: {  	v3 =	vld [tilespmem:s7+$0xFFFFFA60]  }
0x5fa: {  	v4 =	vld [tilespmem:s7+$0xFFFFFB80]  }
0x5fb: {  	s10 =	sadd.s32 $0x10, s10;
	v5 =	vld [tilespmem:s6+$0xFFFFFB80]  }
0x5fc: {  	v6 =	vld [tilespmem:s7+$0xFFFFFCA0]  }
0x5fd: {  	v7 =	vld [tilespmem:s6+$0xFFFFFCA0]  }
0x5fe: {  	v8 =	vld [tilespmem:s7+$0xFFFFFDC0]  }
0x5ff: {  	v9 =	vld [tilespmem:s6+$0xFFFFFDC0];
	s8 =	sand.u32 $0x1F0, s8  }
0x600: {  	v2 =	vmul.f32 v2, v3;
	v3 =	vmul.f32 v5, v4;
	v4 =	vld [tilespmem:s8+$0x4380]  }
0x601: {  	v5 =	vld [tilespmem:s8+$0x2E80]  }
0x602: {  	v2 =	vadd.f32 v3, v2;
	v3 =	vmul.f32 v7, v6;
	v6 =	vld [tilespmem:s7+$0x0]  }
0x603: {  	v7 =	vld [tilespmem:s6+$0x0]  }
0x604: {  	v58 =	vld [tilespmem:s7+$0x120];
	v2 =	vadd.f32 v3, v2;
	v3 =	vmul.f32 v9, v8  }
0x605: {  	v59 =	vld [tilespmem:s6+$0x120]  }
0x606: {  	v2 =	vadd.f32 v3, v2;
	v3 =	vmul.f32 v5, v4;
	v4 =	vld [tilespmem:s7+$0x240]  }
0x607: {  	v5 =	vld [tilespmem:s6+$0x240]  }
0x608: {  	v2 =	vadd.f32 v3, v2;
	v3 =	vmul.f32 v7, v6;
	v6 =	vld [tilespmem:s8+$0x4800]  }
0x609: {  	v7 =	vld [tilespmem:s8+$0x3300]  }
0x60a: {  	v2 =	vadd.f32 v3, v2;
	v3 =	vmul.f32 v59, v58;
	_ =	sdelay $0x1  }
0x60b: {  	v2 =	vadd.f32 v3, v2;
	v3 =	vmul.f32 v5, v4;
	_ =	sdelay $0x1  }
0x60c: {  	v2 =	vadd.f32 v3, v2;
	v3 =	vmul.f32 v7, v6;
	_ =	sdelay $0x1  }
0x60d: {  	v2 =	vadd.f32 v3, v2  }
0x60e: {  	s5 =	sadd.s32 $0x10, s5  }
0x60f: {  	s6 =	simm.s32 $0x0;
	[tilespmem:s5+$0x0] =	vst v2;
	s5 =	simm.s32 $0x4980  }
0x610: {  	[hbm4b:s20+s6] =	stream.linear.scatter [tilespmem:s5], [sflag:$0x3], $0x120, $0x38;
	[tilespmem:$0x4D00] =	vst v63  }
0x611: {  	_ =	swait.ge [sflag:s28], $0x120  }
0x612: {  	[sflag:s28] =	ssyncset.done $0x0  }
0x613: {  	s8 =	rddreg [dreg:$0x1a];
	[sflag:s28] =	ssyncadd.s32 $0xFFFFFEE0  }
0x614: {  	[tilespmem:s1], [sflag:$0x2] =	stream.indirect.gather [hbm4b:s8+s29], $0x1, s31, s29, $0xb8;
	[tilespmem:$0x4D00] =	vst v63  }
0x615: {  	_ =	swait.ge [sflag:s30], $0xA20  }
0x616: {  	[sflag:s30] =	ssyncset.done $0x0  }
0x617: {  	s10 =	simm.s32 $0x2FA0;
	[sflag:s30] =	ssyncadd.s32 $0xFFFFF5E0  }
0x618: {  	s11 =	simm.s32 $0x3A20;
	v2 =	vld [tilespmem:s10+$0xFFFFFA60]  }
0x619: {  	v3 =	vld [tilespmem:s11+$0xFFFFFA60]  }
0x61a: {  	v4 =	vld [tilespmem:s11+$0xFFFFFB80]  }
0x61b: {  	v5 =	vld [tilespmem:s10+$0xFFFFFB80]  }
0x61c: {  	v6 =	vld [tilespmem:s11+$0xFFFFFCA0]  }
0x61d: {  	v7 =	vld [tilespmem:s10+$0xFFFFFCA0]  }
0x61e: {  	v60 =	vld [tilespmem:s11+$0xFFFFFDC0]  }
0x61f: {  	s6 =	sand.u32 $0x1F0, s6;
	v61 =	vld [tilespmem:s10+$0xFFFFFDC0]  }
0x620: {  	v2 =	vmul.f32 v2, v3;
	v3 =	vmul.f32 v5, v4;
	v4 =	vld [tilespmem:s6+$0x3900]  }
0x621: {  	v5 =	vld [tilespmem:s6+$0x2E80]  }
0x622: {  	v2 =	vadd.f32 v3, v2;
	v3 =	vmul.f32 v7, v6;
	v6 =	vld [tilespmem:s11+$0x0]  }
0x623: {  	v7 =	vld [tilespmem:s10+$0x0]  }
0x624: {  	v62 =	vld [tilespmem:s11+$0x120];
	v2 =	vadd.f32 v3, v2;
	v3 =	vmul.f32 v61, v60  }
0x625: {  	v63 =	vld [tilespmem:s10+$0x120]  }
0x626: {  	v2 =	vadd.f32 v3, v2;
	v3 =	vmul.f32 v5, v4;
	v4 =	vld [tilespmem:s11+$0x240]  }
0x627: {  	v5 =	vld [tilespmem:s10+$0x240]  }
0x628: {  	v2 =	vadd.f32 v3, v2;
	v3 =	vmul.f32 v7, v6;
	v6 =	vld [tilespmem:s6+$0x3D80]  }
0x629: {  	v7 =	vld [tilespmem:s6+$0x3300]  }
0x62a: {  	v2 =	vadd.f32 v3, v2;
	v3 =	vmul.f32 v63, v62;
	_ =	sdelay $0x1  }
0x62b: {  	v2 =	vadd.f32 v3, v2;
	v3 =	vmul.f32 v5, v4;
	_ =	sdelay $0x1  }
0x62c: {  	v2 =	vadd.f32 v3, v2;
	v3 =	vmul.f32 v7, v6;
	_ =	sdelay $0x1  }
0x62d: {  	v2 =	vadd.f32 v3, v2;
	_ =	sdelay $0x1  }
0x62e: {  	s6 =	simm.s32 $0x2FB0;
	[tilespmem:s5+$0x0] =	vst v2  }
0x62f: {  	s7 =	simm.s32 $0x3A30;
	v2 =	vld [tilespmem:s6+$0xFFFFFA60]  }
0x630: {  	v3 =	vld [tilespmem:s7+$0xFFFFFA60]  }
0x631: {  	v4 =	vld [tilespmem:s7+$0xFFFFFB80]  }
0x632: {  	s8 =	simm.s32 $0x10;
	s10 =	simm.s32 $0x20;
	v5 =	vld [tilespmem:s6+$0xFFFFFB80]  }
.LBB2_40:
0x633: {  	p0 =	sne.s32 s10, $0x110;
	v6 =	vld [tilespmem:s7+$0xFFFFFCA0]  }
0x634: {  	v7 =	vld [tilespmem:s6+$0xFFFFFCA0]  }
0x635: {  	v8 =	vld [tilespmem:s7+$0xFFFFFDC0]  }
0x636: {  	s11 =	sand.u32 $0x1F0, s8;
	s8 =	smov.u32 s10;
	v9 =	vld [tilespmem:s6+$0xFFFFFDC0]  }
0x637: {  	v2 =	vmul.f32 v2, v3;
	v3 =	vmul.f32 v5, v4;
	v4 =	vld [tilespmem:s11+$0x3900]  }
0x638: {  	v5 =	vld [tilespmem:s11+$0x2E80]  }
0x639: {  	v2 =	vadd.f32 v3, v2;
	v3 =	vmul.f32 v7, v6;
	v6 =	vld [tilespmem:s7+$0x0]  }
0x63a: {  	v7 =	vld [tilespmem:s6+$0x0]  }
0x63b: {  	v2 =	vadd.f32 v3, v2;
	v3 =	vmul.f32 v9, v8;
	v8 =	vld [tilespmem:s7+$0x120]  }
0x63c: {  	v9 =	vld [tilespmem:s6+$0x120]  }
0x63d: {  	v2 =	vadd.f32 v3, v2;
	v3 =	vmul.f32 v5, v4;
	v4 =	vld [tilespmem:s7+$0x240]  }
0x63e: {  	v5 =	vld [tilespmem:s6+$0x240]  }
0x63f: {  	v2 =	vadd.f32 v3, v2;
	v3 =	vmul.f32 v7, v6;
	v6 =	vld [tilespmem:s11+$0x3D80]  }
0x640: {  	v7 =	vld [tilespmem:s11+$0x3300]  }
0x641: {  	v2 =	vadd.f32 v3, v2;
	v3 =	vmul.f32 v9, v8;
	_ =	sdelay $0x1  }
0x642: {  	v2 =	vadd.f32 v3, v2;
	v3 =	vmul.f32 v5, v4;
	_ =	sdelay $0x1  }
0x643: {  	v2 =	vadd.f32 v3, v2;
	v3 =	vmul.f32 v7, v6;
	_ =	sdelay $0x1  }
0x644: {  	v2 =	vadd.f32 v3, v2  }
0x645: {  	s5 =	sadd.s32 $0x10, s5  }
.Ltmp19:
0x646: {  	s6 =	sadd.s32 $0x10, s6;
	[tilespmem:s5+$0x0] =	vst v2;
	(pc) =	sbr.rel @p0 .LBB2_40-.Ltmp19, $4  }
0x647: {  	s7 =	sadd.s32 $0x10, s7;
	v2 =	vld [tilespmem:s6+$0xFFFFFA60]  }
0x648: {  	v3 =	vld [tilespmem:s7+$0xFFFFFA60]  }
0x649: {  	v4 =	vld [tilespmem:s7+$0xFFFFFB80]  }
0x64a: {  	s10 =	sadd.s32 $0x10, s10;
	v5 =	vld [tilespmem:s6+$0xFFFFFB80]  }
0x64b: {  	v6 =	vld [tilespmem:s7+$0xFFFFFCA0]  }
0x64c: {  	v7 =	vld [tilespmem:s6+$0xFFFFFCA0]  }
0x64d: {  	v8 =	vld [tilespmem:s7+$0xFFFFFDC0]  }
0x64e: {  	v9 =	vld [tilespmem:s6+$0xFFFFFDC0];
	s8 =	sand.u32 $0x1F0, s8  }
0x64f: {  	v2 =	vmul.f32 v2, v3;
	v3 =	vmul.f32 v5, v4;
	v4 =	vld [tilespmem:s8+$0x3900]  }
0x650: {  	v5 =	vld [tilespmem:s8+$0x2E80]  }
0x651: {  	v2 =	vadd.f32 v3, v2;
	v3 =	vmul.f32 v7, v6;
	v6 =	vld [tilespmem:s7+$0x0]  }
0x652: {  	v7 =	vld [tilespmem:s6+$0x0]  }
0x653: {  	v58 =	vld [tilespmem:s7+$0x120];
	v2 =	vadd.f32 v3, v2;
	v3 =	vmul.f32 v9, v8  }
0x654: {  	v59 =	vld [tilespmem:s6+$0x120]  }
0x655: {  	v2 =	vadd.f32 v3, v2;
	v3 =	vmul.f32 v5, v4;
	v4 =	vld [tilespmem:s7+$0x240]  }
0x656: {  	v5 =	vld [tilespmem:s6+$0x240]  }
0x657: {  	v2 =	vadd.f32 v3, v2;
	v3 =	vmul.f32 v7, v6;
	v6 =	vld [tilespmem:s8+$0x3D80]  }
0x658: {  	v7 =	vld [tilespmem:s8+$0x3300]  }
0x659: {  	v2 =	vadd.f32 v3, v2;
	v3 =	vmul.f32 v59, v58;
	_ =	sdelay $0x1  }
0x65a: {  	v2 =	vadd.f32 v3, v2;
	v3 =	vmul.f32 v5, v4;
	_ =	sdelay $0x1  }
0x65b: {  	v2 =	vadd.f32 v3, v2;
	v3 =	vmul.f32 v7, v6;
	_ =	sdelay $0x1  }
0x65c: {  	v2 =	vadd.f32 v3, v2  }
0x65d: {  	s5 =	sadd.s32 $0x10, s5  }
0x65e: {  	s6 =	simm.s32 $0x0;
	[tilespmem:s5+$0x0] =	vst v2;
	s5 =	simm.s32 $0x4980  }
0x65f: {  	[hbm4b:s21+s6] =	stream.linear.scatter [tilespmem:s5], [sflag:$0x3], $0x120, $0x38;
	[tilespmem:$0x4D00] =	vst v63  }
0x660: {  	_ =	swait.ge [sflag:s28], $0x120  }
0x661: {  	[sflag:s28] =	ssyncset.done $0x0  }
0x662: {  	s8 =	rddreg [dreg:$0x1b];
	[sflag:s28] =	ssyncadd.s32 $0xFFFFFEE0  }
0x663: {  	[tilespmem:s0], [sflag:$0x1] =	stream.indirect.gather [hbm4b:s8+s29], $0x1, s31, s29, $0xb8;
	[tilespmem:$0x4D00] =	vst v63  }
0x664: {  	_ =	swait.ge [sflag:s3], $0xA20  }
0x665: {  	[sflag:s3] =	ssyncset.done $0x0  }
0x666: {  	s10 =	simm.s32 $0x2FA0;
	[sflag:s3] =	ssyncadd.s32 $0xFFFFF5E0  }
0x667: {  	s11 =	simm.s32 $0x44A0;
	v2 =	vld [tilespmem:s10+$0xFFFFFA60]  }
0x668: {  	v3 =	vld [tilespmem:s11+$0xFFFFFA60]  }
0x669: {  	v4 =	vld [tilespmem:s11+$0xFFFFFB80]  }
0x66a: {  	v5 =	vld [tilespmem:s10+$0xFFFFFB80]  }
0x66b: {  	v6 =	vld [tilespmem:s11+$0xFFFFFCA0]  }
0x66c: {  	v7 =	vld [tilespmem:s10+$0xFFFFFCA0]  }
0x66d: {  	v60 =	vld [tilespmem:s11+$0xFFFFFDC0]  }
0x66e: {  	s6 =	sand.u32 $0x1F0, s6;
	v61 =	vld [tilespmem:s10+$0xFFFFFDC0]  }
0x66f: {  	v2 =	vmul.f32 v2, v3;
	v3 =	vmul.f32 v5, v4;
	v4 =	vld [tilespmem:s6+$0x4380]  }
0x670: {  	v5 =	vld [tilespmem:s6+$0x2E80]  }
0x671: {  	v2 =	vadd.f32 v3, v2;
	v3 =	vmul.f32 v7, v6;
	v6 =	vld [tilespmem:s11+$0x0]  }
0x672: {  	v7 =	vld [tilespmem:s10+$0x0]  }
0x673: {  	v62 =	vld [tilespmem:s11+$0x120];
	v2 =	vadd.f32 v3, v2;
	v3 =	vmul.f32 v61, v60  }
0x674: {  	v63 =	vld [tilespmem:s10+$0x120]  }
0x675: {  	v2 =	vadd.f32 v3, v2;
	v3 =	vmul.f32 v5, v4;
	v4 =	vld [tilespmem:s11+$0x240]  }
0x676: {  	v5 =	vld [tilespmem:s10+$0x240]  }
0x677: {  	v2 =	vadd.f32 v3, v2;
	v3 =	vmul.f32 v7, v6;
	v6 =	vld [tilespmem:s6+$0x4800]  }
0x678: {  	v7 =	vld [tilespmem:s6+$0x3300]  }
0x679: {  	v2 =	vadd.f32 v3, v2;
	v3 =	vmul.f32 v63, v62;
	_ =	sdelay $0x1  }
0x67a: {  	v2 =	vadd.f32 v3, v2;
	v3 =	vmul.f32 v5, v4;
	_ =	sdelay $0x1  }
0x67b: {  	v2 =	vadd.f32 v3, v2;
	v3 =	vmul.f32 v7, v6;
	_ =	sdelay $0x1  }
0x67c: {  	v2 =	vadd.f32 v3, v2;
	_ =	sdelay $0x1  }
0x67d: {  	s6 =	simm.s32 $0x2FB0;
	[tilespmem:s5+$0x0] =	vst v2  }
0x67e: {  	s7 =	simm.s32 $0x44B0;
	v2 =	vld [tilespmem:s6+$0xFFFFFA60]  }
0x67f: {  	v3 =	vld [tilespmem:s7+$0xFFFFFA60]  }
0x680: {  	v4 =	vld [tilespmem:s7+$0xFFFFFB80]  }
0x681: {  	s8 =	simm.s32 $0x10;
	s10 =	simm.s32 $0x20;
	v5 =	vld [tilespmem:s6+$0xFFFFFB80]  }
.LBB2_42:
0x682: {  	p0 =	sne.s32 s10, $0x110;
	v6 =	vld [tilespmem:s7+$0xFFFFFCA0]  }
0x683: {  	v7 =	vld [tilespmem:s6+$0xFFFFFCA0]  }
0x684: {  	v8 =	vld [tilespmem:s7+$0xFFFFFDC0]  }
0x685: {  	s11 =	sand.u32 $0x1F0, s8;
	s8 =	smov.u32 s10;
	v9 =	vld [tilespmem:s6+$0xFFFFFDC0]  }
0x686: {  	v2 =	vmul.f32 v2, v3;
	v3 =	vmul.f32 v5, v4;
	v4 =	vld [tilespmem:s11+$0x4380]  }
0x687: {  	v5 =	vld [tilespmem:s11+$0x2E80]  }
0x688: {  	v2 =	vadd.f32 v3, v2;
	v3 =	vmul.f32 v7, v6;
	v6 =	vld [tilespmem:s7+$0x0]  }
0x689: {  	v7 =	vld [tilespmem:s6+$0x0]  }
0x68a: {  	v2 =	vadd.f32 v3, v2;
	v3 =	vmul.f32 v9, v8;
	v8 =	vld [tilespmem:s7+$0x120]  }
0x68b: {  	v9 =	vld [tilespmem:s6+$0x120]  }
0x68c: {  	v2 =	vadd.f32 v3, v2;
	v3 =	vmul.f32 v5, v4;
	v4 =	vld [tilespmem:s7+$0x240]  }
0x68d: {  	v5 =	vld [tilespmem:s6+$0x240]  }
0x68e: {  	v2 =	vadd.f32 v3, v2;
	v3 =	vmul.f32 v7, v6;
	v6 =	vld [tilespmem:s11+$0x4800]  }
0x68f: {  	v7 =	vld [tilespmem:s11+$0x3300]  }
0x690: {  	v2 =	vadd.f32 v3, v2;
	v3 =	vmul.f32 v9, v8;
	_ =	sdelay $0x1  }
0x691: {  	v2 =	vadd.f32 v3, v2;
	v3 =	vmul.f32 v5, v4;
	_ =	sdelay $0x1  }
0x692: {  	v2 =	vadd.f32 v3, v2;
	v3 =	vmul.f32 v7, v6;
	_ =	sdelay $0x1  }
0x693: {  	v2 =	vadd.f32 v3, v2  }
0x694: {  	s5 =	sadd.s32 $0x10, s5  }
.Ltmp20:
0x695: {  	s6 =	sadd.s32 $0x10, s6;
	[tilespmem:s5+$0x0] =	vst v2;
	(pc) =	sbr.rel @p0 .LBB2_42-.Ltmp20, $4  }
0x696: {  	s7 =	sadd.s32 $0x10, s7;
	v2 =	vld [tilespmem:s6+$0xFFFFFA60]  }
0x697: {  	v3 =	vld [tilespmem:s7+$0xFFFFFA60]  }
0x698: {  	v4 =	vld [tilespmem:s7+$0xFFFFFB80]  }
0x699: {  	s10 =	sadd.s32 $0x10, s10;
	v5 =	vld [tilespmem:s6+$0xFFFFFB80]  }
0x69a: {  	v6 =	vld [tilespmem:s7+$0xFFFFFCA0]  }
0x69b: {  	v7 =	vld [tilespmem:s6+$0xFFFFFCA0]  }
0x69c: {  	v8 =	vld [tilespmem:s7+$0xFFFFFDC0]  }
0x69d: {  	v9 =	vld [tilespmem:s6+$0xFFFFFDC0];
	s8 =	sand.u32 $0x1F0, s8  }
0x69e: {  	v2 =	vmul.f32 v2, v3;
	v3 =	vmul.f32 v5, v4;
	v4 =	vld [tilespmem:s8+$0x4380]  }
0x69f: {  	v5 =	vld [tilespmem:s8+$0x2E80]  }
0x6a0: {  	v2 =	vadd.f32 v3, v2;
	v3 =	vmul.f32 v7, v6;
	v6 =	vld [tilespmem:s7+$0x0]  }
0x6a1: {  	v7 =	vld [tilespmem:s6+$0x0]  }
0x6a2: {  	v58 =	vld [tilespmem:s7+$0x120];
	v2 =	vadd.f32 v3, v2;
	v3 =	vmul.f32 v9, v8  }
0x6a3: {  	v59 =	vld [tilespmem:s6+$0x120]  }
0x6a4: {  	v2 =	vadd.f32 v3, v2;
	v3 =	vmul.f32 v5, v4;
	v4 =	vld [tilespmem:s7+$0x240]  }
0x6a5: {  	v5 =	vld [tilespmem:s6+$0x240]  }
0x6a6: {  	v2 =	vadd.f32 v3, v2;
	v3 =	vmul.f32 v7, v6;
	v6 =	vld [tilespmem:s8+$0x4800]  }
0x6a7: {  	v7 =	vld [tilespmem:s8+$0x3300]  }
0x6a8: {  	v2 =	vadd.f32 v3, v2;
	v3 =	vmul.f32 v59, v58;
	_ =	sdelay $0x1  }
0x6a9: {  	v2 =	vadd.f32 v3, v2;
	v3 =	vmul.f32 v5, v4;
	_ =	sdelay $0x1  }
0x6aa: {  	v2 =	vadd.f32 v3, v2;
	v3 =	vmul.f32 v7, v6;
	_ =	sdelay $0x1  }
0x6ab: {  	v2 =	vadd.f32 v3, v2  }
0x6ac: {  	s5 =	sadd.s32 $0x10, s5  }
0x6ad: {  	s6 =	simm.s32 $0x0;
	[tilespmem:s5+$0x0] =	vst v2;
	s5 =	simm.s32 $0x4980  }
0x6ae: {  	[hbm4b:s22+s6] =	stream.linear.scatter [tilespmem:s5], [sflag:$0x3], $0x120, $0x38;
	[tilespmem:$0x4D00] =	vst v63  }
0x6af: {  	_ =	swait.ge [sflag:s28], $0x120  }
0x6b0: {  	[sflag:s28] =	ssyncset.done $0x0  }
0x6b1: {  	s8 =	rddreg [dreg:$0x1c];
	[sflag:s28] =	ssyncadd.s32 $0xFFFFFEE0  }
0x6b2: {  	[tilespmem:s1], [sflag:$0x2] =	stream.indirect.gather [hbm4b:s8+s29], $0x1, s31, s29, $0xb8;
	[tilespmem:$0x4D00] =	vst v63  }
0x6b3: {  	_ =	swait.ge [sflag:s30], $0xA20  }
0x6b4: {  	[sflag:s30] =	ssyncset.done $0x0  }
0x6b5: {  	s10 =	simm.s32 $0x2FA0;
	[sflag:s30] =	ssyncadd.s32 $0xFFFFF5E0  }
0x6b6: {  	s11 =	simm.s32 $0x3A20;
	v2 =	vld [tilespmem:s10+$0xFFFFFA60]  }
0x6b7: {  	v3 =	vld [tilespmem:s11+$0xFFFFFA60]  }
0x6b8: {  	v4 =	vld [tilespmem:s11+$0xFFFFFB80]  }
0x6b9: {  	v5 =	vld [tilespmem:s10+$0xFFFFFB80]  }
0x6ba: {  	v6 =	vld [tilespmem:s11+$0xFFFFFCA0]  }
0x6bb: {  	v7 =	vld [tilespmem:s10+$0xFFFFFCA0]  }
0x6bc: {  	v60 =	vld [tilespmem:s11+$0xFFFFFDC0]  }
0x6bd: {  	s6 =	sand.u32 $0x1F0, s6;
	v61 =	vld [tilespmem:s10+$0xFFFFFDC0]  }
0x6be: {  	v2 =	vmul.f32 v2, v3;
	v3 =	vmul.f32 v5, v4;
	v4 =	vld [tilespmem:s6+$0x3900]  }
0x6bf: {  	v5 =	vld [tilespmem:s6+$0x2E80]  }
0x6c0: {  	v2 =	vadd.f32 v3, v2;
	v3 =	vmul.f32 v7, v6;
	v6 =	vld [tilespmem:s11+$0x0]  }
0x6c1: {  	v7 =	vld [tilespmem:s10+$0x0]  }
0x6c2: {  	v62 =	vld [tilespmem:s11+$0x120];
	v2 =	vadd.f32 v3, v2;
	v3 =	vmul.f32 v61, v60  }
0x6c3: {  	v63 =	vld [tilespmem:s10+$0x120]  }
0x6c4: {  	v2 =	vadd.f32 v3, v2;
	v3 =	vmul.f32 v5, v4;
	v4 =	vld [tilespmem:s11+$0x240]  }
0x6c5: {  	v5 =	vld [tilespmem:s10+$0x240]  }
0x6c6: {  	v2 =	vadd.f32 v3, v2;
	v3 =	vmul.f32 v7, v6;
	v6 =	vld [tilespmem:s6+$0x3D80]  }
0x6c7: {  	v7 =	vld [tilespmem:s6+$0x3300]  }
0x6c8: {  	v2 =	vadd.f32 v3, v2;
	v3 =	vmul.f32 v63, v62;
	_ =	sdelay $0x1  }
0x6c9: {  	v2 =	vadd.f32 v3, v2;
	v3 =	vmul.f32 v5, v4;
	_ =	sdelay $0x1  }
0x6ca: {  	v2 =	vadd.f32 v3, v2;
	v3 =	vmul.f32 v7, v6;
	_ =	sdelay $0x1  }
0x6cb: {  	v2 =	vadd.f32 v3, v2;
	_ =	sdelay $0x1  }
0x6cc: {  	s6 =	simm.s32 $0x2FB0;
	[tilespmem:s5+$0x0] =	vst v2  }
0x6cd: {  	s7 =	simm.s32 $0x3A30;
	v2 =	vld [tilespmem:s6+$0xFFFFFA60]  }
0x6ce: {  	v3 =	vld [tilespmem:s7+$0xFFFFFA60]  }
0x6cf: {  	v4 =	vld [tilespmem:s7+$0xFFFFFB80]  }
0x6d0: {  	s8 =	simm.s32 $0x10;
	s10 =	simm.s32 $0x20;
	v5 =	vld [tilespmem:s6+$0xFFFFFB80]  }
.LBB2_44:
0x6d1: {  	p0 =	sne.s32 s10, $0x110;
	v6 =	vld [tilespmem:s7+$0xFFFFFCA0]  }
0x6d2: {  	v7 =	vld [tilespmem:s6+$0xFFFFFCA0]  }
0x6d3: {  	v8 =	vld [tilespmem:s7+$0xFFFFFDC0]  }
0x6d4: {  	s11 =	sand.u32 $0x1F0, s8;
	s8 =	smov.u32 s10;
	v9 =	vld [tilespmem:s6+$0xFFFFFDC0]  }
0x6d5: {  	v2 =	vmul.f32 v2, v3;
	v3 =	vmul.f32 v5, v4;
	v4 =	vld [tilespmem:s11+$0x3900]  }
0x6d6: {  	v5 =	vld [tilespmem:s11+$0x2E80]  }
0x6d7: {  	v2 =	vadd.f32 v3, v2;
	v3 =	vmul.f32 v7, v6;
	v6 =	vld [tilespmem:s7+$0x0]  }
0x6d8: {  	v7 =	vld [tilespmem:s6+$0x0]  }
0x6d9: {  	v2 =	vadd.f32 v3, v2;
	v3 =	vmul.f32 v9, v8;
	v8 =	vld [tilespmem:s7+$0x120]  }
0x6da: {  	v9 =	vld [tilespmem:s6+$0x120]  }
0x6db: {  	v2 =	vadd.f32 v3, v2;
	v3 =	vmul.f32 v5, v4;
	v4 =	vld [tilespmem:s7+$0x240]  }
0x6dc: {  	v5 =	vld [tilespmem:s6+$0x240]  }
0x6dd: {  	v2 =	vadd.f32 v3, v2;
	v3 =	vmul.f32 v7, v6;
	v6 =	vld [tilespmem:s11+$0x3D80]  }
0x6de: {  	v7 =	vld [tilespmem:s11+$0x3300]  }
0x6df: {  	v2 =	vadd.f32 v3, v2;
	v3 =	vmul.f32 v9, v8;
	_ =	sdelay $0x1  }
0x6e0: {  	v2 =	vadd.f32 v3, v2;
	v3 =	vmul.f32 v5, v4;
	_ =	sdelay $0x1  }
0x6e1: {  	v2 =	vadd.f32 v3, v2;
	v3 =	vmul.f32 v7, v6;
	_ =	sdelay $0x1  }
0x6e2: {  	v2 =	vadd.f32 v3, v2  }
0x6e3: {  	s5 =	sadd.s32 $0x10, s5  }
.Ltmp21:
0x6e4: {  	s6 =	sadd.s32 $0x10, s6;
	[tilespmem:s5+$0x0] =	vst v2;
	(pc) =	sbr.rel @p0 .LBB2_44-.Ltmp21, $4  }
0x6e5: {  	s7 =	sadd.s32 $0x10, s7;
	v2 =	vld [tilespmem:s6+$0xFFFFFA60]  }
0x6e6: {  	v3 =	vld [tilespmem:s7+$0xFFFFFA60]  }
0x6e7: {  	v4 =	vld [tilespmem:s7+$0xFFFFFB80]  }
0x6e8: {  	s10 =	sadd.s32 $0x10, s10;
	v5 =	vld [tilespmem:s6+$0xFFFFFB80]  }
0x6e9: {  	v6 =	vld [tilespmem:s7+$0xFFFFFCA0]  }
0x6ea: {  	v7 =	vld [tilespmem:s6+$0xFFFFFCA0]  }
0x6eb: {  	v8 =	vld [tilespmem:s7+$0xFFFFFDC0]  }
0x6ec: {  	v9 =	vld [tilespmem:s6+$0xFFFFFDC0];
	s8 =	sand.u32 $0x1F0, s8  }
0x6ed: {  	v2 =	vmul.f32 v2, v3;
	v3 =	vmul.f32 v5, v4;
	v4 =	vld [tilespmem:s8+$0x3900]  }
0x6ee: {  	v5 =	vld [tilespmem:s8+$0x2E80]  }
0x6ef: {  	v2 =	vadd.f32 v3, v2;
	v3 =	vmul.f32 v7, v6;
	v6 =	vld [tilespmem:s7+$0x0]  }
0x6f0: {  	v7 =	vld [tilespmem:s6+$0x0]  }
0x6f1: {  	v58 =	vld [tilespmem:s7+$0x120];
	v2 =	vadd.f32 v3, v2;
	v3 =	vmul.f32 v9, v8  }
0x6f2: {  	v59 =	vld [tilespmem:s6+$0x120]  }
0x6f3: {  	v2 =	vadd.f32 v3, v2;
	v3 =	vmul.f32 v5, v4;
	v4 =	vld [tilespmem:s7+$0x240]  }
0x6f4: {  	v5 =	vld [tilespmem:s6+$0x240]  }
0x6f5: {  	v2 =	vadd.f32 v3, v2;
	v3 =	vmul.f32 v7, v6;
	v6 =	vld [tilespmem:s8+$0x3D80]  }
0x6f6: {  	v7 =	vld [tilespmem:s8+$0x3300]  }
0x6f7: {  	v2 =	vadd.f32 v3, v2;
	v3 =	vmul.f32 v59, v58;
	_ =	sdelay $0x1  }
0x6f8: {  	v2 =	vadd.f32 v3, v2;
	v3 =	vmul.f32 v5, v4;
	_ =	sdelay $0x1  }
0x6f9: {  	v2 =	vadd.f32 v3, v2;
	v3 =	vmul.f32 v7, v6;
	_ =	sdelay $0x1  }
0x6fa: {  	v2 =	vadd.f32 v3, v2  }
0x6fb: {  	s5 =	sadd.s32 $0x10, s5  }
0x6fc: {  	s6 =	simm.s32 $0x0;
	[tilespmem:s5+$0x0] =	vst v2;
	s5 =	simm.s32 $0x4980  }
0x6fd: {  	[hbm4b:s23+s6] =	stream.linear.scatter [tilespmem:s5], [sflag:$0x3], $0x120, $0x38;
	[tilespmem:$0x4D00] =	vst v63  }
0x6fe: {  	_ =	swait.ge [sflag:s28], $0x120  }
0x6ff: {  	[sflag:s28] =	ssyncset.done $0x0  }
0x700: {  	s8 =	rddreg [dreg:$0x1d];
	[sflag:s28] =	ssyncadd.s32 $0xFFFFFEE0  }
0x701: {  	[tilespmem:s0], [sflag:$0x1] =	stream.indirect.gather [hbm4b:s8+s29], $0x1, s31, s29, $0xb8;
	[tilespmem:$0x4D00] =	vst v63  }
0x702: {  	_ =	swait.ge [sflag:s3], $0xA20  }
0x703: {  	[sflag:s3] =	ssyncset.done $0x0  }
0x704: {  	s10 =	simm.s32 $0x2FA0;
	[sflag:s3] =	ssyncadd.s32 $0xFFFFF5E0  }
0x705: {  	s11 =	simm.s32 $0x44A0;
	v2 =	vld [tilespmem:s10+$0xFFFFFA60]  }
0x706: {  	v3 =	vld [tilespmem:s11+$0xFFFFFA60]  }
0x707: {  	v4 =	vld [tilespmem:s11+$0xFFFFFB80]  }
0x708: {  	v5 =	vld [tilespmem:s10+$0xFFFFFB80]  }
0x709: {  	v6 =	vld [tilespmem:s11+$0xFFFFFCA0]  }
0x70a: {  	v7 =	vld [tilespmem:s10+$0xFFFFFCA0]  }
0x70b: {  	v60 =	vld [tilespmem:s11+$0xFFFFFDC0]  }
0x70c: {  	s6 =	sand.u32 $0x1F0, s6;
	v61 =	vld [tilespmem:s10+$0xFFFFFDC0]  }
0x70d: {  	v2 =	vmul.f32 v2, v3;
	v3 =	vmul.f32 v5, v4;
	v4 =	vld [tilespmem:s6+$0x4380]  }
0x70e: {  	v5 =	vld [tilespmem:s6+$0x2E80]  }
0x70f: {  	v2 =	vadd.f32 v3, v2;
	v3 =	vmul.f32 v7, v6;
	v6 =	vld [tilespmem:s11+$0x0]  }
0x710: {  	v7 =	vld [tilespmem:s10+$0x0]  }
0x711: {  	v62 =	vld [tilespmem:s11+$0x120];
	v2 =	vadd.f32 v3, v2;
	v3 =	vmul.f32 v61, v60  }
0x712: {  	v63 =	vld [tilespmem:s10+$0x120]  }
0x713: {  	v2 =	vadd.f32 v3, v2;
	v3 =	vmul.f32 v5, v4;
	v4 =	vld [tilespmem:s11+$0x240]  }
0x714: {  	v5 =	vld [tilespmem:s10+$0x240]  }
0x715: {  	v2 =	vadd.f32 v3, v2;
	v3 =	vmul.f32 v7, v6;
	v6 =	vld [tilespmem:s6+$0x4800]  }
0x716: {  	v7 =	vld [tilespmem:s6+$0x3300]  }
0x717: {  	v2 =	vadd.f32 v3, v2;
	v3 =	vmul.f32 v63, v62;
	_ =	sdelay $0x1  }
0x718: {  	v2 =	vadd.f32 v3, v2;
	v3 =	vmul.f32 v5, v4;
	_ =	sdelay $0x1  }
0x719: {  	v2 =	vadd.f32 v3, v2;
	v3 =	vmul.f32 v7, v6;
	_ =	sdelay $0x1  }
0x71a: {  	v2 =	vadd.f32 v3, v2;
	_ =	sdelay $0x1  }
0x71b: {  	s6 =	simm.s32 $0x2FB0;
	[tilespmem:s5+$0x0] =	vst v2  }
0x71c: {  	s7 =	simm.s32 $0x44B0;
	v2 =	vld [tilespmem:s6+$0xFFFFFA60]  }
0x71d: {  	v3 =	vld [tilespmem:s7+$0xFFFFFA60]  }
0x71e: {  	v4 =	vld [tilespmem:s7+$0xFFFFFB80]  }
0x71f: {  	s8 =	simm.s32 $0x10;
	s10 =	simm.s32 $0x20;
	v5 =	vld [tilespmem:s6+$0xFFFFFB80]  }
.LBB2_46:
0x720: {  	p0 =	sne.s32 s10, $0x110;
	v6 =	vld [tilespmem:s7+$0xFFFFFCA0]  }
0x721: {  	v7 =	vld [tilespmem:s6+$0xFFFFFCA0]  }
0x722: {  	v8 =	vld [tilespmem:s7+$0xFFFFFDC0]  }
0x723: {  	s11 =	sand.u32 $0x1F0, s8;
	s8 =	smov.u32 s10;
	v9 =	vld [tilespmem:s6+$0xFFFFFDC0]  }
0x724: {  	v2 =	vmul.f32 v2, v3;
	v3 =	vmul.f32 v5, v4;
	v4 =	vld [tilespmem:s11+$0x4380]  }
0x725: {  	v5 =	vld [tilespmem:s11+$0x2E80]  }
0x726: {  	v2 =	vadd.f32 v3, v2;
	v3 =	vmul.f32 v7, v6;
	v6 =	vld [tilespmem:s7+$0x0]  }
0x727: {  	v7 =	vld [tilespmem:s6+$0x0]  }
0x728: {  	v2 =	vadd.f32 v3, v2;
	v3 =	vmul.f32 v9, v8;
	v8 =	vld [tilespmem:s7+$0x120]  }
0x729: {  	v9 =	vld [tilespmem:s6+$0x120]  }
0x72a: {  	v2 =	vadd.f32 v3, v2;
	v3 =	vmul.f32 v5, v4;
	v4 =	vld [tilespmem:s7+$0x240]  }
0x72b: {  	v5 =	vld [tilespmem:s6+$0x240]  }
0x72c: {  	v2 =	vadd.f32 v3, v2;
	v3 =	vmul.f32 v7, v6;
	v6 =	vld [tilespmem:s11+$0x4800]  }
0x72d: {  	v7 =	vld [tilespmem:s11+$0x3300]  }
0x72e: {  	v2 =	vadd.f32 v3, v2;
	v3 =	vmul.f32 v9, v8;
	_ =	sdelay $0x1  }
0x72f: {  	v2 =	vadd.f32 v3, v2;
	v3 =	vmul.f32 v5, v4;
	_ =	sdelay $0x1  }
0x730: {  	v2 =	vadd.f32 v3, v2;
	v3 =	vmul.f32 v7, v6;
	_ =	sdelay $0x1  }
0x731: {  	v2 =	vadd.f32 v3, v2  }
0x732: {  	s5 =	sadd.s32 $0x10, s5  }
.Ltmp22:
0x733: {  	s6 =	sadd.s32 $0x10, s6;
	[tilespmem:s5+$0x0] =	vst v2;
	(pc) =	sbr.rel @p0 .LBB2_46-.Ltmp22, $4  }
0x734: {  	s7 =	sadd.s32 $0x10, s7;
	v2 =	vld [tilespmem:s6+$0xFFFFFA60]  }
0x735: {  	v3 =	vld [tilespmem:s7+$0xFFFFFA60]  }
0x736: {  	v4 =	vld [tilespmem:s7+$0xFFFFFB80]  }
0x737: {  	s10 =	sadd.s32 $0x10, s10;
	v5 =	vld [tilespmem:s6+$0xFFFFFB80]  }
0x738: {  	v6 =	vld [tilespmem:s7+$0xFFFFFCA0]  }
0x739: {  	v7 =	vld [tilespmem:s6+$0xFFFFFCA0]  }
0x73a: {  	v8 =	vld [tilespmem:s7+$0xFFFFFDC0]  }
0x73b: {  	v9 =	vld [tilespmem:s6+$0xFFFFFDC0];
	s8 =	sand.u32 $0x1F0, s8  }
0x73c: {  	v2 =	vmul.f32 v2, v3;
	v3 =	vmul.f32 v5, v4;
	v4 =	vld [tilespmem:s8+$0x4380]  }
0x73d: {  	v5 =	vld [tilespmem:s8+$0x2E80]  }
0x73e: {  	v2 =	vadd.f32 v3, v2;
	v3 =	vmul.f32 v7, v6;
	v6 =	vld [tilespmem:s7+$0x0]  }
0x73f: {  	v7 =	vld [tilespmem:s6+$0x0]  }
0x740: {  	v58 =	vld [tilespmem:s7+$0x120];
	v2 =	vadd.f32 v3, v2;
	v3 =	vmul.f32 v9, v8  }
0x741: {  	v59 =	vld [tilespmem:s6+$0x120]  }
0x742: {  	v2 =	vadd.f32 v3, v2;
	v3 =	vmul.f32 v5, v4;
	v4 =	vld [tilespmem:s7+$0x240]  }
0x743: {  	v5 =	vld [tilespmem:s6+$0x240]  }
0x744: {  	v2 =	vadd.f32 v3, v2;
	v3 =	vmul.f32 v7, v6;
	v6 =	vld [tilespmem:s8+$0x4800]  }
0x745: {  	v7 =	vld [tilespmem:s8+$0x3300]  }
0x746: {  	v2 =	vadd.f32 v3, v2;
	v3 =	vmul.f32 v59, v58;
	_ =	sdelay $0x1  }
0x747: {  	v2 =	vadd.f32 v3, v2;
	v3 =	vmul.f32 v5, v4;
	_ =	sdelay $0x1  }
0x748: {  	v2 =	vadd.f32 v3, v2;
	v3 =	vmul.f32 v7, v6;
	_ =	sdelay $0x1  }
0x749: {  	v2 =	vadd.f32 v3, v2  }
0x74a: {  	s5 =	sadd.s32 $0x10, s5  }
0x74b: {  	s6 =	simm.s32 $0x0;
	[tilespmem:s5+$0x0] =	vst v2;
	s5 =	simm.s32 $0x4980  }
0x74c: {  	[hbm4b:s24+s6] =	stream.linear.scatter [tilespmem:s5], [sflag:$0x3], $0x120, $0x38;
	[tilespmem:$0x4D00] =	vst v63  }
0x74d: {  	_ =	swait.ge [sflag:s28], $0x120  }
0x74e: {  	[sflag:s28] =	ssyncset.done $0x0  }
0x74f: {  	s8 =	rddreg [dreg:$0x1e];
	[sflag:s28] =	ssyncadd.s32 $0xFFFFFEE0  }
0x750: {  	[tilespmem:s1], [sflag:$0x2] =	stream.indirect.gather [hbm4b:s8+s29], $0x1, s31, s29, $0xb8;
	[tilespmem:$0x4D00] =	vst v63  }
0x751: {  	_ =	swait.ge [sflag:s30], $0xA20  }
0x752: {  	[sflag:s30] =	ssyncset.done $0x0  }
0x753: {  	s10 =	simm.s32 $0x2FA0;
	[sflag:s30] =	ssyncadd.s32 $0xFFFFF5E0  }
0x754: {  	s11 =	simm.s32 $0x3A20;
	v2 =	vld [tilespmem:s10+$0xFFFFFA60]  }
0x755: {  	v3 =	vld [tilespmem:s11+$0xFFFFFA60]  }
0x756: {  	v4 =	vld [tilespmem:s11+$0xFFFFFB80]  }
0x757: {  	v5 =	vld [tilespmem:s10+$0xFFFFFB80]  }
0x758: {  	v6 =	vld [tilespmem:s11+$0xFFFFFCA0]  }
0x759: {  	v7 =	vld [tilespmem:s10+$0xFFFFFCA0]  }
0x75a: {  	v60 =	vld [tilespmem:s11+$0xFFFFFDC0]  }
0x75b: {  	s6 =	sand.u32 $0x1F0, s6;
	v61 =	vld [tilespmem:s10+$0xFFFFFDC0]  }
0x75c: {  	v2 =	vmul.f32 v2, v3;
	v3 =	vmul.f32 v5, v4;
	v4 =	vld [tilespmem:s6+$0x3900]  }
0x75d: {  	v5 =	vld [tilespmem:s6+$0x2E80]  }
0x75e: {  	v2 =	vadd.f32 v3, v2;
	v3 =	vmul.f32 v7, v6;
	v6 =	vld [tilespmem:s11+$0x0]  }
0x75f: {  	v7 =	vld [tilespmem:s10+$0x0]  }
0x760: {  	v62 =	vld [tilespmem:s11+$0x120];
	v2 =	vadd.f32 v3, v2;
	v3 =	vmul.f32 v61, v60  }
0x761: {  	v63 =	vld [tilespmem:s10+$0x120]  }
0x762: {  	v2 =	vadd.f32 v3, v2;
	v3 =	vmul.f32 v5, v4;
	v4 =	vld [tilespmem:s11+$0x240]  }
0x763: {  	v5 =	vld [tilespmem:s10+$0x240]  }
0x764: {  	v2 =	vadd.f32 v3, v2;
	v3 =	vmul.f32 v7, v6;
	v6 =	vld [tilespmem:s6+$0x3D80]  }
0x765: {  	v7 =	vld [tilespmem:s6+$0x3300]  }
0x766: {  	v2 =	vadd.f32 v3, v2;
	v3 =	vmul.f32 v63, v62;
	_ =	sdelay $0x1  }
0x767: {  	v2 =	vadd.f32 v3, v2;
	v3 =	vmul.f32 v5, v4;
	_ =	sdelay $0x1  }
0x768: {  	v2 =	vadd.f32 v3, v2;
	v3 =	vmul.f32 v7, v6;
	_ =	sdelay $0x1  }
0x769: {  	v2 =	vadd.f32 v3, v2;
	_ =	sdelay $0x1  }
0x76a: {  	s6 =	simm.s32 $0x2FB0;
	[tilespmem:s5+$0x0] =	vst v2  }
0x76b: {  	s7 =	simm.s32 $0x3A30;
	v2 =	vld [tilespmem:s6+$0xFFFFFA60]  }
0x76c: {  	v3 =	vld [tilespmem:s7+$0xFFFFFA60]  }
0x76d: {  	v4 =	vld [tilespmem:s7+$0xFFFFFB80]  }
0x76e: {  	s8 =	simm.s32 $0x10;
	s10 =	simm.s32 $0x20;
	v5 =	vld [tilespmem:s6+$0xFFFFFB80]  }
.LBB2_48:
0x76f: {  	p0 =	sne.s32 s10, $0x110;
	v6 =	vld [tilespmem:s7+$0xFFFFFCA0]  }
0x770: {  	v7 =	vld [tilespmem:s6+$0xFFFFFCA0]  }
0x771: {  	v8 =	vld [tilespmem:s7+$0xFFFFFDC0]  }
0x772: {  	s11 =	sand.u32 $0x1F0, s8;
	s8 =	smov.u32 s10;
	v9 =	vld [tilespmem:s6+$0xFFFFFDC0]  }
0x773: {  	v2 =	vmul.f32 v2, v3;
	v3 =	vmul.f32 v5, v4;
	v4 =	vld [tilespmem:s11+$0x3900]  }
0x774: {  	v5 =	vld [tilespmem:s11+$0x2E80]  }
0x775: {  	v2 =	vadd.f32 v3, v2;
	v3 =	vmul.f32 v7, v6;
	v6 =	vld [tilespmem:s7+$0x0]  }
0x776: {  	v7 =	vld [tilespmem:s6+$0x0]  }
0x777: {  	v2 =	vadd.f32 v3, v2;
	v3 =	vmul.f32 v9, v8;
	v8 =	vld [tilespmem:s7+$0x120]  }
0x778: {  	v9 =	vld [tilespmem:s6+$0x120]  }
0x779: {  	v2 =	vadd.f32 v3, v2;
	v3 =	vmul.f32 v5, v4;
	v4 =	vld [tilespmem:s7+$0x240]  }
0x77a: {  	v5 =	vld [tilespmem:s6+$0x240]  }
0x77b: {  	v2 =	vadd.f32 v3, v2;
	v3 =	vmul.f32 v7, v6;
	v6 =	vld [tilespmem:s11+$0x3D80]  }
0x77c: {  	v7 =	vld [tilespmem:s11+$0x3300]  }
0x77d: {  	v2 =	vadd.f32 v3, v2;
	v3 =	vmul.f32 v9, v8;
	_ =	sdelay $0x1  }
0x77e: {  	v2 =	vadd.f32 v3, v2;
	v3 =	vmul.f32 v5, v4;
	_ =	sdelay $0x1  }
0x77f: {  	v2 =	vadd.f32 v3, v2;
	v3 =	vmul.f32 v7, v6;
	_ =	sdelay $0x1  }
0x780: {  	v2 =	vadd.f32 v3, v2  }
0x781: {  	s5 =	sadd.s32 $0x10, s5  }
.Ltmp23:
0x782: {  	s6 =	sadd.s32 $0x10, s6;
	[tilespmem:s5+$0x0] =	vst v2;
	(pc) =	sbr.rel @p0 .LBB2_48-.Ltmp23, $4  }
0x783: {  	s7 =	sadd.s32 $0x10, s7;
	v2 =	vld [tilespmem:s6+$0xFFFFFA60]  }
0x784: {  	v3 =	vld [tilespmem:s7+$0xFFFFFA60]  }
0x785: {  	v4 =	vld [tilespmem:s7+$0xFFFFFB80]  }
0x786: {  	s10 =	sadd.s32 $0x10, s10;
	v5 =	vld [tilespmem:s6+$0xFFFFFB80]  }
0x787: {  	v6 =	vld [tilespmem:s7+$0xFFFFFCA0]  }
0x788: {  	v7 =	vld [tilespmem:s6+$0xFFFFFCA0]  }
0x789: {  	v8 =	vld [tilespmem:s7+$0xFFFFFDC0]  }
0x78a: {  	v9 =	vld [tilespmem:s6+$0xFFFFFDC0];
	s8 =	sand.u32 $0x1F0, s8  }
0x78b: {  	v2 =	vmul.f32 v2, v3;
	v3 =	vmul.f32 v5, v4;
	v4 =	vld [tilespmem:s8+$0x3900]  }
0x78c: {  	v5 =	vld [tilespmem:s8+$0x2E80]  }
0x78d: {  	v2 =	vadd.f32 v3, v2;
	v3 =	vmul.f32 v7, v6;
	v6 =	vld [tilespmem:s7+$0x0]  }
0x78e: {  	v7 =	vld [tilespmem:s6+$0x0]  }
0x78f: {  	v58 =	vld [tilespmem:s7+$0x120];
	v2 =	vadd.f32 v3, v2;
	v3 =	vmul.f32 v9, v8  }
0x790: {  	v59 =	vld [tilespmem:s6+$0x120]  }
0x791: {  	v2 =	vadd.f32 v3, v2;
	v3 =	vmul.f32 v5, v4;
	v4 =	vld [tilespmem:s7+$0x240]  }
0x792: {  	v5 =	vld [tilespmem:s6+$0x240]  }
0x793: {  	v2 =	vadd.f32 v3, v2;
	v3 =	vmul.f32 v7, v6;
	v6 =	vld [tilespmem:s8+$0x3D80]  }
0x794: {  	v7 =	vld [tilespmem:s8+$0x3300]  }
0x795: {  	v2 =	vadd.f32 v3, v2;
	v3 =	vmul.f32 v59, v58;
	_ =	sdelay $0x1  }
0x796: {  	v2 =	vadd.f32 v3, v2;
	v3 =	vmul.f32 v5, v4;
	_ =	sdelay $0x1  }
0x797: {  	v2 =	vadd.f32 v3, v2;
	v3 =	vmul.f32 v7, v6;
	_ =	sdelay $0x1  }
0x798: {  	v2 =	vadd.f32 v3, v2  }
0x799: {  	s5 =	sadd.s32 $0x10, s5  }
0x79a: {  	s8 =	simm.s32 $0x0;
	[tilespmem:s5+$0x0] =	vst v2;
	s5 =	simm.s32 $0x4980  }
0x79b: {  	[hbm4b:s25+s8] =	stream.linear.scatter [tilespmem:s5], [sflag:$0x3], $0x120, $0x38;
	[tilespmem:$0x4D00] =	vst v63  }
0x79c: {  	_ =	swait.ge [sflag:s28], $0x120  }
0x79d: {  	[sflag:s28] =	ssyncset.done $0x0  }
0x79e: {  	[sflag:s28] =	ssyncadd.s32 $0xFFFFFEE0  }
0x79f: {  	_ =	swait.ge [sflag:s3], $0xA20  }
0x7a0: {  	[sflag:s3] =	ssyncset.done $0x0  }
0x7a1: {  	s10 =	simm.s32 $0x2FA0;
	[sflag:s3] =	ssyncadd.s32 $0xFFFFF5E0  }
0x7a2: {  	s11 =	simm.s32 $0x44A0;
	v2 =	vld [tilespmem:s10+$0xFFFFFA60]  }
0x7a3: {  	v3 =	vld [tilespmem:s11+$0xFFFFFA60]  }
0x7a4: {  	v4 =	vld [tilespmem:s11+$0xFFFFFB80]  }
0x7a5: {  	v5 =	vld [tilespmem:s10+$0xFFFFFB80]  }
0x7a6: {  	v6 =	vld [tilespmem:s11+$0xFFFFFCA0]  }
0x7a7: {  	v7 =	vld [tilespmem:s10+$0xFFFFFCA0]  }
0x7a8: {  	v60 =	vld [tilespmem:s11+$0xFFFFFDC0]  }
0x7a9: {  	s6 =	sand.u32 $0x1F0, s8;
	v61 =	vld [tilespmem:s10+$0xFFFFFDC0]  }
0x7aa: {  	v2 =	vmul.f32 v2, v3;
	v3 =	vmul.f32 v5, v4;
	v4 =	vld [tilespmem:s6+$0x4380]  }
0x7ab: {  	v5 =	vld [tilespmem:s6+$0x2E80]  }
0x7ac: {  	v2 =	vadd.f32 v3, v2;
	v3 =	vmul.f32 v7, v6;
	v6 =	vld [tilespmem:s11+$0x0]  }
0x7ad: {  	v7 =	vld [tilespmem:s10+$0x0]  }
0x7ae: {  	v62 =	vld [tilespmem:s11+$0x120];
	v2 =	vadd.f32 v3, v2;
	v3 =	vmul.f32 v61, v60  }
0x7af: {  	v63 =	vld [tilespmem:s10+$0x120]  }
0x7b0: {  	v2 =	vadd.f32 v3, v2;
	v3 =	vmul.f32 v5, v4;
	v4 =	vld [tilespmem:s11+$0x240]  }
0x7b1: {  	v5 =	vld [tilespmem:s10+$0x240]  }
0x7b2: {  	v2 =	vadd.f32 v3, v2;
	v3 =	vmul.f32 v7, v6;
	v6 =	vld [tilespmem:s6+$0x4800]  }
0x7b3: {  	v7 =	vld [tilespmem:s6+$0x3300]  }
0x7b4: {  	v2 =	vadd.f32 v3, v2;
	v3 =	vmul.f32 v63, v62;
	_ =	sdelay $0x1  }
0x7b5: {  	v2 =	vadd.f32 v3, v2;
	v3 =	vmul.f32 v5, v4;
	_ =	sdelay $0x1  }
0x7b6: {  	v2 =	vadd.f32 v3, v2;
	v3 =	vmul.f32 v7, v6;
	_ =	sdelay $0x1  }
0x7b7: {  	v2 =	vadd.f32 v3, v2;
	_ =	sdelay $0x1  }
0x7b8: {  	s6 =	simm.s32 $0x2FB0;
	[tilespmem:s5+$0x0] =	vst v2  }
0x7b9: {  	s7 =	simm.s32 $0x44B0;
	v2 =	vld [tilespmem:s6+$0xFFFFFA60]  }
0x7ba: {  	v3 =	vld [tilespmem:s7+$0xFFFFFA60]  }
0x7bb: {  	v4 =	vld [tilespmem:s7+$0xFFFFFB80]  }
0x7bc: {  	s8 =	simm.s32 $0x10;
	s10 =	simm.s32 $0x20;
	v5 =	vld [tilespmem:s6+$0xFFFFFB80]  }
.LBB2_50:
0x7bd: {  	p0 =	sne.s32 s10, $0x110;
	v6 =	vld [tilespmem:s7+$0xFFFFFCA0]  }
0x7be: {  	v7 =	vld [tilespmem:s6+$0xFFFFFCA0]  }
0x7bf: {  	v8 =	vld [tilespmem:s7+$0xFFFFFDC0]  }
0x7c0: {  	s11 =	sand.u32 $0x1F0, s8;
	s8 =	smov.u32 s10;
	v9 =	vld [tilespmem:s6+$0xFFFFFDC0]  }
0x7c1: {  	v2 =	vmul.f32 v2, v3;
	v3 =	vmul.f32 v5, v4;
	v4 =	vld [tilespmem:s11+$0x4380]  }
0x7c2: {  	v5 =	vld [tilespmem:s11+$0x2E80]  }
0x7c3: {  	v2 =	vadd.f32 v3, v2;
	v3 =	vmul.f32 v7, v6;
	v6 =	vld [tilespmem:s7+$0x0]  }
0x7c4: {  	v7 =	vld [tilespmem:s6+$0x0]  }
0x7c5: {  	v2 =	vadd.f32 v3, v2;
	v3 =	vmul.f32 v9, v8;
	v8 =	vld [tilespmem:s7+$0x120]  }
0x7c6: {  	v9 =	vld [tilespmem:s6+$0x120]  }
0x7c7: {  	v2 =	vadd.f32 v3, v2;
	v3 =	vmul.f32 v5, v4;
	v4 =	vld [tilespmem:s7+$0x240]  }
0x7c8: {  	v5 =	vld [tilespmem:s6+$0x240]  }
0x7c9: {  	v2 =	vadd.f32 v3, v2;
	v3 =	vmul.f32 v7, v6;
	v6 =	vld [tilespmem:s11+$0x4800]  }
0x7ca: {  	v7 =	vld [tilespmem:s11+$0x3300]  }
0x7cb: {  	v2 =	vadd.f32 v3, v2;
	v3 =	vmul.f32 v9, v8;
	_ =	sdelay $0x1  }
0x7cc: {  	v2 =	vadd.f32 v3, v2;
	v3 =	vmul.f32 v5, v4;
	_ =	sdelay $0x1  }
0x7cd: {  	v2 =	vadd.f32 v3, v2;
	v3 =	vmul.f32 v7, v6;
	_ =	sdelay $0x1  }
0x7ce: {  	v2 =	vadd.f32 v3, v2  }
0x7cf: {  	s5 =	sadd.s32 $0x10, s5  }
.Ltmp24:
0x7d0: {  	s6 =	sadd.s32 $0x10, s6;
	[tilespmem:s5+$0x0] =	vst v2;
	(pc) =	sbr.rel @p0 .LBB2_50-.Ltmp24, $4  }
0x7d1: {  	s7 =	sadd.s32 $0x10, s7;
	v2 =	vld [tilespmem:s6+$0xFFFFFA60]  }
0x7d2: {  	v3 =	vld [tilespmem:s7+$0xFFFFFA60]  }
0x7d3: {  	v4 =	vld [tilespmem:s7+$0xFFFFFB80]  }
0x7d4: {  	s10 =	sadd.s32 $0x10, s10;
	v5 =	vld [tilespmem:s6+$0xFFFFFB80]  }
0x7d5: {  	v6 =	vld [tilespmem:s7+$0xFFFFFCA0]  }
0x7d6: {  	v7 =	vld [tilespmem:s6+$0xFFFFFCA0]  }
0x7d7: {  	v8 =	vld [tilespmem:s7+$0xFFFFFDC0]  }
0x7d8: {  	v9 =	vld [tilespmem:s6+$0xFFFFFDC0];
	s8 =	sand.u32 $0x1F0, s8  }
0x7d9: {  	v54 =	vld [tilespmem:s8+$0x4380];
	v2 =	vmul.f32 v2, v3;
	v3 =	vmul.f32 v5, v4  }
0x7da: {  	v55 =	vld [tilespmem:s8+$0x2E80]  }
0x7db: {  	v56 =	vld [tilespmem:s7+$0x0];
	v2 =	vadd.f32 v3, v2;
	v3 =	vmul.f32 v7, v6  }
0x7dc: {  	v57 =	vld [tilespmem:s6+$0x0]  }
0x7dd: {  	v58 =	vld [tilespmem:s7+$0x120];
	v2 =	vadd.f32 v3, v2;
	v3 =	vmul.f32 v9, v8  }
0x7de: {  	v59 =	vld [tilespmem:s6+$0x120]  }
0x7df: {  	v60 =	vld [tilespmem:s7+$0x240];
	v2 =	vadd.f32 v3, v2;
	v3 =	vmul.f32 v55, v54  }
0x7e0: {  	v61 =	vld [tilespmem:s6+$0x240]  }
0x7e1: {  	v62 =	vld [tilespmem:s8+$0x4800];
	v2 =	vadd.f32 v3, v2;
	v3 =	vmul.f32 v57, v56  }
0x7e2: {  	v63 =	vld [tilespmem:s8+$0x3300]  }
0x7e3: {  	v2 =	vadd.f32 v3, v2;
	v3 =	vmul.f32 v59, v58;
	_ =	sdelay $0x1  }
0x7e4: {  	v2 =	vadd.f32 v3, v2;
	v3 =	vmul.f32 v61, v60;
	_ =	sdelay $0x1  }
0x7e5: {  	v2 =	vadd.f32 v3, v2;
	v3 =	vmul.f32 v63, v62;
	_ =	sdelay $0x1  }
0x7e6: {  	v2 =	vadd.f32 v3, v2  }
0x7e7: {  	s5 =	sadd.s32 $0x10, s5  }
0x7e8: {  	s10 =	simm.s32 $0x4980;
	[tilespmem:s5+$0x0] =	vst v2  }
0x7e9: {  	[hbm4b:s26+s2] =	stream.linear.scatter [tilespmem:s10], [sflag:$0x3], $0x120, $0x38;
	[tilespmem:$0x4D00] =	vst v63  }
0x7ea: {  	_ =	swait.ge [sflag:s28], $0x120  }
0x7eb: {  	s4 =	sadd.s32 $0x1, s4;
	s11 =	rddreg [dreg:$0x1f]  }
0x7ec: {  	p0 =	sne.s32 s4, s11  }
.Ltmp25:
0x7ed: {  	_ = 	snop;
	(pc) =	sbr.rel @p0 .LBB2_1-.Ltmp25, $3  }
0x7ee: {  	_ =	sdelay $0x1  }
0x7ef: {  	[sflag:s28] =	ssyncset.done $0x0  }
0x7f0: {  	[sflag:s28] =	ssyncadd.s32 $0xFFFFFEE0  }
0x7f1: {  	_ =	sfence.sel $0x180000  }
0x7f2: {  	[bflag:$0x0] =	sbarrier.arrive $0xFFFF  }
0x7f3: {  	_ =	strace $0x90000047  }
0x7f4: {  	s0 =	stileid.u32;
	[bflag:$0x2] =	sbarrier.arrive $0xFFFF  }
0x7f5: {  	p0 =	sne.s32 s0, $0x0;
	s0 =	rddreg [dreg:$0x2]  }
0x7f6: {  	s0 =	sadd.s32 @!p0 $0x100000, s0  }
0x7f7: {  	[sflag:s0] =	ssyncadd.tile.s32 @!p0 $0x1;
	_ =	shalt  }
.Lfunc_end2:
_tile_overlayer_lowered:
.L_overlay_start_2:
0x7f8: {  	(tag) =	ssettag $0x2  }
0x7f9: {  	s0 =	rddreg [dreg:$0x0];
	s2 =	stileid.u32  }
0x7fa: {  	s1 =	rddreg [dreg:$0x1];
	p0 =	sne.s32 s2, $0x0  }
0x7fb: {  	s3 =	rddreg [dreg:$0x2];
	[bflag:$0x3] =	sbarrier.arrive $0xFFFF;
	s2 =	simm.s32 @!p0 $0x1C03  }
0x7fc: {  	[timem:s3], [sflag:s2] =	dma.local @!p0 [hbm:s0], s1  }
0x7fd: {  	s0 =	simm.s32 @!p0 $0x3  }
0x7fe: {  	_ =	swait.ge @!p0 [sflag:s0], s1  }
0x7ff: {  	s1 =	ssub.s32 @!p0 $0x0, s1;
	[sflag:s0] =	ssyncset.done @!p0 $0x0  }
0x800: {  	[sflag:s0] =	ssyncadd.s32 @!p0 s1  }
0x801: {  	[bflag:$0x3] =	sbarrier.arrive $0xFFFF  }
0x802: {  	_ =	shalt  }

</sc_bundles>
